<compile_context>
chip_gen: v7x
topology: tpu7x:2x2x1
jax: 0.10.2.dev20260603
libtpu: 0.0.44.dev20260713+nightly
codegen_flags: <defaults>
</compile_context>

<pallas_src>
import jax
import jax.numpy as jnp
from jax import lax
from jax.experimental import pallas as pl
from jax.experimental.pallas import tpu as pltpu
from jax.experimental.pallas import tpu_sc as plsc

GAMMA_ = 0.05
LOG2_ = 0.6931471805599453

_NC, _NS, _LANES = 2, 16, 16
_NW = _NC * _NS

_B, _S, _K, _LY = 4096, 500, 200, 50
_PADQ = 100001
_MASKN = 100096

_RPW = _B // _NW
_CH = 8
_NCHUNK = _RPW // _CH


def _tc_sp_body(vals_ref, sp_ref):
    v = vals_ref[...]
    sp = jnp.maximum(v, 0.0) - v + jnp.log(1.0 + jnp.exp(-jnp.abs(v)))
    sp_ref[...] = sp.T


def _tc_sp(vals_t):
    blk = 512
    return pl.pallas_call(
        _tc_sp_body,
        grid=(_B // blk,),
        in_specs=[pl.BlockSpec((_K, blk), lambda i: (0, i))],
        out_specs=pl.BlockSpec((blk, _K), lambda i: (i, 0)),
        out_shape=jax.ShapeDtypeStruct((_B, _K), jnp.float32),
    )(vals_t)


def _tc_a_body(out_ref, a_ref):
    step = pl.program_id(0)
    x = out_ref[...]
    a_part = jnp.sum(jnp.maximum(x, 0.0) + jnp.log(1.0 + jnp.exp(-jnp.abs(x))))

    @pl.when(step == 0)
    def _():
        a_ref[0, 0] = 0.0

    a_ref[0, 0] += a_part


def _tc_a(out):
    blk = 512
    return pl.pallas_call(
        _tc_a_body,
        grid=(_B // blk,),
        in_specs=[pl.BlockSpec((blk, _S), lambda i: (i, 0))],
        out_specs=pl.BlockSpec(memory_space=pltpu.SMEM),
        out_shape=jax.ShapeDtypeStruct((1, 1), jnp.float32),
    )(out)


def _sc_body(sh_hbm, y_hbm, tk_hbm, o_hbm, sp_hbm,
             res_out,
             mask_v, sh_v0, tk_v0, sp_v0,
             sh_v1, tk_v1, sp_v1,
             y_v, o_v,
             r1_v, r2_v, r3_v, r4_v, sem0, sem1, sem_y, sem_o):
    wid = lax.axis_index("s") * _NC + lax.axis_index("c")
    row0 = wid * _RPW
    neg1 = jnp.full((_LANES,), -1, jnp.int32)
    bufs = ((sh_v0, tk_v0, sp_v0), (sh_v1, tk_v1, sp_v1))
    sems = (sem0, sem1)

    def _copies(ci, slot):
        base = row0 + ci * _CH
        sh_v, tk_v, sp_v = bufs[slot]
        return (
            (sh_hbm.at[pl.ds(base, _CH)], sh_v),
            (tk_hbm.at[pl.ds(base, _CH)], tk_v),
            (sp_hbm.at[pl.ds(base, _CH)], sp_v),
        )

    def _issue(ci, slot):
        for src, dst in _copies(ci, slot):
            pltpu.async_copy(src, dst, sems[slot])

    def _wait(ci, slot):
        for src, dst in _copies(ci, slot):
            pltpu.make_async_copy(src, dst, sems[slot]).wait()

    def _issue_y(ci):
        base = row0 + ci * _CH
        pltpu.async_copy(y_hbm.at[pl.ds(base, _CH)], y_v, sem_y)

    def _wait_y(ci):
        base = row0 + ci * _CH
        pltpu.make_async_copy(y_hbm.at[pl.ds(base, _CH)], y_v, sem_y).wait()

    def _issue_o(ci):
        base = row0 + ci * _CH
        pltpu.async_copy(o_hbm.at[pl.ds(base, _CH)], o_v, sem_o)

    def _wait_o(ci):
        base = row0 + ci * _CH
        pltpu.make_async_copy(o_hbm.at[pl.ds(base, _CH)], o_v, sem_o).wait()

    _issue(0, 0)
    _issue(1, 1)
    _issue_y(0)
    _issue_o(0)

    def init_body(i, _):
        for t in range(16):
            mask_v[pl.ds(i * 256 + t * 16, 16)] = neg1
        return 0

    lax.fori_loop(0, _MASKN // 256, init_body, 0)

    zf = jnp.zeros((_LANES,), jnp.float32)
    zi = jnp.zeros((_LANES,), jnp.int32)
    onei = jnp.full((_LANES,), 1, jnp.int32)
    iota = lax.iota(jnp.int32, _LANES)
    padq = jnp.full((_LANES,), _PADQ, jnp.int32)
    m_sh = iota < (_S % 16)
    m_tk = iota < (_K % 16)
    cy = jnp.minimum(iota + (_LY // 16) * 16, _LY - 1)
    csh = jnp.minimum(iota + (_S // 16) * 16, _S - 1)
    ctk = jnp.minimum(iota + (_K // 16) * 16, _K - 1)
    n_y, n_sh, n_tk = _LY // 16, _S // 16, _K // 16
    last = _NCHUNK - 1

    def _row(r, base, slot, carry, issues):
        s1, h, csum, cmax = carry
        sh_v, tk_v, sp_v = bufs[slot]
        tag = jnp.full((_LANES,), base + r, jnp.int32)
        rowi = jnp.full((_LANES,), r, jnp.int32)
        for t in range(n_y):
            plsc.store_scatter(mask_v, [y_v[r, pl.ds(t * 16, 16)]], tag)
        plsc.store_scatter(mask_v, [plsc.load_gather(y_v, [rowi, cy])], tag)
        if issues is not None:
            _issue_y(issues)
        for j in range(n_sh + 1):
            if j < n_sh:
                q = sh_v[r, pl.ds(j * 16, 16)]
                o = o_v[r, pl.ds(j * 16, 16)]
            else:
                q = jnp.where(m_sh, plsc.load_gather(sh_v, [rowi, csh]),
                              padq)
                o = plsc.load_gather(o_v, [rowi, csh])
            m = plsc.load_gather(mask_v, [q])
            s1 = s1 + jnp.where(m == tag, o, zf)
        if issues is not None:
            _issue_o(issues)
        rowcnt = zi
        for j in range(n_tk + 1):
            if j < n_tk:
                q = tk_v[r, pl.ds(j * 16, 16)]
                spv = sp_v[r, pl.ds(j * 16, 16)]
            else:
                q = jnp.where(m_tk, plsc.load_gather(tk_v, [rowi, ctk]),
                              padq)
                spv = plsc.load_gather(sp_v, [rowi, ctk])
            m = plsc.load_gather(mask_v, [q])
            hit = m == tag
            h = h + jnp.where(hit, spv, zf)
            rowcnt = rowcnt + jnp.where(hit, onei, zi)
        cmax = jnp.maximum(cmax, jnp.sum(rowcnt))
        csum = csum + rowcnt
        return (s1, h, csum, cmax)

    def _compute(ci, slot, carry):
        base = row0 + ci * _CH
        carry = lax.fori_loop(
            0, _CH - 1, lambda r, c: _row(r, base, slot, c, None), carry)
        return _row(_CH - 1, base, slot, carry,
                    jnp.minimum(ci + 1, last))

    def pair_body(p, carry):
        c0 = p * 2
        c1 = c0 + 1
        _wait(c0, 0)
        _wait_y(c0)
        _wait_o(c0)
        carry = _compute(c0, 0, carry)
        _issue(jnp.minimum(c0 + 2, last), 0)
        _wait(c1, 1)
        _wait_y(c1)
        _wait_o(c1)
        carry = _compute(c1, 1, carry)
        _issue(jnp.minimum(c1 + 2, last), 1)
        return carry

    s1, h, csum, cmax = lax.fori_loop(
        0, _NCHUNK // 2, pair_body,
        (zf, zf, zi, jnp.int32(0)))
    _wait(last, 0)
    _wait(last, 1)
    _wait_y(last)
    _wait_o(last)

    nwl = _NW * _LANES
    r1_v[...] = s1
    r2_v[...] = h
    r3_v[...] = csum.astype(jnp.float32)
    r4_v[...] = jnp.full((_LANES,), cmax, jnp.int32).astype(jnp.float32)
    pltpu.sync_copy(r1_v, res_out.at[pl.ds(wid * _LANES, _LANES)])
    pltpu.sync_copy(r2_v, res_out.at[pl.ds(nwl + wid * _LANES, _LANES)])
    pltpu.sync_copy(r3_v, res_out.at[pl.ds(2 * nwl + wid * _LANES, _LANES)])
    pltpu.sync_copy(r4_v, res_out.at[pl.ds(3 * nwl + wid * _LANES, _LANES)])


def _sc_membership(sh, y, tk, out, sp):
    mesh = plsc.VectorSubcoreMesh(core_axis_name="c", subcore_axis_name="s")
    buf_pair = [
        pltpu.VMEM((_CH, _S), jnp.int32),
        pltpu.VMEM((_CH, _K), jnp.int32),
        pltpu.VMEM((_CH, _K), jnp.float32),
    ]
    f = pl.kernel(
        _sc_body,
        out_type=jax.ShapeDtypeStruct((4 * _NW * _LANES,), jnp.float32),
        mesh=mesh,
        compiler_params=pltpu.CompilerParams(
            needs_layout_passes=False, use_tc_tiling_on_sc=True),
        scratch_types=(
            [pltpu.VMEM((_MASKN,), jnp.int32)]
            + buf_pair + buf_pair
            + [
                pltpu.VMEM((_CH, _LY), jnp.int32),
                pltpu.VMEM((_CH, _S), jnp.float32),
                pltpu.VMEM((_LANES,), jnp.float32),
                pltpu.VMEM((_LANES,), jnp.float32),
                pltpu.VMEM((_LANES,), jnp.float32),
                pltpu.VMEM((_LANES,), jnp.float32),
                pltpu.SemaphoreType.DMA,
                pltpu.SemaphoreType.DMA,
                pltpu.SemaphoreType.DMA,
                pltpu.SemaphoreType.DMA,
            ]
        ),
    )
    return f(sh, y, tk, out, sp)


def kernel(out, shorty, topk_C_vals, topk_C_inds, y_inds):
    B, S = out.shape
    sp = _tc_sp(topk_C_vals.T)
    res = _sc_membership(shorty.astype(jnp.int32), y_inds.astype(jnp.int32),
                         topk_C_inds.astype(jnp.int32), out, sp)
    a_arr = _tc_a(out)

    nwl = _NW * _LANES
    A = a_arr[0, 0]
    S1 = jnp.sum(res[:nwl])
    H = jnp.sum(res[nwl:2 * nwl])
    csum = jnp.sum(res[2 * nwl:3 * nwl])
    k = jnp.maximum(jnp.max(res[3 * nwl:]), 1.0)
    loss_precision = (A - S1) / jnp.float32(B * S)
    n = jnp.float32(B) * k
    loss_recall = (H + (n - csum) * jnp.float32(LOG2_)) / n
    return loss_precision + jnp.float32(GAMMA_) * loss_recall

# --- scband reference (transcript-rebuilt; emitter-appended) ---
"""Pipeline reference for scband-joint-loss-46231027974455 (READ-ONLY COPY).

The authoritative reference and input builder live on the scoring server;
editing this copy changes nothing except your own understanding.
"""

import jax, jax.numpy as jnp
import numpy as np

NUMY = 100000
GAMMA = 0.05
MBSZ = 256


def bce_with_logits(x, t):
    # numerically stable BCEWithLogitsLoss, reduction='mean'
    return jnp.mean(jnp.maximum(x, 0.0) - x * t + jnp.log1p(jnp.exp(-jnp.abs(x))))


def setup_inputs(seed: int = 0) -> dict:
    key = jax.random.key(seed)
    k1, k2, k3, k4, k5 = jax.random.split(key, 5)
    B, S, K, L = 4096, 500, 200, 50
    out = jax.random.normal(k1, (B, S), dtype=jnp.float32)
    shorty = jax.random.randint(k2, (B, S), 0, NUMY).astype(jnp.int64)
    topk_C_vals = jax.random.normal(k3, (B, K), dtype=jnp.float32)
    topk_C_inds = jax.random.randint(k4, (B, K), 0, NUMY).astype(jnp.int64)
    y_inds = jax.random.randint(k5, (B, L), 0, NUMY).astype(jnp.int64)
    return {"out": out, "shorty": shorty, "topk_C_vals": topk_C_vals,
            "topk_C_inds": topk_C_inds, "y_inds": y_inds}


def _build_targets(shorty, topk_C_inds, y_inds):
    # Faithful translation of the chunked scatter/gather mask loop:
    # mask.scatter_(1, y_inds, True); mask[:, -1] = False;
    # out_targets = mask.gather(1, shorty); topk_C_targets = mask.gather(1, topk_C_inds)
    B = shorty.shape[0]
    ot_chunks = []
    tt_chunks = []
    for i in range(0, B, MBSZ):
        yi = y_inds[i:i + MBSZ]
        m = yi.shape[0]
        rows = jnp.arange(m)[:, None]
        mask = jnp.zeros((m, NUMY + 1), dtype=bool).at[rows, yi].set(True)
        mask = mask.at[:, -1].set(False)
        ot_chunks.append(jnp.take_along_axis(mask, shorty[i:i + MBSZ], axis=1))
        tt_chunks.append(jnp.take_along_axis(mask, topk_C_inds[i:i + MBSZ], axis=1))
    out_targets = jnp.concatenate(ot_chunks, axis=0).astype(jnp.float32)
    topk_C_targets = jnp.concatenate(tt_chunks, axis=0).astype(jnp.float32)
    return out_targets, topk_C_targets


def reference(out, shorty, topk_C_vals, topk_C_inds, y_inds):
    out_targets, topk_C_targets = _build_targets(shorty, topk_C_inds, y_inds)
    loss_precision = bce_with_logits(out, out_targets)
    # data-dependent k = topk_C_targets.sum(dim=-1).max().long() (guard k >= 1)
    k = jnp.maximum(topk_C_targets.sum(axis=-1).max(), 1.0).astype(jnp.int32)
    K = topk_C_targets.shape[1]
    targets, target_inds = jax.lax.top_k(topk_C_targets, K)
    vals = jnp.take_along_axis(topk_C_vals, target_inds, axis=1)
    vals = jnp.where(targets < 1e-05, 0.0, vals)
    elem = jnp.maximum(vals, 0.0) - vals * targets + jnp.log1p(jnp.exp(-jnp.abs(vals)))
    col_mask = (jnp.arange(K) < k).astype(jnp.float32)
    n = (elem.shape[0] * k).astype(jnp.float32)
    loss_recall = jnp.sum(elem * col_mask[None, :]) / n
    loss = loss_precision + GAMMA * loss_recall
    return loss

if __name__ == "__main__":
    import jax
    _d = setup_inputs()
    print(jax.jit(kernel)(*tuple(_d.values())))

</pallas_src>

<mosaic_0001>
#map = affine_map<(d0, d1) -> (0, 0)>
#map1 = affine_map<(d0, d1) -> (0)>
module attributes {stable_mosaic.version = 14 : i64} {
  func.func @_sc_body(%arg0: i32, %arg1: i32, %arg2: memref<4096x500xi32, #tpu.memory_space<hbm>>, %arg3: memref<4096x50xi32, #tpu.memory_space<hbm>>, %arg4: memref<4096x200xi32, #tpu.memory_space<hbm>>, %arg5: memref<4096x500xf32, #tpu.memory_space<hbm>>, %arg6: memref<4096x200xf32, #tpu.memory_space<hbm>>, %arg7: memref<2048xf32, #tpu.memory_space<hbm>>, %arg8: memref<100096xi32, #tpu.memory_space<vmem>>, %arg9: memref<8x500xi32, #tpu.memory_space<vmem>>, %arg10: memref<8x200xi32, #tpu.memory_space<vmem>>, %arg11: memref<8x200xf32, #tpu.memory_space<vmem>>, %arg12: memref<8x500xi32, #tpu.memory_space<vmem>>, %arg13: memref<8x200xi32, #tpu.memory_space<vmem>>, %arg14: memref<8x200xf32, #tpu.memory_space<vmem>>, %arg15: memref<8x50xi32, #tpu.memory_space<vmem>>, %arg16: memref<8x500xf32, #tpu.memory_space<vmem>>, %arg17: memref<16xf32, #tpu.memory_space<vmem>>, %arg18: memref<16xf32, #tpu.memory_space<vmem>>, %arg19: memref<16xf32, #tpu.memory_space<vmem>>, %arg20: memref<16xf32, #tpu.memory_space<vmem>>, %arg21: memref<!tpu.dma_semaphore, #tpu.memory_space<semaphore_mem>>, %arg22: memref<!tpu.dma_semaphore, #tpu.memory_space<semaphore_mem>>, %arg23: memref<!tpu.dma_semaphore, #tpu.memory_space<semaphore_mem>>, %arg24: memref<!tpu.dma_semaphore, #tpu.memory_space<semaphore_mem>>) attributes {dimension_semantics = [#tpu.dimension_semantics<core_parallel>, #tpu.dimension_semantics<subcore_parallel>], iteration_bounds = array<i64: 2, 16>, scalar_prefetch = 0 : i64, scratch_operands = 17 : i64, tpu.core_type = #tpu.core_type<sc_vector_subcore>, window_params = [{transform_indices = #map}, {transform_indices = #map}, {transform_indices = #map}, {transform_indices = #map}, {transform_indices = #map}, {transform_indices = #map1}]} {
    %mul3A = arith.constant 2 : i32
    %mul3A_0 = arith.muli %arg1, %mul3A : i32
    %add3A = arith.addi %mul3A_0, %arg0 : i32
    %mul3A_1 = arith.constant 128 : i32
    %mul3A_2 = arith.muli %add3A, %mul3A_1 : i32
    %broadcast_in_dim3A = arith.constant -1 : i32
    %broadcast_in_dim3A_3 = vector.broadcast %broadcast_in_dim3A : i32 to vector<16xi32>
    %add3A_4 = arith.constant 0 : i32
    %add3A_5 = arith.addi %mul3A_2, %add3A_4 : i32
    %dma_start3A = arith.constant 0 : i32
    %dma_start3A_6 = tpu.memref_slice %arg2[%add3A_5, %dma_start3A] : memref<4096x500xi32, #tpu.memory_space<hbm>> -> memref<8x500xi32, #tpu.memory_space<hbm>>
    %dma_start3A_7 = arith.constant 0 : i32
    %dma_start3A_8 = tpu.memref_slice %arg2[%add3A_5, %dma_start3A_7] : memref<4096x500xi32, #tpu.memory_space<hbm>> -> memref<8x500xi32, #tpu.memory_space<hbm>>
    tpu.enqueue_dma source(%dma_start3A_8 : memref<8x500xi32, #tpu.memory_space<hbm>>) target(%arg9 : memref<8x500xi32, #tpu.memory_space<vmem>>) target_semaphore(%arg21 : memref<!tpu.dma_semaphore, #tpu.memory_space<semaphore_mem>>)
    %dma_start3A_9 = arith.constant 0 : i32
    %dma_start3A_10 = tpu.memref_slice %arg4[%add3A_5, %dma_start3A_9] : memref<4096x200xi32, #tpu.memory_space<hbm>> -> memref<8x200xi32, #tpu.memory_space<hbm>>
    %dma_start3A_11 = arith.constant 0 : i32
    %dma_start3A_12 = tpu.memref_slice %arg4[%add3A_5, %dma_start3A_11] : memref<4096x200xi32, #tpu.memory_space<hbm>> -> memref<8x200xi32, #tpu.memory_space<hbm>>
    tpu.enqueue_dma source(%dma_start3A_12 : memref<8x200xi32, #tpu.memory_space<hbm>>) target(%arg10 : memref<8x200xi32, #tpu.memory_space<vmem>>) target_semaphore(%arg21 : memref<!tpu.dma_semaphore, #tpu.memory_space<semaphore_mem>>)
    %dma_start3A_13 = arith.constant 0 : i32
    %dma_start3A_14 = tpu.memref_slice %arg6[%add3A_5, %dma_start3A_13] : memref<4096x200xf32, #tpu.memory_space<hbm>> -> memref<8x200xf32, #tpu.memory_space<hbm>>
    %dma_start3A_15 = arith.constant 0 : i32
    %dma_start3A_16 = tpu.memref_slice %arg6[%add3A_5, %dma_start3A_15] : memref<4096x200xf32, #tpu.memory_space<hbm>> -> memref<8x200xf32, #tpu.memory_space<hbm>>
    tpu.enqueue_dma source(%dma_start3A_16 : memref<8x200xf32, #tpu.memory_space<hbm>>) target(%arg11 : memref<8x200xf32, #tpu.memory_space<vmem>>) target_semaphore(%arg21 : memref<!tpu.dma_semaphore, #tpu.memory_space<semaphore_mem>>)
    %add3A_17 = arith.constant 8 : i32
    %add3A_18 = arith.addi %mul3A_2, %add3A_17 : i32
    %dma_start3A_19 = arith.constant 0 : i32
    %dma_start3A_20 = tpu.memref_slice %arg2[%add3A_18, %dma_start3A_19] : memref<4096x500xi32, #tpu.memory_space<hbm>> -> memref<8x500xi32, #tpu.memory_space<hbm>>
    %dma_start3A_21 = arith.constant 0 : i32
    %dma_start3A_22 = tpu.memref_slice %arg2[%add3A_18, %dma_start3A_21] : memref<4096x500xi32, #tpu.memory_space<hbm>> -> memref<8x500xi32, #tpu.memory_space<hbm>>
    tpu.enqueue_dma source(%dma_start3A_22 : memref<8x500xi32, #tpu.memory_space<hbm>>) target(%arg12 : memref<8x500xi32, #tpu.memory_space<vmem>>) target_semaphore(%arg22 : memref<!tpu.dma_semaphore, #tpu.memory_space<semaphore_mem>>)
    %dma_start3A_23 = arith.constant 0 : i32
    %dma_start3A_24 = tpu.memref_slice %arg4[%add3A_18, %dma_start3A_23] : memref<4096x200xi32, #tpu.memory_space<hbm>> -> memref<8x200xi32, #tpu.memory_space<hbm>>
    %dma_start3A_25 = arith.constant 0 : i32
    %dma_start3A_26 = tpu.memref_slice %arg4[%add3A_18, %dma_start3A_25] : memref<4096x200xi32, #tpu.memory_space<hbm>> -> memref<8x200xi32, #tpu.memory_space<hbm>>
    tpu.enqueue_dma source(%dma_start3A_26 : memref<8x200xi32, #tpu.memory_space<hbm>>) target(%arg13 : memref<8x200xi32, #tpu.memory_space<vmem>>) target_semaphore(%arg22 : memref<!tpu.dma_semaphore, #tpu.memory_space<semaphore_mem>>)
    %dma_start3A_27 = arith.constant 0 : i32
    %dma_start3A_28 = tpu.memref_slice %arg6[%add3A_18, %dma_start3A_27] : memref<4096x200xf32, #tpu.memory_space<hbm>> -> memref<8x200xf32, #tpu.memory_space<hbm>>
    %dma_start3A_29 = arith.constant 0 : i32
    %dma_start3A_30 = tpu.memref_slice %arg6[%add3A_18, %dma_start3A_29] : memref<4096x200xf32, #tpu.memory_space<hbm>> -> memref<8x200xf32, #tpu.memory_space<hbm>>
    tpu.enqueue_dma source(%dma_start3A_30 : memref<8x200xf32, #tpu.memory_space<hbm>>) target(%arg14 : memref<8x200xf32, #tpu.memory_space<vmem>>) target_semaphore(%arg22 : memref<!tpu.dma_semaphore, #tpu.memory_space<semaphore_mem>>)
    %add3A_31 = arith.constant 0 : i32
    %add3A_32 = arith.addi %mul3A_2, %add3A_31 : i32
    %dma_start3A_33 = arith.constant 0 : i32
    %dma_start3A_34 = tpu.memref_slice %arg3[%add3A_32, %dma_start3A_33] : memref<4096x50xi32, #tpu.memory_space<hbm>> -> memref<8x50xi32, #tpu.memory_space<hbm>>
    %dma_start3A_35 = arith.constant 0 : i32
    %dma_start3A_36 = tpu.memref_slice %arg3[%add3A_32, %dma_start3A_35] : memref<4096x50xi32, #tpu.memory_space<hbm>> -> memref<8x50xi32, #tpu.memory_space<hbm>>
    tpu.enqueue_dma source(%dma_start3A_36 : memref<8x50xi32, #tpu.memory_space<hbm>>) target(%arg15 : memref<8x50xi32, #tpu.memory_space<vmem>>) target_semaphore(%arg23 : memref<!tpu.dma_semaphore, #tpu.memory_space<semaphore_mem>>)
    %add3A_37 = arith.constant 0 : i32
    %add3A_38 = arith.addi %mul3A_2, %add3A_37 : i32
    %dma_start3A_39 = arith.constant 0 : i32
    %dma_start3A_40 = tpu.memref_slice %arg5[%add3A_38, %dma_start3A_39] : memref<4096x500xf32, #tpu.memory_space<hbm>> -> memref<8x500xf32, #tpu.memory_space<hbm>>
    %dma_start3A_41 = arith.constant 0 : i32
    %dma_start3A_42 = tpu.memref_slice %arg5[%add3A_38, %dma_start3A_41] : memref<4096x500xf32, #tpu.memory_space<hbm>> -> memref<8x500xf32, #tpu.memory_space<hbm>>
    tpu.enqueue_dma source(%dma_start3A_42 : memref<8x500xf32, #tpu.memory_space<hbm>>) target(%arg16 : memref<8x500xf32, #tpu.memory_space<vmem>>) target_semaphore(%arg24 : memref<!tpu.dma_semaphore, #tpu.memory_space<semaphore_mem>>)
    %scan3A = arith.constant 0 : i32
    %scan3A_43 = arith.constant 0 : i32
    %scan3A_44 = arith.constant 391 : i32
    %scan3A_45 = arith.addi %scan3A_43, %scan3A_44 : i32
    %scan3A_46 = arith.constant 1 : i32
    %scan3A_47 = scf.for %scan3A_148 = %scan3A_43 to %scan3A_45 step %scan3A_46 iter_args(%scan3A_149 = %scan3A) -> (i32)  : i32 {
      %mul3A_150 = arith.constant 256 : i32
      %mul3A_151 = arith.muli %scan3A_148, %mul3A_150 : i32
      %add3A_152 = arith.constant 0 : i32
      %add3A_153 = arith.addi %mul3A_151, %add3A_152 : i32
      %swap3A_154 = arith.index_cast %add3A_153 : i32 to index
      %swap3A_155 = tpu.vector_load %arg8[%swap3A_154] {strides = array<i32>} : memref<100096xi32, #tpu.memory_space<vmem>>, vector<16xi32>,
      tpu.vector_store %arg8[%swap3A_154], %broadcast_in_dim3A_3 {strides = array<i32>} : memref<100096xi32, #tpu.memory_space<vmem>>, vector<16xi32>,
      %mul3A_156 = arith.constant 256 : i32
      %mul3A_157 = arith.muli %scan3A_148, %mul3A_156 : i32
      %add3A_158 = arith.constant 16 : i32
      %add3A_159 = arith.addi %mul3A_157, %add3A_158 : i32
      %swap3A_160 = arith.index_cast %add3A_159 : i32 to index
      %swap3A_161 = tpu.vector_load %arg8[%swap3A_160] {strides = array<i32>} : memref<100096xi32, #tpu.memory_space<vmem>>, vector<16xi32>,
      tpu.vector_store %arg8[%swap3A_160], %broadcast_in_dim3A_3 {strides = array<i32>} : memref<100096xi32, #tpu.memory_space<vmem>>, vector<16xi32>,
      %mul3A_162 = arith.constant 256 : i32
      %mul3A_163 = arith.muli %scan3A_148, %mul3A_162 : i32
      %add3A_164 = arith.constant 32 : i32
      %add3A_165 = arith.addi %mul3A_163, %add3A_164 : i32
      %swap3A_166 = arith.index_cast %add3A_165 : i32 to index
      %swap3A_167 = tpu.vector_load %arg8[%swap3A_166] {strides = array<i32>} : memref<100096xi32, #tpu.memory_space<vmem>>, vector<16xi32>,
      tpu.vector_store %arg8[%swap3A_166], %broadcast_in_dim3A_3 {strides = array<i32>} : memref<100096xi32, #tpu.memory_space<vmem>>, vector<16xi32>,
      %mul3A_168 = arith.constant 256 : i32
      %mul3A_169 = arith.muli %scan3A_148, %mul3A_168 : i32
      %add3A_170 = arith.constant 48 : i32
      %add3A_171 = arith.addi %mul3A_169, %add3A_170 : i32
      %swap3A_172 = arith.index_cast %add3A_171 : i32 to index
      %swap3A_173 = tpu.vector_load %arg8[%swap3A_172] {strides = array<i32>} : memref<100096xi32, #tpu.memory_space<vmem>>, vector<16xi32>,
      tpu.vector_store %arg8[%swap3A_172], %broadcast_in_dim3A_3 {strides = array<i32>} : memref<100096xi32, #tpu.memory_space<vmem>>, vector<16xi32>,
      %mul3A_174 = arith.constant 256 : i32
      %mul3A_175 = arith.muli %scan3A_148, %mul3A_174 : i32
      %add3A_176 = arith.constant 64 : i32
      %add3A_177 = arith.addi %mul3A_175, %add3A_176 : i32
      %swap3A_178 = arith.index_cast %add3A_177 : i32 to index
      %swap3A_179 = tpu.vector_load %arg8[%swap3A_178] {strides = array<i32>} : memref<100096xi32, #tpu.memory_space<vmem>>, vector<16xi32>,
      tpu.vector_store %arg8[%swap3A_178], %broadcast_in_dim3A_3 {strides = array<i32>} : memref<100096xi32, #tpu.memory_space<vmem>>, vector<16xi32>,
      %mul3A_180 = arith.constant 256 : i32
      %mul3A_181 = arith.muli %scan3A_148, %mul3A_180 : i32
      %add3A_182 = arith.constant 80 : i32
      %add3A_183 = arith.addi %mul3A_181, %add3A_182 : i32
      %swap3A_184 = arith.index_cast %add3A_183 : i32 to index
      %swap3A_185 = tpu.vector_load %arg8[%swap3A_184] {strides = array<i32>} : memref<100096xi32, #tpu.memory_space<vmem>>, vector<16xi32>,
      tpu.vector_store %arg8[%swap3A_184], %broadcast_in_dim3A_3 {strides = array<i32>} : memref<100096xi32, #tpu.memory_space<vmem>>, vector<16xi32>,
      %mul3A_186 = arith.constant 256 : i32
      %mul3A_187 = arith.muli %scan3A_148, %mul3A_186 : i32
      %add3A_188 = arith.constant 96 : i32
      %add3A_189 = arith.addi %mul3A_187, %add3A_188 : i32
      %swap3A_190 = arith.index_cast %add3A_189 : i32 to index
      %swap3A_191 = tpu.vector_load %arg8[%swap3A_190] {strides = array<i32>} : memref<100096xi32, #tpu.memory_space<vmem>>, vector<16xi32>,
      tpu.vector_store %arg8[%swap3A_190], %broadcast_in_dim3A_3 {strides = array<i32>} : memref<100096xi32, #tpu.memory_space<vmem>>, vector<16xi32>,
      %mul3A_192 = arith.constant 256 : i32
      %mul3A_193 = arith.muli %scan3A_148, %mul3A_192 : i32
      %add3A_194 = arith.constant 112 : i32
      %add3A_195 = arith.addi %mul3A_193, %add3A_194 : i32
      %swap3A_196 = arith.index_cast %add3A_195 : i32 to index
      %swap3A_197 = tpu.vector_load %arg8[%swap3A_196] {strides = array<i32>} : memref<100096xi32, #tpu.memory_space<vmem>>, vector<16xi32>,
      tpu.vector_store %arg8[%swap3A_196], %broadcast_in_dim3A_3 {strides = array<i32>} : memref<100096xi32, #tpu.memory_space<vmem>>, vector<16xi32>,
      %mul3A_198 = arith.constant 256 : i32
      %mul3A_199 = arith.muli %scan3A_148, %mul3A_198 : i32
      %add3A_200 = arith.constant 128 : i32
      %add3A_201 = arith.addi %mul3A_199, %add3A_200 : i32
      %swap3A_202 = arith.index_cast %add3A_201 : i32 to index
      %swap3A_203 = tpu.vector_load %arg8[%swap3A_202] {strides = array<i32>} : memref<100096xi32, #tpu.memory_space<vmem>>, vector<16xi32>,
      tpu.vector_store %arg8[%swap3A_202], %broadcast_in_dim3A_3 {strides = array<i32>} : memref<100096xi32, #tpu.memory_space<vmem>>, vector<16xi32>,
      %mul3A_204 = arith.constant 256 : i32
      %mul3A_205 = arith.muli %scan3A_148, %mul3A_204 : i32
      %add3A_206 = arith.constant 144 : i32
      %add3A_207 = arith.addi %mul3A_205, %add3A_206 : i32
      %swap3A_208 = arith.index_cast %add3A_207 : i32 to index
      %swap3A_209 = tpu.vector_load %arg8[%swap3A_208] {strides = array<i32>} : memref<100096xi32, #tpu.memory_space<vmem>>, vector<16xi32>,
      tpu.vector_store %arg8[%swap3A_208], %broadcast_in_dim3A_3 {strides = array<i32>} : memref<100096xi32, #tpu.memory_space<vmem>>, vector<16xi32>,
      %mul3A_210 = arith.constant 256 : i32
      %mul3A_211 = arith.muli %scan3A_148, %mul3A_210 : i32
      %add3A_212 = arith.constant 160 : i32
      %add3A_213 = arith.addi %mul3A_211, %add3A_212 : i32
      %swap3A_214 = arith.index_cast %add3A_213 : i32 to index
      %swap3A_215 = tpu.vector_load %arg8[%swap3A_214] {strides = array<i32>} : memref<100096xi32, #tpu.memory_space<vmem>>, vector<16xi32>,
      tpu.vector_store %arg8[%swap3A_214], %broadcast_in_dim3A_3 {strides = array<i32>} : memref<100096xi32, #tpu.memory_space<vmem>>, vector<16xi32>,
      %mul3A_216 = arith.constant 256 : i32
      %mul3A_217 = arith.muli %scan3A_148, %mul3A_216 : i32
      %add3A_218 = arith.constant 176 : i32
      %add3A_219 = arith.addi %mul3A_217, %add3A_218 : i32
      %swap3A_220 = arith.index_cast %add3A_219 : i32 to index
      %swap3A_221 = tpu.vector_load %arg8[%swap3A_220] {strides = array<i32>} : memref<100096xi32, #tpu.memory_space<vmem>>, vector<16xi32>,
      tpu.vector_store %arg8[%swap3A_220], %broadcast_in_dim3A_3 {strides = array<i32>} : memref<100096xi32, #tpu.memory_space<vmem>>, vector<16xi32>,
      %mul3A_222 = arith.constant 256 : i32
      %mul3A_223 = arith.muli %scan3A_148, %mul3A_222 : i32
      %add3A_224 = arith.constant 192 : i32
      %add3A_225 = arith.addi %mul3A_223, %add3A_224 : i32
      %swap3A_226 = arith.index_cast %add3A_225 : i32 to index
      %swap3A_227 = tpu.vector_load %arg8[%swap3A_226] {strides = array<i32>} : memref<100096xi32, #tpu.memory_space<vmem>>, vector<16xi32>,
      tpu.vector_store %arg8[%swap3A_226], %broadcast_in_dim3A_3 {strides = array<i32>} : memref<100096xi32, #tpu.memory_space<vmem>>, vector<16xi32>,
      %mul3A_228 = arith.constant 256 : i32
      %mul3A_229 = arith.muli %scan3A_148, %mul3A_228 : i32
      %add3A_230 = arith.constant 208 : i32
      %add3A_231 = arith.addi %mul3A_229, %add3A_230 : i32
      %swap3A_232 = arith.index_cast %add3A_231 : i32 to index
      %swap3A_233 = tpu.vector_load %arg8[%swap3A_232] {strides = array<i32>} : memref<100096xi32, #tpu.memory_space<vmem>>, vector<16xi32>,
      tpu.vector_store %arg8[%swap3A_232], %broadcast_in_dim3A_3 {strides = array<i32>} : memref<100096xi32, #tpu.memory_space<vmem>>, vector<16xi32>,
      %mul3A_234 = arith.constant 256 : i32
      %mul3A_235 = arith.muli %scan3A_148, %mul3A_234 : i32
      %add3A_236 = arith.constant 224 : i32
      %add3A_237 = arith.addi %mul3A_235, %add3A_236 : i32
      %swap3A_238 = arith.index_cast %add3A_237 : i32 to index
      %swap3A_239 = tpu.vector_load %arg8[%swap3A_238] {strides = array<i32>} : memref<100096xi32, #tpu.memory_space<vmem>>, vector<16xi32>,
      tpu.vector_store %arg8[%swap3A_238], %broadcast_in_dim3A_3 {strides = array<i32>} : memref<100096xi32, #tpu.memory_space<vmem>>, vector<16xi32>,
      %mul3A_240 = arith.constant 256 : i32
      %mul3A_241 = arith.muli %scan3A_148, %mul3A_240 : i32
      %add3A_242 = arith.constant 240 : i32
      %add3A_243 = arith.addi %mul3A_241, %add3A_242 : i32
      %swap3A_244 = arith.index_cast %add3A_243 : i32 to index
      %swap3A_245 = tpu.vector_load %arg8[%swap3A_244] {strides = array<i32>} : memref<100096xi32, #tpu.memory_space<vmem>>, vector<16xi32>,
      tpu.vector_store %arg8[%swap3A_244], %broadcast_in_dim3A_3 {strides = array<i32>} : memref<100096xi32, #tpu.memory_space<vmem>>, vector<16xi32>,
      %scan3A_246 = arith.constant 0 : i32
      scf.yield %scan3A_246 : i32
    }
    %scan3A_48 = arith.constant 391 : i32
    %broadcast_in_dim3A_49 = arith.constant 0.000000e+00 : f32
    %broadcast_in_dim3A_50 = vector.broadcast %broadcast_in_dim3A_49 : f32 to vector<16xf32>
    %broadcast_in_dim3A_51 = arith.constant 0 : i32
    %broadcast_in_dim3A_52 = vector.broadcast %broadcast_in_dim3A_51 : i32 to vector<16xi32>
    %broadcast_in_dim3A_53 = arith.constant 1 : i32
    %broadcast_in_dim3A_54 = vector.broadcast %broadcast_in_dim3A_53 : i32 to vector<16xi32>
    %iota3A = tpu.iota {dimensions = array<i32: 0>} : vector<16xi32>
    %broadcast_in_dim3A_55 = arith.constant 100001 : i32
    %broadcast_in_dim3A_56 = vector.broadcast %broadcast_in_dim3A_55 : i32 to vector<16xi32>
    %lt3A = arith.constant 4 : i32
    %lt3A_57 = vector.broadcast %lt3A : i32 to vector<16xi32>
    %lt3A_58 = arith.cmpi slt, %iota3A, %lt3A_57 : vector<16xi32>
    %lt3A_59 = arith.constant 8 : i32
    %lt3A_60 = vector.broadcast %lt3A_59 : i32 to vector<16xi32>
    %lt3A_61 = arith.cmpi slt, %iota3A, %lt3A_60 : vector<16xi32>
    %add3A_62 = arith.constant 48 : i32
    %add3A_63 = vector.broadcast %add3A_62 : i32 to vector<16xi32>
    %add3A_64 = arith.addi %iota3A, %add3A_63 : vector<16xi32>
    %min3A = arith.constant 49 : i32
    %min3A_65 = vector.broadcast %min3A : i32 to vector<16xi32>
    %min3A_66 = arith.minsi %add3A_64, %min3A_65 : vector<16xi32>
    %add3A_67 = arith.constant 496 : i32
    %add3A_68 = vector.broadcast %add3A_67 : i32 to vector<16xi32>
    %add3A_69 = arith.addi %iota3A, %add3A_68 : vector<16xi32>
    %min3A_70 = arith.constant 499 : i32
    %min3A_71 = vector.broadcast %min3A_70 : i32 to vector<16xi32>
    %min3A_72 = arith.minsi %add3A_69, %min3A_71 : vector<16xi32>
    %add3A_73 = arith.constant 192 : i32
    %add3A_74 = vector.broadcast %add3A_73 : i32 to vector<16xi32>
    %add3A_75 = arith.addi %iota3A, %add3A_74 : vector<16xi32>
    %min3A_76 = arith.constant 199 : i32
    %min3A_77 = vector.broadcast %min3A_76 : i32 to vector<16xi32>
    %min3A_78 = arith.minsi %add3A_75, %min3A_77 : vector<16xi32>
    %scan3A_79 = arith.constant 0 : i32
    %scan3A_80 = arith.constant 0 : i32
    %scan3A_81 = arith.constant 8 : i32
    %scan3A_82 = arith.addi %scan3A_80, %scan3A_81 : i32
    %scan3A_83 = arith.constant 1 : i32
    %scan3A_84:4 = scf.for %scan3A_148 = %scan3A_80 to %scan3A_82 step %scan3A_83 iter_args(%scan3A_149 = %broadcast_in_dim3A_50, %scan3A_150 = %broadcast_in_dim3A_50, %scan3A_151 = %broadcast_in_dim3A_52, %scan3A_152 = %scan3A_79) -> (vector<16xf32>, vector<16xf32>, vector<16xi32>, i32)  : i32 {
      %mul3A_153 = arith.constant 2 : i32
      %mul3A_154 = arith.muli %scan3A_148, %mul3A_153 : i32
      %add3A_155 = arith.constant 1 : i32
      %add3A_156 = arith.addi %mul3A_154, %add3A_155 : i32
      %mul3A_157 = arith.constant 8 : i32
      %mul3A_158 = arith.muli %mul3A_154, %mul3A_157 : i32
      %add3A_159 = arith.addi %mul3A_2, %mul3A_158 : i32
      %dma_wait3A_160 = arith.constant 0 : i32
      %dma_wait3A_161 = tpu.memref_slice %arg2[%add3A_159, %dma_wait3A_160] : memref<4096x500xi32, #tpu.memory_space<hbm>> -> memref<8x500xi32, #tpu.memory_space<hbm>>
      %dma_wait3A_162 = arith.constant 0 : i32
      %dma_wait3A_163 = tpu.memref_slice %arg2[%add3A_159, %dma_wait3A_162] : memref<4096x500xi32, #tpu.memory_space<hbm>> -> memref<8x500xi32, #tpu.memory_space<hbm>>
      tpu.wait_dma2 semaphore(%arg21 : memref<!tpu.dma_semaphore, #tpu.memory_space<semaphore_mem>>) src(%dma_wait3A_163 : memref<8x500xi32, #tpu.memory_space<hbm>>) dst(%arg9 : memref<8x500xi32, #tpu.memory_space<vmem>>)
      %dma_wait3A_164 = arith.constant 0 : i32
      %dma_wait3A_165 = tpu.memref_slice %arg4[%add3A_159, %dma_wait3A_164] : memref<4096x200xi32, #tpu.memory_space<hbm>> -> memref<8x200xi32, #tpu.memory_space<hbm>>
      %dma_wait3A_166 = arith.constant 0 : i32
      %dma_wait3A_167 = tpu.memref_slice %arg4[%add3A_159, %dma_wait3A_166] : memref<4096x200xi32, #tpu.memory_space<hbm>> -> memref<8x200xi32, #tpu.memory_space<hbm>>
      tpu.wait_dma2 semaphore(%arg21 : memref<!tpu.dma_semaphore, #tpu.memory_space<semaphore_mem>>) src(%dma_wait3A_167 : memref<8x200xi32, #tpu.memory_space<hbm>>) dst(%arg10 : memref<8x200xi32, #tpu.memory_space<vmem>>)
      %dma_wait3A_168 = arith.constant 0 : i32
      %dma_wait3A_169 = tpu.memref_slice %arg6[%add3A_159, %dma_wait3A_168] : memref<4096x200xf32, #tpu.memory_space<hbm>> -> memref<8x200xf32, #tpu.memory_space<hbm>>
      %dma_wait3A_170 = arith.constant 0 : i32
      %dma_wait3A_171 = tpu.memref_slice %arg6[%add3A_159, %dma_wait3A_170] : memref<4096x200xf32, #tpu.memory_space<hbm>> -> memref<8x200xf32, #tpu.memory_space<hbm>>
      tpu.wait_dma2 semaphore(%arg21 : memref<!tpu.dma_semaphore, #tpu.memory_space<semaphore_mem>>) src(%dma_wait3A_171 : memref<8x200xf32, #tpu.memory_space<hbm>>) dst(%arg11 : memref<8x200xf32, #tpu.memory_space<vmem>>)
      %mul3A_172 = arith.constant 8 : i32
      %mul3A_173 = arith.muli %mul3A_154, %mul3A_172 : i32
      %add3A_174 = arith.addi %mul3A_2, %mul3A_173 : i32
      %dma_wait3A_175 = arith.constant 0 : i32
      %dma_wait3A_176 = tpu.memref_slice %arg3[%add3A_174, %dma_wait3A_175] : memref<4096x50xi32, #tpu.memory_space<hbm>> -> memref<8x50xi32, #tpu.memory_space<hbm>>
      %dma_wait3A_177 = arith.constant 0 : i32
      %dma_wait3A_178 = tpu.memref_slice %arg3[%add3A_174, %dma_wait3A_177] : memref<4096x50xi32, #tpu.memory_space<hbm>> -> memref<8x50xi32, #tpu.memory_space<hbm>>
      tpu.wait_dma2 semaphore(%arg23 : memref<!tpu.dma_semaphore, #tpu.memory_space<semaphore_mem>>) src(%dma_wait3A_178 : memref<8x50xi32, #tpu.memory_space<hbm>>) dst(%arg15 : memref<8x50xi32, #tpu.memory_space<vmem>>)
      %mul3A_179 = arith.constant 8 : i32
      %mul3A_180 = arith.muli %mul3A_154, %mul3A_179 : i32
      %add3A_181 = arith.addi %mul3A_2, %mul3A_180 : i32
      %dma_wait3A_182 = arith.constant 0 : i32
      %dma_wait3A_183 = tpu.memref_slice %arg5[%add3A_181, %dma_wait3A_182] : memref<4096x500xf32, #tpu.memory_space<hbm>> -> memref<8x500xf32, #tpu.memory_space<hbm>>
      %dma_wait3A_184 = arith.constant 0 : i32
      %dma_wait3A_185 = tpu.memref_slice %arg5[%add3A_181, %dma_wait3A_184] : memref<4096x500xf32, #tpu.memory_space<hbm>> -> memref<8x500xf32, #tpu.memory_space<hbm>>
      tpu.wait_dma2 semaphore(%arg24 : memref<!tpu.dma_semaphore, #tpu.memory_space<semaphore_mem>>) src(%dma_wait3A_185 : memref<8x500xf32, #tpu.memory_space<hbm>>) dst(%arg16 : memref<8x500xf32, #tpu.memory_space<vmem>>)
      %mul3A_186 = arith.constant 8 : i32
      %mul3A_187 = arith.muli %mul3A_154, %mul3A_186 : i32
      %add3A_188 = arith.addi %mul3A_2, %mul3A_187 : i32
      %scan3A_189 = arith.constant 0 : i32
      %scan3A_190 = arith.constant 7 : i32
      %scan3A_191 = arith.addi %scan3A_189, %scan3A_190 : i32
      %scan3A_192 = arith.constant 1 : i32
      %scan3A_193:4 = scf.for %scan3A_1461 = %scan3A_189 to %scan3A_191 step %scan3A_192 iter_args(%scan3A_1462 = %scan3A_149, %scan3A_1463 = %scan3A_150, %scan3A_1464 = %scan3A_151, %scan3A_1465 = %scan3A_152) -> (vector<16xf32>, vector<16xf32>, vector<16xi32>, i32)  : i32 {
        %add3A_1466 = arith.addi %add3A_188, %scan3A_1461 : i32
        %broadcast_in_dim3A_1467 = vector.broadcast %add3A_1466 : i32 to vector<16xi32>
        %broadcast_in_dim3A_1468 = vector.broadcast %scan3A_1461 : i32 to vector<16xi32>
        %get3A_1469 = arith.index_cast %scan3A_1461 : i32 to index
        %get3A_1470 = arith.constant 0 : index
        %get3A_1471 = tpu.vector_load %arg15[%get3A_1469, %get3A_1470] {strides = array<i32>} : memref<8x50xi32, #tpu.memory_space<vmem>>, vector<16xi32>,
        tpu.vector_store_idx %arg8[%get3A_1471], %broadcast_in_dim3A_1467 : memref<100096xi32, #tpu.memory_space<vmem>>[vector<16xi32>], vector<16xi32>,
        %get3A_1472 = arith.index_cast %scan3A_1461 : i32 to index
        %get3A_1473 = arith.constant 16 : index
        %get3A_1474 = tpu.vector_load %arg15[%get3A_1472, %get3A_1473] {strides = array<i32>} : memref<8x50xi32, #tpu.memory_space<vmem>>, vector<16xi32>,
        tpu.vector_store_idx %arg8[%get3A_1474], %broadcast_in_dim3A_1467 : memref<100096xi32, #tpu.memory_space<vmem>>[vector<16xi32>], vector<16xi32>,
        %get3A_1475 = arith.index_cast %scan3A_1461 : i32 to index
        %get3A_1476 = arith.constant 32 : index
        %get3A_1477 = tpu.vector_load %arg15[%get3A_1475, %get3A_1476] {strides = array<i32>} : memref<8x50xi32, #tpu.memory_space<vmem>>, vector<16xi32>,
        tpu.vector_store_idx %arg8[%get3A_1477], %broadcast_in_dim3A_1467 : memref<100096xi32, #tpu.memory_space<vmem>>[vector<16xi32>], vector<16xi32>,
        %gather3A_1478 = tpu.vector_load_idx %arg15[%broadcast_in_dim3A_1468, %min3A_66] : memref<8x50xi32, #tpu.memory_space<vmem>>[vector<16xi32>, vector<16xi32>], vector<16xi32>,
        tpu.vector_store_idx %arg8[%gather3A_1478], %broadcast_in_dim3A_1467 : memref<100096xi32, #tpu.memory_space<vmem>>[vector<16xi32>], vector<16xi32>,
        %get3A_1479 = arith.index_cast %scan3A_1461 : i32 to index
        %get3A_1480 = arith.constant 0 : index
        %get3A_1481 = tpu.vector_load %arg9[%get3A_1479, %get3A_1480] {strides = array<i32>} : memref<8x500xi32, #tpu.memory_space<vmem>>, vector<16xi32>,
        %get3A_1482 = arith.index_cast %scan3A_1461 : i32 to index
        %get3A_1483 = arith.constant 0 : index
        %get3A_1484 = tpu.vector_load %arg16[%get3A_1482, %get3A_1483] {strides = array<i32>} : memref<8x500xf32, #tpu.memory_space<vmem>>, vector<16xf32>,
        %gather3A_1485 = tpu.vector_load_idx %arg8[%get3A_1481] : memref<100096xi32, #tpu.memory_space<vmem>>[vector<16xi32>], vector<16xi32>,
        %eq3A_1486 = arith.cmpi eq, %gather3A_1485, %broadcast_in_dim3A_1467 : vector<16xi32>
        %select_n3A_1487 = arith.select %eq3A_1486, %get3A_1484, %broadcast_in_dim3A_50 : vector<16xi1>, vector<16xf32>
        %add3A_1488 = arith.addf %scan3A_1462, %select_n3A_1487 : vector<16xf32>
        %get3A_1489 = arith.index_cast %scan3A_1461 : i32 to index
        %get3A_1490 = arith.constant 16 : index
        %get3A_1491 = tpu.vector_load %arg9[%get3A_1489, %get3A_1490] {strides = array<i32>} : memref<8x500xi32, #tpu.memory_space<vmem>>, vector<16xi32>,
        %get3A_1492 = arith.index_cast %scan3A_1461 : i32 to index
        %get3A_1493 = arith.constant 16 : index
        %get3A_1494 = tpu.vector_load %arg16[%get3A_1492, %get3A_1493] {strides = array<i32>} : memref<8x500xf32, #tpu.memory_space<vmem>>, vector<16xf32>,
        %gather3A_1495 = tpu.vector_load_idx %arg8[%get3A_1491] : memref<100096xi32, #tpu.memory_space<vmem>>[vector<16xi32>], vector<16xi32>,
        %eq3A_1496 = arith.cmpi eq, %gather3A_1495, %broadcast_in_dim3A_1467 : vector<16xi32>
        %select_n3A_1497 = arith.select %eq3A_1496, %get3A_1494, %broadcast_in_dim3A_50 : vector<16xi1>, vector<16xf32>
        %add3A_1498 = arith.addf %add3A_1488, %select_n3A_1497 : vector<16xf32>
        %get3A_1499 = arith.index_cast %scan3A_1461 : i32 to index
        %get3A_1500 = arith.constant 32 : index
        %get3A_1501 = tpu.vector_load %arg9[%get3A_1499, %get3A_1500] {strides = array<i32>} : memref<8x500xi32, #tpu.memory_space<vmem>>, vector<16xi32>,
        %get3A_1502 = arith.index_cast %scan3A_1461 : i32 to index
        %get3A_1503 = arith.constant 32 : index
        %get3A_1504 = tpu.vector_load %arg16[%get3A_1502, %get3A_1503] {strides = array<i32>} : memref<8x500xf32, #tpu.memory_space<vmem>>, vector<16xf32>,
        %gather3A_1505 = tpu.vector_load_idx %arg8[%get3A_1501] : memref<100096xi32, #tpu.memory_space<vmem>>[vector<16xi32>], vector<16xi32>,
        %eq3A_1506 = arith.cmpi eq, %gather3A_1505, %broadcast_in_dim3A_1467 : vector<16xi32>
        %select_n3A_1507 = arith.select %eq3A_1506, %get3A_1504, %broadcast_in_dim3A_50 : vector<16xi1>, vector<16xf32>
        %add3A_1508 = arith.addf %add3A_1498, %select_n3A_1507 : vector<16xf32>
        %get3A_1509 = arith.index_cast %scan3A_1461 : i32 to index
        %get3A_1510 = arith.constant 48 : index
        %get3A_1511 = tpu.vector_load %arg9[%get3A_1509, %get3A_1510] {strides = array<i32>} : memref<8x500xi32, #tpu.memory_space<vmem>>, vector<16xi32>,
        %get3A_1512 = arith.index_cast %scan3A_1461 : i32 to index
        %get3A_1513 = arith.constant 48 : index
        %get3A_1514 = tpu.vector_load %arg16[%get3A_1512, %get3A_1513] {strides = array<i32>} : memref<8x500xf32, #tpu.memory_space<vmem>>, vector<16xf32>,
        %gather3A_1515 = tpu.vector_load_idx %arg8[%get3A_1511] : memref<100096xi32, #tpu.memory_space<vmem>>[vector<16xi32>], vector<16xi32>,
        %eq3A_1516 = arith.cmpi eq, %gather3A_1515, %broadcast_in_dim3A_1467 : vector<16xi32>
        %select_n3A_1517 = arith.select %eq3A_1516, %get3A_1514, %broadcast_in_dim3A_50 : vector<16xi1>, vector<16xf32>
        %add3A_1518 = arith.addf %add3A_1508, %select_n3A_1517 : vector<16xf32>
        %get3A_1519 = arith.index_cast %scan3A_1461 : i32 to index
        %get3A_1520 = arith.constant 64 : index
        %get3A_1521 = tpu.vector_load %arg9[%get3A_1519, %get3A_1520] {strides = array<i32>} : memref<8x500xi32, #tpu.memory_space<vmem>>, vector<16xi32>,
        %get3A_1522 = arith.index_cast %scan3A_1461 : i32 to index
        %get3A_1523 = arith.constant 64 : index
        %get3A_1524 = tpu.vector_load %arg16[%get3A_1522, %get3A_1523] {strides = array<i32>} : memref<8x500xf32, #tpu.memory_space<vmem>>, vector<16xf32>,
        %gather3A_1525 = tpu.vector_load_idx %arg8[%get3A_1521] : memref<100096xi32, #tpu.memory_space<vmem>>[vector<16xi32>], vector<16xi32>,
        %eq3A_1526 = arith.cmpi eq, %gather3A_1525, %broadcast_in_dim3A_1467 : vector<16xi32>
        %select_n3A_1527 = arith.select %eq3A_1526, %get3A_1524, %broadcast_in_dim3A_50 : vector<16xi1>, vector<16xf32>
        %add3A_1528 = arith.addf %add3A_1518, %select_n3A_1527 : vector<16xf32>
        %get3A_1529 = arith.index_cast %scan3A_1461 : i32 to index
        %get3A_1530 = arith.constant 80 : index
        %get3A_1531 = tpu.vector_load %arg9[%get3A_1529, %get3A_1530] {strides = array<i32>} : memref<8x500xi32, #tpu.memory_space<vmem>>, vector<16xi32>,
        %get3A_1532 = arith.index_cast %scan3A_1461 : i32 to index
        %get3A_1533 = arith.constant 80 : index
        %get3A_1534 = tpu.vector_load %arg16[%get3A_1532, %get3A_1533] {strides = array<i32>} : memref<8x500xf32, #tpu.memory_space<vmem>>, vector<16xf32>,
        %gather3A_1535 = tpu.vector_load_idx %arg8[%get3A_1531] : memref<100096xi32, #tpu.memory_space<vmem>>[vector<16xi32>], vector<16xi32>,
        %eq3A_1536 = arith.cmpi eq, %gather3A_1535, %broadcast_in_dim3A_1467 : vector<16xi32>
        %select_n3A_1537 = arith.select %eq3A_1536, %get3A_1534, %broadcast_in_dim3A_50 : vector<16xi1>, vector<16xf32>
        %add3A_1538 = arith.addf %add3A_1528, %select_n3A_1537 : vector<16xf32>
        %get3A_1539 = arith.index_cast %scan3A_1461 : i32 to index
        %get3A_1540 = arith.constant 96 : index
        %get3A_1541 = tpu.vector_load %arg9[%get3A_1539, %get3A_1540] {strides = array<i32>} : memref<8x500xi32, #tpu.memory_space<vmem>>, vector<16xi32>,
        %get3A_1542 = arith.index_cast %scan3A_1461 : i32 to index
        %get3A_1543 = arith.constant 96 : index
        %get3A_1544 = tpu.vector_load %arg16[%get3A_1542, %get3A_1543] {strides = array<i32>} : memref<8x500xf32, #tpu.memory_space<vmem>>, vector<16xf32>,
        %gather3A_1545 = tpu.vector_load_idx %arg8[%get3A_1541] : memref<100096xi32, #tpu.memory_space<vmem>>[vector<16xi32>], vector<16xi32>,
        %eq3A_1546 = arith.cmpi eq, %gather3A_1545, %broadcast_in_dim3A_1467 : vector<16xi32>
        %select_n3A_1547 = arith.select %eq3A_1546, %get3A_1544, %broadcast_in_dim3A_50 : vector<16xi1>, vector<16xf32>
        %add3A_1548 = arith.addf %add3A_1538, %select_n3A_1547 : vector<16xf32>
        %get3A_1549 = arith.index_cast %scan3A_1461 : i32 to index
        %get3A_1550 = arith.constant 112 : index
        %get3A_1551 = tpu.vector_load %arg9[%get3A_1549, %get3A_1550] {strides = array<i32>} : memref<8x500xi32, #tpu.memory_space<vmem>>, vector<16xi32>,
        %get3A_1552 = arith.index_cast %scan3A_1461 : i32 to index
        %get3A_1553 = arith.constant 112 : index
        %get3A_1554 = tpu.vector_load %arg16[%get3A_1552, %get3A_1553] {strides = array<i32>} : memref<8x500xf32, #tpu.memory_space<vmem>>, vector<16xf32>,
        %gather3A_1555 = tpu.vector_load_idx %arg8[%get3A_1551] : memref<100096xi32, #tpu.memory_space<vmem>>[vector<16xi32>], vector<16xi32>,
        %eq3A_1556 = arith.cmpi eq, %gather3A_1555, %broadcast_in_dim3A_1467 : vector<16xi32>
        %select_n3A_1557 = arith.select %eq3A_1556, %get3A_1554, %broadcast_in_dim3A_50 : vector<16xi1>, vector<16xf32>
        %add3A_1558 = arith.addf %add3A_1548, %select_n3A_1557 : vector<16xf32>
        %get3A_1559 = arith.index_cast %scan3A_1461 : i32 to index
        %get3A_1560 = arith.constant 128 : index
        %get3A_1561 = tpu.vector_load %arg9[%get3A_1559, %get3A_1560] {strides = array<i32>} : memref<8x500xi32, #tpu.memory_space<vmem>>, vector<16xi32>,
        %get3A_1562 = arith.index_cast %scan3A_1461 : i32 to index
        %get3A_1563 = arith.constant 128 : index
        %get3A_1564 = tpu.vector_load %arg16[%get3A_1562, %get3A_1563] {strides = array<i32>} : memref<8x500xf32, #tpu.memory_space<vmem>>, vector<16xf32>,
        %gather3A_1565 = tpu.vector_load_idx %arg8[%get3A_1561] : memref<100096xi32, #tpu.memory_space<vmem>>[vector<16xi32>], vector<16xi32>,
        %eq3A_1566 = arith.cmpi eq, %gather3A_1565, %broadcast_in_dim3A_1467 : vector<16xi32>
        %select_n3A_1567 = arith.select %eq3A_1566, %get3A_1564, %broadcast_in_dim3A_50 : vector<16xi1>, vector<16xf32>
        %add3A_1568 = arith.addf %add3A_1558, %select_n3A_1567 : vector<16xf32>
        %get3A_1569 = arith.index_cast %scan3A_1461 : i32 to index
        %get3A_1570 = arith.constant 144 : index
        %get3A_1571 = tpu.vector_load %arg9[%get3A_1569, %get3A_1570] {strides = array<i32>} : memref<8x500xi32, #tpu.memory_space<vmem>>, vector<16xi32>,
        %get3A_1572 = arith.index_cast %scan3A_1461 : i32 to index
        %get3A_1573 = arith.constant 144 : index
        %get3A_1574 = tpu.vector_load %arg16[%get3A_1572, %get3A_1573] {strides = array<i32>} : memref<8x500xf32, #tpu.memory_space<vmem>>, vector<16xf32>,
        %gather3A_1575 = tpu.vector_load_idx %arg8[%get3A_1571] : memref<100096xi32, #tpu.memory_space<vmem>>[vector<16xi32>], vector<16xi32>,
        %eq3A_1576 = arith.cmpi eq, %gather3A_1575, %broadcast_in_dim3A_1467 : vector<16xi32>
        %select_n3A_1577 = arith.select %eq3A_1576, %get3A_1574, %broadcast_in_dim3A_50 : vector<16xi1>, vector<16xf32>
        %add3A_1578 = arith.addf %add3A_1568, %select_n3A_1577 : vector<16xf32>
        %get3A_1579 = arith.index_cast %scan3A_1461 : i32 to index
        %get3A_1580 = arith.constant 160 : index
        %get3A_1581 = tpu.vector_load %arg9[%get3A_1579, %get3A_1580] {strides = array<i32>} : memref<8x500xi32, #tpu.memory_space<vmem>>, vector<16xi32>,
        %get3A_1582 = arith.index_cast %scan3A_1461 : i32 to index
        %get3A_1583 = arith.constant 160 : index
        %get3A_1584 = tpu.vector_load %arg16[%get3A_1582, %get3A_1583] {strides = array<i32>} : memref<8x500xf32, #tpu.memory_space<vmem>>, vector<16xf32>,
        %gather3A_1585 = tpu.vector_load_idx %arg8[%get3A_1581] : memref<100096xi32, #tpu.memory_space<vmem>>[vector<16xi32>], vector<16xi32>,
        %eq3A_1586 = arith.cmpi eq, %gather3A_1585, %broadcast_in_dim3A_1467 : vector<16xi32>
        %select_n3A_1587 = arith.select %eq3A_1586, %get3A_1584, %broadcast_in_dim3A_50 : vector<16xi1>, vector<16xf32>
        %add3A_1588 = arith.addf %add3A_1578, %select_n3A_1587 : vector<16xf32>
        %get3A_1589 = arith.index_cast %scan3A_1461 : i32 to index
        %get3A_1590 = arith.constant 176 : index
        %get3A_1591 = tpu.vector_load %arg9[%get3A_1589, %get3A_1590] {strides = array<i32>} : memref<8x500xi32, #tpu.memory_space<vmem>>, vector<16xi32>,
        %get3A_1592 = arith.index_cast %scan3A_1461 : i32 to index
        %get3A_1593 = arith.constant 176 : index
        %get3A_1594 = tpu.vector_load %arg16[%get3A_1592, %get3A_1593] {strides = array<i32>} : memref<8x500xf32, #tpu.memory_space<vmem>>, vector<16xf32>,
        %gather3A_1595 = tpu.vector_load_idx %arg8[%get3A_1591] : memref<100096xi32, #tpu.memory_space<vmem>>[vector<16xi32>], vector<16xi32>,
        %eq3A_1596 = arith.cmpi eq, %gather3A_1595, %broadcast_in_dim3A_1467 : vector<16xi32>
        %select_n3A_1597 = arith.select %eq3A_1596, %get3A_1594, %broadcast_in_dim3A_50 : vector<16xi1>, vector<16xf32>
        %add3A_1598 = arith.addf %add3A_1588, %select_n3A_1597 : vector<16xf32>
        %get3A_1599 = arith.index_cast %scan3A_1461 : i32 to index
        %get3A_1600 = arith.constant 192 : index
        %get3A_1601 = tpu.vector_load %arg9[%get3A_1599, %get3A_1600] {strides = array<i32>} : memref<8x500xi32, #tpu.memory_space<vmem>>, vector<16xi32>,
        %get3A_1602 = arith.index_cast %scan3A_1461 : i32 to index
        %get3A_1603 = arith.constant 192 : index
        %get3A_1604 = tpu.vector_load %arg16[%get3A_1602, %get3A_1603] {strides = array<i32>} : memref<8x500xf32, #tpu.memory_space<vmem>>, vector<16xf32>,
        %gather3A_1605 = tpu.vector_load_idx %arg8[%get3A_1601] : memref<100096xi32, #tpu.memory_space<vmem>>[vector<16xi32>], vector<16xi32>,
        %eq3A_1606 = arith.cmpi eq, %gather3A_1605, %broadcast_in_dim3A_1467 : vector<16xi32>
        %select_n3A_1607 = arith.select %eq3A_1606, %get3A_1604, %broadcast_in_dim3A_50 : vector<16xi1>, vector<16xf32>
        %add3A_1608 = arith.addf %add3A_1598, %select_n3A_1607 : vector<16xf32>
        %get3A_1609 = arith.index_cast %scan3A_1461 : i32 to index
        %get3A_1610 = arith.constant 208 : index
        %get3A_1611 = tpu.vector_load %arg9[%get3A_1609, %get3A_1610] {strides = array<i32>} : memref<8x500xi32, #tpu.memory_space<vmem>>, vector<16xi32>,
        %get3A_1612 = arith.index_cast %scan3A_1461 : i32 to index
        %get3A_1613 = arith.constant 208 : index
        %get3A_1614 = tpu.vector_load %arg16[%get3A_1612, %get3A_1613] {strides = array<i32>} : memref<8x500xf32, #tpu.memory_space<vmem>>, vector<16xf32>,
        %gather3A_1615 = tpu.vector_load_idx %arg8[%get3A_1611] : memref<100096xi32, #tpu.memory_space<vmem>>[vector<16xi32>], vector<16xi32>,
        %eq3A_1616 = arith.cmpi eq, %gather3A_1615, %broadcast_in_dim3A_1467 : vector<16xi32>
        %select_n3A_1617 = arith.select %eq3A_1616, %get3A_1614, %broadcast_in_dim3A_50 : vector<16xi1>, vector<16xf32>
        %add3A_1618 = arith.addf %add3A_1608, %select_n3A_1617 : vector<16xf32>
        %get3A_1619 = arith.index_cast %scan3A_1461 : i32 to index
        %get3A_1620 = arith.constant 224 : index
        %get3A_1621 = tpu.vector_load %arg9[%get3A_1619, %get3A_1620] {strides = array<i32>} : memref<8x500xi32, #tpu.memory_space<vmem>>, vector<16xi32>,
        %get3A_1622 = arith.index_cast %scan3A_1461 : i32 to index
        %get3A_1623 = arith.constant 224 : index
        %get3A_1624 = tpu.vector_load %arg16[%get3A_1622, %get3A_1623] {strides = array<i32>} : memref<8x500xf32, #tpu.memory_space<vmem>>, vector<16xf32>,
        %gather3A_1625 = tpu.vector_load_idx %arg8[%get3A_1621] : memref<100096xi32, #tpu.memory_space<vmem>>[vector<16xi32>], vector<16xi32>,
        %eq3A_1626 = arith.cmpi eq, %gather3A_1625, %broadcast_in_dim3A_1467 : vector<16xi32>
        %select_n3A_1627 = arith.select %eq3A_1626, %get3A_1624, %broadcast_in_dim3A_50 : vector<16xi1>, vector<16xf32>
        %add3A_1628 = arith.addf %add3A_1618, %select_n3A_1627 : vector<16xf32>
        %get3A_1629 = arith.index_cast %scan3A_1461 : i32 to index
        %get3A_1630 = arith.constant 240 : index
        %get3A_1631 = tpu.vector_load %arg9[%get3A_1629, %get3A_1630] {strides = array<i32>} : memref<8x500xi32, #tpu.memory_space<vmem>>, vector<16xi32>,
        %get3A_1632 = arith.index_cast %scan3A_1461 : i32 to index
        %get3A_1633 = arith.constant 240 : index
        %get3A_1634 = tpu.vector_load %arg16[%get3A_1632, %get3A_1633] {strides = array<i32>} : memref<8x500xf32, #tpu.memory_space<vmem>>, vector<16xf32>,
        %gather3A_1635 = tpu.vector_load_idx %arg8[%get3A_1631] : memref<100096xi32, #tpu.memory_space<vmem>>[vector<16xi32>], vector<16xi32>,
        %eq3A_1636 = arith.cmpi eq, %gather3A_1635, %broadcast_in_dim3A_1467 : vector<16xi32>
        %select_n3A_1637 = arith.select %eq3A_1636, %get3A_1634, %broadcast_in_dim3A_50 : vector<16xi1>, vector<16xf32>
        %add3A_1638 = arith.addf %add3A_1628, %select_n3A_1637 : vector<16xf32>
        %get3A_1639 = arith.index_cast %scan3A_1461 : i32 to index
        %get3A_1640 = arith.constant 256 : index
        %get3A_1641 = tpu.vector_load %arg9[%get3A_1639, %get3A_1640] {strides = array<i32>} : memref<8x500xi32, #tpu.memory_space<vmem>>, vector<16xi32>,
        %get3A_1642 = arith.index_cast %scan3A_1461 : i32 to index
        %get3A_1643 = arith.constant 256 : index
        %get3A_1644 = tpu.vector_load %arg16[%get3A_1642, %get3A_1643] {strides = array<i32>} : memref<8x500xf32, #tpu.memory_space<vmem>>, vector<16xf32>,
        %gather3A_1645 = tpu.vector_load_idx %arg8[%get3A_1641] : memref<100096xi32, #tpu.memory_space<vmem>>[vector<16xi32>], vector<16xi32>,
        %eq3A_1646 = arith.cmpi eq, %gather3A_1645, %broadcast_in_dim3A_1467 : vector<16xi32>
        %select_n3A_1647 = arith.select %eq3A_1646, %get3A_1644, %broadcast_in_dim3A_50 : vector<16xi1>, vector<16xf32>
        %add3A_1648 = arith.addf %add3A_1638, %select_n3A_1647 : vector<16xf32>
        %get3A_1649 = arith.index_cast %scan3A_1461 : i32 to index
        %get3A_1650 = arith.constant 272 : index
        %get3A_1651 = tpu.vector_load %arg9[%get3A_1649, %get3A_1650] {strides = array<i32>} : memref<8x500xi32, #tpu.memory_space<vmem>>, vector<16xi32>,
        %get3A_1652 = arith.index_cast %scan3A_1461 : i32 to index
        %get3A_1653 = arith.constant 272 : index
        %get3A_1654 = tpu.vector_load %arg16[%get3A_1652, %get3A_1653] {strides = array<i32>} : memref<8x500xf32, #tpu.memory_space<vmem>>, vector<16xf32>,
        %gather3A_1655 = tpu.vector_load_idx %arg8[%get3A_1651] : memref<100096xi32, #tpu.memory_space<vmem>>[vector<16xi32>], vector<16xi32>,
        %eq3A_1656 = arith.cmpi eq, %gather3A_1655, %broadcast_in_dim3A_1467 : vector<16xi32>
        %select_n3A_1657 = arith.select %eq3A_1656, %get3A_1654, %broadcast_in_dim3A_50 : vector<16xi1>, vector<16xf32>
        %add3A_1658 = arith.addf %add3A_1648, %select_n3A_1657 : vector<16xf32>
        %get3A_1659 = arith.index_cast %scan3A_1461 : i32 to index
        %get3A_1660 = arith.constant 288 : index
        %get3A_1661 = tpu.vector_load %arg9[%get3A_1659, %get3A_1660] {strides = array<i32>} : memref<8x500xi32, #tpu.memory_space<vmem>>, vector<16xi32>,
        %get3A_1662 = arith.index_cast %scan3A_1461 : i32 to index
        %get3A_1663 = arith.constant 288 : index
        %get3A_1664 = tpu.vector_load %arg16[%get3A_1662, %get3A_1663] {strides = array<i32>} : memref<8x500xf32, #tpu.memory_space<vmem>>, vector<16xf32>,
        %gather3A_1665 = tpu.vector_load_idx %arg8[%get3A_1661] : memref<100096xi32, #tpu.memory_space<vmem>>[vector<16xi32>], vector<16xi32>,
        %eq3A_1666 = arith.cmpi eq, %gather3A_1665, %broadcast_in_dim3A_1467 : vector<16xi32>
        %select_n3A_1667 = arith.select %eq3A_1666, %get3A_1664, %broadcast_in_dim3A_50 : vector<16xi1>, vector<16xf32>
        %add3A_1668 = arith.addf %add3A_1658, %select_n3A_1667 : vector<16xf32>
        %get3A_1669 = arith.index_cast %scan3A_1461 : i32 to index
        %get3A_1670 = arith.constant 304 : index
        %get3A_1671 = tpu.vector_load %arg9[%get3A_1669, %get3A_1670] {strides = array<i32>} : memref<8x500xi32, #tpu.memory_space<vmem>>, vector<16xi32>,
        %get3A_1672 = arith.index_cast %scan3A_1461 : i32 to index
        %get3A_1673 = arith.constant 304 : index
        %get3A_1674 = tpu.vector_load %arg16[%get3A_1672, %get3A_1673] {strides = array<i32>} : memref<8x500xf32, #tpu.memory_space<vmem>>, vector<16xf32>,
        %gather3A_1675 = tpu.vector_load_idx %arg8[%get3A_1671] : memref<100096xi32, #tpu.memory_space<vmem>>[vector<16xi32>], vector<16xi32>,
        %eq3A_1676 = arith.cmpi eq, %gather3A_1675, %broadcast_in_dim3A_1467 : vector<16xi32>
        %select_n3A_1677 = arith.select %eq3A_1676, %get3A_1674, %broadcast_in_dim3A_50 : vector<16xi1>, vector<16xf32>
        %add3A_1678 = arith.addf %add3A_1668, %select_n3A_1677 : vector<16xf32>
        %get3A_1679 = arith.index_cast %scan3A_1461 : i32 to index
        %get3A_1680 = arith.constant 320 : index
        %get3A_1681 = tpu.vector_load %arg9[%get3A_1679, %get3A_1680] {strides = array<i32>} : memref<8x500xi32, #tpu.memory_space<vmem>>, vector<16xi32>,
        %get3A_1682 = arith.index_cast %scan3A_1461 : i32 to index
        %get3A_1683 = arith.constant 320 : index
        %get3A_1684 = tpu.vector_load %arg16[%get3A_1682, %get3A_1683] {strides = array<i32>} : memref<8x500xf32, #tpu.memory_space<vmem>>, vector<16xf32>,
        %gather3A_1685 = tpu.vector_load_idx %arg8[%get3A_1681] : memref<100096xi32, #tpu.memory_space<vmem>>[vector<16xi32>], vector<16xi32>,
        %eq3A_1686 = arith.cmpi eq, %gather3A_1685, %broadcast_in_dim3A_1467 : vector<16xi32>
        %select_n3A_1687 = arith.select %eq3A_1686, %get3A_1684, %broadcast_in_dim3A_50 : vector<16xi1>, vector<16xf32>
        %add3A_1688 = arith.addf %add3A_1678, %select_n3A_1687 : vector<16xf32>
        %get3A_1689 = arith.index_cast %scan3A_1461 : i32 to index
        %get3A_1690 = arith.constant 336 : index
        %get3A_1691 = tpu.vector_load %arg9[%get3A_1689, %get3A_1690] {strides = array<i32>} : memref<8x500xi32, #tpu.memory_space<vmem>>, vector<16xi32>,
        %get3A_1692 = arith.index_cast %scan3A_1461 : i32 to index
        %get3A_1693 = arith.constant 336 : index
        %get3A_1694 = tpu.vector_load %arg16[%get3A_1692, %get3A_1693] {strides = array<i32>} : memref<8x500xf32, #tpu.memory_space<vmem>>, vector<16xf32>,
        %gather3A_1695 = tpu.vector_load_idx %arg8[%get3A_1691] : memref<100096xi32, #tpu.memory_space<vmem>>[vector<16xi32>], vector<16xi32>,
        %eq3A_1696 = arith.cmpi eq, %gather3A_1695, %broadcast_in_dim3A_1467 : vector<16xi32>
        %select_n3A_1697 = arith.select %eq3A_1696, %get3A_1694, %broadcast_in_dim3A_50 : vector<16xi1>, vector<16xf32>
        %add3A_1698 = arith.addf %add3A_1688, %select_n3A_1697 : vector<16xf32>
        %get3A_1699 = arith.index_cast %scan3A_1461 : i32 to index
        %get3A_1700 = arith.constant 352 : index
        %get3A_1701 = tpu.vector_load %arg9[%get3A_1699, %get3A_1700] {strides = array<i32>} : memref<8x500xi32, #tpu.memory_space<vmem>>, vector<16xi32>,
        %get3A_1702 = arith.index_cast %scan3A_1461 : i32 to index
        %get3A_1703 = arith.constant 352 : index
        %get3A_1704 = tpu.vector_load %arg16[%get3A_1702, %get3A_1703] {strides = array<i32>} : memref<8x500xf32, #tpu.memory_space<vmem>>, vector<16xf32>,
        %gather3A_1705 = tpu.vector_load_idx %arg8[%get3A_1701] : memref<100096xi32, #tpu.memory_space<vmem>>[vector<16xi32>], vector<16xi32>,
        %eq3A_1706 = arith.cmpi eq, %gather3A_1705, %broadcast_in_dim3A_1467 : vector<16xi32>
        %select_n3A_1707 = arith.select %eq3A_1706, %get3A_1704, %broadcast_in_dim3A_50 : vector<16xi1>, vector<16xf32>
        %add3A_1708 = arith.addf %add3A_1698, %select_n3A_1707 : vector<16xf32>
        %get3A_1709 = arith.index_cast %scan3A_1461 : i32 to index
        %get3A_1710 = arith.constant 368 : index
        %get3A_1711 = tpu.vector_load %arg9[%get3A_1709, %get3A_1710] {strides = array<i32>} : memref<8x500xi32, #tpu.memory_space<vmem>>, vector<16xi32>,
        %get3A_1712 = arith.index_cast %scan3A_1461 : i32 to index
        %get3A_1713 = arith.constant 368 : index
        %get3A_1714 = tpu.vector_load %arg16[%get3A_1712, %get3A_1713] {strides = array<i32>} : memref<8x500xf32, #tpu.memory_space<vmem>>, vector<16xf32>,
        %gather3A_1715 = tpu.vector_load_idx %arg8[%get3A_1711] : memref<100096xi32, #tpu.memory_space<vmem>>[vector<16xi32>], vector<16xi32>,
        %eq3A_1716 = arith.cmpi eq, %gather3A_1715, %broadcast_in_dim3A_1467 : vector<16xi32>
        %select_n3A_1717 = arith.select %eq3A_1716, %get3A_1714, %broadcast_in_dim3A_50 : vector<16xi1>, vector<16xf32>
        %add3A_1718 = arith.addf %add3A_1708, %select_n3A_1717 : vector<16xf32>
        %get3A_1719 = arith.index_cast %scan3A_1461 : i32 to index
        %get3A_1720 = arith.constant 384 : index
        %get3A_1721 = tpu.vector_load %arg9[%get3A_1719, %get3A_1720] {strides = array<i32>} : memref<8x500xi32, #tpu.memory_space<vmem>>, vector<16xi32>,
        %get3A_1722 = arith.index_cast %scan3A_1461 : i32 to index
        %get3A_1723 = arith.constant 384 : index
        %get3A_1724 = tpu.vector_load %arg16[%get3A_1722, %get3A_1723] {strides = array<i32>} : memref<8x500xf32, #tpu.memory_space<vmem>>, vector<16xf32>,
        %gather3A_1725 = tpu.vector_load_idx %arg8[%get3A_1721] : memref<100096xi32, #tpu.memory_space<vmem>>[vector<16xi32>], vector<16xi32>,
        %eq3A_1726 = arith.cmpi eq, %gather3A_1725, %broadcast_in_dim3A_1467 : vector<16xi32>
        %select_n3A_1727 = arith.select %eq3A_1726, %get3A_1724, %broadcast_in_dim3A_50 : vector<16xi1>, vector<16xf32>
        %add3A_1728 = arith.addf %add3A_1718, %select_n3A_1727 : vector<16xf32>
        %get3A_1729 = arith.index_cast %scan3A_1461 : i32 to index
        %get3A_1730 = arith.constant 400 : index
        %get3A_1731 = tpu.vector_load %arg9[%get3A_1729, %get3A_1730] {strides = array<i32>} : memref<8x500xi32, #tpu.memory_space<vmem>>, vector<16xi32>,
        %get3A_1732 = arith.index_cast %scan3A_1461 : i32 to index
        %get3A_1733 = arith.constant 400 : index
        %get3A_1734 = tpu.vector_load %arg16[%get3A_1732, %get3A_1733] {strides = array<i32>} : memref<8x500xf32, #tpu.memory_space<vmem>>, vector<16xf32>,
        %gather3A_1735 = tpu.vector_load_idx %arg8[%get3A_1731] : memref<100096xi32, #tpu.memory_space<vmem>>[vector<16xi32>], vector<16xi32>,
        %eq3A_1736 = arith.cmpi eq, %gather3A_1735, %broadcast_in_dim3A_1467 : vector<16xi32>
        %select_n3A_1737 = arith.select %eq3A_1736, %get3A_1734, %broadcast_in_dim3A_50 : vector<16xi1>, vector<16xf32>
        %add3A_1738 = arith.addf %add3A_1728, %select_n3A_1737 : vector<16xf32>
        %get3A_1739 = arith.index_cast %scan3A_1461 : i32 to index
        %get3A_1740 = arith.constant 416 : index
        %get3A_1741 = tpu.vector_load %arg9[%get3A_1739, %get3A_1740] {strides = array<i32>} : memref<8x500xi32, #tpu.memory_space<vmem>>, vector<16xi32>,
        %get3A_1742 = arith.index_cast %scan3A_1461 : i32 to index
        %get3A_1743 = arith.constant 416 : index
        %get3A_1744 = tpu.vector_load %arg16[%get3A_1742, %get3A_1743] {strides = array<i32>} : memref<8x500xf32, #tpu.memory_space<vmem>>, vector<16xf32>,
        %gather3A_1745 = tpu.vector_load_idx %arg8[%get3A_1741] : memref<100096xi32, #tpu.memory_space<vmem>>[vector<16xi32>], vector<16xi32>,
        %eq3A_1746 = arith.cmpi eq, %gather3A_1745, %broadcast_in_dim3A_1467 : vector<16xi32>
        %select_n3A_1747 = arith.select %eq3A_1746, %get3A_1744, %broadcast_in_dim3A_50 : vector<16xi1>, vector<16xf32>
        %add3A_1748 = arith.addf %add3A_1738, %select_n3A_1747 : vector<16xf32>
        %get3A_1749 = arith.index_cast %scan3A_1461 : i32 to index
        %get3A_1750 = arith.constant 432 : index
        %get3A_1751 = tpu.vector_load %arg9[%get3A_1749, %get3A_1750] {strides = array<i32>} : memref<8x500xi32, #tpu.memory_space<vmem>>, vector<16xi32>,
        %get3A_1752 = arith.index_cast %scan3A_1461 : i32 to index
        %get3A_1753 = arith.constant 432 : index
        %get3A_1754 = tpu.vector_load %arg16[%get3A_1752, %get3A_1753] {strides = array<i32>} : memref<8x500xf32, #tpu.memory_space<vmem>>, vector<16xf32>,
        %gather3A_1755 = tpu.vector_load_idx %arg8[%get3A_1751] : memref<100096xi32, #tpu.memory_space<vmem>>[vector<16xi32>], vector<16xi32>,
        %eq3A_1756 = arith.cmpi eq, %gather3A_1755, %broadcast_in_dim3A_1467 : vector<16xi32>
        %select_n3A_1757 = arith.select %eq3A_1756, %get3A_1754, %broadcast_in_dim3A_50 : vector<16xi1>, vector<16xf32>
        %add3A_1758 = arith.addf %add3A_1748, %select_n3A_1757 : vector<16xf32>
        %get3A_1759 = arith.index_cast %scan3A_1461 : i32 to index
        %get3A_1760 = arith.constant 448 : index
        %get3A_1761 = tpu.vector_load %arg9[%get3A_1759, %get3A_1760] {strides = array<i32>} : memref<8x500xi32, #tpu.memory_space<vmem>>, vector<16xi32>,
        %get3A_1762 = arith.index_cast %scan3A_1461 : i32 to index
        %get3A_1763 = arith.constant 448 : index
        %get3A_1764 = tpu.vector_load %arg16[%get3A_1762, %get3A_1763] {strides = array<i32>} : memref<8x500xf32, #tpu.memory_space<vmem>>, vector<16xf32>,
        %gather3A_1765 = tpu.vector_load_idx %arg8[%get3A_1761] : memref<100096xi32, #tpu.memory_space<vmem>>[vector<16xi32>], vector<16xi32>,
        %eq3A_1766 = arith.cmpi eq, %gather3A_1765, %broadcast_in_dim3A_1467 : vector<16xi32>
        %select_n3A_1767 = arith.select %eq3A_1766, %get3A_1764, %broadcast_in_dim3A_50 : vector<16xi1>, vector<16xf32>
        %add3A_1768 = arith.addf %add3A_1758, %select_n3A_1767 : vector<16xf32>
        %get3A_1769 = arith.index_cast %scan3A_1461 : i32 to index
        %get3A_1770 = arith.constant 464 : index
        %get3A_1771 = tpu.vector_load %arg9[%get3A_1769, %get3A_1770] {strides = array<i32>} : memref<8x500xi32, #tpu.memory_space<vmem>>, vector<16xi32>,
        %get3A_1772 = arith.index_cast %scan3A_1461 : i32 to index
        %get3A_1773 = arith.constant 464 : index
        %get3A_1774 = tpu.vector_load %arg16[%get3A_1772, %get3A_1773] {strides = array<i32>} : memref<8x500xf32, #tpu.memory_space<vmem>>, vector<16xf32>,
        %gather3A_1775 = tpu.vector_load_idx %arg8[%get3A_1771] : memref<100096xi32, #tpu.memory_space<vmem>>[vector<16xi32>], vector<16xi32>,
        %eq3A_1776 = arith.cmpi eq, %gather3A_1775, %broadcast_in_dim3A_1467 : vector<16xi32>
        %select_n3A_1777 = arith.select %eq3A_1776, %get3A_1774, %broadcast_in_dim3A_50 : vector<16xi1>, vector<16xf32>
        %add3A_1778 = arith.addf %add3A_1768, %select_n3A_1777 : vector<16xf32>
        %get3A_1779 = arith.index_cast %scan3A_1461 : i32 to index
        %get3A_1780 = arith.constant 480 : index
        %get3A_1781 = tpu.vector_load %arg9[%get3A_1779, %get3A_1780] {strides = array<i32>} : memref<8x500xi32, #tpu.memory_space<vmem>>, vector<16xi32>,
        %get3A_1782 = arith.index_cast %scan3A_1461 : i32 to index
        %get3A_1783 = arith.constant 480 : index
        %get3A_1784 = tpu.vector_load %arg16[%get3A_1782, %get3A_1783] {strides = array<i32>} : memref<8x500xf32, #tpu.memory_space<vmem>>, vector<16xf32>,
        %gather3A_1785 = tpu.vector_load_idx %arg8[%get3A_1781] : memref<100096xi32, #tpu.memory_space<vmem>>[vector<16xi32>], vector<16xi32>,
        %eq3A_1786 = arith.cmpi eq, %gather3A_1785, %broadcast_in_dim3A_1467 : vector<16xi32>
        %select_n3A_1787 = arith.select %eq3A_1786, %get3A_1784, %broadcast_in_dim3A_50 : vector<16xi1>, vector<16xf32>
        %add3A_1788 = arith.addf %add3A_1778, %select_n3A_1787 : vector<16xf32>
        %gather3A_1789 = tpu.vector_load_idx %arg9[%broadcast_in_dim3A_1468, %min3A_72] : memref<8x500xi32, #tpu.memory_space<vmem>>[vector<16xi32>, vector<16xi32>], vector<16xi32>,
        %select_n3A_1790 = arith.select %lt3A_58, %gather3A_1789, %broadcast_in_dim3A_56 : vector<16xi1>, vector<16xi32>
        %gather3A_1791 = tpu.vector_load_idx %arg16[%broadcast_in_dim3A_1468, %min3A_72] : memref<8x500xf32, #tpu.memory_space<vmem>>[vector<16xi32>, vector<16xi32>], vector<16xf32>,
        %gather3A_1792 = tpu.vector_load_idx %arg8[%select_n3A_1790] : memref<100096xi32, #tpu.memory_space<vmem>>[vector<16xi32>], vector<16xi32>,
        %eq3A_1793 = arith.cmpi eq, %gather3A_1792, %broadcast_in_dim3A_1467 : vector<16xi32>
        %select_n3A_1794 = arith.select %eq3A_1793, %gather3A_1791, %broadcast_in_dim3A_50 : vector<16xi1>, vector<16xf32>
        %add3A_1795 = arith.addf %add3A_1788, %select_n3A_1794 : vector<16xf32>
        %get3A_1796 = arith.index_cast %scan3A_1461 : i32 to index
        %get3A_1797 = arith.constant 0 : index
        %get3A_1798 = tpu.vector_load %arg10[%get3A_1796, %get3A_1797] {strides = array<i32>} : memref<8x200xi32, #tpu.memory_space<vmem>>, vector<16xi32>,
        %get3A_1799 = arith.index_cast %scan3A_1461 : i32 to index
        %get3A_1800 = arith.constant 0 : index
        %get3A_1801 = tpu.vector_load %arg11[%get3A_1799, %get3A_1800] {strides = array<i32>} : memref<8x200xf32, #tpu.memory_space<vmem>>, vector<16xf32>,
        %gather3A_1802 = tpu.vector_load_idx %arg8[%get3A_1798] : memref<100096xi32, #tpu.memory_space<vmem>>[vector<16xi32>], vector<16xi32>,
        %eq3A_1803 = arith.cmpi eq, %gather3A_1802, %broadcast_in_dim3A_1467 : vector<16xi32>
        %select_n3A_1804 = arith.select %eq3A_1803, %get3A_1801, %broadcast_in_dim3A_50 : vector<16xi1>, vector<16xf32>
        %add3A_1805 = arith.addf %scan3A_1463, %select_n3A_1804 : vector<16xf32>
        %select_n3A_1806 = arith.select %eq3A_1803, %broadcast_in_dim3A_54, %broadcast_in_dim3A_52 : vector<16xi1>, vector<16xi32>
        %add3A_1807 = arith.addi %broadcast_in_dim3A_52, %select_n3A_1806 : vector<16xi32>
        %get3A_1808 = arith.index_cast %scan3A_1461 : i32 to index
        %get3A_1809 = arith.constant 16 : index
        %get3A_1810 = tpu.vector_load %arg10[%get3A_1808, %get3A_1809] {strides = array<i32>} : memref<8x200xi32, #tpu.memory_space<vmem>>, vector<16xi32>,
        %get3A_1811 = arith.index_cast %scan3A_1461 : i32 to index
        %get3A_1812 = arith.constant 16 : index
        %get3A_1813 = tpu.vector_load %arg11[%get3A_1811, %get3A_1812] {strides = array<i32>} : memref<8x200xf32, #tpu.memory_space<vmem>>, vector<16xf32>,
        %gather3A_1814 = tpu.vector_load_idx %arg8[%get3A_1810] : memref<100096xi32, #tpu.memory_space<vmem>>[vector<16xi32>], vector<16xi32>,
        %eq3A_1815 = arith.cmpi eq, %gather3A_1814, %broadcast_in_dim3A_1467 : vector<16xi32>
        %select_n3A_1816 = arith.select %eq3A_1815, %get3A_1813, %broadcast_in_dim3A_50 : vector<16xi1>, vector<16xf32>
        %add3A_1817 = arith.addf %add3A_1805, %select_n3A_1816 : vector<16xf32>
        %select_n3A_1818 = arith.select %eq3A_1815, %broadcast_in_dim3A_54, %broadcast_in_dim3A_52 : vector<16xi1>, vector<16xi32>
        %add3A_1819 = arith.addi %add3A_1807, %select_n3A_1818 : vector<16xi32>
        %get3A_1820 = arith.index_cast %scan3A_1461 : i32 to index
        %get3A_1821 = arith.constant 32 : index
        %get3A_1822 = tpu.vector_load %arg10[%get3A_1820, %get3A_1821] {strides = array<i32>} : memref<8x200xi32, #tpu.memory_space<vmem>>, vector<16xi32>,
        %get3A_1823 = arith.index_cast %scan3A_1461 : i32 to index
        %get3A_1824 = arith.constant 32 : index
        %get3A_1825 = tpu.vector_load %arg11[%get3A_1823, %get3A_1824] {strides = array<i32>} : memref<8x200xf32, #tpu.memory_space<vmem>>, vector<16xf32>,
        %gather3A_1826 = tpu.vector_load_idx %arg8[%get3A_1822] : memref<100096xi32, #tpu.memory_space<vmem>>[vector<16xi32>], vector<16xi32>,
        %eq3A_1827 = arith.cmpi eq, %gather3A_1826, %broadcast_in_dim3A_1467 : vector<16xi32>
        %select_n3A_1828 = arith.select %eq3A_1827, %get3A_1825, %broadcast_in_dim3A_50 : vector<16xi1>, vector<16xf32>
        %add3A_1829 = arith.addf %add3A_1817, %select_n3A_1828 : vector<16xf32>
        %select_n3A_1830 = arith.select %eq3A_1827, %broadcast_in_dim3A_54, %broadcast_in_dim3A_52 : vector<16xi1>, vector<16xi32>
        %add3A_1831 = arith.addi %add3A_1819, %select_n3A_1830 : vector<16xi32>
        %get3A_1832 = arith.index_cast %scan3A_1461 : i32 to index
        %get3A_1833 = arith.constant 48 : index
        %get3A_1834 = tpu.vector_load %arg10[%get3A_1832, %get3A_1833] {strides = array<i32>} : memref<8x200xi32, #tpu.memory_space<vmem>>, vector<16xi32>,
        %get3A_1835 = arith.index_cast %scan3A_1461 : i32 to index
        %get3A_1836 = arith.constant 48 : index
        %get3A_1837 = tpu.vector_load %arg11[%get3A_1835, %get3A_1836] {strides = array<i32>} : memref<8x200xf32, #tpu.memory_space<vmem>>, vector<16xf32>,
        %gather3A_1838 = tpu.vector_load_idx %arg8[%get3A_1834] : memref<100096xi32, #tpu.memory_space<vmem>>[vector<16xi32>], vector<16xi32>,
        %eq3A_1839 = arith.cmpi eq, %gather3A_1838, %broadcast_in_dim3A_1467 : vector<16xi32>
        %select_n3A_1840 = arith.select %eq3A_1839, %get3A_1837, %broadcast_in_dim3A_50 : vector<16xi1>, vector<16xf32>
        %add3A_1841 = arith.addf %add3A_1829, %select_n3A_1840 : vector<16xf32>
        %select_n3A_1842 = arith.select %eq3A_1839, %broadcast_in_dim3A_54, %broadcast_in_dim3A_52 : vector<16xi1>, vector<16xi32>
        %add3A_1843 = arith.addi %add3A_1831, %select_n3A_1842 : vector<16xi32>
        %get3A_1844 = arith.index_cast %scan3A_1461 : i32 to index
        %get3A_1845 = arith.constant 64 : index
        %get3A_1846 = tpu.vector_load %arg10[%get3A_1844, %get3A_1845] {strides = array<i32>} : memref<8x200xi32, #tpu.memory_space<vmem>>, vector<16xi32>,
        %get3A_1847 = arith.index_cast %scan3A_1461 : i32 to index
        %get3A_1848 = arith.constant 64 : index
        %get3A_1849 = tpu.vector_load %arg11[%get3A_1847, %get3A_1848] {strides = array<i32>} : memref<8x200xf32, #tpu.memory_space<vmem>>, vector<16xf32>,
        %gather3A_1850 = tpu.vector_load_idx %arg8[%get3A_1846] : memref<100096xi32, #tpu.memory_space<vmem>>[vector<16xi32>], vector<16xi32>,
        %eq3A_1851 = arith.cmpi eq, %gather3A_1850, %broadcast_in_dim3A_1467 : vector<16xi32>
        %select_n3A_1852 = arith.select %eq3A_1851, %get3A_1849, %broadcast_in_dim3A_50 : vector<16xi1>, vector<16xf32>
        %add3A_1853 = arith.addf %add3A_1841, %select_n3A_1852 : vector<16xf32>
        %select_n3A_1854 = arith.select %eq3A_1851, %broadcast_in_dim3A_54, %broadcast_in_dim3A_52 : vector<16xi1>, vector<16xi32>
        %add3A_1855 = arith.addi %add3A_1843, %select_n3A_1854 : vector<16xi32>
        %get3A_1856 = arith.index_cast %scan3A_1461 : i32 to index
        %get3A_1857 = arith.constant 80 : index
        %get3A_1858 = tpu.vector_load %arg10[%get3A_1856, %get3A_1857] {strides = array<i32>} : memref<8x200xi32, #tpu.memory_space<vmem>>, vector<16xi32>,
        %get3A_1859 = arith.index_cast %scan3A_1461 : i32 to index
        %get3A_1860 = arith.constant 80 : index
        %get3A_1861 = tpu.vector_load %arg11[%get3A_1859, %get3A_1860] {strides = array<i32>} : memref<8x200xf32, #tpu.memory_space<vmem>>, vector<16xf32>,
        %gather3A_1862 = tpu.vector_load_idx %arg8[%get3A_1858] : memref<100096xi32, #tpu.memory_space<vmem>>[vector<16xi32>], vector<16xi32>,
        %eq3A_1863 = arith.cmpi eq, %gather3A_1862, %broadcast_in_dim3A_1467 : vector<16xi32>
        %select_n3A_1864 = arith.select %eq3A_1863, %get3A_1861, %broadcast_in_dim3A_50 : vector<16xi1>, vector<16xf32>
        %add3A_1865 = arith.addf %add3A_1853, %select_n3A_1864 : vector<16xf32>
        %select_n3A_1866 = arith.select %eq3A_1863, %broadcast_in_dim3A_54, %broadcast_in_dim3A_52 : vector<16xi1>, vector<16xi32>
        %add3A_1867 = arith.addi %add3A_1855, %select_n3A_1866 : vector<16xi32>
        %get3A_1868 = arith.index_cast %scan3A_1461 : i32 to index
        %get3A_1869 = arith.constant 96 : index
        %get3A_1870 = tpu.vector_load %arg10[%get3A_1868, %get3A_1869] {strides = array<i32>} : memref<8x200xi32, #tpu.memory_space<vmem>>, vector<16xi32>,
        %get3A_1871 = arith.index_cast %scan3A_1461 : i32 to index
        %get3A_1872 = arith.constant 96 : index
        %get3A_1873 = tpu.vector_load %arg11[%get3A_1871, %get3A_1872] {strides = array<i32>} : memref<8x200xf32, #tpu.memory_space<vmem>>, vector<16xf32>,
        %gather3A_1874 = tpu.vector_load_idx %arg8[%get3A_1870] : memref<100096xi32, #tpu.memory_space<vmem>>[vector<16xi32>], vector<16xi32>,
        %eq3A_1875 = arith.cmpi eq, %gather3A_1874, %broadcast_in_dim3A_1467 : vector<16xi32>
        %select_n3A_1876 = arith.select %eq3A_1875, %get3A_1873, %broadcast_in_dim3A_50 : vector<16xi1>, vector<16xf32>
        %add3A_1877 = arith.addf %add3A_1865, %select_n3A_1876 : vector<16xf32>
        %select_n3A_1878 = arith.select %eq3A_1875, %broadcast_in_dim3A_54, %broadcast_in_dim3A_52 : vector<16xi1>, vector<16xi32>
        %add3A_1879 = arith.addi %add3A_1867, %select_n3A_1878 : vector<16xi32>
        %get3A_1880 = arith.index_cast %scan3A_1461 : i32 to index
        %get3A_1881 = arith.constant 112 : index
        %get3A_1882 = tpu.vector_load %arg10[%get3A_1880, %get3A_1881] {strides = array<i32>} : memref<8x200xi32, #tpu.memory_space<vmem>>, vector<16xi32>,
        %get3A_1883 = arith.index_cast %scan3A_1461 : i32 to index
        %get3A_1884 = arith.constant 112 : index
        %get3A_1885 = tpu.vector_load %arg11[%get3A_1883, %get3A_1884] {strides = array<i32>} : memref<8x200xf32, #tpu.memory_space<vmem>>, vector<16xf32>,
        %gather3A_1886 = tpu.vector_load_idx %arg8[%get3A_1882] : memref<100096xi32, #tpu.memory_space<vmem>>[vector<16xi32>], vector<16xi32>,
        %eq3A_1887 = arith.cmpi eq, %gather3A_1886, %broadcast_in_dim3A_1467 : vector<16xi32>
        %select_n3A_1888 = arith.select %eq3A_1887, %get3A_1885, %broadcast_in_dim3A_50 : vector<16xi1>, vector<16xf32>
        %add3A_1889 = arith.addf %add3A_1877, %select_n3A_1888 : vector<16xf32>
        %select_n3A_1890 = arith.select %eq3A_1887, %broadcast_in_dim3A_54, %broadcast_in_dim3A_52 : vector<16xi1>, vector<16xi32>
        %add3A_1891 = arith.addi %add3A_1879, %select_n3A_1890 : vector<16xi32>
        %get3A_1892 = arith.index_cast %scan3A_1461 : i32 to index
        %get3A_1893 = arith.constant 128 : index
        %get3A_1894 = tpu.vector_load %arg10[%get3A_1892, %get3A_1893] {strides = array<i32>} : memref<8x200xi32, #tpu.memory_space<vmem>>, vector<16xi32>,
        %get3A_1895 = arith.index_cast %scan3A_1461 : i32 to index
        %get3A_1896 = arith.constant 128 : index
        %get3A_1897 = tpu.vector_load %arg11[%get3A_1895, %get3A_1896] {strides = array<i32>} : memref<8x200xf32, #tpu.memory_space<vmem>>, vector<16xf32>,
        %gather3A_1898 = tpu.vector_load_idx %arg8[%get3A_1894] : memref<100096xi32, #tpu.memory_space<vmem>>[vector<16xi32>], vector<16xi32>,
        %eq3A_1899 = arith.cmpi eq, %gather3A_1898, %broadcast_in_dim3A_1467 : vector<16xi32>
        %select_n3A_1900 = arith.select %eq3A_1899, %get3A_1897, %broadcast_in_dim3A_50 : vector<16xi1>, vector<16xf32>
        %add3A_1901 = arith.addf %add3A_1889, %select_n3A_1900 : vector<16xf32>
        %select_n3A_1902 = arith.select %eq3A_1899, %broadcast_in_dim3A_54, %broadcast_in_dim3A_52 : vector<16xi1>, vector<16xi32>
        %add3A_1903 = arith.addi %add3A_1891, %select_n3A_1902 : vector<16xi32>
        %get3A_1904 = arith.index_cast %scan3A_1461 : i32 to index
        %get3A_1905 = arith.constant 144 : index
        %get3A_1906 = tpu.vector_load %arg10[%get3A_1904, %get3A_1905] {strides = array<i32>} : memref<8x200xi32, #tpu.memory_space<vmem>>, vector<16xi32>,
        %get3A_1907 = arith.index_cast %scan3A_1461 : i32 to index
        %get3A_1908 = arith.constant 144 : index
        %get3A_1909 = tpu.vector_load %arg11[%get3A_1907, %get3A_1908] {strides = array<i32>} : memref<8x200xf32, #tpu.memory_space<vmem>>, vector<16xf32>,
        %gather3A_1910 = tpu.vector_load_idx %arg8[%get3A_1906] : memref<100096xi32, #tpu.memory_space<vmem>>[vector<16xi32>], vector<16xi32>,
        %eq3A_1911 = arith.cmpi eq, %gather3A_1910, %broadcast_in_dim3A_1467 : vector<16xi32>
        %select_n3A_1912 = arith.select %eq3A_1911, %get3A_1909, %broadcast_in_dim3A_50 : vector<16xi1>, vector<16xf32>
        %add3A_1913 = arith.addf %add3A_1901, %select_n3A_1912 : vector<16xf32>
        %select_n3A_1914 = arith.select %eq3A_1911, %broadcast_in_dim3A_54, %broadcast_in_dim3A_52 : vector<16xi1>, vector<16xi32>
        %add3A_1915 = arith.addi %add3A_1903, %select_n3A_1914 : vector<16xi32>
        %get3A_1916 = arith.index_cast %scan3A_1461 : i32 to index
        %get3A_1917 = arith.constant 160 : index
        %get3A_1918 = tpu.vector_load %arg10[%get3A_1916, %get3A_1917] {strides = array<i32>} : memref<8x200xi32, #tpu.memory_space<vmem>>, vector<16xi32>,
        %get3A_1919 = arith.index_cast %scan3A_1461 : i32 to index
        %get3A_1920 = arith.constant 160 : index
        %get3A_1921 = tpu.vector_load %arg11[%get3A_1919, %get3A_1920] {strides = array<i32>} : memref<8x200xf32, #tpu.memory_space<vmem>>, vector<16xf32>,
        %gather3A_1922 = tpu.vector_load_idx %arg8[%get3A_1918] : memref<100096xi32, #tpu.memory_space<vmem>>[vector<16xi32>], vector<16xi32>,
        %eq3A_1923 = arith.cmpi eq, %gather3A_1922, %broadcast_in_dim3A_1467 : vector<16xi32>
        %select_n3A_1924 = arith.select %eq3A_1923, %get3A_1921, %broadcast_in_dim3A_50 : vector<16xi1>, vector<16xf32>
        %add3A_1925 = arith.addf %add3A_1913, %select_n3A_1924 : vector<16xf32>
        %select_n3A_1926 = arith.select %eq3A_1923, %broadcast_in_dim3A_54, %broadcast_in_dim3A_52 : vector<16xi1>, vector<16xi32>
        %add3A_1927 = arith.addi %add3A_1915, %select_n3A_1926 : vector<16xi32>
        %get3A_1928 = arith.index_cast %scan3A_1461 : i32 to index
        %get3A_1929 = arith.constant 176 : index
        %get3A_1930 = tpu.vector_load %arg10[%get3A_1928, %get3A_1929] {strides = array<i32>} : memref<8x200xi32, #tpu.memory_space<vmem>>, vector<16xi32>,
        %get3A_1931 = arith.index_cast %scan3A_1461 : i32 to index
        %get3A_1932 = arith.constant 176 : index
        %get3A_1933 = tpu.vector_load %arg11[%get3A_1931, %get3A_1932] {strides = array<i32>} : memref<8x200xf32, #tpu.memory_space<vmem>>, vector<16xf32>,
        %gather3A_1934 = tpu.vector_load_idx %arg8[%get3A_1930] : memref<100096xi32, #tpu.memory_space<vmem>>[vector<16xi32>], vector<16xi32>,
        %eq3A_1935 = arith.cmpi eq, %gather3A_1934, %broadcast_in_dim3A_1467 : vector<16xi32>
        %select_n3A_1936 = arith.select %eq3A_1935, %get3A_1933, %broadcast_in_dim3A_50 : vector<16xi1>, vector<16xf32>
        %add3A_1937 = arith.addf %add3A_1925, %select_n3A_1936 : vector<16xf32>
        %select_n3A_1938 = arith.select %eq3A_1935, %broadcast_in_dim3A_54, %broadcast_in_dim3A_52 : vector<16xi1>, vector<16xi32>
        %add3A_1939 = arith.addi %add3A_1927, %select_n3A_1938 : vector<16xi32>
        %gather3A_1940 = tpu.vector_load_idx %arg10[%broadcast_in_dim3A_1468, %min3A_78] : memref<8x200xi32, #tpu.memory_space<vmem>>[vector<16xi32>, vector<16xi32>], vector<16xi32>,
        %select_n3A_1941 = arith.select %lt3A_61, %gather3A_1940, %broadcast_in_dim3A_56 : vector<16xi1>, vector<16xi32>
        %gather3A_1942 = tpu.vector_load_idx %arg11[%broadcast_in_dim3A_1468, %min3A_78] : memref<8x200xf32, #tpu.memory_space<vmem>>[vector<16xi32>, vector<16xi32>], vector<16xf32>,
        %gather3A_1943 = tpu.vector_load_idx %arg8[%select_n3A_1941] : memref<100096xi32, #tpu.memory_space<vmem>>[vector<16xi32>], vector<16xi32>,
        %eq3A_1944 = arith.cmpi eq, %gather3A_1943, %broadcast_in_dim3A_1467 : vector<16xi32>
        %select_n3A_1945 = arith.select %eq3A_1944, %gather3A_1942, %broadcast_in_dim3A_50 : vector<16xi1>, vector<16xf32>
        %add3A_1946 = arith.addf %add3A_1937, %select_n3A_1945 : vector<16xf32>
        %select_n3A_1947 = arith.select %eq3A_1944, %broadcast_in_dim3A_54, %broadcast_in_dim3A_52 : vector<16xi1>, vector<16xi32>
        %add3A_1948 = arith.addi %add3A_1939, %select_n3A_1947 : vector<16xi32>
        %reduce_sum3A_1949 = arith.constant true
        %reduce_sum3A_1950 = vector.broadcast %reduce_sum3A_1949 : i1 to vector<16xi1>
        %reduce_sum3A_1951 = tpu.scan <sum>, %add3A_1948 masked %reduce_sum3A_1950 : vector<16xi32>, vector<16xi1> -> vector<16xi32>
        %reduce_sum3A_1952 = vector.extract %reduce_sum3A_1951[15] : i32 from vector<16xi32>
        %max3A_1953 = arith.maxsi %scan3A_1465, %reduce_sum3A_1952 : i32
        %add3A_1954 = arith.addi %scan3A_1464, %add3A_1948 : vector<16xi32>
        scf.yield %add3A_1795, %add3A_1946, %add3A_1954, %max3A_1953 : vector<16xf32>, vector<16xf32>, vector<16xi32>, i32
      }
      %scan3A_194 = arith.constant 7 : i32
      %add3A_195 = arith.constant 1 : i32
      %add3A_196 = arith.addi %mul3A_154, %add3A_195 : i32
      %min3A_197 = arith.constant 15 : i32
      %min3A_198 = arith.minsi %add3A_196, %min3A_197 : i32
      %add3A_199 = arith.constant 7 : i32
      %add3A_200 = arith.addi %add3A_188, %add3A_199 : i32
      %broadcast_in_dim3A_201 = vector.broadcast %add3A_200 : i32 to vector<16xi32>
      %broadcast_in_dim3A_202 = arith.constant 7 : i32
      %broadcast_in_dim3A_203 = vector.broadcast %broadcast_in_dim3A_202 : i32 to vector<16xi32>
      %get3A = arith.constant 7 : i32
      %get3A_204 = arith.index_cast %get3A : i32 to index
      %get3A_205 = arith.constant 0 : index
      %get3A_206 = tpu.vector_load %arg15[%get3A_204, %get3A_205] {strides = array<i32>} : memref<8x50xi32, #tpu.memory_space<vmem>>, vector<16xi32>,
      tpu.vector_store_idx %arg8[%get3A_206], %broadcast_in_dim3A_201 : memref<100096xi32, #tpu.memory_space<vmem>>[vector<16xi32>], vector<16xi32>,
      %get3A_207 = arith.constant 7 : i32
      %get3A_208 = arith.index_cast %get3A_207 : i32 to index
      %get3A_209 = arith.constant 16 : index
      %get3A_210 = tpu.vector_load %arg15[%get3A_208, %get3A_209] {strides = array<i32>} : memref<8x50xi32, #tpu.memory_space<vmem>>, vector<16xi32>,
      tpu.vector_store_idx %arg8[%get3A_210], %broadcast_in_dim3A_201 : memref<100096xi32, #tpu.memory_space<vmem>>[vector<16xi32>], vector<16xi32>,
      %get3A_211 = arith.constant 7 : i32
      %get3A_212 = arith.index_cast %get3A_211 : i32 to index
      %get3A_213 = arith.constant 32 : index
      %get3A_214 = tpu.vector_load %arg15[%get3A_212, %get3A_213] {strides = array<i32>} : memref<8x50xi32, #tpu.memory_space<vmem>>, vector<16xi32>,
      tpu.vector_store_idx %arg8[%get3A_214], %broadcast_in_dim3A_201 : memref<100096xi32, #tpu.memory_space<vmem>>[vector<16xi32>], vector<16xi32>,
      %gather3A = tpu.vector_load_idx %arg15[%broadcast_in_dim3A_203, %min3A_66] : memref<8x50xi32, #tpu.memory_space<vmem>>[vector<16xi32>, vector<16xi32>], vector<16xi32>,
      tpu.vector_store_idx %arg8[%gather3A], %broadcast_in_dim3A_201 : memref<100096xi32, #tpu.memory_space<vmem>>[vector<16xi32>], vector<16xi32>,
      %mul3A_215 = arith.constant 8 : i32
      %mul3A_216 = arith.muli %min3A_198, %mul3A_215 : i32
      %add3A_217 = arith.addi %mul3A_2, %mul3A_216 : i32
      %dma_start3A_218 = arith.constant 0 : i32
      %dma_start3A_219 = tpu.memref_slice %arg3[%add3A_217, %dma_start3A_218] : memref<4096x50xi32, #tpu.memory_space<hbm>> -> memref<8x50xi32, #tpu.memory_space<hbm>>
      %dma_start3A_220 = arith.constant 0 : i32
      %dma_start3A_221 = tpu.memref_slice %arg3[%add3A_217, %dma_start3A_220] : memref<4096x50xi32, #tpu.memory_space<hbm>> -> memref<8x50xi32, #tpu.memory_space<hbm>>
      tpu.enqueue_dma source(%dma_start3A_221 : memref<8x50xi32, #tpu.memory_space<hbm>>) target(%arg15 : memref<8x50xi32, #tpu.memory_space<vmem>>) target_semaphore(%arg23 : memref<!tpu.dma_semaphore, #tpu.memory_space<semaphore_mem>>)
      %get3A_222 = arith.constant 7 : i32
      %get3A_223 = arith.index_cast %get3A_222 : i32 to index
      %get3A_224 = arith.constant 0 : index
      %get3A_225 = tpu.vector_load %arg9[%get3A_223, %get3A_224] {strides = array<i32>} : memref<8x500xi32, #tpu.memory_space<vmem>>, vector<16xi32>,
      %get3A_226 = arith.constant 7 : i32
      %get3A_227 = arith.index_cast %get3A_226 : i32 to index
      %get3A_228 = arith.constant 0 : index
      %get3A_229 = tpu.vector_load %arg16[%get3A_227, %get3A_228] {strides = array<i32>} : memref<8x500xf32, #tpu.memory_space<vmem>>, vector<16xf32>,
      %gather3A_230 = tpu.vector_load_idx %arg8[%get3A_225] : memref<100096xi32, #tpu.memory_space<vmem>>[vector<16xi32>], vector<16xi32>,
      %eq3A = arith.cmpi eq, %gather3A_230, %broadcast_in_dim3A_201 : vector<16xi32>
      %select_n3A = arith.select %eq3A, %get3A_229, %broadcast_in_dim3A_50 : vector<16xi1>, vector<16xf32>
      %add3A_231 = arith.addf %scan3A_193#0, %select_n3A : vector<16xf32>
      %get3A_232 = arith.constant 7 : i32
      %get3A_233 = arith.index_cast %get3A_232 : i32 to index
      %get3A_234 = arith.constant 16 : index
      %get3A_235 = tpu.vector_load %arg9[%get3A_233, %get3A_234] {strides = array<i32>} : memref<8x500xi32, #tpu.memory_space<vmem>>, vector<16xi32>,
      %get3A_236 = arith.constant 7 : i32
      %get3A_237 = arith.index_cast %get3A_236 : i32 to index
      %get3A_238 = arith.constant 16 : index
      %get3A_239 = tpu.vector_load %arg16[%get3A_237, %get3A_238] {strides = array<i32>} : memref<8x500xf32, #tpu.memory_space<vmem>>, vector<16xf32>,
      %gather3A_240 = tpu.vector_load_idx %arg8[%get3A_235] : memref<100096xi32, #tpu.memory_space<vmem>>[vector<16xi32>], vector<16xi32>,
      %eq3A_241 = arith.cmpi eq, %gather3A_240, %broadcast_in_dim3A_201 : vector<16xi32>
      %select_n3A_242 = arith.select %eq3A_241, %get3A_239, %broadcast_in_dim3A_50 : vector<16xi1>, vector<16xf32>
      %add3A_243 = arith.addf %add3A_231, %select_n3A_242 : vector<16xf32>
      %get3A_244 = arith.constant 7 : i32
      %get3A_245 = arith.index_cast %get3A_244 : i32 to index
      %get3A_246 = arith.constant 32 : index
      %get3A_247 = tpu.vector_load %arg9[%get3A_245, %get3A_246] {strides = array<i32>} : memref<8x500xi32, #tpu.memory_space<vmem>>, vector<16xi32>,
      %get3A_248 = arith.constant 7 : i32
      %get3A_249 = arith.index_cast %get3A_248 : i32 to index
      %get3A_250 = arith.constant 32 : index
      %get3A_251 = tpu.vector_load %arg16[%get3A_249, %get3A_250] {strides = array<i32>} : memref<8x500xf32, #tpu.memory_space<vmem>>, vector<16xf32>,
      %gather3A_252 = tpu.vector_load_idx %arg8[%get3A_247] : memref<100096xi32, #tpu.memory_space<vmem>>[vector<16xi32>], vector<16xi32>,
      %eq3A_253 = arith.cmpi eq, %gather3A_252, %broadcast_in_dim3A_201 : vector<16xi32>
      %select_n3A_254 = arith.select %eq3A_253, %get3A_251, %broadcast_in_dim3A_50 : vector<16xi1>, vector<16xf32>
      %add3A_255 = arith.addf %add3A_243, %select_n3A_254 : vector<16xf32>
      %get3A_256 = arith.constant 7 : i32
      %get3A_257 = arith.index_cast %get3A_256 : i32 to index
      %get3A_258 = arith.constant 48 : index
      %get3A_259 = tpu.vector_load %arg9[%get3A_257, %get3A_258] {strides = array<i32>} : memref<8x500xi32, #tpu.memory_space<vmem>>, vector<16xi32>,
      %get3A_260 = arith.constant 7 : i32
      %get3A_261 = arith.index_cast %get3A_260 : i32 to index
      %get3A_262 = arith.constant 48 : index
      %get3A_263 = tpu.vector_load %arg16[%get3A_261, %get3A_262] {strides = array<i32>} : memref<8x500xf32, #tpu.memory_space<vmem>>, vector<16xf32>,
      %gather3A_264 = tpu.vector_load_idx %arg8[%get3A_259] : memref<100096xi32, #tpu.memory_space<vmem>>[vector<16xi32>], vector<16xi32>,
      %eq3A_265 = arith.cmpi eq, %gather3A_264, %broadcast_in_dim3A_201 : vector<16xi32>
      %select_n3A_266 = arith.select %eq3A_265, %get3A_263, %broadcast_in_dim3A_50 : vector<16xi1>, vector<16xf32>
      %add3A_267 = arith.addf %add3A_255, %select_n3A_266 : vector<16xf32>
      %get3A_268 = arith.constant 7 : i32
      %get3A_269 = arith.index_cast %get3A_268 : i32 to index
      %get3A_270 = arith.constant 64 : index
      %get3A_271 = tpu.vector_load %arg9[%get3A_269, %get3A_270] {strides = array<i32>} : memref<8x500xi32, #tpu.memory_space<vmem>>, vector<16xi32>,
      %get3A_272 = arith.constant 7 : i32
      %get3A_273 = arith.index_cast %get3A_272 : i32 to index
      %get3A_274 = arith.constant 64 : index
      %get3A_275 = tpu.vector_load %arg16[%get3A_273, %get3A_274] {strides = array<i32>} : memref<8x500xf32, #tpu.memory_space<vmem>>, vector<16xf32>,
      %gather3A_276 = tpu.vector_load_idx %arg8[%get3A_271] : memref<100096xi32, #tpu.memory_space<vmem>>[vector<16xi32>], vector<16xi32>,
      %eq3A_277 = arith.cmpi eq, %gather3A_276, %broadcast_in_dim3A_201 : vector<16xi32>
      %select_n3A_278 = arith.select %eq3A_277, %get3A_275, %broadcast_in_dim3A_50 : vector<16xi1>, vector<16xf32>
      %add3A_279 = arith.addf %add3A_267, %select_n3A_278 : vector<16xf32>
      %get3A_280 = arith.constant 7 : i32
      %get3A_281 = arith.index_cast %get3A_280 : i32 to index
      %get3A_282 = arith.constant 80 : index
      %get3A_283 = tpu.vector_load %arg9[%get3A_281, %get3A_282] {strides = array<i32>} : memref<8x500xi32, #tpu.memory_space<vmem>>, vector<16xi32>,
      %get3A_284 = arith.constant 7 : i32
      %get3A_285 = arith.index_cast %get3A_284 : i32 to index
      %get3A_286 = arith.constant 80 : index
      %get3A_287 = tpu.vector_load %arg16[%get3A_285, %get3A_286] {strides = array<i32>} : memref<8x500xf32, #tpu.memory_space<vmem>>, vector<16xf32>,
      %gather3A_288 = tpu.vector_load_idx %arg8[%get3A_283] : memref<100096xi32, #tpu.memory_space<vmem>>[vector<16xi32>], vector<16xi32>,
      %eq3A_289 = arith.cmpi eq, %gather3A_288, %broadcast_in_dim3A_201 : vector<16xi32>
      %select_n3A_290 = arith.select %eq3A_289, %get3A_287, %broadcast_in_dim3A_50 : vector<16xi1>, vector<16xf32>
      %add3A_291 = arith.addf %add3A_279, %select_n3A_290 : vector<16xf32>
      %get3A_292 = arith.constant 7 : i32
      %get3A_293 = arith.index_cast %get3A_292 : i32 to index
      %get3A_294 = arith.constant 96 : index
      %get3A_295 = tpu.vector_load %arg9[%get3A_293, %get3A_294] {strides = array<i32>} : memref<8x500xi32, #tpu.memory_space<vmem>>, vector<16xi32>,
      %get3A_296 = arith.constant 7 : i32
      %get3A_297 = arith.index_cast %get3A_296 : i32 to index
      %get3A_298 = arith.constant 96 : index
      %get3A_299 = tpu.vector_load %arg16[%get3A_297, %get3A_298] {strides = array<i32>} : memref<8x500xf32, #tpu.memory_space<vmem>>, vector<16xf32>,
      %gather3A_300 = tpu.vector_load_idx %arg8[%get3A_295] : memref<100096xi32, #tpu.memory_space<vmem>>[vector<16xi32>], vector<16xi32>,
      %eq3A_301 = arith.cmpi eq, %gather3A_300, %broadcast_in_dim3A_201 : vector<16xi32>
      %select_n3A_302 = arith.select %eq3A_301, %get3A_299, %broadcast_in_dim3A_50 : vector<16xi1>, vector<16xf32>
      %add3A_303 = arith.addf %add3A_291, %select_n3A_302 : vector<16xf32>
      %get3A_304 = arith.constant 7 : i32
      %get3A_305 = arith.index_cast %get3A_304 : i32 to index
      %get3A_306 = arith.constant 112 : index
      %get3A_307 = tpu.vector_load %arg9[%get3A_305, %get3A_306] {strides = array<i32>} : memref<8x500xi32, #tpu.memory_space<vmem>>, vector<16xi32>,
      %get3A_308 = arith.constant 7 : i32
      %get3A_309 = arith.index_cast %get3A_308 : i32 to index
      %get3A_310 = arith.constant 112 : index
      %get3A_311 = tpu.vector_load %arg16[%get3A_309, %get3A_310] {strides = array<i32>} : memref<8x500xf32, #tpu.memory_space<vmem>>, vector<16xf32>,
      %gather3A_312 = tpu.vector_load_idx %arg8[%get3A_307] : memref<100096xi32, #tpu.memory_space<vmem>>[vector<16xi32>], vector<16xi32>,
      %eq3A_313 = arith.cmpi eq, %gather3A_312, %broadcast_in_dim3A_201 : vector<16xi32>
      %select_n3A_314 = arith.select %eq3A_313, %get3A_311, %broadcast_in_dim3A_50 : vector<16xi1>, vector<16xf32>
      %add3A_315 = arith.addf %add3A_303, %select_n3A_314 : vector<16xf32>
      %get3A_316 = arith.constant 7 : i32
      %get3A_317 = arith.index_cast %get3A_316 : i32 to index
      %get3A_318 = arith.constant 128 : index
      %get3A_319 = tpu.vector_load %arg9[%get3A_317, %get3A_318] {strides = array<i32>} : memref<8x500xi32, #tpu.memory_space<vmem>>, vector<16xi32>,
      %get3A_320 = arith.constant 7 : i32
      %get3A_321 = arith.index_cast %get3A_320 : i32 to index
      %get3A_322 = arith.constant 128 : index
      %get3A_323 = tpu.vector_load %arg16[%get3A_321, %get3A_322] {strides = array<i32>} : memref<8x500xf32, #tpu.memory_space<vmem>>, vector<16xf32>,
      %gather3A_324 = tpu.vector_load_idx %arg8[%get3A_319] : memref<100096xi32, #tpu.memory_space<vmem>>[vector<16xi32>], vector<16xi32>,
      %eq3A_325 = arith.cmpi eq, %gather3A_324, %broadcast_in_dim3A_201 : vector<16xi32>
      %select_n3A_326 = arith.select %eq3A_325, %get3A_323, %broadcast_in_dim3A_50 : vector<16xi1>, vector<16xf32>
      %add3A_327 = arith.addf %add3A_315, %select_n3A_326 : vector<16xf32>
      %get3A_328 = arith.constant 7 : i32
      %get3A_329 = arith.index_cast %get3A_328 : i32 to index
      %get3A_330 = arith.constant 144 : index
      %get3A_331 = tpu.vector_load %arg9[%get3A_329, %get3A_330] {strides = array<i32>} : memref<8x500xi32, #tpu.memory_space<vmem>>, vector<16xi32>,
      %get3A_332 = arith.constant 7 : i32
      %get3A_333 = arith.index_cast %get3A_332 : i32 to index
      %get3A_334 = arith.constant 144 : index
      %get3A_335 = tpu.vector_load %arg16[%get3A_333, %get3A_334] {strides = array<i32>} : memref<8x500xf32, #tpu.memory_space<vmem>>, vector<16xf32>,
      %gather3A_336 = tpu.vector_load_idx %arg8[%get3A_331] : memref<100096xi32, #tpu.memory_space<vmem>>[vector<16xi32>], vector<16xi32>,
      %eq3A_337 = arith.cmpi eq, %gather3A_336, %broadcast_in_dim3A_201 : vector<16xi32>
      %select_n3A_338 = arith.select %eq3A_337, %get3A_335, %broadcast_in_dim3A_50 : vector<16xi1>, vector<16xf32>
      %add3A_339 = arith.addf %add3A_327, %select_n3A_338 : vector<16xf32>
      %get3A_340 = arith.constant 7 : i32
      %get3A_341 = arith.index_cast %get3A_340 : i32 to index
      %get3A_342 = arith.constant 160 : index
      %get3A_343 = tpu.vector_load %arg9[%get3A_341, %get3A_342] {strides = array<i32>} : memref<8x500xi32, #tpu.memory_space<vmem>>, vector<16xi32>,
      %get3A_344 = arith.constant 7 : i32
      %get3A_345 = arith.index_cast %get3A_344 : i32 to index
      %get3A_346 = arith.constant 160 : index
      %get3A_347 = tpu.vector_load %arg16[%get3A_345, %get3A_346] {strides = array<i32>} : memref<8x500xf32, #tpu.memory_space<vmem>>, vector<16xf32>,
      %gather3A_348 = tpu.vector_load_idx %arg8[%get3A_343] : memref<100096xi32, #tpu.memory_space<vmem>>[vector<16xi32>], vector<16xi32>,
      %eq3A_349 = arith.cmpi eq, %gather3A_348, %broadcast_in_dim3A_201 : vector<16xi32>
      %select_n3A_350 = arith.select %eq3A_349, %get3A_347, %broadcast_in_dim3A_50 : vector<16xi1>, vector<16xf32>
      %add3A_351 = arith.addf %add3A_339, %select_n3A_350 : vector<16xf32>
      %get3A_352 = arith.constant 7 : i32
      %get3A_353 = arith.index_cast %get3A_352 : i32 to index
      %get3A_354 = arith.constant 176 : index
      %get3A_355 = tpu.vector_load %arg9[%get3A_353, %get3A_354] {strides = array<i32>} : memref<8x500xi32, #tpu.memory_space<vmem>>, vector<16xi32>,
      %get3A_356 = arith.constant 7 : i32
      %get3A_357 = arith.index_cast %get3A_356 : i32 to index
      %get3A_358 = arith.constant 176 : index
      %get3A_359 = tpu.vector_load %arg16[%get3A_357, %get3A_358] {strides = array<i32>} : memref<8x500xf32, #tpu.memory_space<vmem>>, vector<16xf32>,
      %gather3A_360 = tpu.vector_load_idx %arg8[%get3A_355] : memref<100096xi32, #tpu.memory_space<vmem>>[vector<16xi32>], vector<16xi32>,
      %eq3A_361 = arith.cmpi eq, %gather3A_360, %broadcast_in_dim3A_201 : vector<16xi32>
      %select_n3A_362 = arith.select %eq3A_361, %get3A_359, %broadcast_in_dim3A_50 : vector<16xi1>, vector<16xf32>
      %add3A_363 = arith.addf %add3A_351, %select_n3A_362 : vector<16xf32>
      %get3A_364 = arith.constant 7 : i32
      %get3A_365 = arith.index_cast %get3A_364 : i32 to index
      %get3A_366 = arith.constant 192 : index
      %get3A_367 = tpu.vector_load %arg9[%get3A_365, %get3A_366] {strides = array<i32>} : memref<8x500xi32, #tpu.memory_space<vmem>>, vector<16xi32>,
      %get3A_368 = arith.constant 7 : i32
      %get3A_369 = arith.index_cast %get3A_368 : i32 to index
      %get3A_370 = arith.constant 192 : index
      %get3A_371 = tpu.vector_load %arg16[%get3A_369, %get3A_370] {strides = array<i32>} : memref<8x500xf32, #tpu.memory_space<vmem>>, vector<16xf32>,
      %gather3A_372 = tpu.vector_load_idx %arg8[%get3A_367] : memref<100096xi32, #tpu.memory_space<vmem>>[vector<16xi32>], vector<16xi32>,
      %eq3A_373 = arith.cmpi eq, %gather3A_372, %broadcast_in_dim3A_201 : vector<16xi32>
      %select_n3A_374 = arith.select %eq3A_373, %get3A_371, %broadcast_in_dim3A_50 : vector<16xi1>, vector<16xf32>
      %add3A_375 = arith.addf %add3A_363, %select_n3A_374 : vector<16xf32>
      %get3A_376 = arith.constant 7 : i32
      %get3A_377 = arith.index_cast %get3A_376 : i32 to index
      %get3A_378 = arith.constant 208 : index
      %get3A_379 = tpu.vector_load %arg9[%get3A_377, %get3A_378] {strides = array<i32>} : memref<8x500xi32, #tpu.memory_space<vmem>>, vector<16xi32>,
      %get3A_380 = arith.constant 7 : i32
      %get3A_381 = arith.index_cast %get3A_380 : i32 to index
      %get3A_382 = arith.constant 208 : index
      %get3A_383 = tpu.vector_load %arg16[%get3A_381, %get3A_382] {strides = array<i32>} : memref<8x500xf32, #tpu.memory_space<vmem>>, vector<16xf32>,
      %gather3A_384 = tpu.vector_load_idx %arg8[%get3A_379] : memref<100096xi32, #tpu.memory_space<vmem>>[vector<16xi32>], vector<16xi32>,
      %eq3A_385 = arith.cmpi eq, %gather3A_384, %broadcast_in_dim3A_201 : vector<16xi32>
      %select_n3A_386 = arith.select %eq3A_385, %get3A_383, %broadcast_in_dim3A_50 : vector<16xi1>, vector<16xf32>
      %add3A_387 = arith.addf %add3A_375, %select_n3A_386 : vector<16xf32>
      %get3A_388 = arith.constant 7 : i32
      %get3A_389 = arith.index_cast %get3A_388 : i32 to index
      %get3A_390 = arith.constant 224 : index
      %get3A_391 = tpu.vector_load %arg9[%get3A_389, %get3A_390] {strides = array<i32>} : memref<8x500xi32, #tpu.memory_space<vmem>>, vector<16xi32>,
      %get3A_392 = arith.constant 7 : i32
      %get3A_393 = arith.index_cast %get3A_392 : i32 to index
      %get3A_394 = arith.constant 224 : index
      %get3A_395 = tpu.vector_load %arg16[%get3A_393, %get3A_394] {strides = array<i32>} : memref<8x500xf32, #tpu.memory_space<vmem>>, vector<16xf32>,
      %gather3A_396 = tpu.vector_load_idx %arg8[%get3A_391] : memref<100096xi32, #tpu.memory_space<vmem>>[vector<16xi32>], vector<16xi32>,
      %eq3A_397 = arith.cmpi eq, %gather3A_396, %broadcast_in_dim3A_201 : vector<16xi32>
      %select_n3A_398 = arith.select %eq3A_397, %get3A_395, %broadcast_in_dim3A_50 : vector<16xi1>, vector<16xf32>
      %add3A_399 = arith.addf %add3A_387, %select_n3A_398 : vector<16xf32>
      %get3A_400 = arith.constant 7 : i32
      %get3A_401 = arith.index_cast %get3A_400 : i32 to index
      %get3A_402 = arith.constant 240 : index
      %get3A_403 = tpu.vector_load %arg9[%get3A_401, %get3A_402] {strides = array<i32>} : memref<8x500xi32, #tpu.memory_space<vmem>>, vector<16xi32>,
      %get3A_404 = arith.constant 7 : i32
      %get3A_405 = arith.index_cast %get3A_404 : i32 to index
      %get3A_406 = arith.constant 240 : index
      %get3A_407 = tpu.vector_load %arg16[%get3A_405, %get3A_406] {strides = array<i32>} : memref<8x500xf32, #tpu.memory_space<vmem>>, vector<16xf32>,
      %gather3A_408 = tpu.vector_load_idx %arg8[%get3A_403] : memref<100096xi32, #tpu.memory_space<vmem>>[vector<16xi32>], vector<16xi32>,
      %eq3A_409 = arith.cmpi eq, %gather3A_408, %broadcast_in_dim3A_201 : vector<16xi32>
      %select_n3A_410 = arith.select %eq3A_409, %get3A_407, %broadcast_in_dim3A_50 : vector<16xi1>, vector<16xf32>
      %add3A_411 = arith.addf %add3A_399, %select_n3A_410 : vector<16xf32>
      %get3A_412 = arith.constant 7 : i32
      %get3A_413 = arith.index_cast %get3A_412 : i32 to index
      %get3A_414 = arith.constant 256 : index
      %get3A_415 = tpu.vector_load %arg9[%get3A_413, %get3A_414] {strides = array<i32>} : memref<8x500xi32, #tpu.memory_space<vmem>>, vector<16xi32>,
      %get3A_416 = arith.constant 7 : i32
      %get3A_417 = arith.index_cast %get3A_416 : i32 to index
      %get3A_418 = arith.constant 256 : index
      %get3A_419 = tpu.vector_load %arg16[%get3A_417, %get3A_418] {strides = array<i32>} : memref<8x500xf32, #tpu.memory_space<vmem>>, vector<16xf32>,
      %gather3A_420 = tpu.vector_load_idx %arg8[%get3A_415] : memref<100096xi32, #tpu.memory_space<vmem>>[vector<16xi32>], vector<16xi32>,
      %eq3A_421 = arith.cmpi eq, %gather3A_420, %broadcast_in_dim3A_201 : vector<16xi32>
      %select_n3A_422 = arith.select %eq3A_421, %get3A_419, %broadcast_in_dim3A_50 : vector<16xi1>, vector<16xf32>
      %add3A_423 = arith.addf %add3A_411, %select_n3A_422 : vector<16xf32>
      %get3A_424 = arith.constant 7 : i32
      %get3A_425 = arith.index_cast %get3A_424 : i32 to index
      %get3A_426 = arith.constant 272 : index
      %get3A_427 = tpu.vector_load %arg9[%get3A_425, %get3A_426] {strides = array<i32>} : memref<8x500xi32, #tpu.memory_space<vmem>>, vector<16xi32>,
      %get3A_428 = arith.constant 7 : i32
      %get3A_429 = arith.index_cast %get3A_428 : i32 to index
      %get3A_430 = arith.constant 272 : index
      %get3A_431 = tpu.vector_load %arg16[%get3A_429, %get3A_430] {strides = array<i32>} : memref<8x500xf32, #tpu.memory_space<vmem>>, vector<16xf32>,
      %gather3A_432 = tpu.vector_load_idx %arg8[%get3A_427] : memref<100096xi32, #tpu.memory_space<vmem>>[vector<16xi32>], vector<16xi32>,
      %eq3A_433 = arith.cmpi eq, %gather3A_432, %broadcast_in_dim3A_201 : vector<16xi32>
      %select_n3A_434 = arith.select %eq3A_433, %get3A_431, %broadcast_in_dim3A_50 : vector<16xi1>, vector<16xf32>
      %add3A_435 = arith.addf %add3A_423, %select_n3A_434 : vector<16xf32>
      %get3A_436 = arith.constant 7 : i32
      %get3A_437 = arith.index_cast %get3A_436 : i32 to index
      %get3A_438 = arith.constant 288 : index
      %get3A_439 = tpu.vector_load %arg9[%get3A_437, %get3A_438] {strides = array<i32>} : memref<8x500xi32, #tpu.memory_space<vmem>>, vector<16xi32>,
      %get3A_440 = arith.constant 7 : i32
      %get3A_441 = arith.index_cast %get3A_440 : i32 to index
      %get3A_442 = arith.constant 288 : index
      %get3A_443 = tpu.vector_load %arg16[%get3A_441, %get3A_442] {strides = array<i32>} : memref<8x500xf32, #tpu.memory_space<vmem>>, vector<16xf32>,
      %gather3A_444 = tpu.vector_load_idx %arg8[%get3A_439] : memref<100096xi32, #tpu.memory_space<vmem>>[vector<16xi32>], vector<16xi32>,
      %eq3A_445 = arith.cmpi eq, %gather3A_444, %broadcast_in_dim3A_201 : vector<16xi32>
      %select_n3A_446 = arith.select %eq3A_445, %get3A_443, %broadcast_in_dim3A_50 : vector<16xi1>, vector<16xf32>
      %add3A_447 = arith.addf %add3A_435, %select_n3A_446 : vector<16xf32>
      %get3A_448 = arith.constant 7 : i32
      %get3A_449 = arith.index_cast %get3A_448 : i32 to index
      %get3A_450 = arith.constant 304 : index
      %get3A_451 = tpu.vector_load %arg9[%get3A_449, %get3A_450] {strides = array<i32>} : memref<8x500xi32, #tpu.memory_space<vmem>>, vector<16xi32>,
      %get3A_452 = arith.constant 7 : i32
      %get3A_453 = arith.index_cast %get3A_452 : i32 to index
      %get3A_454 = arith.constant 304 : index
      %get3A_455 = tpu.vector_load %arg16[%get3A_453, %get3A_454] {strides = array<i32>} : memref<8x500xf32, #tpu.memory_space<vmem>>, vector<16xf32>,
      %gather3A_456 = tpu.vector_load_idx %arg8[%get3A_451] : memref<100096xi32, #tpu.memory_space<vmem>>[vector<16xi32>], vector<16xi32>,
      %eq3A_457 = arith.cmpi eq, %gather3A_456, %broadcast_in_dim3A_201 : vector<16xi32>
      %select_n3A_458 = arith.select %eq3A_457, %get3A_455, %broadcast_in_dim3A_50 : vector<16xi1>, vector<16xf32>
      %add3A_459 = arith.addf %add3A_447, %select_n3A_458 : vector<16xf32>
      %get3A_460 = arith.constant 7 : i32
      %get3A_461 = arith.index_cast %get3A_460 : i32 to index
      %get3A_462 = arith.constant 320 : index
      %get3A_463 = tpu.vector_load %arg9[%get3A_461, %get3A_462] {strides = array<i32>} : memref<8x500xi32, #tpu.memory_space<vmem>>, vector<16xi32>,
      %get3A_464 = arith.constant 7 : i32
      %get3A_465 = arith.index_cast %get3A_464 : i32 to index
      %get3A_466 = arith.constant 320 : index
      %get3A_467 = tpu.vector_load %arg16[%get3A_465, %get3A_466] {strides = array<i32>} : memref<8x500xf32, #tpu.memory_space<vmem>>, vector<16xf32>,
      %gather3A_468 = tpu.vector_load_idx %arg8[%get3A_463] : memref<100096xi32, #tpu.memory_space<vmem>>[vector<16xi32>], vector<16xi32>,
      %eq3A_469 = arith.cmpi eq, %gather3A_468, %broadcast_in_dim3A_201 : vector<16xi32>
      %select_n3A_470 = arith.select %eq3A_469, %get3A_467, %broadcast_in_dim3A_50 : vector<16xi1>, vector<16xf32>
      %add3A_471 = arith.addf %add3A_459, %select_n3A_470 : vector<16xf32>
      %get3A_472 = arith.constant 7 : i32
      %get3A_473 = arith.index_cast %get3A_472 : i32 to index
      %get3A_474 = arith.constant 336 : index
      %get3A_475 = tpu.vector_load %arg9[%get3A_473, %get3A_474] {strides = array<i32>} : memref<8x500xi32, #tpu.memory_space<vmem>>, vector<16xi32>,
      %get3A_476 = arith.constant 7 : i32
      %get3A_477 = arith.index_cast %get3A_476 : i32 to index
      %get3A_478 = arith.constant 336 : index
      %get3A_479 = tpu.vector_load %arg16[%get3A_477, %get3A_478] {strides = array<i32>} : memref<8x500xf32, #tpu.memory_space<vmem>>, vector<16xf32>,
      %gather3A_480 = tpu.vector_load_idx %arg8[%get3A_475] : memref<100096xi32, #tpu.memory_space<vmem>>[vector<16xi32>], vector<16xi32>,
      %eq3A_481 = arith.cmpi eq, %gather3A_480, %broadcast_in_dim3A_201 : vector<16xi32>
      %select_n3A_482 = arith.select %eq3A_481, %get3A_479, %broadcast_in_dim3A_50 : vector<16xi1>, vector<16xf32>
      %add3A_483 = arith.addf %add3A_471, %select_n3A_482 : vector<16xf32>
      %get3A_484 = arith.constant 7 : i32
      %get3A_485 = arith.index_cast %get3A_484 : i32 to index
      %get3A_486 = arith.constant 352 : index
      %get3A_487 = tpu.vector_load %arg9[%get3A_485, %get3A_486] {strides = array<i32>} : memref<8x500xi32, #tpu.memory_space<vmem>>, vector<16xi32>,
      %get3A_488 = arith.constant 7 : i32
      %get3A_489 = arith.index_cast %get3A_488 : i32 to index
      %get3A_490 = arith.constant 352 : index
      %get3A_491 = tpu.vector_load %arg16[%get3A_489, %get3A_490] {strides = array<i32>} : memref<8x500xf32, #tpu.memory_space<vmem>>, vector<16xf32>,
      %gather3A_492 = tpu.vector_load_idx %arg8[%get3A_487] : memref<100096xi32, #tpu.memory_space<vmem>>[vector<16xi32>], vector<16xi32>,
      %eq3A_493 = arith.cmpi eq, %gather3A_492, %broadcast_in_dim3A_201 : vector<16xi32>
      %select_n3A_494 = arith.select %eq3A_493, %get3A_491, %broadcast_in_dim3A_50 : vector<16xi1>, vector<16xf32>
      %add3A_495 = arith.addf %add3A_483, %select_n3A_494 : vector<16xf32>
      %get3A_496 = arith.constant 7 : i32
      %get3A_497 = arith.index_cast %get3A_496 : i32 to index
      %get3A_498 = arith.constant 368 : index
      %get3A_499 = tpu.vector_load %arg9[%get3A_497, %get3A_498] {strides = array<i32>} : memref<8x500xi32, #tpu.memory_space<vmem>>, vector<16xi32>,
      %get3A_500 = arith.constant 7 : i32
      %get3A_501 = arith.index_cast %get3A_500 : i32 to index
      %get3A_502 = arith.constant 368 : index
      %get3A_503 = tpu.vector_load %arg16[%get3A_501, %get3A_502] {strides = array<i32>} : memref<8x500xf32, #tpu.memory_space<vmem>>, vector<16xf32>,
      %gather3A_504 = tpu.vector_load_idx %arg8[%get3A_499] : memref<100096xi32, #tpu.memory_space<vmem>>[vector<16xi32>], vector<16xi32>,
      %eq3A_505 = arith.cmpi eq, %gather3A_504, %broadcast_in_dim3A_201 : vector<16xi32>
      %select_n3A_506 = arith.select %eq3A_505, %get3A_503, %broadcast_in_dim3A_50 : vector<16xi1>, vector<16xf32>
      %add3A_507 = arith.addf %add3A_495, %select_n3A_506 : vector<16xf32>
      %get3A_508 = arith.constant 7 : i32
      %get3A_509 = arith.index_cast %get3A_508 : i32 to index
      %get3A_510 = arith.constant 384 : index
      %get3A_511 = tpu.vector_load %arg9[%get3A_509, %get3A_510] {strides = array<i32>} : memref<8x500xi32, #tpu.memory_space<vmem>>, vector<16xi32>,
      %get3A_512 = arith.constant 7 : i32
      %get3A_513 = arith.index_cast %get3A_512 : i32 to index
      %get3A_514 = arith.constant 384 : index
      %get3A_515 = tpu.vector_load %arg16[%get3A_513, %get3A_514] {strides = array<i32>} : memref<8x500xf32, #tpu.memory_space<vmem>>, vector<16xf32>,
      %gather3A_516 = tpu.vector_load_idx %arg8[%get3A_511] : memref<100096xi32, #tpu.memory_space<vmem>>[vector<16xi32>], vector<16xi32>,
      %eq3A_517 = arith.cmpi eq, %gather3A_516, %broadcast_in_dim3A_201 : vector<16xi32>
      %select_n3A_518 = arith.select %eq3A_517, %get3A_515, %broadcast_in_dim3A_50 : vector<16xi1>, vector<16xf32>
      %add3A_519 = arith.addf %add3A_507, %select_n3A_518 : vector<16xf32>
      %get3A_520 = arith.constant 7 : i32
      %get3A_521 = arith.index_cast %get3A_520 : i32 to index
      %get3A_522 = arith.constant 400 : index
      %get3A_523 = tpu.vector_load %arg9[%get3A_521, %get3A_522] {strides = array<i32>} : memref<8x500xi32, #tpu.memory_space<vmem>>, vector<16xi32>,
      %get3A_524 = arith.constant 7 : i32
      %get3A_525 = arith.index_cast %get3A_524 : i32 to index
      %get3A_526 = arith.constant 400 : index
      %get3A_527 = tpu.vector_load %arg16[%get3A_525, %get3A_526] {strides = array<i32>} : memref<8x500xf32, #tpu.memory_space<vmem>>, vector<16xf32>,
      %gather3A_528 = tpu.vector_load_idx %arg8[%get3A_523] : memref<100096xi32, #tpu.memory_space<vmem>>[vector<16xi32>], vector<16xi32>,
      %eq3A_529 = arith.cmpi eq, %gather3A_528, %broadcast_in_dim3A_201 : vector<16xi32>
      %select_n3A_530 = arith.select %eq3A_529, %get3A_527, %broadcast_in_dim3A_50 : vector<16xi1>, vector<16xf32>
      %add3A_531 = arith.addf %add3A_519, %select_n3A_530 : vector<16xf32>
      %get3A_532 = arith.constant 7 : i32
      %get3A_533 = arith.index_cast %get3A_532 : i32 to index
      %get3A_534 = arith.constant 416 : index
      %get3A_535 = tpu.vector_load %arg9[%get3A_533, %get3A_534] {strides = array<i32>} : memref<8x500xi32, #tpu.memory_space<vmem>>, vector<16xi32>,
      %get3A_536 = arith.constant 7 : i32
      %get3A_537 = arith.index_cast %get3A_536 : i32 to index
      %get3A_538 = arith.constant 416 : index
      %get3A_539 = tpu.vector_load %arg16[%get3A_537, %get3A_538] {strides = array<i32>} : memref<8x500xf32, #tpu.memory_space<vmem>>, vector<16xf32>,
      %gather3A_540 = tpu.vector_load_idx %arg8[%get3A_535] : memref<100096xi32, #tpu.memory_space<vmem>>[vector<16xi32>], vector<16xi32>,
      %eq3A_541 = arith.cmpi eq, %gather3A_540, %broadcast_in_dim3A_201 : vector<16xi32>
      %select_n3A_542 = arith.select %eq3A_541, %get3A_539, %broadcast_in_dim3A_50 : vector<16xi1>, vector<16xf32>
      %add3A_543 = arith.addf %add3A_531, %select_n3A_542 : vector<16xf32>
      %get3A_544 = arith.constant 7 : i32
      %get3A_545 = arith.index_cast %get3A_544 : i32 to index
      %get3A_546 = arith.constant 432 : index
      %get3A_547 = tpu.vector_load %arg9[%get3A_545, %get3A_546] {strides = array<i32>} : memref<8x500xi32, #tpu.memory_space<vmem>>, vector<16xi32>,
      %get3A_548 = arith.constant 7 : i32
      %get3A_549 = arith.index_cast %get3A_548 : i32 to index
      %get3A_550 = arith.constant 432 : index
      %get3A_551 = tpu.vector_load %arg16[%get3A_549, %get3A_550] {strides = array<i32>} : memref<8x500xf32, #tpu.memory_space<vmem>>, vector<16xf32>,
      %gather3A_552 = tpu.vector_load_idx %arg8[%get3A_547] : memref<100096xi32, #tpu.memory_space<vmem>>[vector<16xi32>], vector<16xi32>,
      %eq3A_553 = arith.cmpi eq, %gather3A_552, %broadcast_in_dim3A_201 : vector<16xi32>
      %select_n3A_554 = arith.select %eq3A_553, %get3A_551, %broadcast_in_dim3A_50 : vector<16xi1>, vector<16xf32>
      %add3A_555 = arith.addf %add3A_543, %select_n3A_554 : vector<16xf32>
      %get3A_556 = arith.constant 7 : i32
      %get3A_557 = arith.index_cast %get3A_556 : i32 to index
      %get3A_558 = arith.constant 448 : index
      %get3A_559 = tpu.vector_load %arg9[%get3A_557, %get3A_558] {strides = array<i32>} : memref<8x500xi32, #tpu.memory_space<vmem>>, vector<16xi32>,
      %get3A_560 = arith.constant 7 : i32
      %get3A_561 = arith.index_cast %get3A_560 : i32 to index
      %get3A_562 = arith.constant 448 : index
      %get3A_563 = tpu.vector_load %arg16[%get3A_561, %get3A_562] {strides = array<i32>} : memref<8x500xf32, #tpu.memory_space<vmem>>, vector<16xf32>,
      %gather3A_564 = tpu.vector_load_idx %arg8[%get3A_559] : memref<100096xi32, #tpu.memory_space<vmem>>[vector<16xi32>], vector<16xi32>,
      %eq3A_565 = arith.cmpi eq, %gather3A_564, %broadcast_in_dim3A_201 : vector<16xi32>
      %select_n3A_566 = arith.select %eq3A_565, %get3A_563, %broadcast_in_dim3A_50 : vector<16xi1>, vector<16xf32>
      %add3A_567 = arith.addf %add3A_555, %select_n3A_566 : vector<16xf32>
      %get3A_568 = arith.constant 7 : i32
      %get3A_569 = arith.index_cast %get3A_568 : i32 to index
      %get3A_570 = arith.constant 464 : index
      %get3A_571 = tpu.vector_load %arg9[%get3A_569, %get3A_570] {strides = array<i32>} : memref<8x500xi32, #tpu.memory_space<vmem>>, vector<16xi32>,
      %get3A_572 = arith.constant 7 : i32
      %get3A_573 = arith.index_cast %get3A_572 : i32 to index
      %get3A_574 = arith.constant 464 : index
      %get3A_575 = tpu.vector_load %arg16[%get3A_573, %get3A_574] {strides = array<i32>} : memref<8x500xf32, #tpu.memory_space<vmem>>, vector<16xf32>,
      %gather3A_576 = tpu.vector_load_idx %arg8[%get3A_571] : memref<100096xi32, #tpu.memory_space<vmem>>[vector<16xi32>], vector<16xi32>,
      %eq3A_577 = arith.cmpi eq, %gather3A_576, %broadcast_in_dim3A_201 : vector<16xi32>
      %select_n3A_578 = arith.select %eq3A_577, %get3A_575, %broadcast_in_dim3A_50 : vector<16xi1>, vector<16xf32>
      %add3A_579 = arith.addf %add3A_567, %select_n3A_578 : vector<16xf32>
      %get3A_580 = arith.constant 7 : i32
      %get3A_581 = arith.index_cast %get3A_580 : i32 to index
      %get3A_582 = arith.constant 480 : index
      %get3A_583 = tpu.vector_load %arg9[%get3A_581, %get3A_582] {strides = array<i32>} : memref<8x500xi32, #tpu.memory_space<vmem>>, vector<16xi32>,
      %get3A_584 = arith.constant 7 : i32
      %get3A_585 = arith.index_cast %get3A_584 : i32 to index
      %get3A_586 = arith.constant 480 : index
      %get3A_587 = tpu.vector_load %arg16[%get3A_585, %get3A_586] {strides = array<i32>} : memref<8x500xf32, #tpu.memory_space<vmem>>, vector<16xf32>,
      %gather3A_588 = tpu.vector_load_idx %arg8[%get3A_583] : memref<100096xi32, #tpu.memory_space<vmem>>[vector<16xi32>], vector<16xi32>,
      %eq3A_589 = arith.cmpi eq, %gather3A_588, %broadcast_in_dim3A_201 : vector<16xi32>
      %select_n3A_590 = arith.select %eq3A_589, %get3A_587, %broadcast_in_dim3A_50 : vector<16xi1>, vector<16xf32>
      %add3A_591 = arith.addf %add3A_579, %select_n3A_590 : vector<16xf32>
      %gather3A_592 = tpu.vector_load_idx %arg9[%broadcast_in_dim3A_203, %min3A_72] : memref<8x500xi32, #tpu.memory_space<vmem>>[vector<16xi32>, vector<16xi32>], vector<16xi32>,
      %select_n3A_593 = arith.select %lt3A_58, %gather3A_592, %broadcast_in_dim3A_56 : vector<16xi1>, vector<16xi32>
      %gather3A_594 = tpu.vector_load_idx %arg16[%broadcast_in_dim3A_203, %min3A_72] : memref<8x500xf32, #tpu.memory_space<vmem>>[vector<16xi32>, vector<16xi32>], vector<16xf32>,
      %gather3A_595 = tpu.vector_load_idx %arg8[%select_n3A_593] : memref<100096xi32, #tpu.memory_space<vmem>>[vector<16xi32>], vector<16xi32>,
      %eq3A_596 = arith.cmpi eq, %gather3A_595, %broadcast_in_dim3A_201 : vector<16xi32>
      %select_n3A_597 = arith.select %eq3A_596, %gather3A_594, %broadcast_in_dim3A_50 : vector<16xi1>, vector<16xf32>
      %add3A_598 = arith.addf %add3A_591, %select_n3A_597 : vector<16xf32>
      %mul3A_599 = arith.constant 8 : i32
      %mul3A_600 = arith.muli %min3A_198, %mul3A_599 : i32
      %add3A_601 = arith.addi %mul3A_2, %mul3A_600 : i32
      %dma_start3A_602 = arith.constant 0 : i32
      %dma_start3A_603 = tpu.memref_slice %arg5[%add3A_601, %dma_start3A_602] : memref<4096x500xf32, #tpu.memory_space<hbm>> -> memref<8x500xf32, #tpu.memory_space<hbm>>
      %dma_start3A_604 = arith.constant 0 : i32
      %dma_start3A_605 = tpu.memref_slice %arg5[%add3A_601, %dma_start3A_604] : memref<4096x500xf32, #tpu.memory_space<hbm>> -> memref<8x500xf32, #tpu.memory_space<hbm>>
      tpu.enqueue_dma source(%dma_start3A_605 : memref<8x500xf32, #tpu.memory_space<hbm>>) target(%arg16 : memref<8x500xf32, #tpu.memory_space<vmem>>) target_semaphore(%arg24 : memref<!tpu.dma_semaphore, #tpu.memory_space<semaphore_mem>>)
      %get3A_606 = arith.constant 7 : i32
      %get3A_607 = arith.index_cast %get3A_606 : i32 to index
      %get3A_608 = arith.constant 0 : index
      %get3A_609 = tpu.vector_load %arg10[%get3A_607, %get3A_608] {strides = array<i32>} : memref<8x200xi32, #tpu.memory_space<vmem>>, vector<16xi32>,
      %get3A_610 = arith.constant 7 : i32
      %get3A_611 = arith.index_cast %get3A_610 : i32 to index
      %get3A_612 = arith.constant 0 : index
      %get3A_613 = tpu.vector_load %arg11[%get3A_611, %get3A_612] {strides = array<i32>} : memref<8x200xf32, #tpu.memory_space<vmem>>, vector<16xf32>,
      %gather3A_614 = tpu.vector_load_idx %arg8[%get3A_609] : memref<100096xi32, #tpu.memory_space<vmem>>[vector<16xi32>], vector<16xi32>,
      %eq3A_615 = arith.cmpi eq, %gather3A_614, %broadcast_in_dim3A_201 : vector<16xi32>
      %select_n3A_616 = arith.select %eq3A_615, %get3A_613, %broadcast_in_dim3A_50 : vector<16xi1>, vector<16xf32>
      %add3A_617 = arith.addf %scan3A_193#1, %select_n3A_616 : vector<16xf32>
      %select_n3A_618 = arith.select %eq3A_615, %broadcast_in_dim3A_54, %broadcast_in_dim3A_52 : vector<16xi1>, vector<16xi32>
      %add3A_619 = arith.addi %broadcast_in_dim3A_52, %select_n3A_618 : vector<16xi32>
      %get3A_620 = arith.constant 7 : i32
      %get3A_621 = arith.index_cast %get3A_620 : i32 to index
      %get3A_622 = arith.constant 16 : index
      %get3A_623 = tpu.vector_load %arg10[%get3A_621, %get3A_622] {strides = array<i32>} : memref<8x200xi32, #tpu.memory_space<vmem>>, vector<16xi32>,
      %get3A_624 = arith.constant 7 : i32
      %get3A_625 = arith.index_cast %get3A_624 : i32 to index
      %get3A_626 = arith.constant 16 : index
      %get3A_627 = tpu.vector_load %arg11[%get3A_625, %get3A_626] {strides = array<i32>} : memref<8x200xf32, #tpu.memory_space<vmem>>, vector<16xf32>,
      %gather3A_628 = tpu.vector_load_idx %arg8[%get3A_623] : memref<100096xi32, #tpu.memory_space<vmem>>[vector<16xi32>], vector<16xi32>,
      %eq3A_629 = arith.cmpi eq, %gather3A_628, %broadcast_in_dim3A_201 : vector<16xi32>
      %select_n3A_630 = arith.select %eq3A_629, %get3A_627, %broadcast_in_dim3A_50 : vector<16xi1>, vector<16xf32>
      %add3A_631 = arith.addf %add3A_617, %select_n3A_630 : vector<16xf32>
      %select_n3A_632 = arith.select %eq3A_629, %broadcast_in_dim3A_54, %broadcast_in_dim3A_52 : vector<16xi1>, vector<16xi32>
      %add3A_633 = arith.addi %add3A_619, %select_n3A_632 : vector<16xi32>
      %get3A_634 = arith.constant 7 : i32
      %get3A_635 = arith.index_cast %get3A_634 : i32 to index
      %get3A_636 = arith.constant 32 : index
      %get3A_637 = tpu.vector_load %arg10[%get3A_635, %get3A_636] {strides = array<i32>} : memref<8x200xi32, #tpu.memory_space<vmem>>, vector<16xi32>,
      %get3A_638 = arith.constant 7 : i32
      %get3A_639 = arith.index_cast %get3A_638 : i32 to index
      %get3A_640 = arith.constant 32 : index
      %get3A_641 = tpu.vector_load %arg11[%get3A_639, %get3A_640] {strides = array<i32>} : memref<8x200xf32, #tpu.memory_space<vmem>>, vector<16xf32>,
      %gather3A_642 = tpu.vector_load_idx %arg8[%get3A_637] : memref<100096xi32, #tpu.memory_space<vmem>>[vector<16xi32>], vector<16xi32>,
      %eq3A_643 = arith.cmpi eq, %gather3A_642, %broadcast_in_dim3A_201 : vector<16xi32>
      %select_n3A_644 = arith.select %eq3A_643, %get3A_641, %broadcast_in_dim3A_50 : vector<16xi1>, vector<16xf32>
      %add3A_645 = arith.addf %add3A_631, %select_n3A_644 : vector<16xf32>
      %select_n3A_646 = arith.select %eq3A_643, %broadcast_in_dim3A_54, %broadcast_in_dim3A_52 : vector<16xi1>, vector<16xi32>
      %add3A_647 = arith.addi %add3A_633, %select_n3A_646 : vector<16xi32>
      %get3A_648 = arith.constant 7 : i32
      %get3A_649 = arith.index_cast %get3A_648 : i32 to index
      %get3A_650 = arith.constant 48 : index
      %get3A_651 = tpu.vector_load %arg10[%get3A_649, %get3A_650] {strides = array<i32>} : memref<8x200xi32, #tpu.memory_space<vmem>>, vector<16xi32>,
      %get3A_652 = arith.constant 7 : i32
      %get3A_653 = arith.index_cast %get3A_652 : i32 to index
      %get3A_654 = arith.constant 48 : index
      %get3A_655 = tpu.vector_load %arg11[%get3A_653, %get3A_654] {strides = array<i32>} : memref<8x200xf32, #tpu.memory_space<vmem>>, vector<16xf32>,
      %gather3A_656 = tpu.vector_load_idx %arg8[%get3A_651] : memref<100096xi32, #tpu.memory_space<vmem>>[vector<16xi32>], vector<16xi32>,
      %eq3A_657 = arith.cmpi eq, %gather3A_656, %broadcast_in_dim3A_201 : vector<16xi32>
      %select_n3A_658 = arith.select %eq3A_657, %get3A_655, %broadcast_in_dim3A_50 : vector<16xi1>, vector<16xf32>
      %add3A_659 = arith.addf %add3A_645, %select_n3A_658 : vector<16xf32>
      %select_n3A_660 = arith.select %eq3A_657, %broadcast_in_dim3A_54, %broadcast_in_dim3A_52 : vector<16xi1>, vector<16xi32>
      %add3A_661 = arith.addi %add3A_647, %select_n3A_660 : vector<16xi32>
      %get3A_662 = arith.constant 7 : i32
      %get3A_663 = arith.index_cast %get3A_662 : i32 to index
      %get3A_664 = arith.constant 64 : index
      %get3A_665 = tpu.vector_load %arg10[%get3A_663, %get3A_664] {strides = array<i32>} : memref<8x200xi32, #tpu.memory_space<vmem>>, vector<16xi32>,
      %get3A_666 = arith.constant 7 : i32
      %get3A_667 = arith.index_cast %get3A_666 : i32 to index
      %get3A_668 = arith.constant 64 : index
      %get3A_669 = tpu.vector_load %arg11[%get3A_667, %get3A_668] {strides = array<i32>} : memref<8x200xf32, #tpu.memory_space<vmem>>, vector<16xf32>,
      %gather3A_670 = tpu.vector_load_idx %arg8[%get3A_665] : memref<100096xi32, #tpu.memory_space<vmem>>[vector<16xi32>], vector<16xi32>,
      %eq3A_671 = arith.cmpi eq, %gather3A_670, %broadcast_in_dim3A_201 : vector<16xi32>
      %select_n3A_672 = arith.select %eq3A_671, %get3A_669, %broadcast_in_dim3A_50 : vector<16xi1>, vector<16xf32>
      %add3A_673 = arith.addf %add3A_659, %select_n3A_672 : vector<16xf32>
      %select_n3A_674 = arith.select %eq3A_671, %broadcast_in_dim3A_54, %broadcast_in_dim3A_52 : vector<16xi1>, vector<16xi32>
      %add3A_675 = arith.addi %add3A_661, %select_n3A_674 : vector<16xi32>
      %get3A_676 = arith.constant 7 : i32
      %get3A_677 = arith.index_cast %get3A_676 : i32 to index
      %get3A_678 = arith.constant 80 : index
      %get3A_679 = tpu.vector_load %arg10[%get3A_677, %get3A_678] {strides = array<i32>} : memref<8x200xi32, #tpu.memory_space<vmem>>, vector<16xi32>,
      %get3A_680 = arith.constant 7 : i32
      %get3A_681 = arith.index_cast %get3A_680 : i32 to index
      %get3A_682 = arith.constant 80 : index
      %get3A_683 = tpu.vector_load %arg11[%get3A_681, %get3A_682] {strides = array<i32>} : memref<8x200xf32, #tpu.memory_space<vmem>>, vector<16xf32>,
      %gather3A_684 = tpu.vector_load_idx %arg8[%get3A_679] : memref<100096xi32, #tpu.memory_space<vmem>>[vector<16xi32>], vector<16xi32>,
      %eq3A_685 = arith.cmpi eq, %gather3A_684, %broadcast_in_dim3A_201 : vector<16xi32>
      %select_n3A_686 = arith.select %eq3A_685, %get3A_683, %broadcast_in_dim3A_50 : vector<16xi1>, vector<16xf32>
      %add3A_687 = arith.addf %add3A_673, %select_n3A_686 : vector<16xf32>
      %select_n3A_688 = arith.select %eq3A_685, %broadcast_in_dim3A_54, %broadcast_in_dim3A_52 : vector<16xi1>, vector<16xi32>
      %add3A_689 = arith.addi %add3A_675, %select_n3A_688 : vector<16xi32>
      %get3A_690 = arith.constant 7 : i32
      %get3A_691 = arith.index_cast %get3A_690 : i32 to index
      %get3A_692 = arith.constant 96 : index
      %get3A_693 = tpu.vector_load %arg10[%get3A_691, %get3A_692] {strides = array<i32>} : memref<8x200xi32, #tpu.memory_space<vmem>>, vector<16xi32>,
      %get3A_694 = arith.constant 7 : i32
      %get3A_695 = arith.index_cast %get3A_694 : i32 to index
      %get3A_696 = arith.constant 96 : index
      %get3A_697 = tpu.vector_load %arg11[%get3A_695, %get3A_696] {strides = array<i32>} : memref<8x200xf32, #tpu.memory_space<vmem>>, vector<16xf32>,
      %gather3A_698 = tpu.vector_load_idx %arg8[%get3A_693] : memref<100096xi32, #tpu.memory_space<vmem>>[vector<16xi32>], vector<16xi32>,
      %eq3A_699 = arith.cmpi eq, %gather3A_698, %broadcast_in_dim3A_201 : vector<16xi32>
      %select_n3A_700 = arith.select %eq3A_699, %get3A_697, %broadcast_in_dim3A_50 : vector<16xi1>, vector<16xf32>
      %add3A_701 = arith.addf %add3A_687, %select_n3A_700 : vector<16xf32>
      %select_n3A_702 = arith.select %eq3A_699, %broadcast_in_dim3A_54, %broadcast_in_dim3A_52 : vector<16xi1>, vector<16xi32>
      %add3A_703 = arith.addi %add3A_689, %select_n3A_702 : vector<16xi32>
      %get3A_704 = arith.constant 7 : i32
      %get3A_705 = arith.index_cast %get3A_704 : i32 to index
      %get3A_706 = arith.constant 112 : index
      %get3A_707 = tpu.vector_load %arg10[%get3A_705, %get3A_706] {strides = array<i32>} : memref<8x200xi32, #tpu.memory_space<vmem>>, vector<16xi32>,
      %get3A_708 = arith.constant 7 : i32
      %get3A_709 = arith.index_cast %get3A_708 : i32 to index
      %get3A_710 = arith.constant 112 : index
      %get3A_711 = tpu.vector_load %arg11[%get3A_709, %get3A_710] {strides = array<i32>} : memref<8x200xf32, #tpu.memory_space<vmem>>, vector<16xf32>,
      %gather3A_712 = tpu.vector_load_idx %arg8[%get3A_707] : memref<100096xi32, #tpu.memory_space<vmem>>[vector<16xi32>], vector<16xi32>,
      %eq3A_713 = arith.cmpi eq, %gather3A_712, %broadcast_in_dim3A_201 : vector<16xi32>
      %select_n3A_714 = arith.select %eq3A_713, %get3A_711, %broadcast_in_dim3A_50 : vector<16xi1>, vector<16xf32>
      %add3A_715 = arith.addf %add3A_701, %select_n3A_714 : vector<16xf32>
      %select_n3A_716 = arith.select %eq3A_713, %broadcast_in_dim3A_54, %broadcast_in_dim3A_52 : vector<16xi1>, vector<16xi32>
      %add3A_717 = arith.addi %add3A_703, %select_n3A_716 : vector<16xi32>
      %get3A_718 = arith.constant 7 : i32
      %get3A_719 = arith.index_cast %get3A_718 : i32 to index
      %get3A_720 = arith.constant 128 : index
      %get3A_721 = tpu.vector_load %arg10[%get3A_719, %get3A_720] {strides = array<i32>} : memref<8x200xi32, #tpu.memory_space<vmem>>, vector<16xi32>,
      %get3A_722 = arith.constant 7 : i32
      %get3A_723 = arith.index_cast %get3A_722 : i32 to index
      %get3A_724 = arith.constant 128 : index
      %get3A_725 = tpu.vector_load %arg11[%get3A_723, %get3A_724] {strides = array<i32>} : memref<8x200xf32, #tpu.memory_space<vmem>>, vector<16xf32>,
      %gather3A_726 = tpu.vector_load_idx %arg8[%get3A_721] : memref<100096xi32, #tpu.memory_space<vmem>>[vector<16xi32>], vector<16xi32>,
      %eq3A_727 = arith.cmpi eq, %gather3A_726, %broadcast_in_dim3A_201 : vector<16xi32>
      %select_n3A_728 = arith.select %eq3A_727, %get3A_725, %broadcast_in_dim3A_50 : vector<16xi1>, vector<16xf32>
      %add3A_729 = arith.addf %add3A_715, %select_n3A_728 : vector<16xf32>
      %select_n3A_730 = arith.select %eq3A_727, %broadcast_in_dim3A_54, %broadcast_in_dim3A_52 : vector<16xi1>, vector<16xi32>
      %add3A_731 = arith.addi %add3A_717, %select_n3A_730 : vector<16xi32>
      %get3A_732 = arith.constant 7 : i32
      %get3A_733 = arith.index_cast %get3A_732 : i32 to index
      %get3A_734 = arith.constant 144 : index
      %get3A_735 = tpu.vector_load %arg10[%get3A_733, %get3A_734] {strides = array<i32>} : memref<8x200xi32, #tpu.memory_space<vmem>>, vector<16xi32>,
      %get3A_736 = arith.constant 7 : i32
      %get3A_737 = arith.index_cast %get3A_736 : i32 to index
      %get3A_738 = arith.constant 144 : index
      %get3A_739 = tpu.vector_load %arg11[%get3A_737, %get3A_738] {strides = array<i32>} : memref<8x200xf32, #tpu.memory_space<vmem>>, vector<16xf32>,
      %gather3A_740 = tpu.vector_load_idx %arg8[%get3A_735] : memref<100096xi32, #tpu.memory_space<vmem>>[vector<16xi32>], vector<16xi32>,
      %eq3A_741 = arith.cmpi eq, %gather3A_740, %broadcast_in_dim3A_201 : vector<16xi32>
      %select_n3A_742 = arith.select %eq3A_741, %get3A_739, %broadcast_in_dim3A_50 : vector<16xi1>, vector<16xf32>
      %add3A_743 = arith.addf %add3A_729, %select_n3A_742 : vector<16xf32>
      %select_n3A_744 = arith.select %eq3A_741, %broadcast_in_dim3A_54, %broadcast_in_dim3A_52 : vector<16xi1>, vector<16xi32>
      %add3A_745 = arith.addi %add3A_731, %select_n3A_744 : vector<16xi32>
      %get3A_746 = arith.constant 7 : i32
      %get3A_747 = arith.index_cast %get3A_746 : i32 to index
      %get3A_748 = arith.constant 160 : index
      %get3A_749 = tpu.vector_load %arg10[%get3A_747, %get3A_748] {strides = array<i32>} : memref<8x200xi32, #tpu.memory_space<vmem>>, vector<16xi32>,
      %get3A_750 = arith.constant 7 : i32
      %get3A_751 = arith.index_cast %get3A_750 : i32 to index
      %get3A_752 = arith.constant 160 : index
      %get3A_753 = tpu.vector_load %arg11[%get3A_751, %get3A_752] {strides = array<i32>} : memref<8x200xf32, #tpu.memory_space<vmem>>, vector<16xf32>,
      %gather3A_754 = tpu.vector_load_idx %arg8[%get3A_749] : memref<100096xi32, #tpu.memory_space<vmem>>[vector<16xi32>], vector<16xi32>,
      %eq3A_755 = arith.cmpi eq, %gather3A_754, %broadcast_in_dim3A_201 : vector<16xi32>
      %select_n3A_756 = arith.select %eq3A_755, %get3A_753, %broadcast_in_dim3A_50 : vector<16xi1>, vector<16xf32>
      %add3A_757 = arith.addf %add3A_743, %select_n3A_756 : vector<16xf32>
      %select_n3A_758 = arith.select %eq3A_755, %broadcast_in_dim3A_54, %broadcast_in_dim3A_52 : vector<16xi1>, vector<16xi32>
      %add3A_759 = arith.addi %add3A_745, %select_n3A_758 : vector<16xi32>
      %get3A_760 = arith.constant 7 : i32
      %get3A_761 = arith.index_cast %get3A_760 : i32 to index
      %get3A_762 = arith.constant 176 : index
      %get3A_763 = tpu.vector_load %arg10[%get3A_761, %get3A_762] {strides = array<i32>} : memref<8x200xi32, #tpu.memory_space<vmem>>, vector<16xi32>,
      %get3A_764 = arith.constant 7 : i32
      %get3A_765 = arith.index_cast %get3A_764 : i32 to index
      %get3A_766 = arith.constant 176 : index
      %get3A_767 = tpu.vector_load %arg11[%get3A_765, %get3A_766] {strides = array<i32>} : memref<8x200xf32, #tpu.memory_space<vmem>>, vector<16xf32>,
      %gather3A_768 = tpu.vector_load_idx %arg8[%get3A_763] : memref<100096xi32, #tpu.memory_space<vmem>>[vector<16xi32>], vector<16xi32>,
      %eq3A_769 = arith.cmpi eq, %gather3A_768, %broadcast_in_dim3A_201 : vector<16xi32>
      %select_n3A_770 = arith.select %eq3A_769, %get3A_767, %broadcast_in_dim3A_50 : vector<16xi1>, vector<16xf32>
      %add3A_771 = arith.addf %add3A_757, %select_n3A_770 : vector<16xf32>
      %select_n3A_772 = arith.select %eq3A_769, %broadcast_in_dim3A_54, %broadcast_in_dim3A_52 : vector<16xi1>, vector<16xi32>
      %add3A_773 = arith.addi %add3A_759, %select_n3A_772 : vector<16xi32>
      %gather3A_774 = tpu.vector_load_idx %arg10[%broadcast_in_dim3A_203, %min3A_78] : memref<8x200xi32, #tpu.memory_space<vmem>>[vector<16xi32>, vector<16xi32>], vector<16xi32>,
      %select_n3A_775 = arith.select %lt3A_61, %gather3A_774, %broadcast_in_dim3A_56 : vector<16xi1>, vector<16xi32>
      %gather3A_776 = tpu.vector_load_idx %arg11[%broadcast_in_dim3A_203, %min3A_78] : memref<8x200xf32, #tpu.memory_space<vmem>>[vector<16xi32>, vector<16xi32>], vector<16xf32>,
      %gather3A_777 = tpu.vector_load_idx %arg8[%select_n3A_775] : memref<100096xi32, #tpu.memory_space<vmem>>[vector<16xi32>], vector<16xi32>,
      %eq3A_778 = arith.cmpi eq, %gather3A_777, %broadcast_in_dim3A_201 : vector<16xi32>
      %select_n3A_779 = arith.select %eq3A_778, %gather3A_776, %broadcast_in_dim3A_50 : vector<16xi1>, vector<16xf32>
      %add3A_780 = arith.addf %add3A_771, %select_n3A_779 : vector<16xf32>
      %select_n3A_781 = arith.select %eq3A_778, %broadcast_in_dim3A_54, %broadcast_in_dim3A_52 : vector<16xi1>, vector<16xi32>
      %add3A_782 = arith.addi %add3A_773, %select_n3A_781 : vector<16xi32>
      %reduce_sum3A = arith.constant true
      %reduce_sum3A_783 = vector.broadcast %reduce_sum3A : i1 to vector<16xi1>
      %reduce_sum3A_784 = tpu.scan <sum>, %add3A_782 masked %reduce_sum3A_783 : vector<16xi32>, vector<16xi1> -> vector<16xi32>
      %reduce_sum3A_785 = vector.extract %reduce_sum3A_784[15] : i32 from vector<16xi32>
      %max3A = arith.maxsi %scan3A_193#3, %reduce_sum3A_785 : i32
      %add3A_786 = arith.addi %scan3A_193#2, %add3A_782 : vector<16xi32>
      %add3A_787 = arith.constant 2 : i32
      %add3A_788 = arith.addi %mul3A_154, %add3A_787 : i32
      %min3A_789 = arith.constant 15 : i32
      %min3A_790 = arith.minsi %add3A_788, %min3A_789 : i32
      %mul3A_791 = arith.constant 8 : i32
      %mul3A_792 = arith.muli %min3A_790, %mul3A_791 : i32
      %add3A_793 = arith.addi %mul3A_2, %mul3A_792 : i32
      %dma_start3A_794 = arith.constant 0 : i32
      %dma_start3A_795 = tpu.memref_slice %arg2[%add3A_793, %dma_start3A_794] : memref<4096x500xi32, #tpu.memory_space<hbm>> -> memref<8x500xi32, #tpu.memory_space<hbm>>
      %dma_start3A_796 = arith.constant 0 : i32
      %dma_start3A_797 = tpu.memref_slice %arg2[%add3A_793, %dma_start3A_796] : memref<4096x500xi32, #tpu.memory_space<hbm>> -> memref<8x500xi32, #tpu.memory_space<hbm>>
      tpu.enqueue_dma source(%dma_start3A_797 : memref<8x500xi32, #tpu.memory_space<hbm>>) target(%arg9 : memref<8x500xi32, #tpu.memory_space<vmem>>) target_semaphore(%arg21 : memref<!tpu.dma_semaphore, #tpu.memory_space<semaphore_mem>>)
      %dma_start3A_798 = arith.constant 0 : i32
      %dma_start3A_799 = tpu.memref_slice %arg4[%add3A_793, %dma_start3A_798] : memref<4096x200xi32, #tpu.memory_space<hbm>> -> memref<8x200xi32, #tpu.memory_space<hbm>>
      %dma_start3A_800 = arith.constant 0 : i32
      %dma_start3A_801 = tpu.memref_slice %arg4[%add3A_793, %dma_start3A_800] : memref<4096x200xi32, #tpu.memory_space<hbm>> -> memref<8x200xi32, #tpu.memory_space<hbm>>
      tpu.enqueue_dma source(%dma_start3A_801 : memref<8x200xi32, #tpu.memory_space<hbm>>) target(%arg10 : memref<8x200xi32, #tpu.memory_space<vmem>>) target_semaphore(%arg21 : memref<!tpu.dma_semaphore, #tpu.memory_space<semaphore_mem>>)
      %dma_start3A_802 = arith.constant 0 : i32
      %dma_start3A_803 = tpu.memref_slice %arg6[%add3A_793, %dma_start3A_802] : memref<4096x200xf32, #tpu.memory_space<hbm>> -> memref<8x200xf32, #tpu.memory_space<hbm>>
      %dma_start3A_804 = arith.constant 0 : i32
      %dma_start3A_805 = tpu.memref_slice %arg6[%add3A_793, %dma_start3A_804] : memref<4096x200xf32, #tpu.memory_space<hbm>> -> memref<8x200xf32, #tpu.memory_space<hbm>>
      tpu.enqueue_dma source(%dma_start3A_805 : memref<8x200xf32, #tpu.memory_space<hbm>>) target(%arg11 : memref<8x200xf32, #tpu.memory_space<vmem>>) target_semaphore(%arg21 : memref<!tpu.dma_semaphore, #tpu.memory_space<semaphore_mem>>)
      %mul3A_806 = arith.constant 8 : i32
      %mul3A_807 = arith.muli %add3A_156, %mul3A_806 : i32
      %add3A_808 = arith.addi %mul3A_2, %mul3A_807 : i32
      %dma_wait3A_809 = arith.constant 0 : i32
      %dma_wait3A_810 = tpu.memref_slice %arg2[%add3A_808, %dma_wait3A_809] : memref<4096x500xi32, #tpu.memory_space<hbm>> -> memref<8x500xi32, #tpu.memory_space<hbm>>
      %dma_wait3A_811 = arith.constant 0 : i32
      %dma_wait3A_812 = tpu.memref_slice %arg2[%add3A_808, %dma_wait3A_811] : memref<4096x500xi32, #tpu.memory_space<hbm>> -> memref<8x500xi32, #tpu.memory_space<hbm>>
      tpu.wait_dma2 semaphore(%arg22 : memref<!tpu.dma_semaphore, #tpu.memory_space<semaphore_mem>>) src(%dma_wait3A_812 : memref<8x500xi32, #tpu.memory_space<hbm>>) dst(%arg12 : memref<8x500xi32, #tpu.memory_space<vmem>>)
      %dma_wait3A_813 = arith.constant 0 : i32
      %dma_wait3A_814 = tpu.memref_slice %arg4[%add3A_808, %dma_wait3A_813] : memref<4096x200xi32, #tpu.memory_space<hbm>> -> memref<8x200xi32, #tpu.memory_space<hbm>>
      %dma_wait3A_815 = arith.constant 0 : i32
      %dma_wait3A_816 = tpu.memref_slice %arg4[%add3A_808, %dma_wait3A_815] : memref<4096x200xi32, #tpu.memory_space<hbm>> -> memref<8x200xi32, #tpu.memory_space<hbm>>
      tpu.wait_dma2 semaphore(%arg22 : memref<!tpu.dma_semaphore, #tpu.memory_space<semaphore_mem>>) src(%dma_wait3A_816 : memref<8x200xi32, #tpu.memory_space<hbm>>) dst(%arg13 : memref<8x200xi32, #tpu.memory_space<vmem>>)
      %dma_wait3A_817 = arith.constant 0 : i32
      %dma_wait3A_818 = tpu.memref_slice %arg6[%add3A_808, %dma_wait3A_817] : memref<4096x200xf32, #tpu.memory_space<hbm>> -> memref<8x200xf32, #tpu.memory_space<hbm>>
      %dma_wait3A_819 = arith.constant 0 : i32
      %dma_wait3A_820 = tpu.memref_slice %arg6[%add3A_808, %dma_wait3A_819] : memref<4096x200xf32, #tpu.memory_space<hbm>> -> memref<8x200xf32, #tpu.memory_space<hbm>>
      tpu.wait_dma2 semaphore(%arg22 : memref<!tpu.dma_semaphore, #tpu.memory_space<semaphore_mem>>) src(%dma_wait3A_820 : memref<8x200xf32, #tpu.memory_space<hbm>>) dst(%arg14 : memref<8x200xf32, #tpu.memory_space<vmem>>)
      %mul3A_821 = arith.constant 8 : i32
      %mul3A_822 = arith.muli %add3A_156, %mul3A_821 : i32
      %add3A_823 = arith.addi %mul3A_2, %mul3A_822 : i32
      %dma_wait3A_824 = arith.constant 0 : i32
      %dma_wait3A_825 = tpu.memref_slice %arg3[%add3A_823, %dma_wait3A_824] : memref<4096x50xi32, #tpu.memory_space<hbm>> -> memref<8x50xi32, #tpu.memory_space<hbm>>
      %dma_wait3A_826 = arith.constant 0 : i32
      %dma_wait3A_827 = tpu.memref_slice %arg3[%add3A_823, %dma_wait3A_826] : memref<4096x50xi32, #tpu.memory_space<hbm>> -> memref<8x50xi32, #tpu.memory_space<hbm>>
      tpu.wait_dma2 semaphore(%arg23 : memref<!tpu.dma_semaphore, #tpu.memory_space<semaphore_mem>>) src(%dma_wait3A_827 : memref<8x50xi32, #tpu.memory_space<hbm>>) dst(%arg15 : memref<8x50xi32, #tpu.memory_space<vmem>>)
      %mul3A_828 = arith.constant 8 : i32
      %mul3A_829 = arith.muli %add3A_156, %mul3A_828 : i32
      %add3A_830 = arith.addi %mul3A_2, %mul3A_829 : i32
      %dma_wait3A_831 = arith.constant 0 : i32
      %dma_wait3A_832 = tpu.memref_slice %arg5[%add3A_830, %dma_wait3A_831] : memref<4096x500xf32, #tpu.memory_space<hbm>> -> memref<8x500xf32, #tpu.memory_space<hbm>>
      %dma_wait3A_833 = arith.constant 0 : i32
      %dma_wait3A_834 = tpu.memref_slice %arg5[%add3A_830, %dma_wait3A_833] : memref<4096x500xf32, #tpu.memory_space<hbm>> -> memref<8x500xf32, #tpu.memory_space<hbm>>
      tpu.wait_dma2 semaphore(%arg24 : memref<!tpu.dma_semaphore, #tpu.memory_space<semaphore_mem>>) src(%dma_wait3A_834 : memref<8x500xf32, #tpu.memory_space<hbm>>) dst(%arg16 : memref<8x500xf32, #tpu.memory_space<vmem>>)
      %mul3A_835 = arith.constant 8 : i32
      %mul3A_836 = arith.muli %add3A_156, %mul3A_835 : i32
      %add3A_837 = arith.addi %mul3A_2, %mul3A_836 : i32
      %scan3A_838 = arith.constant 0 : i32
      %scan3A_839 = arith.constant 7 : i32
      %scan3A_840 = arith.addi %scan3A_838, %scan3A_839 : i32
      %scan3A_841 = arith.constant 1 : i32
      %scan3A_842:4 = scf.for %scan3A_1461 = %scan3A_838 to %scan3A_840 step %scan3A_841 iter_args(%scan3A_1462 = %add3A_598, %scan3A_1463 = %add3A_780, %scan3A_1464 = %add3A_786, %scan3A_1465 = %max3A) -> (vector<16xf32>, vector<16xf32>, vector<16xi32>, i32)  : i32 {
        %add3A_1466 = arith.addi %add3A_837, %scan3A_1461 : i32
        %broadcast_in_dim3A_1467 = vector.broadcast %add3A_1466 : i32 to vector<16xi32>
        %broadcast_in_dim3A_1468 = vector.broadcast %scan3A_1461 : i32 to vector<16xi32>
        %get3A_1469 = arith.index_cast %scan3A_1461 : i32 to index
        %get3A_1470 = arith.constant 0 : index
        %get3A_1471 = tpu.vector_load %arg15[%get3A_1469, %get3A_1470] {strides = array<i32>} : memref<8x50xi32, #tpu.memory_space<vmem>>, vector<16xi32>,
        tpu.vector_store_idx %arg8[%get3A_1471], %broadcast_in_dim3A_1467 : memref<100096xi32, #tpu.memory_space<vmem>>[vector<16xi32>], vector<16xi32>,
        %get3A_1472 = arith.index_cast %scan3A_1461 : i32 to index
        %get3A_1473 = arith.constant 16 : index
        %get3A_1474 = tpu.vector_load %arg15[%get3A_1472, %get3A_1473] {strides = array<i32>} : memref<8x50xi32, #tpu.memory_space<vmem>>, vector<16xi32>,
        tpu.vector_store_idx %arg8[%get3A_1474], %broadcast_in_dim3A_1467 : memref<100096xi32, #tpu.memory_space<vmem>>[vector<16xi32>], vector<16xi32>,
        %get3A_1475 = arith.index_cast %scan3A_1461 : i32 to index
        %get3A_1476 = arith.constant 32 : index
        %get3A_1477 = tpu.vector_load %arg15[%get3A_1475, %get3A_1476] {strides = array<i32>} : memref<8x50xi32, #tpu.memory_space<vmem>>, vector<16xi32>,
        tpu.vector_store_idx %arg8[%get3A_1477], %broadcast_in_dim3A_1467 : memref<100096xi32, #tpu.memory_space<vmem>>[vector<16xi32>], vector<16xi32>,
        %gather3A_1478 = tpu.vector_load_idx %arg15[%broadcast_in_dim3A_1468, %min3A_66] : memref<8x50xi32, #tpu.memory_space<vmem>>[vector<16xi32>, vector<16xi32>], vector<16xi32>,
        tpu.vector_store_idx %arg8[%gather3A_1478], %broadcast_in_dim3A_1467 : memref<100096xi32, #tpu.memory_space<vmem>>[vector<16xi32>], vector<16xi32>,
        %get3A_1479 = arith.index_cast %scan3A_1461 : i32 to index
        %get3A_1480 = arith.constant 0 : index
        %get3A_1481 = tpu.vector_load %arg12[%get3A_1479, %get3A_1480] {strides = array<i32>} : memref<8x500xi32, #tpu.memory_space<vmem>>, vector<16xi32>,
        %get3A_1482 = arith.index_cast %scan3A_1461 : i32 to index
        %get3A_1483 = arith.constant 0 : index
        %get3A_1484 = tpu.vector_load %arg16[%get3A_1482, %get3A_1483] {strides = array<i32>} : memref<8x500xf32, #tpu.memory_space<vmem>>, vector<16xf32>,
        %gather3A_1485 = tpu.vector_load_idx %arg8[%get3A_1481] : memref<100096xi32, #tpu.memory_space<vmem>>[vector<16xi32>], vector<16xi32>,
        %eq3A_1486 = arith.cmpi eq, %gather3A_1485, %broadcast_in_dim3A_1467 : vector<16xi32>
        %select_n3A_1487 = arith.select %eq3A_1486, %get3A_1484, %broadcast_in_dim3A_50 : vector<16xi1>, vector<16xf32>
        %add3A_1488 = arith.addf %scan3A_1462, %select_n3A_1487 : vector<16xf32>
        %get3A_1489 = arith.index_cast %scan3A_1461 : i32 to index
        %get3A_1490 = arith.constant 16 : index
        %get3A_1491 = tpu.vector_load %arg12[%get3A_1489, %get3A_1490] {strides = array<i32>} : memref<8x500xi32, #tpu.memory_space<vmem>>, vector<16xi32>,
        %get3A_1492 = arith.index_cast %scan3A_1461 : i32 to index
        %get3A_1493 = arith.constant 16 : index
        %get3A_1494 = tpu.vector_load %arg16[%get3A_1492, %get3A_1493] {strides = array<i32>} : memref<8x500xf32, #tpu.memory_space<vmem>>, vector<16xf32>,
        %gather3A_1495 = tpu.vector_load_idx %arg8[%get3A_1491] : memref<100096xi32, #tpu.memory_space<vmem>>[vector<16xi32>], vector<16xi32>,
        %eq3A_1496 = arith.cmpi eq, %gather3A_1495, %broadcast_in_dim3A_1467 : vector<16xi32>
        %select_n3A_1497 = arith.select %eq3A_1496, %get3A_1494, %broadcast_in_dim3A_50 : vector<16xi1>, vector<16xf32>
        %add3A_1498 = arith.addf %add3A_1488, %select_n3A_1497 : vector<16xf32>
        %get3A_1499 = arith.index_cast %scan3A_1461 : i32 to index
        %get3A_1500 = arith.constant 32 : index
        %get3A_1501 = tpu.vector_load %arg12[%get3A_1499, %get3A_1500] {strides = array<i32>} : memref<8x500xi32, #tpu.memory_space<vmem>>, vector<16xi32>,
        %get3A_1502 = arith.index_cast %scan3A_1461 : i32 to index
        %get3A_1503 = arith.constant 32 : index
        %get3A_1504 = tpu.vector_load %arg16[%get3A_1502, %get3A_1503] {strides = array<i32>} : memref<8x500xf32, #tpu.memory_space<vmem>>, vector<16xf32>,
        %gather3A_1505 = tpu.vector_load_idx %arg8[%get3A_1501] : memref<100096xi32, #tpu.memory_space<vmem>>[vector<16xi32>], vector<16xi32>,
        %eq3A_1506 = arith.cmpi eq, %gather3A_1505, %broadcast_in_dim3A_1467 : vector<16xi32>
        %select_n3A_1507 = arith.select %eq3A_1506, %get3A_1504, %broadcast_in_dim3A_50 : vector<16xi1>, vector<16xf32>
        %add3A_1508 = arith.addf %add3A_1498, %select_n3A_1507 : vector<16xf32>
        %get3A_1509 = arith.index_cast %scan3A_1461 : i32 to index
        %get3A_1510 = arith.constant 48 : index
        %get3A_1511 = tpu.vector_load %arg12[%get3A_1509, %get3A_1510] {strides = array<i32>} : memref<8x500xi32, #tpu.memory_space<vmem>>, vector<16xi32>,
        %get3A_1512 = arith.index_cast %scan3A_1461 : i32 to index
        %get3A_1513 = arith.constant 48 : index
        %get3A_1514 = tpu.vector_load %arg16[%get3A_1512, %get3A_1513] {strides = array<i32>} : memref<8x500xf32, #tpu.memory_space<vmem>>, vector<16xf32>,
        %gather3A_1515 = tpu.vector_load_idx %arg8[%get3A_1511] : memref<100096xi32, #tpu.memory_space<vmem>>[vector<16xi32>], vector<16xi32>,
        %eq3A_1516 = arith.cmpi eq, %gather3A_1515, %broadcast_in_dim3A_1467 : vector<16xi32>
        %select_n3A_1517 = arith.select %eq3A_1516, %get3A_1514, %broadcast_in_dim3A_50 : vector<16xi1>, vector<16xf32>
        %add3A_1518 = arith.addf %add3A_1508, %select_n3A_1517 : vector<16xf32>
        %get3A_1519 = arith.index_cast %scan3A_1461 : i32 to index
        %get3A_1520 = arith.constant 64 : index
        %get3A_1521 = tpu.vector_load %arg12[%get3A_1519, %get3A_1520] {strides = array<i32>} : memref<8x500xi32, #tpu.memory_space<vmem>>, vector<16xi32>,
        %get3A_1522 = arith.index_cast %scan3A_1461 : i32 to index
        %get3A_1523 = arith.constant 64 : index
        %get3A_1524 = tpu.vector_load %arg16[%get3A_1522, %get3A_1523] {strides = array<i32>} : memref<8x500xf32, #tpu.memory_space<vmem>>, vector<16xf32>,
        %gather3A_1525 = tpu.vector_load_idx %arg8[%get3A_1521] : memref<100096xi32, #tpu.memory_space<vmem>>[vector<16xi32>], vector<16xi32>,
        %eq3A_1526 = arith.cmpi eq, %gather3A_1525, %broadcast_in_dim3A_1467 : vector<16xi32>
        %select_n3A_1527 = arith.select %eq3A_1526, %get3A_1524, %broadcast_in_dim3A_50 : vector<16xi1>, vector<16xf32>
        %add3A_1528 = arith.addf %add3A_1518, %select_n3A_1527 : vector<16xf32>
        %get3A_1529 = arith.index_cast %scan3A_1461 : i32 to index
        %get3A_1530 = arith.constant 80 : index
        %get3A_1531 = tpu.vector_load %arg12[%get3A_1529, %get3A_1530] {strides = array<i32>} : memref<8x500xi32, #tpu.memory_space<vmem>>, vector<16xi32>,
        %get3A_1532 = arith.index_cast %scan3A_1461 : i32 to index
        %get3A_1533 = arith.constant 80 : index
        %get3A_1534 = tpu.vector_load %arg16[%get3A_1532, %get3A_1533] {strides = array<i32>} : memref<8x500xf32, #tpu.memory_space<vmem>>, vector<16xf32>,
        %gather3A_1535 = tpu.vector_load_idx %arg8[%get3A_1531] : memref<100096xi32, #tpu.memory_space<vmem>>[vector<16xi32>], vector<16xi32>,
        %eq3A_1536 = arith.cmpi eq, %gather3A_1535, %broadcast_in_dim3A_1467 : vector<16xi32>
        %select_n3A_1537 = arith.select %eq3A_1536, %get3A_1534, %broadcast_in_dim3A_50 : vector<16xi1>, vector<16xf32>
        %add3A_1538 = arith.addf %add3A_1528, %select_n3A_1537 : vector<16xf32>
        %get3A_1539 = arith.index_cast %scan3A_1461 : i32 to index
        %get3A_1540 = arith.constant 96 : index
        %get3A_1541 = tpu.vector_load %arg12[%get3A_1539, %get3A_1540] {strides = array<i32>} : memref<8x500xi32, #tpu.memory_space<vmem>>, vector<16xi32>,
        %get3A_1542 = arith.index_cast %scan3A_1461 : i32 to index
        %get3A_1543 = arith.constant 96 : index
        %get3A_1544 = tpu.vector_load %arg16[%get3A_1542, %get3A_1543] {strides = array<i32>} : memref<8x500xf32, #tpu.memory_space<vmem>>, vector<16xf32>,
        %gather3A_1545 = tpu.vector_load_idx %arg8[%get3A_1541] : memref<100096xi32, #tpu.memory_space<vmem>>[vector<16xi32>], vector<16xi32>,
        %eq3A_1546 = arith.cmpi eq, %gather3A_1545, %broadcast_in_dim3A_1467 : vector<16xi32>
        %select_n3A_1547 = arith.select %eq3A_1546, %get3A_1544, %broadcast_in_dim3A_50 : vector<16xi1>, vector<16xf32>
        %add3A_1548 = arith.addf %add3A_1538, %select_n3A_1547 : vector<16xf32>
        %get3A_1549 = arith.index_cast %scan3A_1461 : i32 to index
        %get3A_1550 = arith.constant 112 : index
        %get3A_1551 = tpu.vector_load %arg12[%get3A_1549, %get3A_1550] {strides = array<i32>} : memref<8x500xi32, #tpu.memory_space<vmem>>, vector<16xi32>,
        %get3A_1552 = arith.index_cast %scan3A_1461 : i32 to index
        %get3A_1553 = arith.constant 112 : index
        %get3A_1554 = tpu.vector_load %arg16[%get3A_1552, %get3A_1553] {strides = array<i32>} : memref<8x500xf32, #tpu.memory_space<vmem>>, vector<16xf32>,
        %gather3A_1555 = tpu.vector_load_idx %arg8[%get3A_1551] : memref<100096xi32, #tpu.memory_space<vmem>>[vector<16xi32>], vector<16xi32>,
        %eq3A_1556 = arith.cmpi eq, %gather3A_1555, %broadcast_in_dim3A_1467 : vector<16xi32>
        %select_n3A_1557 = arith.select %eq3A_1556, %get3A_1554, %broadcast_in_dim3A_50 : vector<16xi1>, vector<16xf32>
        %add3A_1558 = arith.addf %add3A_1548, %select_n3A_1557 : vector<16xf32>
        %get3A_1559 = arith.index_cast %scan3A_1461 : i32 to index
        %get3A_1560 = arith.constant 128 : index
        %get3A_1561 = tpu.vector_load %arg12[%get3A_1559, %get3A_1560] {strides = array<i32>} : memref<8x500xi32, #tpu.memory_space<vmem>>, vector<16xi32>,
        %get3A_1562 = arith.index_cast %scan3A_1461 : i32 to index
        %get3A_1563 = arith.constant 128 : index
        %get3A_1564 = tpu.vector_load %arg16[%get3A_1562, %get3A_1563] {strides = array<i32>} : memref<8x500xf32, #tpu.memory_space<vmem>>, vector<16xf32>,
        %gather3A_1565 = tpu.vector_load_idx %arg8[%get3A_1561] : memref<100096xi32, #tpu.memory_space<vmem>>[vector<16xi32>], vector<16xi32>,
        %eq3A_1566 = arith.cmpi eq, %gather3A_1565, %broadcast_in_dim3A_1467 : vector<16xi32>
        %select_n3A_1567 = arith.select %eq3A_1566, %get3A_1564, %broadcast_in_dim3A_50 : vector<16xi1>, vector<16xf32>
        %add3A_1568 = arith.addf %add3A_1558, %select_n3A_1567 : vector<16xf32>
        %get3A_1569 = arith.index_cast %scan3A_1461 : i32 to index
        %get3A_1570 = arith.constant 144 : index
        %get3A_1571 = tpu.vector_load %arg12[%get3A_1569, %get3A_1570] {strides = array<i32>} : memref<8x500xi32, #tpu.memory_space<vmem>>, vector<16xi32>,
        %get3A_1572 = arith.index_cast %scan3A_1461 : i32 to index
        %get3A_1573 = arith.constant 144 : index
        %get3A_1574 = tpu.vector_load %arg16[%get3A_1572, %get3A_1573] {strides = array<i32>} : memref<8x500xf32, #tpu.memory_space<vmem>>, vector<16xf32>,
        %gather3A_1575 = tpu.vector_load_idx %arg8[%get3A_1571] : memref<100096xi32, #tpu.memory_space<vmem>>[vector<16xi32>], vector<16xi32>,
        %eq3A_1576 = arith.cmpi eq, %gather3A_1575, %broadcast_in_dim3A_1467 : vector<16xi32>
        %select_n3A_1577 = arith.select %eq3A_1576, %get3A_1574, %broadcast_in_dim3A_50 : vector<16xi1>, vector<16xf32>
        %add3A_1578 = arith.addf %add3A_1568, %select_n3A_1577 : vector<16xf32>
        %get3A_1579 = arith.index_cast %scan3A_1461 : i32 to index
        %get3A_1580 = arith.constant 160 : index
        %get3A_1581 = tpu.vector_load %arg12[%get3A_1579, %get3A_1580] {strides = array<i32>} : memref<8x500xi32, #tpu.memory_space<vmem>>, vector<16xi32>,
        %get3A_1582 = arith.index_cast %scan3A_1461 : i32 to index
        %get3A_1583 = arith.constant 160 : index
        %get3A_1584 = tpu.vector_load %arg16[%get3A_1582, %get3A_1583] {strides = array<i32>} : memref<8x500xf32, #tpu.memory_space<vmem>>, vector<16xf32>,
        %gather3A_1585 = tpu.vector_load_idx %arg8[%get3A_1581] : memref<100096xi32, #tpu.memory_space<vmem>>[vector<16xi32>], vector<16xi32>,
        %eq3A_1586 = arith.cmpi eq, %gather3A_1585, %broadcast_in_dim3A_1467 : vector<16xi32>
        %select_n3A_1587 = arith.select %eq3A_1586, %get3A_1584, %broadcast_in_dim3A_50 : vector<16xi1>, vector<16xf32>
        %add3A_1588 = arith.addf %add3A_1578, %select_n3A_1587 : vector<16xf32>
        %get3A_1589 = arith.index_cast %scan3A_1461 : i32 to index
        %get3A_1590 = arith.constant 176 : index
        %get3A_1591 = tpu.vector_load %arg12[%get3A_1589, %get3A_1590] {strides = array<i32>} : memref<8x500xi32, #tpu.memory_space<vmem>>, vector<16xi32>,
        %get3A_1592 = arith.index_cast %scan3A_1461 : i32 to index
        %get3A_1593 = arith.constant 176 : index
        %get3A_1594 = tpu.vector_load %arg16[%get3A_1592, %get3A_1593] {strides = array<i32>} : memref<8x500xf32, #tpu.memory_space<vmem>>, vector<16xf32>,
        %gather3A_1595 = tpu.vector_load_idx %arg8[%get3A_1591] : memref<100096xi32, #tpu.memory_space<vmem>>[vector<16xi32>], vector<16xi32>,
        %eq3A_1596 = arith.cmpi eq, %gather3A_1595, %broadcast_in_dim3A_1467 : vector<16xi32>
        %select_n3A_1597 = arith.select %eq3A_1596, %get3A_1594, %broadcast_in_dim3A_50 : vector<16xi1>, vector<16xf32>
        %add3A_1598 = arith.addf %add3A_1588, %select_n3A_1597 : vector<16xf32>
        %get3A_1599 = arith.index_cast %scan3A_1461 : i32 to index
        %get3A_1600 = arith.constant 192 : index
        %get3A_1601 = tpu.vector_load %arg12[%get3A_1599, %get3A_1600] {strides = array<i32>} : memref<8x500xi32, #tpu.memory_space<vmem>>, vector<16xi32>,
        %get3A_1602 = arith.index_cast %scan3A_1461 : i32 to index
        %get3A_1603 = arith.constant 192 : index
        %get3A_1604 = tpu.vector_load %arg16[%get3A_1602, %get3A_1603] {strides = array<i32>} : memref<8x500xf32, #tpu.memory_space<vmem>>, vector<16xf32>,
        %gather3A_1605 = tpu.vector_load_idx %arg8[%get3A_1601] : memref<100096xi32, #tpu.memory_space<vmem>>[vector<16xi32>], vector<16xi32>,
        %eq3A_1606 = arith.cmpi eq, %gather3A_1605, %broadcast_in_dim3A_1467 : vector<16xi32>
        %select_n3A_1607 = arith.select %eq3A_1606, %get3A_1604, %broadcast_in_dim3A_50 : vector<16xi1>, vector<16xf32>
        %add3A_1608 = arith.addf %add3A_1598, %select_n3A_1607 : vector<16xf32>
        %get3A_1609 = arith.index_cast %scan3A_1461 : i32 to index
        %get3A_1610 = arith.constant 208 : index
        %get3A_1611 = tpu.vector_load %arg12[%get3A_1609, %get3A_1610] {strides = array<i32>} : memref<8x500xi32, #tpu.memory_space<vmem>>, vector<16xi32>,
        %get3A_1612 = arith.index_cast %scan3A_1461 : i32 to index
        %get3A_1613 = arith.constant 208 : index
        %get3A_1614 = tpu.vector_load %arg16[%get3A_1612, %get3A_1613] {strides = array<i32>} : memref<8x500xf32, #tpu.memory_space<vmem>>, vector<16xf32>,
        %gather3A_1615 = tpu.vector_load_idx %arg8[%get3A_1611] : memref<100096xi32, #tpu.memory_space<vmem>>[vector<16xi32>], vector<16xi32>,
        %eq3A_1616 = arith.cmpi eq, %gather3A_1615, %broadcast_in_dim3A_1467 : vector<16xi32>
        %select_n3A_1617 = arith.select %eq3A_1616, %get3A_1614, %broadcast_in_dim3A_50 : vector<16xi1>, vector<16xf32>
        %add3A_1618 = arith.addf %add3A_1608, %select_n3A_1617 : vector<16xf32>
        %get3A_1619 = arith.index_cast %scan3A_1461 : i32 to index
        %get3A_1620 = arith.constant 224 : index
        %get3A_1621 = tpu.vector_load %arg12[%get3A_1619, %get3A_1620] {strides = array<i32>} : memref<8x500xi32, #tpu.memory_space<vmem>>, vector<16xi32>,
        %get3A_1622 = arith.index_cast %scan3A_1461 : i32 to index
        %get3A_1623 = arith.constant 224 : index
        %get3A_1624 = tpu.vector_load %arg16[%get3A_1622, %get3A_1623] {strides = array<i32>} : memref<8x500xf32, #tpu.memory_space<vmem>>, vector<16xf32>,
        %gather3A_1625 = tpu.vector_load_idx %arg8[%get3A_1621] : memref<100096xi32, #tpu.memory_space<vmem>>[vector<16xi32>], vector<16xi32>,
        %eq3A_1626 = arith.cmpi eq, %gather3A_1625, %broadcast_in_dim3A_1467 : vector<16xi32>
        %select_n3A_1627 = arith.select %eq3A_1626, %get3A_1624, %broadcast_in_dim3A_50 : vector<16xi1>, vector<16xf32>
        %add3A_1628 = arith.addf %add3A_1618, %select_n3A_1627 : vector<16xf32>
        %get3A_1629 = arith.index_cast %scan3A_1461 : i32 to index
        %get3A_1630 = arith.constant 240 : index
        %get3A_1631 = tpu.vector_load %arg12[%get3A_1629, %get3A_1630] {strides = array<i32>} : memref<8x500xi32, #tpu.memory_space<vmem>>, vector<16xi32>,
        %get3A_1632 = arith.index_cast %scan3A_1461 : i32 to index
        %get3A_1633 = arith.constant 240 : index
        %get3A_1634 = tpu.vector_load %arg16[%get3A_1632, %get3A_1633] {strides = array<i32>} : memref<8x500xf32, #tpu.memory_space<vmem>>, vector<16xf32>,
        %gather3A_1635 = tpu.vector_load_idx %arg8[%get3A_1631] : memref<100096xi32, #tpu.memory_space<vmem>>[vector<16xi32>], vector<16xi32>,
        %eq3A_1636 = arith.cmpi eq, %gather3A_1635, %broadcast_in_dim3A_1467 : vector<16xi32>
        %select_n3A_1637 = arith.select %eq3A_1636, %get3A_1634, %broadcast_in_dim3A_50 : vector<16xi1>, vector<16xf32>
        %add3A_1638 = arith.addf %add3A_1628, %select_n3A_1637 : vector<16xf32>
        %get3A_1639 = arith.index_cast %scan3A_1461 : i32 to index
        %get3A_1640 = arith.constant 256 : index
        %get3A_1641 = tpu.vector_load %arg12[%get3A_1639, %get3A_1640] {strides = array<i32>} : memref<8x500xi32, #tpu.memory_space<vmem>>, vector<16xi32>,
        %get3A_1642 = arith.index_cast %scan3A_1461 : i32 to index
        %get3A_1643 = arith.constant 256 : index
        %get3A_1644 = tpu.vector_load %arg16[%get3A_1642, %get3A_1643] {strides = array<i32>} : memref<8x500xf32, #tpu.memory_space<vmem>>, vector<16xf32>,
        %gather3A_1645 = tpu.vector_load_idx %arg8[%get3A_1641] : memref<100096xi32, #tpu.memory_space<vmem>>[vector<16xi32>], vector<16xi32>,
        %eq3A_1646 = arith.cmpi eq, %gather3A_1645, %broadcast_in_dim3A_1467 : vector<16xi32>
        %select_n3A_1647 = arith.select %eq3A_1646, %get3A_1644, %broadcast_in_dim3A_50 : vector<16xi1>, vector<16xf32>
        %add3A_1648 = arith.addf %add3A_1638, %select_n3A_1647 : vector<16xf32>
        %get3A_1649 = arith.index_cast %scan3A_1461 : i32 to index
        %get3A_1650 = arith.constant 272 : index
        %get3A_1651 = tpu.vector_load %arg12[%get3A_1649, %get3A_1650] {strides = array<i32>} : memref<8x500xi32, #tpu.memory_space<vmem>>, vector<16xi32>,
        %get3A_1652 = arith.index_cast %scan3A_1461 : i32 to index
        %get3A_1653 = arith.constant 272 : index
        %get3A_1654 = tpu.vector_load %arg16[%get3A_1652, %get3A_1653] {strides = array<i32>} : memref<8x500xf32, #tpu.memory_space<vmem>>, vector<16xf32>,
        %gather3A_1655 = tpu.vector_load_idx %arg8[%get3A_1651] : memref<100096xi32, #tpu.memory_space<vmem>>[vector<16xi32>], vector<16xi32>,
        %eq3A_1656 = arith.cmpi eq, %gather3A_1655, %broadcast_in_dim3A_1467 : vector<16xi32>
        %select_n3A_1657 = arith.select %eq3A_1656, %get3A_1654, %broadcast_in_dim3A_50 : vector<16xi1>, vector<16xf32>
        %add3A_1658 = arith.addf %add3A_1648, %select_n3A_1657 : vector<16xf32>
        %get3A_1659 = arith.index_cast %scan3A_1461 : i32 to index
        %get3A_1660 = arith.constant 288 : index
        %get3A_1661 = tpu.vector_load %arg12[%get3A_1659, %get3A_1660] {strides = array<i32>} : memref<8x500xi32, #tpu.memory_space<vmem>>, vector<16xi32>,
        %get3A_1662 = arith.index_cast %scan3A_1461 : i32 to index
        %get3A_1663 = arith.constant 288 : index
        %get3A_1664 = tpu.vector_load %arg16[%get3A_1662, %get3A_1663] {strides = array<i32>} : memref<8x500xf32, #tpu.memory_space<vmem>>, vector<16xf32>,
        %gather3A_1665 = tpu.vector_load_idx %arg8[%get3A_1661] : memref<100096xi32, #tpu.memory_space<vmem>>[vector<16xi32>], vector<16xi32>,
        %eq3A_1666 = arith.cmpi eq, %gather3A_1665, %broadcast_in_dim3A_1467 : vector<16xi32>
        %select_n3A_1667 = arith.select %eq3A_1666, %get3A_1664, %broadcast_in_dim3A_50 : vector<16xi1>, vector<16xf32>
        %add3A_1668 = arith.addf %add3A_1658, %select_n3A_1667 : vector<16xf32>
        %get3A_1669 = arith.index_cast %scan3A_1461 : i32 to index
        %get3A_1670 = arith.constant 304 : index
        %get3A_1671 = tpu.vector_load %arg12[%get3A_1669, %get3A_1670] {strides = array<i32>} : memref<8x500xi32, #tpu.memory_space<vmem>>, vector<16xi32>,
        %get3A_1672 = arith.index_cast %scan3A_1461 : i32 to index
        %get3A_1673 = arith.constant 304 : index
        %get3A_1674 = tpu.vector_load %arg16[%get3A_1672, %get3A_1673] {strides = array<i32>} : memref<8x500xf32, #tpu.memory_space<vmem>>, vector<16xf32>,
        %gather3A_1675 = tpu.vector_load_idx %arg8[%get3A_1671] : memref<100096xi32, #tpu.memory_space<vmem>>[vector<16xi32>], vector<16xi32>,
        %eq3A_1676 = arith.cmpi eq, %gather3A_1675, %broadcast_in_dim3A_1467 : vector<16xi32>
        %select_n3A_1677 = arith.select %eq3A_1676, %get3A_1674, %broadcast_in_dim3A_50 : vector<16xi1>, vector<16xf32>
        %add3A_1678 = arith.addf %add3A_1668, %select_n3A_1677 : vector<16xf32>
        %get3A_1679 = arith.index_cast %scan3A_1461 : i32 to index
        %get3A_1680 = arith.constant 320 : index
        %get3A_1681 = tpu.vector_load %arg12[%get3A_1679, %get3A_1680] {strides = array<i32>} : memref<8x500xi32, #tpu.memory_space<vmem>>, vector<16xi32>,
        %get3A_1682 = arith.index_cast %scan3A_1461 : i32 to index
        %get3A_1683 = arith.constant 320 : index
        %get3A_1684 = tpu.vector_load %arg16[%get3A_1682, %get3A_1683] {strides = array<i32>} : memref<8x500xf32, #tpu.memory_space<vmem>>, vector<16xf32>,
        %gather3A_1685 = tpu.vector_load_idx %arg8[%get3A_1681] : memref<100096xi32, #tpu.memory_space<vmem>>[vector<16xi32>], vector<16xi32>,
        %eq3A_1686 = arith.cmpi eq, %gather3A_1685, %broadcast_in_dim3A_1467 : vector<16xi32>
        %select_n3A_1687 = arith.select %eq3A_1686, %get3A_1684, %broadcast_in_dim3A_50 : vector<16xi1>, vector<16xf32>
        %add3A_1688 = arith.addf %add3A_1678, %select_n3A_1687 : vector<16xf32>
        %get3A_1689 = arith.index_cast %scan3A_1461 : i32 to index
        %get3A_1690 = arith.constant 336 : index
        %get3A_1691 = tpu.vector_load %arg12[%get3A_1689, %get3A_1690] {strides = array<i32>} : memref<8x500xi32, #tpu.memory_space<vmem>>, vector<16xi32>,
        %get3A_1692 = arith.index_cast %scan3A_1461 : i32 to index
        %get3A_1693 = arith.constant 336 : index
        %get3A_1694 = tpu.vector_load %arg16[%get3A_1692, %get3A_1693] {strides = array<i32>} : memref<8x500xf32, #tpu.memory_space<vmem>>, vector<16xf32>,
        %gather3A_1695 = tpu.vector_load_idx %arg8[%get3A_1691] : memref<100096xi32, #tpu.memory_space<vmem>>[vector<16xi32>], vector<16xi32>,
        %eq3A_1696 = arith.cmpi eq, %gather3A_1695, %broadcast_in_dim3A_1467 : vector<16xi32>
        %select_n3A_1697 = arith.select %eq3A_1696, %get3A_1694, %broadcast_in_dim3A_50 : vector<16xi1>, vector<16xf32>
        %add3A_1698 = arith.addf %add3A_1688, %select_n3A_1697 : vector<16xf32>
        %get3A_1699 = arith.index_cast %scan3A_1461 : i32 to index
        %get3A_1700 = arith.constant 352 : index
        %get3A_1701 = tpu.vector_load %arg12[%get3A_1699, %get3A_1700] {strides = array<i32>} : memref<8x500xi32, #tpu.memory_space<vmem>>, vector<16xi32>,
        %get3A_1702 = arith.index_cast %scan3A_1461 : i32 to index
        %get3A_1703 = arith.constant 352 : index
        %get3A_1704 = tpu.vector_load %arg16[%get3A_1702, %get3A_1703] {strides = array<i32>} : memref<8x500xf32, #tpu.memory_space<vmem>>, vector<16xf32>,
        %gather3A_1705 = tpu.vector_load_idx %arg8[%get3A_1701] : memref<100096xi32, #tpu.memory_space<vmem>>[vector<16xi32>], vector<16xi32>,
        %eq3A_1706 = arith.cmpi eq, %gather3A_1705, %broadcast_in_dim3A_1467 : vector<16xi32>
        %select_n3A_1707 = arith.select %eq3A_1706, %get3A_1704, %broadcast_in_dim3A_50 : vector<16xi1>, vector<16xf32>
        %add3A_1708 = arith.addf %add3A_1698, %select_n3A_1707 : vector<16xf32>
        %get3A_1709 = arith.index_cast %scan3A_1461 : i32 to index
        %get3A_1710 = arith.constant 368 : index
        %get3A_1711 = tpu.vector_load %arg12[%get3A_1709, %get3A_1710] {strides = array<i32>} : memref<8x500xi32, #tpu.memory_space<vmem>>, vector<16xi32>,
        %get3A_1712 = arith.index_cast %scan3A_1461 : i32 to index
        %get3A_1713 = arith.constant 368 : index
        %get3A_1714 = tpu.vector_load %arg16[%get3A_1712, %get3A_1713] {strides = array<i32>} : memref<8x500xf32, #tpu.memory_space<vmem>>, vector<16xf32>,
        %gather3A_1715 = tpu.vector_load_idx %arg8[%get3A_1711] : memref<100096xi32, #tpu.memory_space<vmem>>[vector<16xi32>], vector<16xi32>,
        %eq3A_1716 = arith.cmpi eq, %gather3A_1715, %broadcast_in_dim3A_1467 : vector<16xi32>
        %select_n3A_1717 = arith.select %eq3A_1716, %get3A_1714, %broadcast_in_dim3A_50 : vector<16xi1>, vector<16xf32>
        %add3A_1718 = arith.addf %add3A_1708, %select_n3A_1717 : vector<16xf32>
        %get3A_1719 = arith.index_cast %scan3A_1461 : i32 to index
        %get3A_1720 = arith.constant 384 : index
        %get3A_1721 = tpu.vector_load %arg12[%get3A_1719, %get3A_1720] {strides = array<i32>} : memref<8x500xi32, #tpu.memory_space<vmem>>, vector<16xi32>,
        %get3A_1722 = arith.index_cast %scan3A_1461 : i32 to index
        %get3A_1723 = arith.constant 384 : index
        %get3A_1724 = tpu.vector_load %arg16[%get3A_1722, %get3A_1723] {strides = array<i32>} : memref<8x500xf32, #tpu.memory_space<vmem>>, vector<16xf32>,
        %gather3A_1725 = tpu.vector_load_idx %arg8[%get3A_1721] : memref<100096xi32, #tpu.memory_space<vmem>>[vector<16xi32>], vector<16xi32>,
        %eq3A_1726 = arith.cmpi eq, %gather3A_1725, %broadcast_in_dim3A_1467 : vector<16xi32>
        %select_n3A_1727 = arith.select %eq3A_1726, %get3A_1724, %broadcast_in_dim3A_50 : vector<16xi1>, vector<16xf32>
        %add3A_1728 = arith.addf %add3A_1718, %select_n3A_1727 : vector<16xf32>
        %get3A_1729 = arith.index_cast %scan3A_1461 : i32 to index
        %get3A_1730 = arith.constant 400 : index
        %get3A_1731 = tpu.vector_load %arg12[%get3A_1729, %get3A_1730] {strides = array<i32>} : memref<8x500xi32, #tpu.memory_space<vmem>>, vector<16xi32>,
        %get3A_1732 = arith.index_cast %scan3A_1461 : i32 to index
        %get3A_1733 = arith.constant 400 : index
        %get3A_1734 = tpu.vector_load %arg16[%get3A_1732, %get3A_1733] {strides = array<i32>} : memref<8x500xf32, #tpu.memory_space<vmem>>, vector<16xf32>,
        %gather3A_1735 = tpu.vector_load_idx %arg8[%get3A_1731] : memref<100096xi32, #tpu.memory_space<vmem>>[vector<16xi32>], vector<16xi32>,
        %eq3A_1736 = arith.cmpi eq, %gather3A_1735, %broadcast_in_dim3A_1467 : vector<16xi32>
        %select_n3A_1737 = arith.select %eq3A_1736, %get3A_1734, %broadcast_in_dim3A_50 : vector<16xi1>, vector<16xf32>
        %add3A_1738 = arith.addf %add3A_1728, %select_n3A_1737 : vector<16xf32>
        %get3A_1739 = arith.index_cast %scan3A_1461 : i32 to index
        %get3A_1740 = arith.constant 416 : index
        %get3A_1741 = tpu.vector_load %arg12[%get3A_1739, %get3A_1740] {strides = array<i32>} : memref<8x500xi32, #tpu.memory_space<vmem>>, vector<16xi32>,
        %get3A_1742 = arith.index_cast %scan3A_1461 : i32 to index
        %get3A_1743 = arith.constant 416 : index
        %get3A_1744 = tpu.vector_load %arg16[%get3A_1742, %get3A_1743] {strides = array<i32>} : memref<8x500xf32, #tpu.memory_space<vmem>>, vector<16xf32>,
        %gather3A_1745 = tpu.vector_load_idx %arg8[%get3A_1741] : memref<100096xi32, #tpu.memory_space<vmem>>[vector<16xi32>], vector<16xi32>,
        %eq3A_1746 = arith.cmpi eq, %gather3A_1745, %broadcast_in_dim3A_1467 : vector<16xi32>
        %select_n3A_1747 = arith.select %eq3A_1746, %get3A_1744, %broadcast_in_dim3A_50 : vector<16xi1>, vector<16xf32>
        %add3A_1748 = arith.addf %add3A_1738, %select_n3A_1747 : vector<16xf32>
        %get3A_1749 = arith.index_cast %scan3A_1461 : i32 to index
        %get3A_1750 = arith.constant 432 : index
        %get3A_1751 = tpu.vector_load %arg12[%get3A_1749, %get3A_1750] {strides = array<i32>} : memref<8x500xi32, #tpu.memory_space<vmem>>, vector<16xi32>,
        %get3A_1752 = arith.index_cast %scan3A_1461 : i32 to index
        %get3A_1753 = arith.constant 432 : index
        %get3A_1754 = tpu.vector_load %arg16[%get3A_1752, %get3A_1753] {strides = array<i32>} : memref<8x500xf32, #tpu.memory_space<vmem>>, vector<16xf32>,
        %gather3A_1755 = tpu.vector_load_idx %arg8[%get3A_1751] : memref<100096xi32, #tpu.memory_space<vmem>>[vector<16xi32>], vector<16xi32>,
        %eq3A_1756 = arith.cmpi eq, %gather3A_1755, %broadcast_in_dim3A_1467 : vector<16xi32>
        %select_n3A_1757 = arith.select %eq3A_1756, %get3A_1754, %broadcast_in_dim3A_50 : vector<16xi1>, vector<16xf32>
        %add3A_1758 = arith.addf %add3A_1748, %select_n3A_1757 : vector<16xf32>
        %get3A_1759 = arith.index_cast %scan3A_1461 : i32 to index
        %get3A_1760 = arith.constant 448 : index
        %get3A_1761 = tpu.vector_load %arg12[%get3A_1759, %get3A_1760] {strides = array<i32>} : memref<8x500xi32, #tpu.memory_space<vmem>>, vector<16xi32>,
        %get3A_1762 = arith.index_cast %scan3A_1461 : i32 to index
        %get3A_1763 = arith.constant 448 : index
        %get3A_1764 = tpu.vector_load %arg16[%get3A_1762, %get3A_1763] {strides = array<i32>} : memref<8x500xf32, #tpu.memory_space<vmem>>, vector<16xf32>,
        %gather3A_1765 = tpu.vector_load_idx %arg8[%get3A_1761] : memref<100096xi32, #tpu.memory_space<vmem>>[vector<16xi32>], vector<16xi32>,
        %eq3A_1766 = arith.cmpi eq, %gather3A_1765, %broadcast_in_dim3A_1467 : vector<16xi32>
        %select_n3A_1767 = arith.select %eq3A_1766, %get3A_1764, %broadcast_in_dim3A_50 : vector<16xi1>, vector<16xf32>
        %add3A_1768 = arith.addf %add3A_1758, %select_n3A_1767 : vector<16xf32>
        %get3A_1769 = arith.index_cast %scan3A_1461 : i32 to index
        %get3A_1770 = arith.constant 464 : index
        %get3A_1771 = tpu.vector_load %arg12[%get3A_1769, %get3A_1770] {strides = array<i32>} : memref<8x500xi32, #tpu.memory_space<vmem>>, vector<16xi32>,
        %get3A_1772 = arith.index_cast %scan3A_1461 : i32 to index
        %get3A_1773 = arith.constant 464 : index
        %get3A_1774 = tpu.vector_load %arg16[%get3A_1772, %get3A_1773] {strides = array<i32>} : memref<8x500xf32, #tpu.memory_space<vmem>>, vector<16xf32>,
        %gather3A_1775 = tpu.vector_load_idx %arg8[%get3A_1771] : memref<100096xi32, #tpu.memory_space<vmem>>[vector<16xi32>], vector<16xi32>,
        %eq3A_1776 = arith.cmpi eq, %gather3A_1775, %broadcast_in_dim3A_1467 : vector<16xi32>
        %select_n3A_1777 = arith.select %eq3A_1776, %get3A_1774, %broadcast_in_dim3A_50 : vector<16xi1>, vector<16xf32>
        %add3A_1778 = arith.addf %add3A_1768, %select_n3A_1777 : vector<16xf32>
        %get3A_1779 = arith.index_cast %scan3A_1461 : i32 to index
        %get3A_1780 = arith.constant 480 : index
        %get3A_1781 = tpu.vector_load %arg12[%get3A_1779, %get3A_1780] {strides = array<i32>} : memref<8x500xi32, #tpu.memory_space<vmem>>, vector<16xi32>,
        %get3A_1782 = arith.index_cast %scan3A_1461 : i32 to index
        %get3A_1783 = arith.constant 480 : index
        %get3A_1784 = tpu.vector_load %arg16[%get3A_1782, %get3A_1783] {strides = array<i32>} : memref<8x500xf32, #tpu.memory_space<vmem>>, vector<16xf32>,
        %gather3A_1785 = tpu.vector_load_idx %arg8[%get3A_1781] : memref<100096xi32, #tpu.memory_space<vmem>>[vector<16xi32>], vector<16xi32>,
        %eq3A_1786 = arith.cmpi eq, %gather3A_1785, %broadcast_in_dim3A_1467 : vector<16xi32>
        %select_n3A_1787 = arith.select %eq3A_1786, %get3A_1784, %broadcast_in_dim3A_50 : vector<16xi1>, vector<16xf32>
        %add3A_1788 = arith.addf %add3A_1778, %select_n3A_1787 : vector<16xf32>
        %gather3A_1789 = tpu.vector_load_idx %arg12[%broadcast_in_dim3A_1468, %min3A_72] : memref<8x500xi32, #tpu.memory_space<vmem>>[vector<16xi32>, vector<16xi32>], vector<16xi32>,
        %select_n3A_1790 = arith.select %lt3A_58, %gather3A_1789, %broadcast_in_dim3A_56 : vector<16xi1>, vector<16xi32>
        %gather3A_1791 = tpu.vector_load_idx %arg16[%broadcast_in_dim3A_1468, %min3A_72] : memref<8x500xf32, #tpu.memory_space<vmem>>[vector<16xi32>, vector<16xi32>], vector<16xf32>,
        %gather3A_1792 = tpu.vector_load_idx %arg8[%select_n3A_1790] : memref<100096xi32, #tpu.memory_space<vmem>>[vector<16xi32>], vector<16xi32>,
        %eq3A_1793 = arith.cmpi eq, %gather3A_1792, %broadcast_in_dim3A_1467 : vector<16xi32>
        %select_n3A_1794 = arith.select %eq3A_1793, %gather3A_1791, %broadcast_in_dim3A_50 : vector<16xi1>, vector<16xf32>
        %add3A_1795 = arith.addf %add3A_1788, %select_n3A_1794 : vector<16xf32>
        %get3A_1796 = arith.index_cast %scan3A_1461 : i32 to index
        %get3A_1797 = arith.constant 0 : index
        %get3A_1798 = tpu.vector_load %arg13[%get3A_1796, %get3A_1797] {strides = array<i32>} : memref<8x200xi32, #tpu.memory_space<vmem>>, vector<16xi32>,
        %get3A_1799 = arith.index_cast %scan3A_1461 : i32 to index
        %get3A_1800 = arith.constant 0 : index
        %get3A_1801 = tpu.vector_load %arg14[%get3A_1799, %get3A_1800] {strides = array<i32>} : memref<8x200xf32, #tpu.memory_space<vmem>>, vector<16xf32>,
        %gather3A_1802 = tpu.vector_load_idx %arg8[%get3A_1798] : memref<100096xi32, #tpu.memory_space<vmem>>[vector<16xi32>], vector<16xi32>,
        %eq3A_1803 = arith.cmpi eq, %gather3A_1802, %broadcast_in_dim3A_1467 : vector<16xi32>
        %select_n3A_1804 = arith.select %eq3A_1803, %get3A_1801, %broadcast_in_dim3A_50 : vector<16xi1>, vector<16xf32>
        %add3A_1805 = arith.addf %scan3A_1463, %select_n3A_1804 : vector<16xf32>
        %select_n3A_1806 = arith.select %eq3A_1803, %broadcast_in_dim3A_54, %broadcast_in_dim3A_52 : vector<16xi1>, vector<16xi32>
        %add3A_1807 = arith.addi %broadcast_in_dim3A_52, %select_n3A_1806 : vector<16xi32>
        %get3A_1808 = arith.index_cast %scan3A_1461 : i32 to index
        %get3A_1809 = arith.constant 16 : index
        %get3A_1810 = tpu.vector_load %arg13[%get3A_1808, %get3A_1809] {strides = array<i32>} : memref<8x200xi32, #tpu.memory_space<vmem>>, vector<16xi32>,
        %get3A_1811 = arith.index_cast %scan3A_1461 : i32 to index
        %get3A_1812 = arith.constant 16 : index
        %get3A_1813 = tpu.vector_load %arg14[%get3A_1811, %get3A_1812] {strides = array<i32>} : memref<8x200xf32, #tpu.memory_space<vmem>>, vector<16xf32>,
        %gather3A_1814 = tpu.vector_load_idx %arg8[%get3A_1810] : memref<100096xi32, #tpu.memory_space<vmem>>[vector<16xi32>], vector<16xi32>,
        %eq3A_1815 = arith.cmpi eq, %gather3A_1814, %broadcast_in_dim3A_1467 : vector<16xi32>
        %select_n3A_1816 = arith.select %eq3A_1815, %get3A_1813, %broadcast_in_dim3A_50 : vector<16xi1>, vector<16xf32>
        %add3A_1817 = arith.addf %add3A_1805, %select_n3A_1816 : vector<16xf32>
        %select_n3A_1818 = arith.select %eq3A_1815, %broadcast_in_dim3A_54, %broadcast_in_dim3A_52 : vector<16xi1>, vector<16xi32>
        %add3A_1819 = arith.addi %add3A_1807, %select_n3A_1818 : vector<16xi32>
        %get3A_1820 = arith.index_cast %scan3A_1461 : i32 to index
        %get3A_1821 = arith.constant 32 : index
        %get3A_1822 = tpu.vector_load %arg13[%get3A_1820, %get3A_1821] {strides = array<i32>} : memref<8x200xi32, #tpu.memory_space<vmem>>, vector<16xi32>,
        %get3A_1823 = arith.index_cast %scan3A_1461 : i32 to index
        %get3A_1824 = arith.constant 32 : index
        %get3A_1825 = tpu.vector_load %arg14[%get3A_1823, %get3A_1824] {strides = array<i32>} : memref<8x200xf32, #tpu.memory_space<vmem>>, vector<16xf32>,
        %gather3A_1826 = tpu.vector_load_idx %arg8[%get3A_1822] : memref<100096xi32, #tpu.memory_space<vmem>>[vector<16xi32>], vector<16xi32>,
        %eq3A_1827 = arith.cmpi eq, %gather3A_1826, %broadcast_in_dim3A_1467 : vector<16xi32>
        %select_n3A_1828 = arith.select %eq3A_1827, %get3A_1825, %broadcast_in_dim3A_50 : vector<16xi1>, vector<16xf32>
        %add3A_1829 = arith.addf %add3A_1817, %select_n3A_1828 : vector<16xf32>
        %select_n3A_1830 = arith.select %eq3A_1827, %broadcast_in_dim3A_54, %broadcast_in_dim3A_52 : vector<16xi1>, vector<16xi32>
        %add3A_1831 = arith.addi %add3A_1819, %select_n3A_1830 : vector<16xi32>
        %get3A_1832 = arith.index_cast %scan3A_1461 : i32 to index
        %get3A_1833 = arith.constant 48 : index
        %get3A_1834 = tpu.vector_load %arg13[%get3A_1832, %get3A_1833] {strides = array<i32>} : memref<8x200xi32, #tpu.memory_space<vmem>>, vector<16xi32>,
        %get3A_1835 = arith.index_cast %scan3A_1461 : i32 to index
        %get3A_1836 = arith.constant 48 : index
        %get3A_1837 = tpu.vector_load %arg14[%get3A_1835, %get3A_1836] {strides = array<i32>} : memref<8x200xf32, #tpu.memory_space<vmem>>, vector<16xf32>,
        %gather3A_1838 = tpu.vector_load_idx %arg8[%get3A_1834] : memref<100096xi32, #tpu.memory_space<vmem>>[vector<16xi32>], vector<16xi32>,
        %eq3A_1839 = arith.cmpi eq, %gather3A_1838, %broadcast_in_dim3A_1467 : vector<16xi32>
        %select_n3A_1840 = arith.select %eq3A_1839, %get3A_1837, %broadcast_in_dim3A_50 : vector<16xi1>, vector<16xf32>
        %add3A_1841 = arith.addf %add3A_1829, %select_n3A_1840 : vector<16xf32>
        %select_n3A_1842 = arith.select %eq3A_1839, %broadcast_in_dim3A_54, %broadcast_in_dim3A_52 : vector<16xi1>, vector<16xi32>
        %add3A_1843 = arith.addi %add3A_1831, %select_n3A_1842 : vector<16xi32>
        %get3A_1844 = arith.index_cast %scan3A_1461 : i32 to index
        %get3A_1845 = arith.constant 64 : index
        %get3A_1846 = tpu.vector_load %arg13[%get3A_1844, %get3A_1845] {strides = array<i32>} : memref<8x200xi32, #tpu.memory_space<vmem>>, vector<16xi32>,
        %get3A_1847 = arith.index_cast %scan3A_1461 : i32 to index
        %get3A_1848 = arith.constant 64 : index
        %get3A_1849 = tpu.vector_load %arg14[%get3A_1847, %get3A_1848] {strides = array<i32>} : memref<8x200xf32, #tpu.memory_space<vmem>>, vector<16xf32>,
        %gather3A_1850 = tpu.vector_load_idx %arg8[%get3A_1846] : memref<100096xi32, #tpu.memory_space<vmem>>[vector<16xi32>], vector<16xi32>,
        %eq3A_1851 = arith.cmpi eq, %gather3A_1850, %broadcast_in_dim3A_1467 : vector<16xi32>
        %select_n3A_1852 = arith.select %eq3A_1851, %get3A_1849, %broadcast_in_dim3A_50 : vector<16xi1>, vector<16xf32>
        %add3A_1853 = arith.addf %add3A_1841, %select_n3A_1852 : vector<16xf32>
        %select_n3A_1854 = arith.select %eq3A_1851, %broadcast_in_dim3A_54, %broadcast_in_dim3A_52 : vector<16xi1>, vector<16xi32>
        %add3A_1855 = arith.addi %add3A_1843, %select_n3A_1854 : vector<16xi32>
        %get3A_1856 = arith.index_cast %scan3A_1461 : i32 to index
        %get3A_1857 = arith.constant 80 : index
        %get3A_1858 = tpu.vector_load %arg13[%get3A_1856, %get3A_1857] {strides = array<i32>} : memref<8x200xi32, #tpu.memory_space<vmem>>, vector<16xi32>,
        %get3A_1859 = arith.index_cast %scan3A_1461 : i32 to index
        %get3A_1860 = arith.constant 80 : index
        %get3A_1861 = tpu.vector_load %arg14[%get3A_1859, %get3A_1860] {strides = array<i32>} : memref<8x200xf32, #tpu.memory_space<vmem>>, vector<16xf32>,
        %gather3A_1862 = tpu.vector_load_idx %arg8[%get3A_1858] : memref<100096xi32, #tpu.memory_space<vmem>>[vector<16xi32>], vector<16xi32>,
        %eq3A_1863 = arith.cmpi eq, %gather3A_1862, %broadcast_in_dim3A_1467 : vector<16xi32>
        %select_n3A_1864 = arith.select %eq3A_1863, %get3A_1861, %broadcast_in_dim3A_50 : vector<16xi1>, vector<16xf32>
        %add3A_1865 = arith.addf %add3A_1853, %select_n3A_1864 : vector<16xf32>
        %select_n3A_1866 = arith.select %eq3A_1863, %broadcast_in_dim3A_54, %broadcast_in_dim3A_52 : vector<16xi1>, vector<16xi32>
        %add3A_1867 = arith.addi %add3A_1855, %select_n3A_1866 : vector<16xi32>
        %get3A_1868 = arith.index_cast %scan3A_1461 : i32 to index
        %get3A_1869 = arith.constant 96 : index
        %get3A_1870 = tpu.vector_load %arg13[%get3A_1868, %get3A_1869] {strides = array<i32>} : memref<8x200xi32, #tpu.memory_space<vmem>>, vector<16xi32>,
        %get3A_1871 = arith.index_cast %scan3A_1461 : i32 to index
        %get3A_1872 = arith.constant 96 : index
        %get3A_1873 = tpu.vector_load %arg14[%get3A_1871, %get3A_1872] {strides = array<i32>} : memref<8x200xf32, #tpu.memory_space<vmem>>, vector<16xf32>,
        %gather3A_1874 = tpu.vector_load_idx %arg8[%get3A_1870] : memref<100096xi32, #tpu.memory_space<vmem>>[vector<16xi32>], vector<16xi32>,
        %eq3A_1875 = arith.cmpi eq, %gather3A_1874, %broadcast_in_dim3A_1467 : vector<16xi32>
        %select_n3A_1876 = arith.select %eq3A_1875, %get3A_1873, %broadcast_in_dim3A_50 : vector<16xi1>, vector<16xf32>
        %add3A_1877 = arith.addf %add3A_1865, %select_n3A_1876 : vector<16xf32>
        %select_n3A_1878 = arith.select %eq3A_1875, %broadcast_in_dim3A_54, %broadcast_in_dim3A_52 : vector<16xi1>, vector<16xi32>
        %add3A_1879 = arith.addi %add3A_1867, %select_n3A_1878 : vector<16xi32>
        %get3A_1880 = arith.index_cast %scan3A_1461 : i32 to index
        %get3A_1881 = arith.constant 112 : index
        %get3A_1882 = tpu.vector_load %arg13[%get3A_1880, %get3A_1881] {strides = array<i32>} : memref<8x200xi32, #tpu.memory_space<vmem>>, vector<16xi32>,
        %get3A_1883 = arith.index_cast %scan3A_1461 : i32 to index
        %get3A_1884 = arith.constant 112 : index
        %get3A_1885 = tpu.vector_load %arg14[%get3A_1883, %get3A_1884] {strides = array<i32>} : memref<8x200xf32, #tpu.memory_space<vmem>>, vector<16xf32>,
        %gather3A_1886 = tpu.vector_load_idx %arg8[%get3A_1882] : memref<100096xi32, #tpu.memory_space<vmem>>[vector<16xi32>], vector<16xi32>,
        %eq3A_1887 = arith.cmpi eq, %gather3A_1886, %broadcast_in_dim3A_1467 : vector<16xi32>
        %select_n3A_1888 = arith.select %eq3A_1887, %get3A_1885, %broadcast_in_dim3A_50 : vector<16xi1>, vector<16xf32>
        %add3A_1889 = arith.addf %add3A_1877, %select_n3A_1888 : vector<16xf32>
        %select_n3A_1890 = arith.select %eq3A_1887, %broadcast_in_dim3A_54, %broadcast_in_dim3A_52 : vector<16xi1>, vector<16xi32>
        %add3A_1891 = arith.addi %add3A_1879, %select_n3A_1890 : vector<16xi32>
        %get3A_1892 = arith.index_cast %scan3A_1461 : i32 to index
        %get3A_1893 = arith.constant 128 : index
        %get3A_1894 = tpu.vector_load %arg13[%get3A_1892, %get3A_1893] {strides = array<i32>} : memref<8x200xi32, #tpu.memory_space<vmem>>, vector<16xi32>,
        %get3A_1895 = arith.index_cast %scan3A_1461 : i32 to index
        %get3A_1896 = arith.constant 128 : index
        %get3A_1897 = tpu.vector_load %arg14[%get3A_1895, %get3A_1896] {strides = array<i32>} : memref<8x200xf32, #tpu.memory_space<vmem>>, vector<16xf32>,
        %gather3A_1898 = tpu.vector_load_idx %arg8[%get3A_1894] : memref<100096xi32, #tpu.memory_space<vmem>>[vector<16xi32>], vector<16xi32>,
        %eq3A_1899 = arith.cmpi eq, %gather3A_1898, %broadcast_in_dim3A_1467 : vector<16xi32>
        %select_n3A_1900 = arith.select %eq3A_1899, %get3A_1897, %broadcast_in_dim3A_50 : vector<16xi1>, vector<16xf32>
        %add3A_1901 = arith.addf %add3A_1889, %select_n3A_1900 : vector<16xf32>
        %select_n3A_1902 = arith.select %eq3A_1899, %broadcast_in_dim3A_54, %broadcast_in_dim3A_52 : vector<16xi1>, vector<16xi32>
        %add3A_1903 = arith.addi %add3A_1891, %select_n3A_1902 : vector<16xi32>
        %get3A_1904 = arith.index_cast %scan3A_1461 : i32 to index
        %get3A_1905 = arith.constant 144 : index
        %get3A_1906 = tpu.vector_load %arg13[%get3A_1904, %get3A_1905] {strides = array<i32>} : memref<8x200xi32, #tpu.memory_space<vmem>>, vector<16xi32>,
        %get3A_1907 = arith.index_cast %scan3A_1461 : i32 to index
        %get3A_1908 = arith.constant 144 : index
        %get3A_1909 = tpu.vector_load %arg14[%get3A_1907, %get3A_1908] {strides = array<i32>} : memref<8x200xf32, #tpu.memory_space<vmem>>, vector<16xf32>,
        %gather3A_1910 = tpu.vector_load_idx %arg8[%get3A_1906] : memref<100096xi32, #tpu.memory_space<vmem>>[vector<16xi32>], vector<16xi32>,
        %eq3A_1911 = arith.cmpi eq, %gather3A_1910, %broadcast_in_dim3A_1467 : vector<16xi32>
        %select_n3A_1912 = arith.select %eq3A_1911, %get3A_1909, %broadcast_in_dim3A_50 : vector<16xi1>, vector<16xf32>
        %add3A_1913 = arith.addf %add3A_1901, %select_n3A_1912 : vector<16xf32>
        %select_n3A_1914 = arith.select %eq3A_1911, %broadcast_in_dim3A_54, %broadcast_in_dim3A_52 : vector<16xi1>, vector<16xi32>
        %add3A_1915 = arith.addi %add3A_1903, %select_n3A_1914 : vector<16xi32>
        %get3A_1916 = arith.index_cast %scan3A_1461 : i32 to index
        %get3A_1917 = arith.constant 160 : index
        %get3A_1918 = tpu.vector_load %arg13[%get3A_1916, %get3A_1917] {strides = array<i32>} : memref<8x200xi32, #tpu.memory_space<vmem>>, vector<16xi32>,
        %get3A_1919 = arith.index_cast %scan3A_1461 : i32 to index
        %get3A_1920 = arith.constant 160 : index
        %get3A_1921 = tpu.vector_load %arg14[%get3A_1919, %get3A_1920] {strides = array<i32>} : memref<8x200xf32, #tpu.memory_space<vmem>>, vector<16xf32>,
        %gather3A_1922 = tpu.vector_load_idx %arg8[%get3A_1918] : memref<100096xi32, #tpu.memory_space<vmem>>[vector<16xi32>], vector<16xi32>,
        %eq3A_1923 = arith.cmpi eq, %gather3A_1922, %broadcast_in_dim3A_1467 : vector<16xi32>
        %select_n3A_1924 = arith.select %eq3A_1923, %get3A_1921, %broadcast_in_dim3A_50 : vector<16xi1>, vector<16xf32>
        %add3A_1925 = arith.addf %add3A_1913, %select_n3A_1924 : vector<16xf32>
        %select_n3A_1926 = arith.select %eq3A_1923, %broadcast_in_dim3A_54, %broadcast_in_dim3A_52 : vector<16xi1>, vector<16xi32>
        %add3A_1927 = arith.addi %add3A_1915, %select_n3A_1926 : vector<16xi32>
        %get3A_1928 = arith.index_cast %scan3A_1461 : i32 to index
        %get3A_1929 = arith.constant 176 : index
        %get3A_1930 = tpu.vector_load %arg13[%get3A_1928, %get3A_1929] {strides = array<i32>} : memref<8x200xi32, #tpu.memory_space<vmem>>, vector<16xi32>,
        %get3A_1931 = arith.index_cast %scan3A_1461 : i32 to index
        %get3A_1932 = arith.constant 176 : index
        %get3A_1933 = tpu.vector_load %arg14[%get3A_1931, %get3A_1932] {strides = array<i32>} : memref<8x200xf32, #tpu.memory_space<vmem>>, vector<16xf32>,
        %gather3A_1934 = tpu.vector_load_idx %arg8[%get3A_1930] : memref<100096xi32, #tpu.memory_space<vmem>>[vector<16xi32>], vector<16xi32>,
        %eq3A_1935 = arith.cmpi eq, %gather3A_1934, %broadcast_in_dim3A_1467 : vector<16xi32>
        %select_n3A_1936 = arith.select %eq3A_1935, %get3A_1933, %broadcast_in_dim3A_50 : vector<16xi1>, vector<16xf32>
        %add3A_1937 = arith.addf %add3A_1925, %select_n3A_1936 : vector<16xf32>
        %select_n3A_1938 = arith.select %eq3A_1935, %broadcast_in_dim3A_54, %broadcast_in_dim3A_52 : vector<16xi1>, vector<16xi32>
        %add3A_1939 = arith.addi %add3A_1927, %select_n3A_1938 : vector<16xi32>
        %gather3A_1940 = tpu.vector_load_idx %arg13[%broadcast_in_dim3A_1468, %min3A_78] : memref<8x200xi32, #tpu.memory_space<vmem>>[vector<16xi32>, vector<16xi32>], vector<16xi32>,
        %select_n3A_1941 = arith.select %lt3A_61, %gather3A_1940, %broadcast_in_dim3A_56 : vector<16xi1>, vector<16xi32>
        %gather3A_1942 = tpu.vector_load_idx %arg14[%broadcast_in_dim3A_1468, %min3A_78] : memref<8x200xf32, #tpu.memory_space<vmem>>[vector<16xi32>, vector<16xi32>], vector<16xf32>,
        %gather3A_1943 = tpu.vector_load_idx %arg8[%select_n3A_1941] : memref<100096xi32, #tpu.memory_space<vmem>>[vector<16xi32>], vector<16xi32>,
        %eq3A_1944 = arith.cmpi eq, %gather3A_1943, %broadcast_in_dim3A_1467 : vector<16xi32>
        %select_n3A_1945 = arith.select %eq3A_1944, %gather3A_1942, %broadcast_in_dim3A_50 : vector<16xi1>, vector<16xf32>
        %add3A_1946 = arith.addf %add3A_1937, %select_n3A_1945 : vector<16xf32>
        %select_n3A_1947 = arith.select %eq3A_1944, %broadcast_in_dim3A_54, %broadcast_in_dim3A_52 : vector<16xi1>, vector<16xi32>
        %add3A_1948 = arith.addi %add3A_1939, %select_n3A_1947 : vector<16xi32>
        %reduce_sum3A_1949 = arith.constant true
        %reduce_sum3A_1950 = vector.broadcast %reduce_sum3A_1949 : i1 to vector<16xi1>
        %reduce_sum3A_1951 = tpu.scan <sum>, %add3A_1948 masked %reduce_sum3A_1950 : vector<16xi32>, vector<16xi1> -> vector<16xi32>
        %reduce_sum3A_1952 = vector.extract %reduce_sum3A_1951[15] : i32 from vector<16xi32>
        %max3A_1953 = arith.maxsi %scan3A_1465, %reduce_sum3A_1952 : i32
        %add3A_1954 = arith.addi %scan3A_1464, %add3A_1948 : vector<16xi32>
        scf.yield %add3A_1795, %add3A_1946, %add3A_1954, %max3A_1953 : vector<16xf32>, vector<16xf32>, vector<16xi32>, i32
      }
      %scan3A_843 = arith.constant 7 : i32
      %add3A_844 = arith.constant 1 : i32
      %add3A_845 = arith.addi %add3A_156, %add3A_844 : i32
      %min3A_846 = arith.constant 15 : i32
      %min3A_847 = arith.minsi %add3A_845, %min3A_846 : i32
      %add3A_848 = arith.constant 7 : i32
      %add3A_849 = arith.addi %add3A_837, %add3A_848 : i32
      %broadcast_in_dim3A_850 = vector.broadcast %add3A_849 : i32 to vector<16xi32>
      %broadcast_in_dim3A_851 = arith.constant 7 : i32
      %broadcast_in_dim3A_852 = vector.broadcast %broadcast_in_dim3A_851 : i32 to vector<16xi32>
      %get3A_853 = arith.constant 7 : i32
      %get3A_854 = arith.index_cast %get3A_853 : i32 to index
      %get3A_855 = arith.constant 0 : index
      %get3A_856 = tpu.vector_load %arg15[%get3A_854, %get3A_855] {strides = array<i32>} : memref<8x50xi32, #tpu.memory_space<vmem>>, vector<16xi32>,
      tpu.vector_store_idx %arg8[%get3A_856], %broadcast_in_dim3A_850 : memref<100096xi32, #tpu.memory_space<vmem>>[vector<16xi32>], vector<16xi32>,
      %get3A_857 = arith.constant 7 : i32
      %get3A_858 = arith.index_cast %get3A_857 : i32 to index
      %get3A_859 = arith.constant 16 : index
      %get3A_860 = tpu.vector_load %arg15[%get3A_858, %get3A_859] {strides = array<i32>} : memref<8x50xi32, #tpu.memory_space<vmem>>, vector<16xi32>,
      tpu.vector_store_idx %arg8[%get3A_860], %broadcast_in_dim3A_850 : memref<100096xi32, #tpu.memory_space<vmem>>[vector<16xi32>], vector<16xi32>,
      %get3A_861 = arith.constant 7 : i32
      %get3A_862 = arith.index_cast %get3A_861 : i32 to index
      %get3A_863 = arith.constant 32 : index
      %get3A_864 = tpu.vector_load %arg15[%get3A_862, %get3A_863] {strides = array<i32>} : memref<8x50xi32, #tpu.memory_space<vmem>>, vector<16xi32>,
      tpu.vector_store_idx %arg8[%get3A_864], %broadcast_in_dim3A_850 : memref<100096xi32, #tpu.memory_space<vmem>>[vector<16xi32>], vector<16xi32>,
      %gather3A_865 = tpu.vector_load_idx %arg15[%broadcast_in_dim3A_852, %min3A_66] : memref<8x50xi32, #tpu.memory_space<vmem>>[vector<16xi32>, vector<16xi32>], vector<16xi32>,
      tpu.vector_store_idx %arg8[%gather3A_865], %broadcast_in_dim3A_850 : memref<100096xi32, #tpu.memory_space<vmem>>[vector<16xi32>], vector<16xi32>,
      %mul3A_866 = arith.constant 8 : i32
      %mul3A_867 = arith.muli %min3A_847, %mul3A_866 : i32
      %add3A_868 = arith.addi %mul3A_2, %mul3A_867 : i32
      %dma_start3A_869 = arith.constant 0 : i32
      %dma_start3A_870 = tpu.memref_slice %arg3[%add3A_868, %dma_start3A_869] : memref<4096x50xi32, #tpu.memory_space<hbm>> -> memref<8x50xi32, #tpu.memory_space<hbm>>
      %dma_start3A_871 = arith.constant 0 : i32
      %dma_start3A_872 = tpu.memref_slice %arg3[%add3A_868, %dma_start3A_871] : memref<4096x50xi32, #tpu.memory_space<hbm>> -> memref<8x50xi32, #tpu.memory_space<hbm>>
      tpu.enqueue_dma source(%dma_start3A_872 : memref<8x50xi32, #tpu.memory_space<hbm>>) target(%arg15 : memref<8x50xi32, #tpu.memory_space<vmem>>) target_semaphore(%arg23 : memref<!tpu.dma_semaphore, #tpu.memory_space<semaphore_mem>>)
      %get3A_873 = arith.constant 7 : i32
      %get3A_874 = arith.index_cast %get3A_873 : i32 to index
      %get3A_875 = arith.constant 0 : index
      %get3A_876 = tpu.vector_load %arg12[%get3A_874, %get3A_875] {strides = array<i32>} : memref<8x500xi32, #tpu.memory_space<vmem>>, vector<16xi32>,
      %get3A_877 = arith.constant 7 : i32
      %get3A_878 = arith.index_cast %get3A_877 : i32 to index
      %get3A_879 = arith.constant 0 : index
      %get3A_880 = tpu.vector_load %arg16[%get3A_878, %get3A_879] {strides = array<i32>} : memref<8x500xf32, #tpu.memory_space<vmem>>, vector<16xf32>,
      %gather3A_881 = tpu.vector_load_idx %arg8[%get3A_876] : memref<100096xi32, #tpu.memory_space<vmem>>[vector<16xi32>], vector<16xi32>,
      %eq3A_882 = arith.cmpi eq, %gather3A_881, %broadcast_in_dim3A_850 : vector<16xi32>
      %select_n3A_883 = arith.select %eq3A_882, %get3A_880, %broadcast_in_dim3A_50 : vector<16xi1>, vector<16xf32>
      %add3A_884 = arith.addf %scan3A_842#0, %select_n3A_883 : vector<16xf32>
      %get3A_885 = arith.constant 7 : i32
      %get3A_886 = arith.index_cast %get3A_885 : i32 to index
      %get3A_887 = arith.constant 16 : index
      %get3A_888 = tpu.vector_load %arg12[%get3A_886, %get3A_887] {strides = array<i32>} : memref<8x500xi32, #tpu.memory_space<vmem>>, vector<16xi32>,
      %get3A_889 = arith.constant 7 : i32
      %get3A_890 = arith.index_cast %get3A_889 : i32 to index
      %get3A_891 = arith.constant 16 : index
      %get3A_892 = tpu.vector_load %arg16[%get3A_890, %get3A_891] {strides = array<i32>} : memref<8x500xf32, #tpu.memory_space<vmem>>, vector<16xf32>,
      %gather3A_893 = tpu.vector_load_idx %arg8[%get3A_888] : memref<100096xi32, #tpu.memory_space<vmem>>[vector<16xi32>], vector<16xi32>,
      %eq3A_894 = arith.cmpi eq, %gather3A_893, %broadcast_in_dim3A_850 : vector<16xi32>
      %select_n3A_895 = arith.select %eq3A_894, %get3A_892, %broadcast_in_dim3A_50 : vector<16xi1>, vector<16xf32>
      %add3A_896 = arith.addf %add3A_884, %select_n3A_895 : vector<16xf32>
      %get3A_897 = arith.constant 7 : i32
      %get3A_898 = arith.index_cast %get3A_897 : i32 to index
      %get3A_899 = arith.constant 32 : index
      %get3A_900 = tpu.vector_load %arg12[%get3A_898, %get3A_899] {strides = array<i32>} : memref<8x500xi32, #tpu.memory_space<vmem>>, vector<16xi32>,
      %get3A_901 = arith.constant 7 : i32
      %get3A_902 = arith.index_cast %get3A_901 : i32 to index
      %get3A_903 = arith.constant 32 : index
      %get3A_904 = tpu.vector_load %arg16[%get3A_902, %get3A_903] {strides = array<i32>} : memref<8x500xf32, #tpu.memory_space<vmem>>, vector<16xf32>,
      %gather3A_905 = tpu.vector_load_idx %arg8[%get3A_900] : memref<100096xi32, #tpu.memory_space<vmem>>[vector<16xi32>], vector<16xi32>,
      %eq3A_906 = arith.cmpi eq, %gather3A_905, %broadcast_in_dim3A_850 : vector<16xi32>
      %select_n3A_907 = arith.select %eq3A_906, %get3A_904, %broadcast_in_dim3A_50 : vector<16xi1>, vector<16xf32>
      %add3A_908 = arith.addf %add3A_896, %select_n3A_907 : vector<16xf32>
      %get3A_909 = arith.constant 7 : i32
      %get3A_910 = arith.index_cast %get3A_909 : i32 to index
      %get3A_911 = arith.constant 48 : index
      %get3A_912 = tpu.vector_load %arg12[%get3A_910, %get3A_911] {strides = array<i32>} : memref<8x500xi32, #tpu.memory_space<vmem>>, vector<16xi32>,
      %get3A_913 = arith.constant 7 : i32
      %get3A_914 = arith.index_cast %get3A_913 : i32 to index
      %get3A_915 = arith.constant 48 : index
      %get3A_916 = tpu.vector_load %arg16[%get3A_914, %get3A_915] {strides = array<i32>} : memref<8x500xf32, #tpu.memory_space<vmem>>, vector<16xf32>,
      %gather3A_917 = tpu.vector_load_idx %arg8[%get3A_912] : memref<100096xi32, #tpu.memory_space<vmem>>[vector<16xi32>], vector<16xi32>,
      %eq3A_918 = arith.cmpi eq, %gather3A_917, %broadcast_in_dim3A_850 : vector<16xi32>
      %select_n3A_919 = arith.select %eq3A_918, %get3A_916, %broadcast_in_dim3A_50 : vector<16xi1>, vector<16xf32>
      %add3A_920 = arith.addf %add3A_908, %select_n3A_919 : vector<16xf32>
      %get3A_921 = arith.constant 7 : i32
      %get3A_922 = arith.index_cast %get3A_921 : i32 to index
      %get3A_923 = arith.constant 64 : index
      %get3A_924 = tpu.vector_load %arg12[%get3A_922, %get3A_923] {strides = array<i32>} : memref<8x500xi32, #tpu.memory_space<vmem>>, vector<16xi32>,
      %get3A_925 = arith.constant 7 : i32
      %get3A_926 = arith.index_cast %get3A_925 : i32 to index
      %get3A_927 = arith.constant 64 : index
      %get3A_928 = tpu.vector_load %arg16[%get3A_926, %get3A_927] {strides = array<i32>} : memref<8x500xf32, #tpu.memory_space<vmem>>, vector<16xf32>,
      %gather3A_929 = tpu.vector_load_idx %arg8[%get3A_924] : memref<100096xi32, #tpu.memory_space<vmem>>[vector<16xi32>], vector<16xi32>,
      %eq3A_930 = arith.cmpi eq, %gather3A_929, %broadcast_in_dim3A_850 : vector<16xi32>
      %select_n3A_931 = arith.select %eq3A_930, %get3A_928, %broadcast_in_dim3A_50 : vector<16xi1>, vector<16xf32>
      %add3A_932 = arith.addf %add3A_920, %select_n3A_931 : vector<16xf32>
      %get3A_933 = arith.constant 7 : i32
      %get3A_934 = arith.index_cast %get3A_933 : i32 to index
      %get3A_935 = arith.constant 80 : index
      %get3A_936 = tpu.vector_load %arg12[%get3A_934, %get3A_935] {strides = array<i32>} : memref<8x500xi32, #tpu.memory_space<vmem>>, vector<16xi32>,
      %get3A_937 = arith.constant 7 : i32
      %get3A_938 = arith.index_cast %get3A_937 : i32 to index
      %get3A_939 = arith.constant 80 : index
      %get3A_940 = tpu.vector_load %arg16[%get3A_938, %get3A_939] {strides = array<i32>} : memref<8x500xf32, #tpu.memory_space<vmem>>, vector<16xf32>,
      %gather3A_941 = tpu.vector_load_idx %arg8[%get3A_936] : memref<100096xi32, #tpu.memory_space<vmem>>[vector<16xi32>], vector<16xi32>,
      %eq3A_942 = arith.cmpi eq, %gather3A_941, %broadcast_in_dim3A_850 : vector<16xi32>
      %select_n3A_943 = arith.select %eq3A_942, %get3A_940, %broadcast_in_dim3A_50 : vector<16xi1>, vector<16xf32>
      %add3A_944 = arith.addf %add3A_932, %select_n3A_943 : vector<16xf32>
      %get3A_945 = arith.constant 7 : i32
      %get3A_946 = arith.index_cast %get3A_945 : i32 to index
      %get3A_947 = arith.constant 96 : index
      %get3A_948 = tpu.vector_load %arg12[%get3A_946, %get3A_947] {strides = array<i32>} : memref<8x500xi32, #tpu.memory_space<vmem>>, vector<16xi32>,
      %get3A_949 = arith.constant 7 : i32
      %get3A_950 = arith.index_cast %get3A_949 : i32 to index
      %get3A_951 = arith.constant 96 : index
      %get3A_952 = tpu.vector_load %arg16[%get3A_950, %get3A_951] {strides = array<i32>} : memref<8x500xf32, #tpu.memory_space<vmem>>, vector<16xf32>,
      %gather3A_953 = tpu.vector_load_idx %arg8[%get3A_948] : memref<100096xi32, #tpu.memory_space<vmem>>[vector<16xi32>], vector<16xi32>,
      %eq3A_954 = arith.cmpi eq, %gather3A_953, %broadcast_in_dim3A_850 : vector<16xi32>
      %select_n3A_955 = arith.select %eq3A_954, %get3A_952, %broadcast_in_dim3A_50 : vector<16xi1>, vector<16xf32>
      %add3A_956 = arith.addf %add3A_944, %select_n3A_955 : vector<16xf32>
      %get3A_957 = arith.constant 7 : i32
      %get3A_958 = arith.index_cast %get3A_957 : i32 to index
      %get3A_959 = arith.constant 112 : index
      %get3A_960 = tpu.vector_load %arg12[%get3A_958, %get3A_959] {strides = array<i32>} : memref<8x500xi32, #tpu.memory_space<vmem>>, vector<16xi32>,
      %get3A_961 = arith.constant 7 : i32
      %get3A_962 = arith.index_cast %get3A_961 : i32 to index
      %get3A_963 = arith.constant 112 : index
      %get3A_964 = tpu.vector_load %arg16[%get3A_962, %get3A_963] {strides = array<i32>} : memref<8x500xf32, #tpu.memory_space<vmem>>, vector<16xf32>,
      %gather3A_965 = tpu.vector_load_idx %arg8[%get3A_960] : memref<100096xi32, #tpu.memory_space<vmem>>[vector<16xi32>], vector<16xi32>,
      %eq3A_966 = arith.cmpi eq, %gather3A_965, %broadcast_in_dim3A_850 : vector<16xi32>
      %select_n3A_967 = arith.select %eq3A_966, %get3A_964, %broadcast_in_dim3A_50 : vector<16xi1>, vector<16xf32>
      %add3A_968 = arith.addf %add3A_956, %select_n3A_967 : vector<16xf32>
      %get3A_969 = arith.constant 7 : i32
      %get3A_970 = arith.index_cast %get3A_969 : i32 to index
      %get3A_971 = arith.constant 128 : index
      %get3A_972 = tpu.vector_load %arg12[%get3A_970, %get3A_971] {strides = array<i32>} : memref<8x500xi32, #tpu.memory_space<vmem>>, vector<16xi32>,
      %get3A_973 = arith.constant 7 : i32
      %get3A_974 = arith.index_cast %get3A_973 : i32 to index
      %get3A_975 = arith.constant 128 : index
      %get3A_976 = tpu.vector_load %arg16[%get3A_974, %get3A_975] {strides = array<i32>} : memref<8x500xf32, #tpu.memory_space<vmem>>, vector<16xf32>,
      %gather3A_977 = tpu.vector_load_idx %arg8[%get3A_972] : memref<100096xi32, #tpu.memory_space<vmem>>[vector<16xi32>], vector<16xi32>,
      %eq3A_978 = arith.cmpi eq, %gather3A_977, %broadcast_in_dim3A_850 : vector<16xi32>
      %select_n3A_979 = arith.select %eq3A_978, %get3A_976, %broadcast_in_dim3A_50 : vector<16xi1>, vector<16xf32>
      %add3A_980 = arith.addf %add3A_968, %select_n3A_979 : vector<16xf32>
      %get3A_981 = arith.constant 7 : i32
      %get3A_982 = arith.index_cast %get3A_981 : i32 to index
      %get3A_983 = arith.constant 144 : index
      %get3A_984 = tpu.vector_load %arg12[%get3A_982, %get3A_983] {strides = array<i32>} : memref<8x500xi32, #tpu.memory_space<vmem>>, vector<16xi32>,
      %get3A_985 = arith.constant 7 : i32
      %get3A_986 = arith.index_cast %get3A_985 : i32 to index
      %get3A_987 = arith.constant 144 : index
      %get3A_988 = tpu.vector_load %arg16[%get3A_986, %get3A_987] {strides = array<i32>} : memref<8x500xf32, #tpu.memory_space<vmem>>, vector<16xf32>,
      %gather3A_989 = tpu.vector_load_idx %arg8[%get3A_984] : memref<100096xi32, #tpu.memory_space<vmem>>[vector<16xi32>], vector<16xi32>,
      %eq3A_990 = arith.cmpi eq, %gather3A_989, %broadcast_in_dim3A_850 : vector<16xi32>
      %select_n3A_991 = arith.select %eq3A_990, %get3A_988, %broadcast_in_dim3A_50 : vector<16xi1>, vector<16xf32>
      %add3A_992 = arith.addf %add3A_980, %select_n3A_991 : vector<16xf32>
      %get3A_993 = arith.constant 7 : i32
      %get3A_994 = arith.index_cast %get3A_993 : i32 to index
      %get3A_995 = arith.constant 160 : index
      %get3A_996 = tpu.vector_load %arg12[%get3A_994, %get3A_995] {strides = array<i32>} : memref<8x500xi32, #tpu.memory_space<vmem>>, vector<16xi32>,
      %get3A_997 = arith.constant 7 : i32
      %get3A_998 = arith.index_cast %get3A_997 : i32 to index
      %get3A_999 = arith.constant 160 : index
      %get3A_1000 = tpu.vector_load %arg16[%get3A_998, %get3A_999] {strides = array<i32>} : memref<8x500xf32, #tpu.memory_space<vmem>>, vector<16xf32>,
      %gather3A_1001 = tpu.vector_load_idx %arg8[%get3A_996] : memref<100096xi32, #tpu.memory_space<vmem>>[vector<16xi32>], vector<16xi32>,
      %eq3A_1002 = arith.cmpi eq, %gather3A_1001, %broadcast_in_dim3A_850 : vector<16xi32>
      %select_n3A_1003 = arith.select %eq3A_1002, %get3A_1000, %broadcast_in_dim3A_50 : vector<16xi1>, vector<16xf32>
      %add3A_1004 = arith.addf %add3A_992, %select_n3A_1003 : vector<16xf32>
      %get3A_1005 = arith.constant 7 : i32
      %get3A_1006 = arith.index_cast %get3A_1005 : i32 to index
      %get3A_1007 = arith.constant 176 : index
      %get3A_1008 = tpu.vector_load %arg12[%get3A_1006, %get3A_1007] {strides = array<i32>} : memref<8x500xi32, #tpu.memory_space<vmem>>, vector<16xi32>,
      %get3A_1009 = arith.constant 7 : i32
      %get3A_1010 = arith.index_cast %get3A_1009 : i32 to index
      %get3A_1011 = arith.constant 176 : index
      %get3A_1012 = tpu.vector_load %arg16[%get3A_1010, %get3A_1011] {strides = array<i32>} : memref<8x500xf32, #tpu.memory_space<vmem>>, vector<16xf32>,
      %gather3A_1013 = tpu.vector_load_idx %arg8[%get3A_1008] : memref<100096xi32, #tpu.memory_space<vmem>>[vector<16xi32>], vector<16xi32>,
      %eq3A_1014 = arith.cmpi eq, %gather3A_1013, %broadcast_in_dim3A_850 : vector<16xi32>
      %select_n3A_1015 = arith.select %eq3A_1014, %get3A_1012, %broadcast_in_dim3A_50 : vector<16xi1>, vector<16xf32>
      %add3A_1016 = arith.addf %add3A_1004, %select_n3A_1015 : vector<16xf32>
      %get3A_1017 = arith.constant 7 : i32
      %get3A_1018 = arith.index_cast %get3A_1017 : i32 to index
      %get3A_1019 = arith.constant 192 : index
      %get3A_1020 = tpu.vector_load %arg12[%get3A_1018, %get3A_1019] {strides = array<i32>} : memref<8x500xi32, #tpu.memory_space<vmem>>, vector<16xi32>,
      %get3A_1021 = arith.constant 7 : i32
      %get3A_1022 = arith.index_cast %get3A_1021 : i32 to index
      %get3A_1023 = arith.constant 192 : index
      %get3A_1024 = tpu.vector_load %arg16[%get3A_1022, %get3A_1023] {strides = array<i32>} : memref<8x500xf32, #tpu.memory_space<vmem>>, vector<16xf32>,
      %gather3A_1025 = tpu.vector_load_idx %arg8[%get3A_1020] : memref<100096xi32, #tpu.memory_space<vmem>>[vector<16xi32>], vector<16xi32>,
      %eq3A_1026 = arith.cmpi eq, %gather3A_1025, %broadcast_in_dim3A_850 : vector<16xi32>
      %select_n3A_1027 = arith.select %eq3A_1026, %get3A_1024, %broadcast_in_dim3A_50 : vector<16xi1>, vector<16xf32>
      %add3A_1028 = arith.addf %add3A_1016, %select_n3A_1027 : vector<16xf32>
      %get3A_1029 = arith.constant 7 : i32
      %get3A_1030 = arith.index_cast %get3A_1029 : i32 to index
      %get3A_1031 = arith.constant 208 : index
      %get3A_1032 = tpu.vector_load %arg12[%get3A_1030, %get3A_1031] {strides = array<i32>} : memref<8x500xi32, #tpu.memory_space<vmem>>, vector<16xi32>,
      %get3A_1033 = arith.constant 7 : i32
      %get3A_1034 = arith.index_cast %get3A_1033 : i32 to index
      %get3A_1035 = arith.constant 208 : index
      %get3A_1036 = tpu.vector_load %arg16[%get3A_1034, %get3A_1035] {strides = array<i32>} : memref<8x500xf32, #tpu.memory_space<vmem>>, vector<16xf32>,
      %gather3A_1037 = tpu.vector_load_idx %arg8[%get3A_1032] : memref<100096xi32, #tpu.memory_space<vmem>>[vector<16xi32>], vector<16xi32>,
      %eq3A_1038 = arith.cmpi eq, %gather3A_1037, %broadcast_in_dim3A_850 : vector<16xi32>
      %select_n3A_1039 = arith.select %eq3A_1038, %get3A_1036, %broadcast_in_dim3A_50 : vector<16xi1>, vector<16xf32>
      %add3A_1040 = arith.addf %add3A_1028, %select_n3A_1039 : vector<16xf32>
      %get3A_1041 = arith.constant 7 : i32
      %get3A_1042 = arith.index_cast %get3A_1041 : i32 to index
      %get3A_1043 = arith.constant 224 : index
      %get3A_1044 = tpu.vector_load %arg12[%get3A_1042, %get3A_1043] {strides = array<i32>} : memref<8x500xi32, #tpu.memory_space<vmem>>, vector<16xi32>,
      %get3A_1045 = arith.constant 7 : i32
      %get3A_1046 = arith.index_cast %get3A_1045 : i32 to index
      %get3A_1047 = arith.constant 224 : index
      %get3A_1048 = tpu.vector_load %arg16[%get3A_1046, %get3A_1047] {strides = array<i32>} : memref<8x500xf32, #tpu.memory_space<vmem>>, vector<16xf32>,
      %gather3A_1049 = tpu.vector_load_idx %arg8[%get3A_1044] : memref<100096xi32, #tpu.memory_space<vmem>>[vector<16xi32>], vector<16xi32>,
      %eq3A_1050 = arith.cmpi eq, %gather3A_1049, %broadcast_in_dim3A_850 : vector<16xi32>
      %select_n3A_1051 = arith.select %eq3A_1050, %get3A_1048, %broadcast_in_dim3A_50 : vector<16xi1>, vector<16xf32>
      %add3A_1052 = arith.addf %add3A_1040, %select_n3A_1051 : vector<16xf32>
      %get3A_1053 = arith.constant 7 : i32
      %get3A_1054 = arith.index_cast %get3A_1053 : i32 to index
      %get3A_1055 = arith.constant 240 : index
      %get3A_1056 = tpu.vector_load %arg12[%get3A_1054, %get3A_1055] {strides = array<i32>} : memref<8x500xi32, #tpu.memory_space<vmem>>, vector<16xi32>,
      %get3A_1057 = arith.constant 7 : i32
      %get3A_1058 = arith.index_cast %get3A_1057 : i32 to index
      %get3A_1059 = arith.constant 240 : index
      %get3A_1060 = tpu.vector_load %arg16[%get3A_1058, %get3A_1059] {strides = array<i32>} : memref<8x500xf32, #tpu.memory_space<vmem>>, vector<16xf32>,
      %gather3A_1061 = tpu.vector_load_idx %arg8[%get3A_1056] : memref<100096xi32, #tpu.memory_space<vmem>>[vector<16xi32>], vector<16xi32>,
      %eq3A_1062 = arith.cmpi eq, %gather3A_1061, %broadcast_in_dim3A_850 : vector<16xi32>
      %select_n3A_1063 = arith.select %eq3A_1062, %get3A_1060, %broadcast_in_dim3A_50 : vector<16xi1>, vector<16xf32>
      %add3A_1064 = arith.addf %add3A_1052, %select_n3A_1063 : vector<16xf32>
      %get3A_1065 = arith.constant 7 : i32
      %get3A_1066 = arith.index_cast %get3A_1065 : i32 to index
      %get3A_1067 = arith.constant 256 : index
      %get3A_1068 = tpu.vector_load %arg12[%get3A_1066, %get3A_1067] {strides = array<i32>} : memref<8x500xi32, #tpu.memory_space<vmem>>, vector<16xi32>,
      %get3A_1069 = arith.constant 7 : i32
      %get3A_1070 = arith.index_cast %get3A_1069 : i32 to index
      %get3A_1071 = arith.constant 256 : index
      %get3A_1072 = tpu.vector_load %arg16[%get3A_1070, %get3A_1071] {strides = array<i32>} : memref<8x500xf32, #tpu.memory_space<vmem>>, vector<16xf32>,
      %gather3A_1073 = tpu.vector_load_idx %arg8[%get3A_1068] : memref<100096xi32, #tpu.memory_space<vmem>>[vector<16xi32>], vector<16xi32>,
      %eq3A_1074 = arith.cmpi eq, %gather3A_1073, %broadcast_in_dim3A_850 : vector<16xi32>
      %select_n3A_1075 = arith.select %eq3A_1074, %get3A_1072, %broadcast_in_dim3A_50 : vector<16xi1>, vector<16xf32>
      %add3A_1076 = arith.addf %add3A_1064, %select_n3A_1075 : vector<16xf32>
      %get3A_1077 = arith.constant 7 : i32
      %get3A_1078 = arith.index_cast %get3A_1077 : i32 to index
      %get3A_1079 = arith.constant 272 : index
      %get3A_1080 = tpu.vector_load %arg12[%get3A_1078, %get3A_1079] {strides = array<i32>} : memref<8x500xi32, #tpu.memory_space<vmem>>, vector<16xi32>,
      %get3A_1081 = arith.constant 7 : i32
      %get3A_1082 = arith.index_cast %get3A_1081 : i32 to index
      %get3A_1083 = arith.constant 272 : index
      %get3A_1084 = tpu.vector_load %arg16[%get3A_1082, %get3A_1083] {strides = array<i32>} : memref<8x500xf32, #tpu.memory_space<vmem>>, vector<16xf32>,
      %gather3A_1085 = tpu.vector_load_idx %arg8[%get3A_1080] : memref<100096xi32, #tpu.memory_space<vmem>>[vector<16xi32>], vector<16xi32>,
      %eq3A_1086 = arith.cmpi eq, %gather3A_1085, %broadcast_in_dim3A_850 : vector<16xi32>
      %select_n3A_1087 = arith.select %eq3A_1086, %get3A_1084, %broadcast_in_dim3A_50 : vector<16xi1>, vector<16xf32>
      %add3A_1088 = arith.addf %add3A_1076, %select_n3A_1087 : vector<16xf32>
      %get3A_1089 = arith.constant 7 : i32
      %get3A_1090 = arith.index_cast %get3A_1089 : i32 to index
      %get3A_1091 = arith.constant 288 : index
      %get3A_1092 = tpu.vector_load %arg12[%get3A_1090, %get3A_1091] {strides = array<i32>} : memref<8x500xi32, #tpu.memory_space<vmem>>, vector<16xi32>,
      %get3A_1093 = arith.constant 7 : i32
      %get3A_1094 = arith.index_cast %get3A_1093 : i32 to index
      %get3A_1095 = arith.constant 288 : index
      %get3A_1096 = tpu.vector_load %arg16[%get3A_1094, %get3A_1095] {strides = array<i32>} : memref<8x500xf32, #tpu.memory_space<vmem>>, vector<16xf32>,
      %gather3A_1097 = tpu.vector_load_idx %arg8[%get3A_1092] : memref<100096xi32, #tpu.memory_space<vmem>>[vector<16xi32>], vector<16xi32>,
      %eq3A_1098 = arith.cmpi eq, %gather3A_1097, %broadcast_in_dim3A_850 : vector<16xi32>
      %select_n3A_1099 = arith.select %eq3A_1098, %get3A_1096, %broadcast_in_dim3A_50 : vector<16xi1>, vector<16xf32>
      %add3A_1100 = arith.addf %add3A_1088, %select_n3A_1099 : vector<16xf32>
      %get3A_1101 = arith.constant 7 : i32
      %get3A_1102 = arith.index_cast %get3A_1101 : i32 to index
      %get3A_1103 = arith.constant 304 : index
      %get3A_1104 = tpu.vector_load %arg12[%get3A_1102, %get3A_1103] {strides = array<i32>} : memref<8x500xi32, #tpu.memory_space<vmem>>, vector<16xi32>,
      %get3A_1105 = arith.constant 7 : i32
      %get3A_1106 = arith.index_cast %get3A_1105 : i32 to index
      %get3A_1107 = arith.constant 304 : index
      %get3A_1108 = tpu.vector_load %arg16[%get3A_1106, %get3A_1107] {strides = array<i32>} : memref<8x500xf32, #tpu.memory_space<vmem>>, vector<16xf32>,
      %gather3A_1109 = tpu.vector_load_idx %arg8[%get3A_1104] : memref<100096xi32, #tpu.memory_space<vmem>>[vector<16xi32>], vector<16xi32>,
      %eq3A_1110 = arith.cmpi eq, %gather3A_1109, %broadcast_in_dim3A_850 : vector<16xi32>
      %select_n3A_1111 = arith.select %eq3A_1110, %get3A_1108, %broadcast_in_dim3A_50 : vector<16xi1>, vector<16xf32>
      %add3A_1112 = arith.addf %add3A_1100, %select_n3A_1111 : vector<16xf32>
      %get3A_1113 = arith.constant 7 : i32
      %get3A_1114 = arith.index_cast %get3A_1113 : i32 to index
      %get3A_1115 = arith.constant 320 : index
      %get3A_1116 = tpu.vector_load %arg12[%get3A_1114, %get3A_1115] {strides = array<i32>} : memref<8x500xi32, #tpu.memory_space<vmem>>, vector<16xi32>,
      %get3A_1117 = arith.constant 7 : i32
      %get3A_1118 = arith.index_cast %get3A_1117 : i32 to index
      %get3A_1119 = arith.constant 320 : index
      %get3A_1120 = tpu.vector_load %arg16[%get3A_1118, %get3A_1119] {strides = array<i32>} : memref<8x500xf32, #tpu.memory_space<vmem>>, vector<16xf32>,
      %gather3A_1121 = tpu.vector_load_idx %arg8[%get3A_1116] : memref<100096xi32, #tpu.memory_space<vmem>>[vector<16xi32>], vector<16xi32>,
      %eq3A_1122 = arith.cmpi eq, %gather3A_1121, %broadcast_in_dim3A_850 : vector<16xi32>
      %select_n3A_1123 = arith.select %eq3A_1122, %get3A_1120, %broadcast_in_dim3A_50 : vector<16xi1>, vector<16xf32>
      %add3A_1124 = arith.addf %add3A_1112, %select_n3A_1123 : vector<16xf32>
      %get3A_1125 = arith.constant 7 : i32
      %get3A_1126 = arith.index_cast %get3A_1125 : i32 to index
      %get3A_1127 = arith.constant 336 : index
      %get3A_1128 = tpu.vector_load %arg12[%get3A_1126, %get3A_1127] {strides = array<i32>} : memref<8x500xi32, #tpu.memory_space<vmem>>, vector<16xi32>,
      %get3A_1129 = arith.constant 7 : i32
      %get3A_1130 = arith.index_cast %get3A_1129 : i32 to index
      %get3A_1131 = arith.constant 336 : index
      %get3A_1132 = tpu.vector_load %arg16[%get3A_1130, %get3A_1131] {strides = array<i32>} : memref<8x500xf32, #tpu.memory_space<vmem>>, vector<16xf32>,
      %gather3A_1133 = tpu.vector_load_idx %arg8[%get3A_1128] : memref<100096xi32, #tpu.memory_space<vmem>>[vector<16xi32>], vector<16xi32>,
      %eq3A_1134 = arith.cmpi eq, %gather3A_1133, %broadcast_in_dim3A_850 : vector<16xi32>
      %select_n3A_1135 = arith.select %eq3A_1134, %get3A_1132, %broadcast_in_dim3A_50 : vector<16xi1>, vector<16xf32>
      %add3A_1136 = arith.addf %add3A_1124, %select_n3A_1135 : vector<16xf32>
      %get3A_1137 = arith.constant 7 : i32
      %get3A_1138 = arith.index_cast %get3A_1137 : i32 to index
      %get3A_1139 = arith.constant 352 : index
      %get3A_1140 = tpu.vector_load %arg12[%get3A_1138, %get3A_1139] {strides = array<i32>} : memref<8x500xi32, #tpu.memory_space<vmem>>, vector<16xi32>,
      %get3A_1141 = arith.constant 7 : i32
      %get3A_1142 = arith.index_cast %get3A_1141 : i32 to index
      %get3A_1143 = arith.constant 352 : index
      %get3A_1144 = tpu.vector_load %arg16[%get3A_1142, %get3A_1143] {strides = array<i32>} : memref<8x500xf32, #tpu.memory_space<vmem>>, vector<16xf32>,
      %gather3A_1145 = tpu.vector_load_idx %arg8[%get3A_1140] : memref<100096xi32, #tpu.memory_space<vmem>>[vector<16xi32>], vector<16xi32>,
      %eq3A_1146 = arith.cmpi eq, %gather3A_1145, %broadcast_in_dim3A_850 : vector<16xi32>
      %select_n3A_1147 = arith.select %eq3A_1146, %get3A_1144, %broadcast_in_dim3A_50 : vector<16xi1>, vector<16xf32>
      %add3A_1148 = arith.addf %add3A_1136, %select_n3A_1147 : vector<16xf32>
      %get3A_1149 = arith.constant 7 : i32
      %get3A_1150 = arith.index_cast %get3A_1149 : i32 to index
      %get3A_1151 = arith.constant 368 : index
      %get3A_1152 = tpu.vector_load %arg12[%get3A_1150, %get3A_1151] {strides = array<i32>} : memref<8x500xi32, #tpu.memory_space<vmem>>, vector<16xi32>,
      %get3A_1153 = arith.constant 7 : i32
      %get3A_1154 = arith.index_cast %get3A_1153 : i32 to index
      %get3A_1155 = arith.constant 368 : index
      %get3A_1156 = tpu.vector_load %arg16[%get3A_1154, %get3A_1155] {strides = array<i32>} : memref<8x500xf32, #tpu.memory_space<vmem>>, vector<16xf32>,
      %gather3A_1157 = tpu.vector_load_idx %arg8[%get3A_1152] : memref<100096xi32, #tpu.memory_space<vmem>>[vector<16xi32>], vector<16xi32>,
      %eq3A_1158 = arith.cmpi eq, %gather3A_1157, %broadcast_in_dim3A_850 : vector<16xi32>
      %select_n3A_1159 = arith.select %eq3A_1158, %get3A_1156, %broadcast_in_dim3A_50 : vector<16xi1>, vector<16xf32>
      %add3A_1160 = arith.addf %add3A_1148, %select_n3A_1159 : vector<16xf32>
      %get3A_1161 = arith.constant 7 : i32
      %get3A_1162 = arith.index_cast %get3A_1161 : i32 to index
      %get3A_1163 = arith.constant 384 : index
      %get3A_1164 = tpu.vector_load %arg12[%get3A_1162, %get3A_1163] {strides = array<i32>} : memref<8x500xi32, #tpu.memory_space<vmem>>, vector<16xi32>,
      %get3A_1165 = arith.constant 7 : i32
      %get3A_1166 = arith.index_cast %get3A_1165 : i32 to index
      %get3A_1167 = arith.constant 384 : index
      %get3A_1168 = tpu.vector_load %arg16[%get3A_1166, %get3A_1167] {strides = array<i32>} : memref<8x500xf32, #tpu.memory_space<vmem>>, vector<16xf32>,
      %gather3A_1169 = tpu.vector_load_idx %arg8[%get3A_1164] : memref<100096xi32, #tpu.memory_space<vmem>>[vector<16xi32>], vector<16xi32>,
      %eq3A_1170 = arith.cmpi eq, %gather3A_1169, %broadcast_in_dim3A_850 : vector<16xi32>
      %select_n3A_1171 = arith.select %eq3A_1170, %get3A_1168, %broadcast_in_dim3A_50 : vector<16xi1>, vector<16xf32>
      %add3A_1172 = arith.addf %add3A_1160, %select_n3A_1171 : vector<16xf32>
      %get3A_1173 = arith.constant 7 : i32
      %get3A_1174 = arith.index_cast %get3A_1173 : i32 to index
      %get3A_1175 = arith.constant 400 : index
      %get3A_1176 = tpu.vector_load %arg12[%get3A_1174, %get3A_1175] {strides = array<i32>} : memref<8x500xi32, #tpu.memory_space<vmem>>, vector<16xi32>,
      %get3A_1177 = arith.constant 7 : i32
      %get3A_1178 = arith.index_cast %get3A_1177 : i32 to index
      %get3A_1179 = arith.constant 400 : index
      %get3A_1180 = tpu.vector_load %arg16[%get3A_1178, %get3A_1179] {strides = array<i32>} : memref<8x500xf32, #tpu.memory_space<vmem>>, vector<16xf32>,
      %gather3A_1181 = tpu.vector_load_idx %arg8[%get3A_1176] : memref<100096xi32, #tpu.memory_space<vmem>>[vector<16xi32>], vector<16xi32>,
      %eq3A_1182 = arith.cmpi eq, %gather3A_1181, %broadcast_in_dim3A_850 : vector<16xi32>
      %select_n3A_1183 = arith.select %eq3A_1182, %get3A_1180, %broadcast_in_dim3A_50 : vector<16xi1>, vector<16xf32>
      %add3A_1184 = arith.addf %add3A_1172, %select_n3A_1183 : vector<16xf32>
      %get3A_1185 = arith.constant 7 : i32
      %get3A_1186 = arith.index_cast %get3A_1185 : i32 to index
      %get3A_1187 = arith.constant 416 : index
      %get3A_1188 = tpu.vector_load %arg12[%get3A_1186, %get3A_1187] {strides = array<i32>} : memref<8x500xi32, #tpu.memory_space<vmem>>, vector<16xi32>,
      %get3A_1189 = arith.constant 7 : i32
      %get3A_1190 = arith.index_cast %get3A_1189 : i32 to index
      %get3A_1191 = arith.constant 416 : index
      %get3A_1192 = tpu.vector_load %arg16[%get3A_1190, %get3A_1191] {strides = array<i32>} : memref<8x500xf32, #tpu.memory_space<vmem>>, vector<16xf32>,
      %gather3A_1193 = tpu.vector_load_idx %arg8[%get3A_1188] : memref<100096xi32, #tpu.memory_space<vmem>>[vector<16xi32>], vector<16xi32>,
      %eq3A_1194 = arith.cmpi eq, %gather3A_1193, %broadcast_in_dim3A_850 : vector<16xi32>
      %select_n3A_1195 = arith.select %eq3A_1194, %get3A_1192, %broadcast_in_dim3A_50 : vector<16xi1>, vector<16xf32>
      %add3A_1196 = arith.addf %add3A_1184, %select_n3A_1195 : vector<16xf32>
      %get3A_1197 = arith.constant 7 : i32
      %get3A_1198 = arith.index_cast %get3A_1197 : i32 to index
      %get3A_1199 = arith.constant 432 : index
      %get3A_1200 = tpu.vector_load %arg12[%get3A_1198, %get3A_1199] {strides = array<i32>} : memref<8x500xi32, #tpu.memory_space<vmem>>, vector<16xi32>,
      %get3A_1201 = arith.constant 7 : i32
      %get3A_1202 = arith.index_cast %get3A_1201 : i32 to index
      %get3A_1203 = arith.constant 432 : index
      %get3A_1204 = tpu.vector_load %arg16[%get3A_1202, %get3A_1203] {strides = array<i32>} : memref<8x500xf32, #tpu.memory_space<vmem>>, vector<16xf32>,
      %gather3A_1205 = tpu.vector_load_idx %arg8[%get3A_1200] : memref<100096xi32, #tpu.memory_space<vmem>>[vector<16xi32>], vector<16xi32>,
      %eq3A_1206 = arith.cmpi eq, %gather3A_1205, %broadcast_in_dim3A_850 : vector<16xi32>
      %select_n3A_1207 = arith.select %eq3A_1206, %get3A_1204, %broadcast_in_dim3A_50 : vector<16xi1>, vector<16xf32>
      %add3A_1208 = arith.addf %add3A_1196, %select_n3A_1207 : vector<16xf32>
      %get3A_1209 = arith.constant 7 : i32
      %get3A_1210 = arith.index_cast %get3A_1209 : i32 to index
      %get3A_1211 = arith.constant 448 : index
      %get3A_1212 = tpu.vector_load %arg12[%get3A_1210, %get3A_1211] {strides = array<i32>} : memref<8x500xi32, #tpu.memory_space<vmem>>, vector<16xi32>,
      %get3A_1213 = arith.constant 7 : i32
      %get3A_1214 = arith.index_cast %get3A_1213 : i32 to index
      %get3A_1215 = arith.constant 448 : index
      %get3A_1216 = tpu.vector_load %arg16[%get3A_1214, %get3A_1215] {strides = array<i32>} : memref<8x500xf32, #tpu.memory_space<vmem>>, vector<16xf32>,
      %gather3A_1217 = tpu.vector_load_idx %arg8[%get3A_1212] : memref<100096xi32, #tpu.memory_space<vmem>>[vector<16xi32>], vector<16xi32>,
      %eq3A_1218 = arith.cmpi eq, %gather3A_1217, %broadcast_in_dim3A_850 : vector<16xi32>
      %select_n3A_1219 = arith.select %eq3A_1218, %get3A_1216, %broadcast_in_dim3A_50 : vector<16xi1>, vector<16xf32>
      %add3A_1220 = arith.addf %add3A_1208, %select_n3A_1219 : vector<16xf32>
      %get3A_1221 = arith.constant 7 : i32
      %get3A_1222 = arith.index_cast %get3A_1221 : i32 to index
      %get3A_1223 = arith.constant 464 : index
      %get3A_1224 = tpu.vector_load %arg12[%get3A_1222, %get3A_1223] {strides = array<i32>} : memref<8x500xi32, #tpu.memory_space<vmem>>, vector<16xi32>,
      %get3A_1225 = arith.constant 7 : i32
      %get3A_1226 = arith.index_cast %get3A_1225 : i32 to index
      %get3A_1227 = arith.constant 464 : index
      %get3A_1228 = tpu.vector_load %arg16[%get3A_1226, %get3A_1227] {strides = array<i32>} : memref<8x500xf32, #tpu.memory_space<vmem>>, vector<16xf32>,
      %gather3A_1229 = tpu.vector_load_idx %arg8[%get3A_1224] : memref<100096xi32, #tpu.memory_space<vmem>>[vector<16xi32>], vector<16xi32>,
      %eq3A_1230 = arith.cmpi eq, %gather3A_1229, %broadcast_in_dim3A_850 : vector<16xi32>
      %select_n3A_1231 = arith.select %eq3A_1230, %get3A_1228, %broadcast_in_dim3A_50 : vector<16xi1>, vector<16xf32>
      %add3A_1232 = arith.addf %add3A_1220, %select_n3A_1231 : vector<16xf32>
      %get3A_1233 = arith.constant 7 : i32
      %get3A_1234 = arith.index_cast %get3A_1233 : i32 to index
      %get3A_1235 = arith.constant 480 : index
      %get3A_1236 = tpu.vector_load %arg12[%get3A_1234, %get3A_1235] {strides = array<i32>} : memref<8x500xi32, #tpu.memory_space<vmem>>, vector<16xi32>,
      %get3A_1237 = arith.constant 7 : i32
      %get3A_1238 = arith.index_cast %get3A_1237 : i32 to index
      %get3A_1239 = arith.constant 480 : index
      %get3A_1240 = tpu.vector_load %arg16[%get3A_1238, %get3A_1239] {strides = array<i32>} : memref<8x500xf32, #tpu.memory_space<vmem>>, vector<16xf32>,
      %gather3A_1241 = tpu.vector_load_idx %arg8[%get3A_1236] : memref<100096xi32, #tpu.memory_space<vmem>>[vector<16xi32>], vector<16xi32>,
      %eq3A_1242 = arith.cmpi eq, %gather3A_1241, %broadcast_in_dim3A_850 : vector<16xi32>
      %select_n3A_1243 = arith.select %eq3A_1242, %get3A_1240, %broadcast_in_dim3A_50 : vector<16xi1>, vector<16xf32>
      %add3A_1244 = arith.addf %add3A_1232, %select_n3A_1243 : vector<16xf32>
      %gather3A_1245 = tpu.vector_load_idx %arg12[%broadcast_in_dim3A_852, %min3A_72] : memref<8x500xi32, #tpu.memory_space<vmem>>[vector<16xi32>, vector<16xi32>], vector<16xi32>,
      %select_n3A_1246 = arith.select %lt3A_58, %gather3A_1245, %broadcast_in_dim3A_56 : vector<16xi1>, vector<16xi32>
      %gather3A_1247 = tpu.vector_load_idx %arg16[%broadcast_in_dim3A_852, %min3A_72] : memref<8x500xf32, #tpu.memory_space<vmem>>[vector<16xi32>, vector<16xi32>], vector<16xf32>,
      %gather3A_1248 = tpu.vector_load_idx %arg8[%select_n3A_1246] : memref<100096xi32, #tpu.memory_space<vmem>>[vector<16xi32>], vector<16xi32>,
      %eq3A_1249 = arith.cmpi eq, %gather3A_1248, %broadcast_in_dim3A_850 : vector<16xi32>
      %select_n3A_1250 = arith.select %eq3A_1249, %gather3A_1247, %broadcast_in_dim3A_50 : vector<16xi1>, vector<16xf32>
      %add3A_1251 = arith.addf %add3A_1244, %select_n3A_1250 : vector<16xf32>
      %mul3A_1252 = arith.constant 8 : i32
      %mul3A_1253 = arith.muli %min3A_847, %mul3A_1252 : i32
      %add3A_1254 = arith.addi %mul3A_2, %mul3A_1253 : i32
      %dma_start3A_1255 = arith.constant 0 : i32
      %dma_start3A_1256 = tpu.memref_slice %arg5[%add3A_1254, %dma_start3A_1255] : memref<4096x500xf32, #tpu.memory_space<hbm>> -> memref<8x500xf32, #tpu.memory_space<hbm>>
      %dma_start3A_1257 = arith.constant 0 : i32
      %dma_start3A_1258 = tpu.memref_slice %arg5[%add3A_1254, %dma_start3A_1257] : memref<4096x500xf32, #tpu.memory_space<hbm>> -> memref<8x500xf32, #tpu.memory_space<hbm>>
      tpu.enqueue_dma source(%dma_start3A_1258 : memref<8x500xf32, #tpu.memory_space<hbm>>) target(%arg16 : memref<8x500xf32, #tpu.memory_space<vmem>>) target_semaphore(%arg24 : memref<!tpu.dma_semaphore, #tpu.memory_space<semaphore_mem>>)
      %get3A_1259 = arith.constant 7 : i32
      %get3A_1260 = arith.index_cast %get3A_1259 : i32 to index
      %get3A_1261 = arith.constant 0 : index
      %get3A_1262 = tpu.vector_load %arg13[%get3A_1260, %get3A_1261] {strides = array<i32>} : memref<8x200xi32, #tpu.memory_space<vmem>>, vector<16xi32>,
      %get3A_1263 = arith.constant 7 : i32
      %get3A_1264 = arith.index_cast %get3A_1263 : i32 to index
      %get3A_1265 = arith.constant 0 : index
      %get3A_1266 = tpu.vector_load %arg14[%get3A_1264, %get3A_1265] {strides = array<i32>} : memref<8x200xf32, #tpu.memory_space<vmem>>, vector<16xf32>,
      %gather3A_1267 = tpu.vector_load_idx %arg8[%get3A_1262] : memref<100096xi32, #tpu.memory_space<vmem>>[vector<16xi32>], vector<16xi32>,
      %eq3A_1268 = arith.cmpi eq, %gather3A_1267, %broadcast_in_dim3A_850 : vector<16xi32>
      %select_n3A_1269 = arith.select %eq3A_1268, %get3A_1266, %broadcast_in_dim3A_50 : vector<16xi1>, vector<16xf32>
      %add3A_1270 = arith.addf %scan3A_842#1, %select_n3A_1269 : vector<16xf32>
      %select_n3A_1271 = arith.select %eq3A_1268, %broadcast_in_dim3A_54, %broadcast_in_dim3A_52 : vector<16xi1>, vector<16xi32>
      %add3A_1272 = arith.addi %broadcast_in_dim3A_52, %select_n3A_1271 : vector<16xi32>
      %get3A_1273 = arith.constant 7 : i32
      %get3A_1274 = arith.index_cast %get3A_1273 : i32 to index
      %get3A_1275 = arith.constant 16 : index
      %get3A_1276 = tpu.vector_load %arg13[%get3A_1274, %get3A_1275] {strides = array<i32>} : memref<8x200xi32, #tpu.memory_space<vmem>>, vector<16xi32>,
      %get3A_1277 = arith.constant 7 : i32
      %get3A_1278 = arith.index_cast %get3A_1277 : i32 to index
      %get3A_1279 = arith.constant 16 : index
      %get3A_1280 = tpu.vector_load %arg14[%get3A_1278, %get3A_1279] {strides = array<i32>} : memref<8x200xf32, #tpu.memory_space<vmem>>, vector<16xf32>,
      %gather3A_1281 = tpu.vector_load_idx %arg8[%get3A_1276] : memref<100096xi32, #tpu.memory_space<vmem>>[vector<16xi32>], vector<16xi32>,
      %eq3A_1282 = arith.cmpi eq, %gather3A_1281, %broadcast_in_dim3A_850 : vector<16xi32>
      %select_n3A_1283 = arith.select %eq3A_1282, %get3A_1280, %broadcast_in_dim3A_50 : vector<16xi1>, vector<16xf32>
      %add3A_1284 = arith.addf %add3A_1270, %select_n3A_1283 : vector<16xf32>
      %select_n3A_1285 = arith.select %eq3A_1282, %broadcast_in_dim3A_54, %broadcast_in_dim3A_52 : vector<16xi1>, vector<16xi32>
      %add3A_1286 = arith.addi %add3A_1272, %select_n3A_1285 : vector<16xi32>
      %get3A_1287 = arith.constant 7 : i32
      %get3A_1288 = arith.index_cast %get3A_1287 : i32 to index
      %get3A_1289 = arith.constant 32 : index
      %get3A_1290 = tpu.vector_load %arg13[%get3A_1288, %get3A_1289] {strides = array<i32>} : memref<8x200xi32, #tpu.memory_space<vmem>>, vector<16xi32>,
      %get3A_1291 = arith.constant 7 : i32
      %get3A_1292 = arith.index_cast %get3A_1291 : i32 to index
      %get3A_1293 = arith.constant 32 : index
      %get3A_1294 = tpu.vector_load %arg14[%get3A_1292, %get3A_1293] {strides = array<i32>} : memref<8x200xf32, #tpu.memory_space<vmem>>, vector<16xf32>,
      %gather3A_1295 = tpu.vector_load_idx %arg8[%get3A_1290] : memref<100096xi32, #tpu.memory_space<vmem>>[vector<16xi32>], vector<16xi32>,
      %eq3A_1296 = arith.cmpi eq, %gather3A_1295, %broadcast_in_dim3A_850 : vector<16xi32>
      %select_n3A_1297 = arith.select %eq3A_1296, %get3A_1294, %broadcast_in_dim3A_50 : vector<16xi1>, vector<16xf32>
      %add3A_1298 = arith.addf %add3A_1284, %select_n3A_1297 : vector<16xf32>
      %select_n3A_1299 = arith.select %eq3A_1296, %broadcast_in_dim3A_54, %broadcast_in_dim3A_52 : vector<16xi1>, vector<16xi32>
      %add3A_1300 = arith.addi %add3A_1286, %select_n3A_1299 : vector<16xi32>
      %get3A_1301 = arith.constant 7 : i32
      %get3A_1302 = arith.index_cast %get3A_1301 : i32 to index
      %get3A_1303 = arith.constant 48 : index
      %get3A_1304 = tpu.vector_load %arg13[%get3A_1302, %get3A_1303] {strides = array<i32>} : memref<8x200xi32, #tpu.memory_space<vmem>>, vector<16xi32>,
      %get3A_1305 = arith.constant 7 : i32
      %get3A_1306 = arith.index_cast %get3A_1305 : i32 to index
      %get3A_1307 = arith.constant 48 : index
      %get3A_1308 = tpu.vector_load %arg14[%get3A_1306, %get3A_1307] {strides = array<i32>} : memref<8x200xf32, #tpu.memory_space<vmem>>, vector<16xf32>,
      %gather3A_1309 = tpu.vector_load_idx %arg8[%get3A_1304] : memref<100096xi32, #tpu.memory_space<vmem>>[vector<16xi32>], vector<16xi32>,
      %eq3A_1310 = arith.cmpi eq, %gather3A_1309, %broadcast_in_dim3A_850 : vector<16xi32>
      %select_n3A_1311 = arith.select %eq3A_1310, %get3A_1308, %broadcast_in_dim3A_50 : vector<16xi1>, vector<16xf32>
      %add3A_1312 = arith.addf %add3A_1298, %select_n3A_1311 : vector<16xf32>
      %select_n3A_1313 = arith.select %eq3A_1310, %broadcast_in_dim3A_54, %broadcast_in_dim3A_52 : vector<16xi1>, vector<16xi32>
      %add3A_1314 = arith.addi %add3A_1300, %select_n3A_1313 : vector<16xi32>
      %get3A_1315 = arith.constant 7 : i32
      %get3A_1316 = arith.index_cast %get3A_1315 : i32 to index
      %get3A_1317 = arith.constant 64 : index
      %get3A_1318 = tpu.vector_load %arg13[%get3A_1316, %get3A_1317] {strides = array<i32>} : memref<8x200xi32, #tpu.memory_space<vmem>>, vector<16xi32>,
      %get3A_1319 = arith.constant 7 : i32
      %get3A_1320 = arith.index_cast %get3A_1319 : i32 to index
      %get3A_1321 = arith.constant 64 : index
      %get3A_1322 = tpu.vector_load %arg14[%get3A_1320, %get3A_1321] {strides = array<i32>} : memref<8x200xf32, #tpu.memory_space<vmem>>, vector<16xf32>,
      %gather3A_1323 = tpu.vector_load_idx %arg8[%get3A_1318] : memref<100096xi32, #tpu.memory_space<vmem>>[vector<16xi32>], vector<16xi32>,
      %eq3A_1324 = arith.cmpi eq, %gather3A_1323, %broadcast_in_dim3A_850 : vector<16xi32>
      %select_n3A_1325 = arith.select %eq3A_1324, %get3A_1322, %broadcast_in_dim3A_50 : vector<16xi1>, vector<16xf32>
      %add3A_1326 = arith.addf %add3A_1312, %select_n3A_1325 : vector<16xf32>
      %select_n3A_1327 = arith.select %eq3A_1324, %broadcast_in_dim3A_54, %broadcast_in_dim3A_52 : vector<16xi1>, vector<16xi32>
      %add3A_1328 = arith.addi %add3A_1314, %select_n3A_1327 : vector<16xi32>
      %get3A_1329 = arith.constant 7 : i32
      %get3A_1330 = arith.index_cast %get3A_1329 : i32 to index
      %get3A_1331 = arith.constant 80 : index
      %get3A_1332 = tpu.vector_load %arg13[%get3A_1330, %get3A_1331] {strides = array<i32>} : memref<8x200xi32, #tpu.memory_space<vmem>>, vector<16xi32>,
      %get3A_1333 = arith.constant 7 : i32
      %get3A_1334 = arith.index_cast %get3A_1333 : i32 to index
      %get3A_1335 = arith.constant 80 : index
      %get3A_1336 = tpu.vector_load %arg14[%get3A_1334, %get3A_1335] {strides = array<i32>} : memref<8x200xf32, #tpu.memory_space<vmem>>, vector<16xf32>,
      %gather3A_1337 = tpu.vector_load_idx %arg8[%get3A_1332] : memref<100096xi32, #tpu.memory_space<vmem>>[vector<16xi32>], vector<16xi32>,
      %eq3A_1338 = arith.cmpi eq, %gather3A_1337, %broadcast_in_dim3A_850 : vector<16xi32>
      %select_n3A_1339 = arith.select %eq3A_1338, %get3A_1336, %broadcast_in_dim3A_50 : vector<16xi1>, vector<16xf32>
      %add3A_1340 = arith.addf %add3A_1326, %select_n3A_1339 : vector<16xf32>
      %select_n3A_1341 = arith.select %eq3A_1338, %broadcast_in_dim3A_54, %broadcast_in_dim3A_52 : vector<16xi1>, vector<16xi32>
      %add3A_1342 = arith.addi %add3A_1328, %select_n3A_1341 : vector<16xi32>
      %get3A_1343 = arith.constant 7 : i32
      %get3A_1344 = arith.index_cast %get3A_1343 : i32 to index
      %get3A_1345 = arith.constant 96 : index
      %get3A_1346 = tpu.vector_load %arg13[%get3A_1344, %get3A_1345] {strides = array<i32>} : memref<8x200xi32, #tpu.memory_space<vmem>>, vector<16xi32>,
      %get3A_1347 = arith.constant 7 : i32
      %get3A_1348 = arith.index_cast %get3A_1347 : i32 to index
      %get3A_1349 = arith.constant 96 : index
      %get3A_1350 = tpu.vector_load %arg14[%get3A_1348, %get3A_1349] {strides = array<i32>} : memref<8x200xf32, #tpu.memory_space<vmem>>, vector<16xf32>,
      %gather3A_1351 = tpu.vector_load_idx %arg8[%get3A_1346] : memref<100096xi32, #tpu.memory_space<vmem>>[vector<16xi32>], vector<16xi32>,
      %eq3A_1352 = arith.cmpi eq, %gather3A_1351, %broadcast_in_dim3A_850 : vector<16xi32>
      %select_n3A_1353 = arith.select %eq3A_1352, %get3A_1350, %broadcast_in_dim3A_50 : vector<16xi1>, vector<16xf32>
      %add3A_1354 = arith.addf %add3A_1340, %select_n3A_1353 : vector<16xf32>
      %select_n3A_1355 = arith.select %eq3A_1352, %broadcast_in_dim3A_54, %broadcast_in_dim3A_52 : vector<16xi1>, vector<16xi32>
      %add3A_1356 = arith.addi %add3A_1342, %select_n3A_1355 : vector<16xi32>
      %get3A_1357 = arith.constant 7 : i32
      %get3A_1358 = arith.index_cast %get3A_1357 : i32 to index
      %get3A_1359 = arith.constant 112 : index
      %get3A_1360 = tpu.vector_load %arg13[%get3A_1358, %get3A_1359] {strides = array<i32>} : memref<8x200xi32, #tpu.memory_space<vmem>>, vector<16xi32>,
      %get3A_1361 = arith.constant 7 : i32
      %get3A_1362 = arith.index_cast %get3A_1361 : i32 to index
      %get3A_1363 = arith.constant 112 : index
      %get3A_1364 = tpu.vector_load %arg14[%get3A_1362, %get3A_1363] {strides = array<i32>} : memref<8x200xf32, #tpu.memory_space<vmem>>, vector<16xf32>,
      %gather3A_1365 = tpu.vector_load_idx %arg8[%get3A_1360] : memref<100096xi32, #tpu.memory_space<vmem>>[vector<16xi32>], vector<16xi32>,
      %eq3A_1366 = arith.cmpi eq, %gather3A_1365, %broadcast_in_dim3A_850 : vector<16xi32>
      %select_n3A_1367 = arith.select %eq3A_1366, %get3A_1364, %broadcast_in_dim3A_50 : vector<16xi1>, vector<16xf32>
      %add3A_1368 = arith.addf %add3A_1354, %select_n3A_1367 : vector<16xf32>
      %select_n3A_1369 = arith.select %eq3A_1366, %broadcast_in_dim3A_54, %broadcast_in_dim3A_52 : vector<16xi1>, vector<16xi32>
      %add3A_1370 = arith.addi %add3A_1356, %select_n3A_1369 : vector<16xi32>
      %get3A_1371 = arith.constant 7 : i32
      %get3A_1372 = arith.index_cast %get3A_1371 : i32 to index
      %get3A_1373 = arith.constant 128 : index
      %get3A_1374 = tpu.vector_load %arg13[%get3A_1372, %get3A_1373] {strides = array<i32>} : memref<8x200xi32, #tpu.memory_space<vmem>>, vector<16xi32>,
      %get3A_1375 = arith.constant 7 : i32
      %get3A_1376 = arith.index_cast %get3A_1375 : i32 to index
      %get3A_1377 = arith.constant 128 : index
      %get3A_1378 = tpu.vector_load %arg14[%get3A_1376, %get3A_1377] {strides = array<i32>} : memref<8x200xf32, #tpu.memory_space<vmem>>, vector<16xf32>,
      %gather3A_1379 = tpu.vector_load_idx %arg8[%get3A_1374] : memref<100096xi32, #tpu.memory_space<vmem>>[vector<16xi32>], vector<16xi32>,
      %eq3A_1380 = arith.cmpi eq, %gather3A_1379, %broadcast_in_dim3A_850 : vector<16xi32>
      %select_n3A_1381 = arith.select %eq3A_1380, %get3A_1378, %broadcast_in_dim3A_50 : vector<16xi1>, vector<16xf32>
      %add3A_1382 = arith.addf %add3A_1368, %select_n3A_1381 : vector<16xf32>
      %select_n3A_1383 = arith.select %eq3A_1380, %broadcast_in_dim3A_54, %broadcast_in_dim3A_52 : vector<16xi1>, vector<16xi32>
      %add3A_1384 = arith.addi %add3A_1370, %select_n3A_1383 : vector<16xi32>
      %get3A_1385 = arith.constant 7 : i32
      %get3A_1386 = arith.index_cast %get3A_1385 : i32 to index
      %get3A_1387 = arith.constant 144 : index
      %get3A_1388 = tpu.vector_load %arg13[%get3A_1386, %get3A_1387] {strides = array<i32>} : memref<8x200xi32, #tpu.memory_space<vmem>>, vector<16xi32>,
      %get3A_1389 = arith.constant 7 : i32
      %get3A_1390 = arith.index_cast %get3A_1389 : i32 to index
      %get3A_1391 = arith.constant 144 : index
      %get3A_1392 = tpu.vector_load %arg14[%get3A_1390, %get3A_1391] {strides = array<i32>} : memref<8x200xf32, #tpu.memory_space<vmem>>, vector<16xf32>,
      %gather3A_1393 = tpu.vector_load_idx %arg8[%get3A_1388] : memref<100096xi32, #tpu.memory_space<vmem>>[vector<16xi32>], vector<16xi32>,
      %eq3A_1394 = arith.cmpi eq, %gather3A_1393, %broadcast_in_dim3A_850 : vector<16xi32>
      %select_n3A_1395 = arith.select %eq3A_1394, %get3A_1392, %broadcast_in_dim3A_50 : vector<16xi1>, vector<16xf32>
      %add3A_1396 = arith.addf %add3A_1382, %select_n3A_1395 : vector<16xf32>
      %select_n3A_1397 = arith.select %eq3A_1394, %broadcast_in_dim3A_54, %broadcast_in_dim3A_52 : vector<16xi1>, vector<16xi32>
      %add3A_1398 = arith.addi %add3A_1384, %select_n3A_1397 : vector<16xi32>
      %get3A_1399 = arith.constant 7 : i32
      %get3A_1400 = arith.index_cast %get3A_1399 : i32 to index
      %get3A_1401 = arith.constant 160 : index
      %get3A_1402 = tpu.vector_load %arg13[%get3A_1400, %get3A_1401] {strides = array<i32>} : memref<8x200xi32, #tpu.memory_space<vmem>>, vector<16xi32>,
      %get3A_1403 = arith.constant 7 : i32
      %get3A_1404 = arith.index_cast %get3A_1403 : i32 to index
      %get3A_1405 = arith.constant 160 : index
      %get3A_1406 = tpu.vector_load %arg14[%get3A_1404, %get3A_1405] {strides = array<i32>} : memref<8x200xf32, #tpu.memory_space<vmem>>, vector<16xf32>,
      %gather3A_1407 = tpu.vector_load_idx %arg8[%get3A_1402] : memref<100096xi32, #tpu.memory_space<vmem>>[vector<16xi32>], vector<16xi32>,
      %eq3A_1408 = arith.cmpi eq, %gather3A_1407, %broadcast_in_dim3A_850 : vector<16xi32>
      %select_n3A_1409 = arith.select %eq3A_1408, %get3A_1406, %broadcast_in_dim3A_50 : vector<16xi1>, vector<16xf32>
      %add3A_1410 = arith.addf %add3A_1396, %select_n3A_1409 : vector<16xf32>
      %select_n3A_1411 = arith.select %eq3A_1408, %broadcast_in_dim3A_54, %broadcast_in_dim3A_52 : vector<16xi1>, vector<16xi32>
      %add3A_1412 = arith.addi %add3A_1398, %select_n3A_1411 : vector<16xi32>
      %get3A_1413 = arith.constant 7 : i32
      %get3A_1414 = arith.index_cast %get3A_1413 : i32 to index
      %get3A_1415 = arith.constant 176 : index
      %get3A_1416 = tpu.vector_load %arg13[%get3A_1414, %get3A_1415] {strides = array<i32>} : memref<8x200xi32, #tpu.memory_space<vmem>>, vector<16xi32>,
      %get3A_1417 = arith.constant 7 : i32
      %get3A_1418 = arith.index_cast %get3A_1417 : i32 to index
      %get3A_1419 = arith.constant 176 : index
      %get3A_1420 = tpu.vector_load %arg14[%get3A_1418, %get3A_1419] {strides = array<i32>} : memref<8x200xf32, #tpu.memory_space<vmem>>, vector<16xf32>,
      %gather3A_1421 = tpu.vector_load_idx %arg8[%get3A_1416] : memref<100096xi32, #tpu.memory_space<vmem>>[vector<16xi32>], vector<16xi32>,
      %eq3A_1422 = arith.cmpi eq, %gather3A_1421, %broadcast_in_dim3A_850 : vector<16xi32>
      %select_n3A_1423 = arith.select %eq3A_1422, %get3A_1420, %broadcast_in_dim3A_50 : vector<16xi1>, vector<16xf32>
      %add3A_1424 = arith.addf %add3A_1410, %select_n3A_1423 : vector<16xf32>
      %select_n3A_1425 = arith.select %eq3A_1422, %broadcast_in_dim3A_54, %broadcast_in_dim3A_52 : vector<16xi1>, vector<16xi32>
      %add3A_1426 = arith.addi %add3A_1412, %select_n3A_1425 : vector<16xi32>
      %gather3A_1427 = tpu.vector_load_idx %arg13[%broadcast_in_dim3A_852, %min3A_78] : memref<8x200xi32, #tpu.memory_space<vmem>>[vector<16xi32>, vector<16xi32>], vector<16xi32>,
      %select_n3A_1428 = arith.select %lt3A_61, %gather3A_1427, %broadcast_in_dim3A_56 : vector<16xi1>, vector<16xi32>
      %gather3A_1429 = tpu.vector_load_idx %arg14[%broadcast_in_dim3A_852, %min3A_78] : memref<8x200xf32, #tpu.memory_space<vmem>>[vector<16xi32>, vector<16xi32>], vector<16xf32>,
      %gather3A_1430 = tpu.vector_load_idx %arg8[%select_n3A_1428] : memref<100096xi32, #tpu.memory_space<vmem>>[vector<16xi32>], vector<16xi32>,
      %eq3A_1431 = arith.cmpi eq, %gather3A_1430, %broadcast_in_dim3A_850 : vector<16xi32>
      %select_n3A_1432 = arith.select %eq3A_1431, %gather3A_1429, %broadcast_in_dim3A_50 : vector<16xi1>, vector<16xf32>
      %add3A_1433 = arith.addf %add3A_1424, %select_n3A_1432 : vector<16xf32>
      %select_n3A_1434 = arith.select %eq3A_1431, %broadcast_in_dim3A_54, %broadcast_in_dim3A_52 : vector<16xi1>, vector<16xi32>
      %add3A_1435 = arith.addi %add3A_1426, %select_n3A_1434 : vector<16xi32>
      %reduce_sum3A_1436 = arith.constant true
      %reduce_sum3A_1437 = vector.broadcast %reduce_sum3A_1436 : i1 to vector<16xi1>
      %reduce_sum3A_1438 = tpu.scan <sum>, %add3A_1435 masked %reduce_sum3A_1437 : vector<16xi32>, vector<16xi1> -> vector<16xi32>
      %reduce_sum3A_1439 = vector.extract %reduce_sum3A_1438[15] : i32 from vector<16xi32>
      %max3A_1440 = arith.maxsi %scan3A_842#3, %reduce_sum3A_1439 : i32
      %add3A_1441 = arith.addi %scan3A_842#2, %add3A_1435 : vector<16xi32>
      %add3A_1442 = arith.constant 2 : i32
      %add3A_1443 = arith.addi %add3A_156, %add3A_1442 : i32
      %min3A_1444 = arith.constant 15 : i32
      %min3A_1445 = arith.minsi %add3A_1443, %min3A_1444 : i32
      %mul3A_1446 = arith.constant 8 : i32
      %mul3A_1447 = arith.muli %min3A_1445, %mul3A_1446 : i32
      %add3A_1448 = arith.addi %mul3A_2, %mul3A_1447 : i32
      %dma_start3A_1449 = arith.constant 0 : i32
      %dma_start3A_1450 = tpu.memref_slice %arg2[%add3A_1448, %dma_start3A_1449] : memref<4096x500xi32, #tpu.memory_space<hbm>> -> memref<8x500xi32, #tpu.memory_space<hbm>>
      %dma_start3A_1451 = arith.constant 0 : i32
      %dma_start3A_1452 = tpu.memref_slice %arg2[%add3A_1448, %dma_start3A_1451] : memref<4096x500xi32, #tpu.memory_space<hbm>> -> memref<8x500xi32, #tpu.memory_space<hbm>>
      tpu.enqueue_dma source(%dma_start3A_1452 : memref<8x500xi32, #tpu.memory_space<hbm>>) target(%arg12 : memref<8x500xi32, #tpu.memory_space<vmem>>) target_semaphore(%arg22 : memref<!tpu.dma_semaphore, #tpu.memory_space<semaphore_mem>>)
      %dma_start3A_1453 = arith.constant 0 : i32
      %dma_start3A_1454 = tpu.memref_slice %arg4[%add3A_1448, %dma_start3A_1453] : memref<4096x200xi32, #tpu.memory_space<hbm>> -> memref<8x200xi32, #tpu.memory_space<hbm>>
      %dma_start3A_1455 = arith.constant 0 : i32
      %dma_start3A_1456 = tpu.memref_slice %arg4[%add3A_1448, %dma_start3A_1455] : memref<4096x200xi32, #tpu.memory_space<hbm>> -> memref<8x200xi32, #tpu.memory_space<hbm>>
      tpu.enqueue_dma source(%dma_start3A_1456 : memref<8x200xi32, #tpu.memory_space<hbm>>) target(%arg13 : memref<8x200xi32, #tpu.memory_space<vmem>>) target_semaphore(%arg22 : memref<!tpu.dma_semaphore, #tpu.memory_space<semaphore_mem>>)
      %dma_start3A_1457 = arith.constant 0 : i32
      %dma_start3A_1458 = tpu.memref_slice %arg6[%add3A_1448, %dma_start3A_1457] : memref<4096x200xf32, #tpu.memory_space<hbm>> -> memref<8x200xf32, #tpu.memory_space<hbm>>
      %dma_start3A_1459 = arith.constant 0 : i32
      %dma_start3A_1460 = tpu.memref_slice %arg6[%add3A_1448, %dma_start3A_1459] : memref<4096x200xf32, #tpu.memory_space<hbm>> -> memref<8x200xf32, #tpu.memory_space<hbm>>
      tpu.enqueue_dma source(%dma_start3A_1460 : memref<8x200xf32, #tpu.memory_space<hbm>>) target(%arg14 : memref<8x200xf32, #tpu.memory_space<vmem>>) target_semaphore(%arg22 : memref<!tpu.dma_semaphore, #tpu.memory_space<semaphore_mem>>)
      scf.yield %add3A_1251, %add3A_1433, %add3A_1441, %max3A_1440 : vector<16xf32>, vector<16xf32>, vector<16xi32>, i32
    }
    %scan3A_85 = arith.constant 8 : i32
    %add3A_86 = arith.constant 120 : i32
    %add3A_87 = arith.addi %mul3A_2, %add3A_86 : i32
    %dma_wait3A = arith.constant 0 : i32
    %dma_wait3A_88 = tpu.memref_slice %arg2[%add3A_87, %dma_wait3A] : memref<4096x500xi32, #tpu.memory_space<hbm>> -> memref<8x500xi32, #tpu.memory_space<hbm>>
    %dma_wait3A_89 = arith.constant 0 : i32
    %dma_wait3A_90 = tpu.memref_slice %arg2[%add3A_87, %dma_wait3A_89] : memref<4096x500xi32, #tpu.memory_space<hbm>> -> memref<8x500xi32, #tpu.memory_space<hbm>>
    tpu.wait_dma2 semaphore(%arg21 : memref<!tpu.dma_semaphore, #tpu.memory_space<semaphore_mem>>) src(%dma_wait3A_90 : memref<8x500xi32, #tpu.memory_space<hbm>>) dst(%arg9 : memref<8x500xi32, #tpu.memory_space<vmem>>)
    %dma_wait3A_91 = arith.constant 0 : i32
    %dma_wait3A_92 = tpu.memref_slice %arg4[%add3A_87, %dma_wait3A_91] : memref<4096x200xi32, #tpu.memory_space<hbm>> -> memref<8x200xi32, #tpu.memory_space<hbm>>
    %dma_wait3A_93 = arith.constant 0 : i32
    %dma_wait3A_94 = tpu.memref_slice %arg4[%add3A_87, %dma_wait3A_93] : memref<4096x200xi32, #tpu.memory_space<hbm>> -> memref<8x200xi32, #tpu.memory_space<hbm>>
    tpu.wait_dma2 semaphore(%arg21 : memref<!tpu.dma_semaphore, #tpu.memory_space<semaphore_mem>>) src(%dma_wait3A_94 : memref<8x200xi32, #tpu.memory_space<hbm>>) dst(%arg10 : memref<8x200xi32, #tpu.memory_space<vmem>>)
    %dma_wait3A_95 = arith.constant 0 : i32
    %dma_wait3A_96 = tpu.memref_slice %arg6[%add3A_87, %dma_wait3A_95] : memref<4096x200xf32, #tpu.memory_space<hbm>> -> memref<8x200xf32, #tpu.memory_space<hbm>>
    %dma_wait3A_97 = arith.constant 0 : i32
    %dma_wait3A_98 = tpu.memref_slice %arg6[%add3A_87, %dma_wait3A_97] : memref<4096x200xf32, #tpu.memory_space<hbm>> -> memref<8x200xf32, #tpu.memory_space<hbm>>
    tpu.wait_dma2 semaphore(%arg21 : memref<!tpu.dma_semaphore, #tpu.memory_space<semaphore_mem>>) src(%dma_wait3A_98 : memref<8x200xf32, #tpu.memory_space<hbm>>) dst(%arg11 : memref<8x200xf32, #tpu.memory_space<vmem>>)
    %add3A_99 = arith.constant 120 : i32
    %add3A_100 = arith.addi %mul3A_2, %add3A_99 : i32
    %dma_wait3A_101 = arith.constant 0 : i32
    %dma_wait3A_102 = tpu.memref_slice %arg2[%add3A_100, %dma_wait3A_101] : memref<4096x500xi32, #tpu.memory_space<hbm>> -> memref<8x500xi32, #tpu.memory_space<hbm>>
    %dma_wait3A_103 = arith.constant 0 : i32
    %dma_wait3A_104 = tpu.memref_slice %arg2[%add3A_100, %dma_wait3A_103] : memref<4096x500xi32, #tpu.memory_space<hbm>> -> memref<8x500xi32, #tpu.memory_space<hbm>>
    tpu.wait_dma2 semaphore(%arg22 : memref<!tpu.dma_semaphore, #tpu.memory_space<semaphore_mem>>) src(%dma_wait3A_104 : memref<8x500xi32, #tpu.memory_space<hbm>>) dst(%arg12 : memref<8x500xi32, #tpu.memory_space<vmem>>)
    %dma_wait3A_105 = arith.constant 0 : i32
    %dma_wait3A_106 = tpu.memref_slice %arg4[%add3A_100, %dma_wait3A_105] : memref<4096x200xi32, #tpu.memory_space<hbm>> -> memref<8x200xi32, #tpu.memory_space<hbm>>
    %dma_wait3A_107 = arith.constant 0 : i32
    %dma_wait3A_108 = tpu.memref_slice %arg4[%add3A_100, %dma_wait3A_107] : memref<4096x200xi32, #tpu.memory_space<hbm>> -> memref<8x200xi32, #tpu.memory_space<hbm>>
    tpu.wait_dma2 semaphore(%arg22 : memref<!tpu.dma_semaphore, #tpu.memory_space<semaphore_mem>>) src(%dma_wait3A_108 : memref<8x200xi32, #tpu.memory_space<hbm>>) dst(%arg13 : memref<8x200xi32, #tpu.memory_space<vmem>>)
    %dma_wait3A_109 = arith.constant 0 : i32
    %dma_wait3A_110 = tpu.memref_slice %arg6[%add3A_100, %dma_wait3A_109] : memref<4096x200xf32, #tpu.memory_space<hbm>> -> memref<8x200xf32, #tpu.memory_space<hbm>>
    %dma_wait3A_111 = arith.constant 0 : i32
    %dma_wait3A_112 = tpu.memref_slice %arg6[%add3A_100, %dma_wait3A_111] : memref<4096x200xf32, #tpu.memory_space<hbm>> -> memref<8x200xf32, #tpu.memory_space<hbm>>
    tpu.wait_dma2 semaphore(%arg22 : memref<!tpu.dma_semaphore, #tpu.memory_space<semaphore_mem>>) src(%dma_wait3A_112 : memref<8x200xf32, #tpu.memory_space<hbm>>) dst(%arg14 : memref<8x200xf32, #tpu.memory_space<vmem>>)
    %add3A_113 = arith.constant 120 : i32
    %add3A_114 = arith.addi %mul3A_2, %add3A_113 : i32
    %dma_wait3A_115 = arith.constant 0 : i32
    %dma_wait3A_116 = tpu.memref_slice %arg3[%add3A_114, %dma_wait3A_115] : memref<4096x50xi32, #tpu.memory_space<hbm>> -> memref<8x50xi32, #tpu.memory_space<hbm>>
    %dma_wait3A_117 = arith.constant 0 : i32
    %dma_wait3A_118 = tpu.memref_slice %arg3[%add3A_114, %dma_wait3A_117] : memref<4096x50xi32, #tpu.memory_space<hbm>> -> memref<8x50xi32, #tpu.memory_space<hbm>>
    tpu.wait_dma2 semaphore(%arg23 : memref<!tpu.dma_semaphore, #tpu.memory_space<semaphore_mem>>) src(%dma_wait3A_118 : memref<8x50xi32, #tpu.memory_space<hbm>>) dst(%arg15 : memref<8x50xi32, #tpu.memory_space<vmem>>)
    %add3A_119 = arith.constant 120 : i32
    %add3A_120 = arith.addi %mul3A_2, %add3A_119 : i32
    %dma_wait3A_121 = arith.constant 0 : i32
    %dma_wait3A_122 = tpu.memref_slice %arg5[%add3A_120, %dma_wait3A_121] : memref<4096x500xf32, #tpu.memory_space<hbm>> -> memref<8x500xf32, #tpu.memory_space<hbm>>
    %dma_wait3A_123 = arith.constant 0 : i32
    %dma_wait3A_124 = tpu.memref_slice %arg5[%add3A_120, %dma_wait3A_123] : memref<4096x500xf32, #tpu.memory_space<hbm>> -> memref<8x500xf32, #tpu.memory_space<hbm>>
    tpu.wait_dma2 semaphore(%arg24 : memref<!tpu.dma_semaphore, #tpu.memory_space<semaphore_mem>>) src(%dma_wait3A_124 : memref<8x500xf32, #tpu.memory_space<hbm>>) dst(%arg16 : memref<8x500xf32, #tpu.memory_space<vmem>>)
    %swap3A = arith.constant 0 : index
    %swap3A_125 = tpu.vector_load %arg17[%swap3A] {strides = array<i32>} : memref<16xf32, #tpu.memory_space<vmem>>, vector<16xf32>,
    tpu.vector_store %arg17[%swap3A], %scan3A_84#0 {strides = array<i32>} : memref<16xf32, #tpu.memory_space<vmem>>, vector<16xf32>,
    %swap3A_126 = arith.constant 0 : index
    %swap3A_127 = tpu.vector_load %arg18[%swap3A_126] {strides = array<i32>} : memref<16xf32, #tpu.memory_space<vmem>>, vector<16xf32>,
    tpu.vector_store %arg18[%swap3A_126], %scan3A_84#1 {strides = array<i32>} : memref<16xf32, #tpu.memory_space<vmem>>, vector<16xf32>,
    %convert_element_type3A = arith.sitofp %scan3A_84#2 : vector<16xi32> to vector<16xf32>
    %swap3A_128 = arith.constant 0 : index
    %swap3A_129 = tpu.vector_load %arg19[%swap3A_128] {strides = array<i32>} : memref<16xf32, #tpu.memory_space<vmem>>, vector<16xf32>,
    tpu.vector_store %arg19[%swap3A_128], %convert_element_type3A {strides = array<i32>} : memref<16xf32, #tpu.memory_space<vmem>>, vector<16xf32>,
    %broadcast_in_dim3A_130 = vector.broadcast %scan3A_84#3 : i32 to vector<16xi32>
    %convert_element_type3A_131 = arith.sitofp %broadcast_in_dim3A_130 : vector<16xi32> to vector<16xf32>
    %swap3A_132 = arith.constant 0 : index
    %swap3A_133 = tpu.vector_load %arg20[%swap3A_132] {strides = array<i32>} : memref<16xf32, #tpu.memory_space<vmem>>, vector<16xf32>,
    tpu.vector_store %arg20[%swap3A_132], %convert_element_type3A_131 {strides = array<i32>} : memref<16xf32, #tpu.memory_space<vmem>>, vector<16xf32>,
    %mul3A_134 = arith.constant 16 : i32
    %mul3A_135 = arith.muli %add3A, %mul3A_134 : i32
    "tpu.region"() ({
      %run_scoped3A = tpu.sem_alloc : memref<!tpu.dma_semaphore, #tpu.memory_space<semaphore_mem>>
      %dma_start3A_148 = tpu.memref_slice %arg7[%mul3A_135] : memref<2048xf32, #tpu.memory_space<hbm>> -> memref<16xf32, #tpu.memory_space<hbm>>
      %dma_start3A_149 = tpu.memref_slice %arg7[%mul3A_135] : memref<2048xf32, #tpu.memory_space<hbm>> -> memref<16xf32, #tpu.memory_space<hbm>>
      tpu.enqueue_dma source(%arg17 : memref<16xf32, #tpu.memory_space<vmem>>) target(%dma_start3A_149 : memref<16xf32, #tpu.memory_space<hbm>>) target_semaphore(%run_scoped3A : memref<!tpu.dma_semaphore, #tpu.memory_space<semaphore_mem>>)
      %dma_wait3A_150 = tpu.memref_slice %arg7[%mul3A_135] : memref<2048xf32, #tpu.memory_space<hbm>> -> memref<16xf32, #tpu.memory_space<hbm>>
      %dma_wait3A_151 = tpu.memref_slice %arg7[%mul3A_135] : memref<2048xf32, #tpu.memory_space<hbm>> -> memref<16xf32, #tpu.memory_space<hbm>>
      tpu.wait_dma2 semaphore(%run_scoped3A : memref<!tpu.dma_semaphore, #tpu.memory_space<semaphore_mem>>) src(%arg17 : memref<16xf32, #tpu.memory_space<vmem>>) dst(%dma_wait3A_151 : memref<16xf32, #tpu.memory_space<hbm>>)
      tpu.yield
    }) : () -> ()
    %mul3A_136 = arith.constant 16 : i32
    %mul3A_137 = arith.muli %add3A, %mul3A_136 : i32
    %add3A_138 = arith.constant 512 : i32
    %add3A_139 = arith.addi %add3A_138, %mul3A_137 : i32
    "tpu.region"() ({
      %run_scoped3A = tpu.sem_alloc : memref<!tpu.dma_semaphore, #tpu.memory_space<semaphore_mem>>
      %dma_start3A_148 = tpu.memref_slice %arg7[%add3A_139] : memref<2048xf32, #tpu.memory_space<hbm>> -> memref<16xf32, #tpu.memory_space<hbm>>
      %dma_start3A_149 = tpu.memref_slice %arg7[%add3A_139] : memref<2048xf32, #tpu.memory_space<hbm>> -> memref<16xf32, #tpu.memory_space<hbm>>
      tpu.enqueue_dma source(%arg18 : memref<16xf32, #tpu.memory_space<vmem>>) target(%dma_start3A_149 : memref<16xf32, #tpu.memory_space<hbm>>) target_semaphore(%run_scoped3A : memref<!tpu.dma_semaphore, #tpu.memory_space<semaphore_mem>>)
      %dma_wait3A_150 = tpu.memref_slice %arg7[%add3A_139] : memref<2048xf32, #tpu.memory_space<hbm>> -> memref<16xf32, #tpu.memory_space<hbm>>
      %dma_wait3A_151 = tpu.memref_slice %arg7[%add3A_139] : memref<2048xf32, #tpu.memory_space<hbm>> -> memref<16xf32, #tpu.memory_space<hbm>>
      tpu.wait_dma2 semaphore(%run_scoped3A : memref<!tpu.dma_semaphore, #tpu.memory_space<semaphore_mem>>) src(%arg18 : memref<16xf32, #tpu.memory_space<vmem>>) dst(%dma_wait3A_151 : memref<16xf32, #tpu.memory_space<hbm>>)
      tpu.yield
    }) : () -> ()
    %mul3A_140 = arith.constant 16 : i32
    %mul3A_141 = arith.muli %add3A, %mul3A_140 : i32
    %add3A_142 = arith.constant 1024 : i32
    %add3A_143 = arith.addi %add3A_142, %mul3A_141 : i32
    "tpu.region"() ({
      %run_scoped3A = tpu.sem_alloc : memref<!tpu.dma_semaphore, #tpu.memory_space<semaphore_mem>>
      %dma_start3A_148 = tpu.memref_slice %arg7[%add3A_143] : memref<2048xf32, #tpu.memory_space<hbm>> -> memref<16xf32, #tpu.memory_space<hbm>>
      %dma_start3A_149 = tpu.memref_slice %arg7[%add3A_143] : memref<2048xf32, #tpu.memory_space<hbm>> -> memref<16xf32, #tpu.memory_space<hbm>>
      tpu.enqueue_dma source(%arg19 : memref<16xf32, #tpu.memory_space<vmem>>) target(%dma_start3A_149 : memref<16xf32, #tpu.memory_space<hbm>>) target_semaphore(%run_scoped3A : memref<!tpu.dma_semaphore, #tpu.memory_space<semaphore_mem>>)
      %dma_wait3A_150 = tpu.memref_slice %arg7[%add3A_143] : memref<2048xf32, #tpu.memory_space<hbm>> -> memref<16xf32, #tpu.memory_space<hbm>>
      %dma_wait3A_151 = tpu.memref_slice %arg7[%add3A_143] : memref<2048xf32, #tpu.memory_space<hbm>> -> memref<16xf32, #tpu.memory_space<hbm>>
      tpu.wait_dma2 semaphore(%run_scoped3A : memref<!tpu.dma_semaphore, #tpu.memory_space<semaphore_mem>>) src(%arg19 : memref<16xf32, #tpu.memory_space<vmem>>) dst(%dma_wait3A_151 : memref<16xf32, #tpu.memory_space<hbm>>)
      tpu.yield
    }) : () -> ()
    %mul3A_144 = arith.constant 16 : i32
    %mul3A_145 = arith.muli %add3A, %mul3A_144 : i32
    %add3A_146 = arith.constant 1536 : i32
    %add3A_147 = arith.addi %add3A_146, %mul3A_145 : i32
    "tpu.region"() ({
      %run_scoped3A = tpu.sem_alloc : memref<!tpu.dma_semaphore, #tpu.memory_space<semaphore_mem>>
      %dma_start3A_148 = tpu.memref_slice %arg7[%add3A_147] : memref<2048xf32, #tpu.memory_space<hbm>> -> memref<16xf32, #tpu.memory_space<hbm>>
      %dma_start3A_149 = tpu.memref_slice %arg7[%add3A_147] : memref<2048xf32, #tpu.memory_space<hbm>> -> memref<16xf32, #tpu.memory_space<hbm>>
      tpu.enqueue_dma source(%arg20 : memref<16xf32, #tpu.memory_space<vmem>>) target(%dma_start3A_149 : memref<16xf32, #tpu.memory_space<hbm>>) target_semaphore(%run_scoped3A : memref<!tpu.dma_semaphore, #tpu.memory_space<semaphore_mem>>)
      %dma_wait3A_150 = tpu.memref_slice %arg7[%add3A_147] : memref<2048xf32, #tpu.memory_space<hbm>> -> memref<16xf32, #tpu.memory_space<hbm>>
      %dma_wait3A_151 = tpu.memref_slice %arg7[%add3A_147] : memref<2048xf32, #tpu.memory_space<hbm>> -> memref<16xf32, #tpu.memory_space<hbm>>
      tpu.wait_dma2 semaphore(%run_scoped3A : memref<!tpu.dma_semaphore, #tpu.memory_space<semaphore_mem>>) src(%arg20 : memref<16xf32, #tpu.memory_space<vmem>>) dst(%dma_wait3A_151 : memref<16xf32, #tpu.memory_space<hbm>>)
      tpu.yield
    }) : () -> ()
    return
  }
}

module attributes {stable_mosaic.version = 14 : i64} {
  func.func @_tc_sp_body(%arg0: i32, %arg1: memref<200x512xf32, #tpu.memory_space<vmem>>, %arg2: memref<512x200xf32, #tpu.memory_space<vmem>>) attributes {dimension_semantics = [#tpu.dimension_semantics<arbitrary>], iteration_bounds = array<i64: 8>, scalar_prefetch = 0 : i64, scratch_operands = 0 : i64, tpu.core_type = #tpu.core_type<tc>, window_params = [{transform_indices = @transform_0, window_bounds = array<i64: 200, 512>}, {transform_indices = @transform_1, window_bounds = array<i64: 512, 200>}]} {
    %get3A = arith.constant 0 : index
    %get3A_0 = arith.constant 0 : index
    %get3A_1 = vector.load %arg1[%get3A, %get3A_0] : memref<200x512xf32, #tpu.memory_space<vmem>>, vector<200x512xf32>
    %max3A = arith.constant 0.000000e+00 : f32
    %max3A_2 = vector.broadcast %max3A : f32 to vector<200x512xf32>
    %max3A_3 = arith.maximumf %get3A_1, %max3A_2 : vector<200x512xf32>
    %sub3A = arith.subf %max3A_3, %get3A_1 : vector<200x512xf32>
    %abs3A = math.absf %get3A_1 : vector<200x512xf32>
    %neg3A = arith.constant 0.000000e+00 : f32
    %neg3A_4 = vector.broadcast %neg3A : f32 to vector<200x512xf32>
    %neg3A_5 = arith.subf %neg3A_4, %abs3A : vector<200x512xf32>
    %exp3A = math.exp %neg3A_5 : vector<200x512xf32>
    %add3A = arith.constant 1.000000e+00 : f32
    %add3A_6 = vector.broadcast %add3A : f32 to vector<200x512xf32>
    %add3A_7 = arith.addf %add3A_6, %exp3A : vector<200x512xf32>
    %log3A = math.log %add3A_7 : vector<200x512xf32>
    %add3A_8 = arith.addf %sub3A, %log3A : vector<200x512xf32>
    %transpose3A = tpu.transpose %add3A_8, [1, 0] : vector<200x512xf32> -> vector<512x200xf32>
    %swap3A = arith.constant 0 : index
    %swap3A_9 = arith.constant 0 : index
    %swap3A_10 = vector.load %arg2[%swap3A, %swap3A_9] : memref<512x200xf32, #tpu.memory_space<vmem>>, vector<512x200xf32>
    tpu.vector_store %arg2[%swap3A, %swap3A_9], %transpose3A {strides = array<i32>} : memref<512x200xf32, #tpu.memory_space<vmem>>, vector<512x200xf32>,
    return
  }
  func.func @transform_0(%arg0: i32) -> (i32, i32) {
    %c0_i32 = arith.constant 0 : i32
    %c0_i32_0 = arith.constant 0 : i32
    return %c0_i32, %arg0 : i32, i32
  }
  func.func @transform_1(%arg0: i32) -> (i32, i32) {
    %c0_i32 = arith.constant 0 : i32
    %c0_i32_0 = arith.constant 0 : i32
    return %arg0, %c0_i32 : i32, i32
  }
}

module attributes {stable_mosaic.version = 14 : i64} {
  func.func @_tc_a_body(%arg0: i32, %arg1: memref<512x500xf32, #tpu.memory_space<vmem>>, %arg2: memref<1x1xf32, #tpu.memory_space<smem>>) attributes {dimension_semantics = [#tpu.dimension_semantics<arbitrary>], iteration_bounds = array<i64: 8>, scalar_prefetch = 0 : i64, scratch_operands = 0 : i64, tpu.core_type = #tpu.core_type<tc>, window_params = [{transform_indices = @transform_0, window_bounds = array<i64: 512, 500>}, {transform_indices = @transform_1, window_bounds = array<i64: 1, 1>}]} {
    %get3A = arith.constant 0 : index
    %get3A_0 = arith.constant 0 : index
    %get3A_1 = vector.load %arg1[%get3A, %get3A_0] : memref<512x500xf32, #tpu.memory_space<vmem>>, vector<512x500xf32>
    %max3A = arith.constant 0.000000e+00 : f32
    %max3A_2 = vector.broadcast %max3A : f32 to vector<512x500xf32>
    %max3A_3 = arith.maximumf %get3A_1, %max3A_2 : vector<512x500xf32>
    %abs3A = math.absf %get3A_1 : vector<512x500xf32>
    %neg3A = arith.constant 0.000000e+00 : f32
    %neg3A_4 = vector.broadcast %neg3A : f32 to vector<512x500xf32>
    %neg3A_5 = arith.subf %neg3A_4, %abs3A : vector<512x500xf32>
    %exp3A = math.exp %neg3A_5 : vector<512x500xf32>
    %add3A = arith.constant 1.000000e+00 : f32
    %add3A_6 = vector.broadcast %add3A : f32 to vector<512x500xf32>
    %add3A_7 = arith.addf %add3A_6, %exp3A : vector<512x500xf32>
    %log3A = math.log %add3A_7 : vector<512x500xf32>
    %add3A_8 = arith.addf %max3A_3, %log3A : vector<512x500xf32>
    %reduce_sum3A = vector.shape_cast %add3A_8 : vector<512x500xf32> to vector<1x512x500xf32>
    %reduce_sum3A_9 = arith.constant dense<0.000000e+00> : vector<1xf32>
    %reduce_sum3A_10 = vector.multi_reduction <add>, %reduce_sum3A, %reduce_sum3A_9 [1, 2] : vector<1x512x500xf32> to vector<1xf32>
    %reduce_sum3A_11 = vector.shape_cast %reduce_sum3A_10 : vector<1xf32> to vector<1x1x1xf32>
    %reduce_sum3A_12 = vector.extract %reduce_sum3A_11[0, 0, 0] : f32 from vector<1x1x1xf32>
    %eq3A = arith.constant 0 : i32
    %eq3A_13 = arith.cmpi eq, %arg0, %eq3A : i32
    %convert_element_type3A = arith.extui %eq3A_13 : i1 to i32
    %cond3A = arith.constant 0 : i32
    %cond3A_14 = arith.cmpi ne, %convert_element_type3A, %cond3A : i32
    scf.if %cond3A_14 {
      %swap3A_21 = arith.constant 0.000000e+00 : f32
      %swap3A_22 = arith.constant 0 : index
      %swap3A_23 = arith.constant 0 : index
      %swap3A_24 = memref.load %arg2[%swap3A_22, %swap3A_23] : memref<1x1xf32, #tpu.memory_space<smem>>
      memref.store %swap3A_21, %arg2[%swap3A_22, %swap3A_23] : memref<1x1xf32, #tpu.memory_space<smem>>
    } else {
    }
    %get3A_15 = arith.constant 0 : index
    %get3A_16 = arith.constant 0 : index
    %get3A_17 = memref.load %arg2[%get3A_15, %get3A_16] : memref<1x1xf32, #tpu.memory_space<smem>>
    %add3A_18 = arith.addf %get3A_17, %reduce_sum3A_12 : f32
    %swap3A = arith.constant 0 : index
    %swap3A_19 = arith.constant 0 : index
    %swap3A_20 = memref.load %arg2[%swap3A, %swap3A_19] : memref<1x1xf32, #tpu.memory_space<smem>>
    memref.store %add3A_18, %arg2[%swap3A, %swap3A_19] : memref<1x1xf32, #tpu.memory_space<smem>>
    return
  }
  func.func @transform_0(%arg0: i32) -> (i32, i32) {
    %c0_i32 = arith.constant 0 : i32
    %c0_i32_0 = arith.constant 0 : i32
    return %arg0, %c0_i32 : i32, i32
  }
  func.func @transform_1(%arg0: i32) -> (i32, i32) {
    %c0_i32 = arith.constant 0 : i32
    %c0_i32_0 = arith.constant 0 : i32
    %c0_i32_1 = arith.constant 0 : i32
    return %c0_i32, %c0_i32_0 : i32, i32
  }
}

</mosaic_0001>

<sc_bundles>
// kernel: kernel.5.cloned.1.call-start
scs
__scs_entry_jumppad:
0x0: {  	(pc) =	sbr.rel $0x88, $3  }
0x1: {  	(tag) =	ssettag $0x0;
	lr =	simm.s32 $0x1  }
0x2: {  	[smem:$0x3F9C] =	sst lr;
	_ =	strace $0xD0000000  }
0x3: {  	_ = 	snop  }
0x4: {  	_ = 	snop  }
0x5: {  	_ = 	snop  }
0x6: {  	_ = 	snop  }
0x7: {  	_ = 	snop  }
__scs_overlays_trampoline_lowered:
0x8: {  	[smem:$0x3FAB] =	sst s0  }
0x9: {  	[smem:$0x3FAC] =	sst s1  }
0xa: {  	[smem:$0x3FAD] =	sst s2  }
0xb: {  	[smem:$0x3FAE] =	sst s3  }
0xc: {  	[smem:$0x3FAF] =	sst s4  }
0xd: {  	[smem:$0x3FB0] =	sst s5  }
0xe: {  	[smem:$0x3FB1] =	sst s6  }
0xf: {  	[smem:$0x3FB2] =	sst s7  }
0x10: {  	[smem:$0x3FB3] =	sst s8  }
0x11: {  	[smem:$0x3FB4] =	sst s9;
	s0 =	simm.s32 @!p0 $0x0  }
0x12: {  	s1 =	sld [smem:$0x3F9A];
	s0 =	simm.s32 @p0 $0x1  }
0x13: {  	[smem:$0x3FB5] =	sst s0;
	s0 =	simm.s32 @!p1 $0x0  }
0x14: {  	s2 =	sld [smem:$0x3F99];
	s0 =	simm.s32 @p1 $0x1  }
0x15: {  	[smem:$0x3FB6] =	sst s0;
	s0 =	simm.s32 @!p2 $0x0  }
0x16: {  	s3 =	sld [smem:$0x3FDB];
	s0 =	simm.s32 @p2 $0x1  }
0x17: {  	s4 =	simm.s32 $0x1BF5;
	[smem:$0x3FB8] =	sst s0  }
0x18: {  	s0 =	sld [smem:$0x3F9B];
	_ =	swait.ge [sflag:s4], $0x0  }
0x19: {  	s7 =	sld [smem:$0x3F9C]  }
0x1a: {  	s8 =	sadd.s32 $0xFFFFE003, lr  }
0x1b: {  	s9 =	sadd.s32 $0xFFFFFEF7, lr;
	s5 =	simm.s32 $0xFFFFFFFF;
	p2 =	slt.u32 s8, $0xFFFFF086  }
0x1c: {  	p1 =	slt.u32 s9, $0xF7A;
	s5 =	simm.s32 @!p2 $0x0  }
0x1d: {  	s5 =	simm.s32 @p1 $0x1;
	p0 =	seq.s32 s7, s2  }
0x1e: {  	s7 =	smul.u32 @!p0 $0xF7A, s2;
	p2 =	seq.s32 @!p0 s5, $0x0  }
0x1f: {  	s9 =	smul.u32 $0xF7A, s1;
	s8 =	simm.s32 @!p0 $0x1BF5;
	p2 =	por !p2, p0  }
0x20: {  	[sflag:s8] =	ssyncset.s32 @!p0 $0xFFFFF086;
	s6 =	sadd.s32 @!p0 s3, s7;
	s7 =	simm.s32 @!p0 $0x108  }
0x21: {  	s3 =	sadd.s32 s3, s9;
	s6 =	sadd.s32 @!p0 $0x88, s6;
	s7 =	simm.s32 @p2 $0x1082  }
0x22: {  	[simem:s7], [sflag:s8] =	dma.local @!p0 [hbm:s6], $0xF7A  }
0x23: {  	s9 =	sor.u32 $0xD0000000, s2;
	s6 =	simm.s32 $0x108;
	_ =	swait.ge @!p0 [sflag:s8], $0x0  }
0x24: {  	s3 =	sadd.s32 $0x88, s3;
	s6 =	simm.s32 @!p1 $0x1082;
	[sflag:s4] =	ssyncset.s32 $0xFFFFF086  }
0x25: {  	[simem:s6], [sflag:s4] =	dma.local [hbm:s3], $0xF7A  }
0x26: {  	[smem:$0x3F9C] =	sst s1;
	(tag) =	ssettag s2;
	_ =	strace s9  }
0x27: {  	s1 =	sld [smem:$0x3FAC]  }
0x28: {  	s2 =	sld [smem:$0x3FAD]  }
0x29: {  	s4 =	sld [smem:$0x3FAF]  }
0x2a: {  	p0 =	seq.s32 s5, $0x0;
	s5 =	sld [smem:$0x3FB0]  }
0x2b: {  	s6 =	sld [smem:$0x3FB1]  }
0x2c: {  	s7 =	sld [smem:$0x3FB2]  }
0x2d: {  	s3 =	simm.s32 $0x108;
	s8 =	sld [smem:$0x3FB3]  }
0x2e: {  	s3 =	simm.s32 @!p0 $0x1082;
	s9 =	sld [smem:$0x3FB4]  }
0x2f: {  	lr =	sadd.s32 s0, s3;
	s0 =	sld [smem:$0x3FAB]  }
0x30: {  	s3 =	sld [smem:$0x3FAE]  }
0x31: {  	[smem:$0x3FB7] =	sst s10  }
0x32: {  	s10 =	sld [smem:$0x3FB5];
	_ =	sdelay $0x3  }
0x33: {  	p0 =	seq.s32 s10, $0x1;
	s10 =	sld [smem:$0x3FB7];
	_ =	sdelay $0x3  }
0x34: {  	[smem:$0x3FB7] =	sst s10  }
0x35: {  	s10 =	sld [smem:$0x3FB6];
	_ =	sdelay $0x3  }
0x36: {  	p1 =	seq.s32 s10, $0x1;
	s10 =	sld [smem:$0x3FB7];
	_ =	sdelay $0x3  }
0x37: {  	[smem:$0x3FB7] =	sst s10  }
0x38: {  	s10 =	sld [smem:$0x3FB8]  }
0x39: {  	_ = 	snop;
	(pc) =	sbr.ind lr, $3  }
0x3a: {  	_ = 	snop  }
0x3b: {  	_ = 	snop  }
0x3c: {  	p2 =	seq.s32 s10, $0x1;
	s10 =	sld [smem:$0x3FB7]  }
0x3d: {  	_ =	shalt  }
0x3e: {  	_ =	shalt  }
0x3f: {  	_ =	shalt  }
0x40: {  	_ =	shalt  }
0x41: {  	_ =	shalt  }
0x42: {  	_ =	shalt  }
0x43: {  	_ =	shalt  }
0x44: {  	_ =	shalt  }
0x45: {  	_ =	shalt  }
0x46: {  	_ =	shalt  }
0x47: {  	_ =	shalt  }
0x48: {  	_ =	shalt  }
0x49: {  	_ =	shalt  }
0x4a: {  	_ =	shalt  }
0x4b: {  	_ =	shalt  }
0x4c: {  	_ =	shalt  }
0x4d: {  	_ =	shalt  }
0x4e: {  	_ =	shalt  }
0x4f: {  	_ =	shalt  }
0x50: {  	_ =	shalt  }
0x51: {  	_ =	shalt  }
0x52: {  	_ =	shalt  }
0x53: {  	_ =	shalt  }
0x54: {  	_ =	shalt  }
0x55: {  	_ =	shalt  }
0x56: {  	_ =	shalt  }
0x57: {  	_ =	shalt  }
0x58: {  	_ =	shalt  }
0x59: {  	_ =	shalt  }
0x5a: {  	_ =	shalt  }
0x5b: {  	_ =	shalt  }
0x5c: {  	_ =	shalt  }
0x5d: {  	_ =	shalt  }
0x5e: {  	_ =	shalt  }
0x5f: {  	_ =	shalt  }
0x60: {  	_ =	shalt  }
0x61: {  	_ =	shalt  }
0x62: {  	_ =	shalt  }
0x63: {  	_ =	shalt  }
0x64: {  	_ =	shalt  }
0x65: {  	_ =	shalt  }
0x66: {  	_ =	shalt  }
0x67: {  	_ =	shalt  }
0x68: {  	_ =	shalt  }
0x69: {  	_ =	shalt  }
0x6a: {  	_ =	shalt  }
0x6b: {  	_ =	shalt  }
0x6c: {  	_ =	shalt  }
0x6d: {  	_ =	shalt  }
0x6e: {  	_ =	shalt  }
0x6f: {  	_ =	shalt  }
0x70: {  	_ =	shalt  }
0x71: {  	_ =	shalt  }
0x72: {  	_ =	shalt  }
0x73: {  	_ =	shalt  }
0x74: {  	_ =	shalt  }
0x75: {  	_ =	shalt  }
0x76: {  	_ =	shalt  }
0x77: {  	_ =	shalt  }
0x78: {  	_ =	shalt  }
0x79: {  	_ =	shalt  }
0x7a: {  	_ =	shalt  }
0x7b: {  	_ =	shalt  }
0x7c: {  	_ =	shalt  }
0x7d: {  	_ =	shalt  }
0x7e: {  	_ =	shalt  }
0x7f: {  	_ =	shalt  }
0x80: {  	_ =	shalt  }
0x81: {  	_ =	shalt  }
0x82: {  	_ =	shalt  }
0x83: {  	_ =	shalt  }
0x84: {  	_ =	shalt  }
0x85: {  	_ =	shalt  }
0x86: {  	_ =	shalt  }
0x87: {  	_ =	shalt  }
.Lfunc_end0:
.L_simem_size_0:
called_computation_lowered:
.L_overlay_start_0:
0x88: {  	s2 =	sld [smem:$0x3FD9]  }
0x89: {  	s3 =	sld [smem:$0x3FFE];
	_ =	sdelay $0x1  }
0x8a: {  	s1 =	srdreg.scid  }
0x8b: {  	s0 =	sand.u32 $0x1, s1  }
0x8c: {  	s16 =	sshll.u32 s0, $0xA;
	s2 =	sadd.s32 s3, s2  }
0x8d: {  	s2 =	sadd.s32 s2, s16  }
0x8e: {  	[smem:$0x3FC3] =	sst s2  }
0x8f: {  	_ = 	snop  }
0x90: {  	(tm) =	ssettm $0x1  }
0x91: {  	s17 =	sld [smem:$0x3FFB];
	_ =	sdelay $0x3  }
0x92: {  	_ =	strace s17  }
0x93: {  	s2 =	sld [smem:$0x3FFC];
	_ =	sdelay $0x3  }
0x94: {  	_ =	strace s2  }
0x95: {  	s2 =	sld [smem:$0x3FFD];
	_ =	sdelay $0x3  }
0x96: {  	_ =	strace s2  }
0x97: {  	_ =	strace $0x8FFFFFFF  }
0x98: {  	s18 =	sld [smem:$0x3FDB];
	_ =	sdelay $0x1  }
0x99: {  	s19 =	simm.s32 $_scs_section_size  }
0x9a: {  	s4 =	simm.s32 $_size__tile_overlayer_lowered;
	s5 =	simm.s32 $_tile_overlayer_lowered  }
0x9b: {  	s22 =	simm.s32 $0x1BFF;
	s21 =	sshll.u32 s5, $0x1;
	s2 =	sadd.s32 s19, s18  }
0x9c: {  	s6 =	simm.s32 $0x0;
	s20 =	sshll.u32 s4, $0x1;
	s4 =	sadd.s32 s21, s2  }
0x9d: {  	[timem:s6], [sflag:s22] =	dma.local [hbm:s4], s20  }
0x9e: {  	_ =	swait.ge [sflag:s22], s20  }
0x9f: {  	s3 =	ssub.s32 $0x0, s20;
	[sflag:s22] =	ssyncset.done $0x0  }
0xa0: {  	[sflag:s22] =	ssyncadd.s32 s3;
	_ =	sdelay $0x1  }
0xa1: {  	s23 =	simm.s32 $0x1B8B  }
0xa2: {  	_ =	swait.ge [sflag:s23], $0x1  }
0xa3: {  	[sflag:s23] =	ssyncset.done $0x0  }
0xa4: {  	s25 =	simm.s32 $0x1B8E;
	s24 =	sld [smem:$0x3FFE];
	[sflag:s23] =	ssyncadd.s32 $0xFFFFFFFF  }
0xa5: {  	s26 =	simm.s32 $execute0_lowered;
	[smem:$0x3FD2] =	sst s25  }
0xa6: {  	s4 =	sshll.u32 s26, $0x1;
	_ =	strace $0x80000046;
	[dreg:$0x1] =	wrdreg $0xFFFFFFFF  }
0xa7: {  	s28 =	simm.s32 $_size_execute0_lowered;
	s2 =	sadd.s32 s2, s4;
	[dreg:$0x0] =	wrdreg $0x0  }
0xa8: {  	s4 =	sshll.u32 s28, $0x1;
	[dreg:$0x2] =	wrdreg s2  }
0xa9: {  	[dreg:$0x3] =	wrdreg s4  }
0xaa: {  	[dreg:$0x4] =	wrdreg $0xC0  }
0xab: {  	_ =	task [dreg:s6], $0x5FFFF  }
0xac: {  	[dreg:$0x1] =	wrdreg $0xFFFFFFFF  }
0xad: {  	[dreg:$0x0] =	wrdreg $0x60  }
0xae: {  	[dreg:$0x2] =	wrdreg s24  }
0xaf: {  	[dreg:$0x3] =	wrdreg $0x9  }
0xb0: {  	_ =	task.clear_ibuf [dreg:s6], $0x4FFFF;
	_ =	strace $0x90000046  }
0xb1: {  	s29 =	simm.s32 $0x9;
	_ =	strace $0x80000048  }
0xb2: {  	_ =	swait.ge [sflag:s29], $0x1  }
0xb3: {  	[sflag:s29] =	ssyncadd.s32 $0xFFFFFFFF  }
0xb4: {  	_ =	strace $0x90000048  }
0xb5: {  	_ =	sfence  }
0xb6: {  	s30 =	sld [smem:$0x0];
	_ =	sdelay $0x2  }
0xb7: {  	s31 =	sshll.u32 s1, $0xD;
	s1 =	sshrl.u32 s1, $0x2  }
0xb8: {  	s3 =	sand.u32 $0x4000, s31;
	s1 =	sadd.s32 s1, s30  }
0xb9: {  	s0 =	sor.u32 s3, s0;
	s1 =	sshll.u32 s1, $0x11  }
0xba: {  	s0 =	sor.u32 s1, s0  }
0xbb: {  	s0 =	sadd.s32 $0x8F2B, s0  }
0xbc: {  	[sflag:s0] =	ssyncadd.remote.s32 $0x1  }
0xbd: {  	_ =	sfence.sel $0xFFFF  }
0xbe: {  	[dreg:$0x0] =	wrdreg $0xFFFFFFFF;
	(pc) =	sbr.abs _section_cstart, $3  }
0xbf: {  	[dreg:$0x1] =	wrdreg $0xFFFFFFFF  }
0xc0: {  	_ =	task.clear_ibuf [dreg:s6], $0x2FFFF;
	_ =	strace $0x9FFFFFFF  }
0xc1: {  	(tm) =	ssettm $0x7FFFFFFF  }
tec
execute0_lowered:
.L_overlay_start_1:
0x0: {  	(tag) =	ssettag $0x1  }
0x1: {  	s0 =	rddreg [dreg:$0x0];
	s1 =	simm.s32 $0x0  }
0x2: {  	s2 =	srdreg.scid;
	s14 =	stileid.u32;
	s28 =	simm.s32 $0x18700  }
0x3: {  	s29 =	simm.s32 $0x19700;
	s30 =	simm.s32 $0x19F00;
	s31 =	simm.s32 $0x1A700  }
0x4: {  	[smem:$0x7FF] =	sst s1;
	s3 =	sadd.s32 $0x40800, s0;
	s4 =	sadd.s32 $0xC0800, s0  }
0x5: {  	s2 =	sand.u32 $0x1, s2;
	s6 =	sshll.u32 s14, $0x1;
	s5 =	sadd.s32 $0x80800, s0  }
0x6: {  	s7 =	sadd.s32 $0xA0800, s0;
	s22 =	sshll.u32 s14, $0x8;
	_ =	strace $0x80000047  }
0x7: {  	s9 =	sor.u32 s2, s6;
	s8 =	ssub.s32 $0x2, s2;
	s6 =	sadd.s32 $0x800, s0  }
0x8: {  	s2 =	sshll.u32 s2, $0x7;
	s10 =	sshll.u32 s9, $0x1;
	s15 =	sshll.u32 s9, $0x4  }
0x9: {  	s25 =	sshll.u32 s9, $0xD;
	s2 =	sor.u32 s2, s22;
	[dreg:$0x2] =	wrdreg s15  }
0xa: {  	s26 =	sshll.u32 s9, $0xC;
	s12 =	sadd.s32 s3, s25;
	[dreg:$0xf] =	wrdreg s2  }
0xb: {  	s11 =	sshrl.u32 s8, $0x1;
	s16 =	sadd.s32 s5, s26;
	[dreg:$0x3] =	wrdreg s12  }
0xc: {  	s0 =	sadd.s32 s10, s0;
	s18 =	sadd.s32 s6, s25;
	[dreg:$0x4] =	wrdreg s16  }
0xd: {  	s10 =	ssub.s32 s8, s11;
	s19 =	sor.u32 $0x2, s15;
	[dreg:$0xa] =	wrdreg s18  }
0xe: {  	v0 =	vimm.s32 $0xFFFFFFFF;
	vm2 =	vcmask $0x300;
	v1 =	vimm.s32 $0xC73;
	s8 =	sshll.u32 s9, $0x7;
	s20 =	sor.u32 $0x3, s15;
	[dreg:$0xb] =	wrdreg s19  }
0xf: {  	v2 =	vimm.s32 $0x31;
	vm4 =	vcmask $0x704;
	vm3 =	vcmask $0xB08;
	s9 =	sshll.u32 s9, $0xB;
	s12 =	sadd.s32 s7, s26;
	[dreg:$0xc] =	wrdreg s20  }
0x10: {  	v4 =	vimm.s32 $0x447;
	vm0 =	vmmov $0xf;
	v1 =	vsel vm2, $0xC70, v1;
	s14 =	simm.s32 $0x4;
	s9 =	sadd.s32 s4, s9;
	[dreg:$0x5] =	wrdreg s12  }
0x11: {  	vm1 =	vcmask $0xF0C;
	v3 =	vsel vm4, $0xC71, v1;
	v1 =	vimm.s32 $0x7C7;
	s13 =	sor.u32 $0x1, s15;
	s21 =	sadd.s32 $0xD0800, s0;
	[dreg:$0x9] =	wrdreg s9  }
0x12: {  	vm5 =	vcmask $0x1310;
	vm6 =	vcmask $0x1714;
	v1 =	vsel vm2, $0x7C0, v1;
	s11 =	simm.s32 $0x1CB00;
	s23 =	sadd.s32 $0xD0840, s0;
	[dreg:$0xd] =	wrdreg s21  }
0x13: {  	vm7 =	vcmask $0x1B18;
	v5 =	vimm.s32 $0xFF3;
	v1 =	vsel vm4, $0x7C1, v1;
	s15 =	simm.s32 $0x2;
	s24 =	sadd.s32 $0xD0880, s0;
	[dreg:$0xe] =	wrdreg s23  }
0x14: {  	v56 =	vsel vm2, $0x30, v2;
	v4 =	vsel vm2, $0x440, v4;
	s16 =	sshll.u32 s13, $0x9;
	s0 =	sadd.s32 $0xD08C0, s0;
	v1 =	vsel vm3, $0x7C2, v1;
	[dreg:$0x10] =	wrdreg s24  }
0x15: {  	v5 =	vsel vm2, $0xFF0, v5;
	v4 =	vsel vm4, $0x441, v4;
	s17 =	sshll.u32 s13, $0x8;
	s25 =	smax.u32 s10, $0x1;
	[dreg:$0x11] =	wrdreg s0;
	v1 =	vsel vm1, $0x7C3, v1  }
0x16: {  	v4 =	vsel vm3, $0x442, v4;
	s26 =	sor.u32 $0x8, s2;
	s2 =	simm.s32 $0x1BF00;
	[dreg:$0x12] =	wrdreg s25;
	v7 =	vsel vm5, $0x7C4, v1;
	v1 =	vimm.s32 $0x3B1  }
0x17: {  	v5 =	vsel vm4, $0xFF1, v5;
	v4 =	vsel vm1, $0x443, v4;
	s10 =	simm.s32 $0x1C700;
	s12 =	sadd.s32 s3, s16;
	[dreg:$0x13] =	wrdreg s26;
	v1 =	vsel vm2, $0x3B0, v1  }
0x18: {  	v4 =	vsel vm5, $0x444, v4;
	s13 =	sadd.s32 s5, s17;
	s0 =	simm.s32 $0x1B700;
	[dreg:$0x6] =	wrdreg s12;
	v8 =	vsel vm6, $0x7C5, v7;
	[tilespmem:$0x1FFD0] =	vst v1;
	v1 =	vsel vm3, $0xFF2, v5  }
0x19: {  	v2 =	vsel vm3, $0xC72, v3;
	v4 =	vsel vm6, $0x445, v4;
	[dreg:$0x7] =	wrdreg s13;
	s12 =	sadd.s32 s7, s17;
	s13 =	simm.s32 $0x3;
	[tilespmem:$0x1FFE0] =	vst v1;
	v1 =	vsel vm7, $0x7C6, v8  }
0x1a: {  	v3 =	vimm.s32 $0x0;
	vm1 =	vmmov $0xff;
	v4 =	vsel vm7, $0x446, v4;
	s17 =	simm.s32 $0x0;
	[dreg:$0x8] =	wrdreg s12;
	s12 =	simm.s32 $0x1;
	[tilespmem:$0x1FFF0] =	vst v1  }
.LBB2_1:
0x1b: {  	s9 =	rddreg [dreg:$0x3]  }
0x1c: {  	[tilespmem:s28], [sflag:$0x1] =	stream.linear.gather [hbm4b:s9+s1], $0x1000, $0x38;
	[tilespmem:$0x1DD00] =	vst v63  }
0x1d: {  	s20 =	rddreg [dreg:$0x4]  }
0x1e: {  	[tilespmem:s29], [sflag:$0x1] =	stream.linear.gather [hbm4b:s20+s1], $0x800, $0x38;
	[tilespmem:$0x1DD00] =	vst v63  }
0x1f: {  	s21 =	rddreg [dreg:$0x5]  }
0x20: {  	[tilespmem:s30], [sflag:$0x1] =	stream.linear.gather [hbm4b:s21+s1], $0x800, $0x38;
	[tilespmem:$0x1DD00] =	vst v63  }
0x21: {  	s22 =	rddreg [dreg:$0x6]  }
0x22: {  	[tilespmem:s31], [sflag:$0x2] =	stream.linear.gather [hbm4b:s22+s1], $0x1000, $0x38;
	[tilespmem:$0x1DD00] =	vst v63  }
0x23: {  	s23 =	rddreg [dreg:$0x7]  }
0x24: {  	[tilespmem:s0], [sflag:$0x2] =	stream.linear.gather [hbm4b:s23+s1], $0x800, $0x38;
	[tilespmem:$0x1DD00] =	vst v63  }
0x25: {  	s24 =	rddreg [dreg:$0x8]  }
0x26: {  	[tilespmem:s2], [sflag:$0x2] =	stream.linear.gather [hbm4b:s24+s1], $0x800, $0x38;
	[tilespmem:$0x1DD00] =	vst v63  }
0x27: {  	s25 =	rddreg [dreg:$0x9]  }
0x28: {  	[tilespmem:s10], [sflag:$0x3] =	stream.linear.gather [hbm4b:s25+s1], $0x400, $0x38;
	[tilespmem:$0x1DD00] =	vst v63  }
0x29: {  	s26 =	rddreg [dreg:$0xa];
	s16 =	simm.s32 $0x400;
	s9 =	simm.s32 $0x0  }
0x2a: {  	[tilespmem:s11], [sflag:$0x4] =	stream.linear.gather [hbm4b:s26+s1], $0x1000, $0x38;
	[tilespmem:$0x1DD00] =	vst v63  }
.LBB2_2:
0x2b: {  	p0 =	sne.s32 s16, $0x61800;
	[tilespmem:s9+$0xF0] =	vst v0  }
0x2c: {  	[tilespmem:s9+$0x0] =	vst v0  }
0x2d: {  	[tilespmem:s9+$0x10] =	vst v0  }
0x2e: {  	[tilespmem:s9+$0x20] =	vst v0  }
0x2f: {  	[tilespmem:s9+$0x30] =	vst v0  }
0x30: {  	[tilespmem:s9+$0x40] =	vst v0  }
0x31: {  	[tilespmem:s9+$0x50] =	vst v0  }
0x32: {  	[tilespmem:s9+$0x60] =	vst v0  }
0x33: {  	[tilespmem:s9+$0x70] =	vst v0  }
0x34: {  	[tilespmem:s9+$0x80] =	vst v0  }
0x35: {  	[tilespmem:s9+$0x90] =	vst v0  }
.Ltmp0:
0x36: {  	[tilespmem:s9+$0xA0] =	vst v0;
	(pc) =	sbr.rel @p0 .LBB2_2-.Ltmp0, $4  }
0x37: {  	[tilespmem:s9+$0xB0] =	vst v0  }
0x38: {  	[tilespmem:s9+$0xC0] =	vst v0  }
0x39: {  	[tilespmem:s9+$0xD0] =	vst v0  }
0x3a: {  	[tilespmem:s9+$0xE0] =	vst v0;
	s9 =	sshra.s32 s16, $0x2;
	s16 =	sadd.s32 $0x400, s16  }
0x3b: {  	[tilespmem:s9+$0xF0] =	vst v0  }
0x3c: {  	[tilespmem:s9+$0x0] =	vst v0  }
0x3d: {  	[tilespmem:s9+$0x10] =	vst v0  }
0x3e: {  	[tilespmem:s9+$0x20] =	vst v0  }
0x3f: {  	[tilespmem:s9+$0x30] =	vst v0  }
0x40: {  	[tilespmem:s9+$0x40] =	vst v0  }
0x41: {  	[tilespmem:s9+$0x50] =	vst v0  }
0x42: {  	[tilespmem:s9+$0x60] =	vst v0  }
0x43: {  	[tilespmem:s9+$0x70] =	vst v0  }
0x44: {  	[tilespmem:s9+$0x80] =	vst v0  }
0x45: {  	[tilespmem:s9+$0x90] =	vst v0  }
0x46: {  	[tilespmem:s9+$0xA0] =	vst v0  }
0x47: {  	[tilespmem:s9+$0xB0] =	vst v0  }
0x48: {  	[dreg:$0x14] =	wrdreg s17;
	[tilespmem:s9+$0xC0] =	vst v0  }
0x49: {  	[tilespmem:s9+$0xD0] =	vst v0;
	s26 =	rddreg [dreg:$0x13]  }
0x4a: {  	[tilespmem:s9+$0xE0] =	vst v0;
	v9 =	vimm.f32 $0.0e+00;
	v8 =	vimm.s32 $0x0;
	s24 =	simm.s32 $0x0;
	s22 =	rddreg [dreg:$0xf];
	v10 =	vimm.f32 $0.0e+00;
	s23 =	simm.s32 $0x0  }
.LBB2_4:
0x4b: {  	_ =	swait.ge [sflag:s12], $0x1000  }
0x4c: {  	[sflag:s12] =	ssyncset.done $0x0  }
0x4d: {  	[sflag:s12] =	ssyncadd.s32 $0xFFFFF000  }
0x4e: {  	_ =	swait.ge [sflag:s12], $0x800  }
0x4f: {  	[sflag:s12] =	ssyncset.done $0x0  }
0x50: {  	[sflag:s12] =	ssyncadd.s32 $0xFFFFF800  }
0x51: {  	_ =	swait.ge [sflag:s12], $0x800  }
0x52: {  	[sflag:s12] =	ssyncset.done $0x0  }
0x53: {  	[sflag:s12] =	ssyncadd.s32 $0xFFFFF800  }
0x54: {  	_ =	swait.ge [sflag:s13], $0x400  }
0x55: {  	[sflag:s13] =	ssyncset.done $0x0  }
0x56: {  	[sflag:s13] =	ssyncadd.s32 $0xFFFFFC00  }
0x57: {  	_ =	swait.ge [sflag:s14], $0x1000  }
0x58: {  	s9 =	sshll.u32 s23, $0x4;
	s16 =	simm.s32 $0x0;
	[sflag:s14] =	ssyncset.done $0x0  }
0x59: {  	s17 =	simm.s32 $0x0;
	s9 =	sadd.s32 s8, s9;
	[sflag:s14] =	ssyncadd.s32 $0xFFFFF000  }
.LBB2_5:
0x5a: {  	s20 =	sshra.s32 s16, $0x2  }
0x5b: {  	v11 =	vld [tilespmem:s20+$0x1C700];
	_ =	sdelay $0x5  }
0x5c: {  	s18 =	sadd.s32 s17, s22  }
0x5d: {  	v12 =	vmov s18  }
0x5e: {  	[tilespmem:v11+s1+$0x0] =	vst.idx.msk $0xffff, v12  }
0x5f: {  	v11 =	vld [tilespmem:s20+$0x1C710];
	_ =	sdelay $0x7  }
0x60: {  	[tilespmem:v11+s1+$0x0] =	vst.idx.msk $0xffff, v12  }
0x61: {  	v11 =	vmov s17;
	v13 =	vld [tilespmem:s20+$0x1C720]  }
0x62: {  	v11 =	vshll.u32 v11, $0x7  }
0x63: {  	v11 =	vbroadcast v11, $0x0;
	_ =	sdelay $0x1  }
0x64: {  	v14 =	vor.u32 v56, v11;
	_ =	sdelay $0x3  }
0x65: {  	[tilespmem:v13+s1+$0x0] =	vst.idx.msk $0xffff, v12  }
0x66: {  	v13 =	vld.idx.msk [tilespmem:v14+s10+$0x0], $0xffff;
	_ =	sdelay $0x7  }
0x67: {  	[tilespmem:v13+s1+$0x0] =	vst.idx.msk $0xffff, v12  }
0x68: {  	v12 =	vld [tilespmem:s20+$0x18700]  }
0x69: {  	v13 =	vld [tilespmem:s20+$0x18710]  }
0x6a: {  	v45 =	vld [tilespmem:s20+$0x18720]  }
0x6b: {  	v15 =	vld [tilespmem:s20+$0x1CB00]  }
0x6c: {  	v16 =	vld [tilespmem:s20+$0x18730]  }
0x6d: {  	v17 =	vld [tilespmem:s20+$0x1CB10]  }
0x6e: {  	v18 =	vld [tilespmem:s20+$0x18740]  }
0x6f: {  	v19 =	vld [tilespmem:s20+$0x1CB20]  }
0x70: {  	v20 =	vld [tilespmem:s20+$0x18750]  }
0x71: {  	v21 =	vld [tilespmem:s20+$0x1CB30]  }
0x72: {  	v22 =	vld [tilespmem:s20+$0x18760]  }
0x73: {  	v23 =	vld [tilespmem:s20+$0x1CB40]  }
0x74: {  	v46 =	vld [tilespmem:s20+$0x18770]  }
0x75: {  	v28 =	vld [tilespmem:s20+$0x1CB50]  }
0x76: {  	v24 =	vld [tilespmem:s20+$0x18B00]  }
0x77: {  	v29 =	vld [tilespmem:s20+$0x1CB60]  }
0x78: {  	v47 =	vld [tilespmem:s20+$0x18B10]  }
0x79: {  	v31 =	vld [tilespmem:s20+$0x1CB70]  }
0x7a: {  	v48 =	vld [tilespmem:s20+$0x18B20]  }
0x7b: {  	v33 =	vld [tilespmem:s20+$0x1CF00]  }
0x7c: {  	v49 =	vld [tilespmem:s20+$0x18B30]  }
0x7d: {  	v35 =	vld [tilespmem:s20+$0x1CF10]  }
0x7e: {  	v50 =	vld [tilespmem:s20+$0x18B40]  }
0x7f: {  	v37 =	vld [tilespmem:s20+$0x1CF20]  }
0x80: {  	v51 =	vld [tilespmem:s20+$0x18B50]  }
0x81: {  	v39 =	vld [tilespmem:s20+$0x1CF30]  }
0x82: {  	v52 =	vld [tilespmem:s20+$0x18B60]  }
0x83: {  	v41 =	vld [tilespmem:s20+$0x1CF40]  }
0x84: {  	v53 =	vld [tilespmem:s20+$0x18B70]  }
0x85: {  	v43 =	vld [tilespmem:s20+$0x1CF50]  }
0x86: {  	v54 =	vld [tilespmem:s20+$0x18F00]  }
0x87: {  	v55 =	vld [tilespmem:s20+$0x18F10]  }
0x88: {  	v57 =	vld [tilespmem:s20+$0x18F20]  }
0x89: {  	v58 =	vld [tilespmem:s20+$0x18F30]  }
0x8a: {  	v25 =	vld [tilespmem:s20+$0x18F40]  }
0x8b: {  	v26 =	vld [tilespmem:s20+$0x1D330]  }
0x8c: {  	v59 =	vld [tilespmem:s20+$0x18F50]  }
0x8d: {  	v60 =	vld [tilespmem:s20+$0x18F60]  }
0x8e: {  	v61 =	vld [tilespmem:s20+$0x18F70]  }
0x8f: {  	v63 =	vld [tilespmem:s20+$0x19300]  }
0x90: {  	v12 =	vld.idx.msk [tilespmem:v12+s1+$0x0], $0xffff  }
0x91: {  	v13 =	vld.idx.msk [tilespmem:v13+s1+$0x0], $0xffff  }
0x92: {  	v14 =	vld.idx.msk [tilespmem:v45+s1+$0x0], $0xffff  }
0x93: {  	v16 =	vld.idx.msk [tilespmem:v16+s1+$0x0], $0xffff  }
0x94: {  	v27 =	vld.idx.msk [tilespmem:v18+s1+$0x0], $0xffff  }
0x95: {  	v20 =	vld.idx.msk [tilespmem:v20+s1+$0x0], $0xffff  }
0x96: {  	v30 =	vld.idx.msk [tilespmem:v22+s1+$0x0], $0xffff  }
0x97: {  	v32 =	vld.idx.msk [tilespmem:v46+s1+$0x0], $0xffff  }
0x98: {  	v34 =	vld.idx.msk [tilespmem:v24+s1+$0x0], $0xffff  }
0x99: {  	v36 =	vld.idx.msk [tilespmem:v47+s1+$0x0], $0xffff  }
0x9a: {  	v38 =	vld.idx.msk [tilespmem:v48+s1+$0x0], $0xffff  }
0x9b: {  	v40 =	vld.idx.msk [tilespmem:v49+s1+$0x0], $0xffff  }
0x9c: {  	v42 =	vld.idx.msk [tilespmem:v50+s1+$0x0], $0xffff  }
0x9d: {  	v44 =	vld.idx.msk [tilespmem:v51+s1+$0x0], $0xffff  }
0x9e: {  	v45 =	vld [tilespmem:s20+$0x1CF60]  }
0x9f: {  	v46 =	vld.idx.msk [tilespmem:v52+s1+$0x0], $0xffff  }
0xa0: {  	v47 =	vld [tilespmem:s20+$0x1CF70]  }
0xa1: {  	v48 =	vld.idx.msk [tilespmem:v53+s1+$0x0], $0xffff  }
0xa2: {  	v49 =	vld [tilespmem:s20+$0x1D300]  }
0xa3: {  	v50 =	vld.idx.msk [tilespmem:v54+s1+$0x0], $0xffff  }
0xa4: {  	v51 =	vld [tilespmem:s20+$0x1D310]  }
0xa5: {  	v52 =	vld.idx.msk [tilespmem:v55+s1+$0x0], $0xffff  }
0xa6: {  	v53 =	vld [tilespmem:s20+$0x1D320]  }
0xa7: {  	v54 =	vld.idx.msk [tilespmem:v57+s1+$0x0], $0xffff;
	vm2 =	veq.s32 v12, s18  }
0xa8: {  	v55 =	vld.idx.msk [tilespmem:v58+s1+$0x0], $0xffff;
	v15 =	vnsel vm2, $0x0, v15  }
0xa9: {  	v24 =	vld [tilespmem:s20+$0x1D340];
	vm2 =	veq.s32 v13, s18;
	v10 =	vadd.f32 v15, v10  }
0xaa: {  	v25 =	vld.idx.msk [tilespmem:v25+s1+$0x0], $0xffff;
	v62 =	vnsel vm2, $0x0, v17  }
0xab: {  	v18 =	vld [tilespmem:s20+$0x1D350];
	vm2 =	veq.s32 v14, s18;
	v10 =	vadd.f32 v62, v10  }
0xac: {  	v22 =	vld.idx.msk [tilespmem:v59+s1+$0x0], $0xffff;
	v14 =	vnsel vm2, $0x0, v19  }
0xad: {  	v57 =	vld [tilespmem:s20+$0x19310];
	vm2 =	veq.s32 v16, s18;
	v10 =	vadd.f32 v14, v10  }
0xae: {  	v12 =	vld [tilespmem:s20+$0x1D700];
	v58 =	vnsel vm2, $0x0, v21  }
0xaf: {  	v15 =	vld.idx.msk [tilespmem:v63+s1+$0x0], $0xffff;
	vm2 =	veq.s32 v27, s18;
	v10 =	vadd.f32 v58, v10  }
0xb0: {  	v63 =	vld [tilespmem:s20+$0x19700];
	v59 =	vnsel vm2, $0x0, v23  }
0xb1: {  	v16 =	vld [tilespmem:s20+$0x1D360];
	vm2 =	veq.s32 v20, s18;
	v10 =	vadd.f32 v59, v10  }
0xb2: {  	v21 =	vld.idx.msk [tilespmem:v60+s1+$0x0], $0xffff;
	v60 =	vnsel vm2, $0x0, v28  }
0xb3: {  	v19 =	vld.idx.msk [tilespmem:v61+s1+$0x0], $0xffff;
	vm2 =	veq.s32 v30, s18;
	v13 =	vadd.f32 v60, v10  }
0xb4: {  	v23 =	vld [tilespmem:s20+$0x19320];
	v61 =	vnsel vm2, $0x0, v29  }
0xb5: {  	v14 =	vld [tilespmem:s20+$0x1D370];
	vm2 =	veq.s32 v32, s18;
	v20 =	vadd.f32 v61, v13  }
0xb6: {  	v28 =	vld [tilespmem:s20+$0x19710];
	v62 =	vnsel vm2, $0x0, v31  }
0xb7: {  	vm2 =	veq.s32 v34, s18;
	v58 =	vld [tilespmem:s20+$0x19730];
	v17 =	vadd.f32 v62, v20  }
0xb8: {  	v34 =	vnsel vm2, $0x0, v33;
	vm2 =	veq.s32 v36, s18;
	v36 =	vld [tilespmem:s20+$0x19720]  }
0xb9: {  	v59 =	vld [tilespmem:s20+$0x19740];
	v17 =	vadd.f32 v34, v17  }
0xba: {  	v13 =	vld.idx.msk [tilespmem:v57+s1+$0x0], $0xffff;
	v57 =	vnsel vm2, $0x0, v35  }
0xbb: {  	v63 =	vld.idx.msk [tilespmem:v63+s1+$0x0], $0xffff;
	vm2 =	veq.s32 v38, s18;
	v29 =	vadd.f32 v57, v17  }
0xbc: {  	v10 =	vld [tilespmem:s20+$0x1D710];
	v60 =	vnsel vm2, $0x0, v37  }
0xbd: {  	v23 =	vld.idx.msk [tilespmem:v23+s1+$0x0], $0xffff;
	vm2 =	veq.s32 v40, s18;
	v29 =	vadd.f32 v60, v29  }
0xbe: {  	v61 =	vld [tilespmem:s20+$0x19750];
	v62 =	vnsel vm2, $0x0, v39  }
0xbf: {  	v28 =	vld.idx.msk [tilespmem:v28+s1+$0x0], $0xffff;
	vm2 =	veq.s32 v42, s18;
	v29 =	vadd.f32 v62, v29  }
0xc0: {  	vm14 =	veq.s32 v63, s18;
	v63 =	vld [tilespmem:s20+$0x19B30];
	v42 =	vnsel vm2, $0x0, v41  }
0xc1: {  	v30 =	vld.idx.msk [tilespmem:v58+s1+$0x0], $0xffff;
	vm2 =	veq.s32 v44, s18;
	v20 =	vadd.f32 v42, v29  }
0xc2: {  	v39 =	vld [tilespmem:s20+$0x19F40];
	v43 =	vnsel vm2, $0x0, v43  }
0xc3: {  	v27 =	vld.idx.msk [tilespmem:v36+s1+$0x0], $0xffff;
	vm2 =	veq.s32 v46, s18;
	v20 =	vadd.f32 v43, v20  }
0xc4: {  	v44 =	vld.idx.msk [tilespmem:v59+s1+$0x0], $0xffff;
	v45 =	vnsel vm2, $0x0, v45  }
0xc5: {  	v46 =	vld [tilespmem:s20+$0x19760];
	v31 =	vadd.f32 v45, v20;
	v20 =	vor.u32 v4, v11  }
0xc6: {  	v59 =	vld [tilespmem:s20+$0x19B10]  }
0xc7: {  	vm2 =	veq.s32 v48, s18;
	v48 =	vld [tilespmem:s20+$0x19770]  }
0xc8: {  	v57 =	vld [tilespmem:s20+$0x19B00]  }
0xc9: {  	v33 =	vsel vm14, $0x1, v3;
	v60 =	vld [tilespmem:s20+$0x19B20]  }
0xca: {  	vm13 =	veq.s32 v28, s18;
	v47 =	vnsel vm2, $0x0, v47;
	vm2 =	veq.s32 v50, s18;
	v62 =	vld.idx.msk [tilespmem:v20+s29+$0x0], $0xffff  }
0xcb: {  	v41 =	vsel vm13, $0x1, v3;
	v58 =	vnsel vm2, $0x0, v49;
	vm2 =	veq.s32 v52, s18;
	v32 =	vld.idx.msk [tilespmem:v61+s1+$0x0], $0xffff  }
0xcc: {  	vm11 =	veq.s32 v30, s18;
	v61 =	vnsel vm2, $0x0, v51;
	vm2 =	veq.s32 v54, s18;
	v28 =	vld.idx.msk [tilespmem:v63+s1+$0x0], $0xffff  }
0xcd: {  	vm12 =	veq.s32 v27, s18;
	v49 =	vnsel vm2, $0x0, v53;
	vm2 =	veq.s32 v55, s18;
	v34 =	vld.idx.msk [tilespmem:v46+s1+$0x0], $0xffff  }
0xce: {  	v27 =	vadd.s32 v33, v41;
	vm9 =	veq.s32 v44, s18;
	v26 =	vnsel vm2, $0x0, v26;
	v38 =	vld.idx.msk [tilespmem:v59+s1+$0x0], $0xffff  }
0xcf: {  	vm2 =	veq.s32 v25, s18;
	v45 =	vld.idx.msk [tilespmem:v48+s1+$0x0], $0xffff;
	v31 =	vadd.f32 v47, v31;
	v47 =	vnsel vm1, $0x186A1, v62  }
0xd0: {  	v44 =	vsel vm11, $0x1, v3;
	v24 =	vnsel vm2, $0x0, v24;
	v43 =	vsel vm12, $0x1, v3;
	v35 =	vld.idx.msk [tilespmem:v57+s1+$0x0], $0xffff  }
0xd1: {  	v36 =	vld [tilespmem:s20+$0x19F30];
	v46 =	vsel vm9, $0x1, v3;
	vm10 =	veq.s32 v32, s18;
	v27 =	vadd.s32 v43, v27  }
0xd2: {  	v50 =	vsel vm10, $0x1, v3;
	vm3 =	veq.s32 v28, s18;
	v27 =	vadd.s32 v44, v27;
	v52 =	vld.idx.msk [tilespmem:v60+s1+$0x0], $0xffff  }
0xd3: {  	v17 =	vld [tilespmem:s20+$0x1D720];
	v27 =	vadd.s32 v46, v27;
	vm6 =	veq.s32 v34, s18;
	vm7 =	veq.s32 v38, s18  }
0xd4: {  	v27 =	vadd.s32 v50, v27;
	v51 =	vsel vm6, $0x1, v3;
	vm8 =	veq.s32 v45, s18;
	v53 =	vld.idx.msk [tilespmem:v47+s1+$0x0], $0xffff  }
0xd5: {  	v41 =	vld [tilespmem:s20+$0x1D750];
	v27 =	vadd.s32 v51, v27;
	vm5 =	veq.s32 v35, s18;
	v30 =	vsel vm8, $0x1, v3  }
0xd6: {  	v57 =	vld [tilespmem:s20+$0x19F00];
	v31 =	vadd.f32 v58, v31;
	v54 =	vsel vm5, $0x1, v3;
	v27 =	vadd.s32 v30, v27  }
0xd7: {  	v42 =	vld [tilespmem:s20+$0x19330];
	v58 =	vsel vm7, $0x1, v3;
	vm4 =	veq.s32 v52, s18;
	v55 =	vadd.s32 v54, v27  }
0xd8: {  	v59 =	vld [tilespmem:s20+$0x19F10];
	v31 =	vadd.f32 v61, v31;
	v60 =	vsel vm4, $0x1, v3;
	v25 =	vadd.s32 v58, v55  }
0xd9: {  	v48 =	vld [tilespmem:s20+$0x19340];
	v61 =	vsel vm3, $0x1, v3;
	v25 =	vadd.s32 v60, v25;
	vm2 =	veq.s32 v53, s18  }
0xda: {  	v31 =	vadd.f32 v49, v31;
	v62 =	vld [tilespmem:s20+$0x19F20];
	v25 =	vadd.s32 v61, v25;
	v63 =	vsel vm2, $0x1, v3  }
0xdb: {  	v28 =	vld [tilespmem:s20+$0x1D740];
	v27 =	vnsel vm14, $0x0, v57;
	v34 =	vadd.s32 v63, v25  }
0xdc: {  	v44 =	vld [tilespmem:s20+$0x19360];
	v9 =	vadd.f32 v27, v9;
	v26 =	vadd.f32 v26, v31;
	(xrf0) =	vadd.scan.msk.s32 $0xffff, v34  }
0xdd: {  	v11 =	vor.u32 v2, v11;
	v37 =	vnsel vm13, $0x0, v59;
	v38 =	vld [tilespmem:s20+$0x19350]  }
0xde: {  	v51 =	vld [tilespmem:s20+$0x1A300];
	vm14 =	veq.s32 v22, s18;
	v9 =	vadd.f32 v37, v9;
	v24 =	vadd.f32 v24, v26  }
0xdf: {  	v30 =	vld.idx.msk [tilespmem:v42+s1+$0x0], $0xffff;
	v18 =	vnsel vm14, $0x0, v18;
	v40 =	vnsel vm12, $0x0, v62  }
0xe0: {  	vm13 =	veq.s32 v21, s18;
	v42 =	vld [tilespmem:s20+$0x19F50];
	v18 =	vadd.f32 v18, v24;
	v9 =	vadd.f32 v40, v9  }
0xe1: {  	v43 =	vnsel vm11, $0x0, v36;
	v16 =	vnsel vm13, $0x0, v16;
	v45 =	vld [tilespmem:s20+$0x19F60]  }
0xe2: {  	v35 =	vld.idx.msk [tilespmem:v48+s1+$0x0], $0xffff;
	vm12 =	veq.s32 v19, s18;
	v16 =	vadd.f32 v16, v18;
	v9 =	vadd.f32 v43, v9;
	v46, _, _ =	vpop (xrf0)  }
0xe3: {  	v21 =	vnsel vm9, $0x0, v39;
	v47 =	vld.idx.msk [tilespmem:v11+s28+$0x0], $0xffff;
	v14 =	vnsel vm12, $0x0, v14;
	(v2sf) =	vpush v46, $0xF  }
0xe4: {  	v48 =	vld [tilespmem:s20+$0x19F70];
	vm14 =	veq.s32 v15, s18;
	v14 =	vadd.f32 v14, v16;
	v9 =	vadd.f32 v21, v9  }
0xe5: {  	v54 =	vld [tilespmem:s20+$0x1A310];
	v12 =	vnsel vm14, $0x0, v12;
	v49 =	vnsel vm10, $0x0, v42  }
0xe6: {  	vm15 =	veq.s32 v13, s18;
	v31 =	vld [tilespmem:s20+$0x1D730];
	v12 =	vadd.f32 v12, v14;
	v9 =	vadd.f32 v49, v9  }
0xe7: {  	v10 =	vnsel vm15, $0x0, v10;
	vm11 =	veq.s32 v23, s18;
	v57 =	vld.idx.msk [tilespmem:v44+s1+$0x0], $0xffff;
	v52 =	vnsel vm6, $0x0, v45  }
0xe8: {  	v50 =	vld.idx.msk [tilespmem:v38+s1+$0x0], $0xffff;
	v15 =	vnsel vm0, $0x186A1, v47;
	v10 =	vadd.f32 v10, v12;
	v9 =	vadd.f32 v52, v9  }
0xe9: {  	v17 =	vnsel vm11, $0x0, v17;
	v58 =	vld [tilespmem:s20+$0x1A320];
	v55 =	vnsel vm8, $0x0, v48  }
0xea: {  	v60 =	vld [tilespmem:s20+$0x1A330];
	vm12 =	veq.s32 v30, s18;
	v10 =	vadd.f32 v17, v10;
	v9 =	vadd.f32 v55, v9  }
0xeb: {  	v11 =	vld.idx.msk [tilespmem:v11+s11+$0x0], $0xffff;
	v59 =	vnsel vm12, $0x0, v31;
	v14 =	vnsel vm5, $0x0, v51  }
0xec: {  	vm13 =	veq.s32 v35, s18;
	v53 =	vld [tilespmem:s20+$0x1D760];
	v10 =	vadd.f32 v59, v10;
	v9 =	vadd.f32 v14, v9  }
0xed: {  	v61 =	vnsel vm13, $0x0, v28;
	v12 =	vnsel vm7, $0x0, v54;
	v15 =	vld.idx.msk [tilespmem:v15+s1+$0x0], $0xffff  }
0xee: {  	vm14 =	veq.s32 v50, s18;
	v62 =	vld.idx.msk [tilespmem:v20+s30+$0x0], $0xffff;
	v10 =	vadd.f32 v61, v10;
	v9 =	vadd.f32 v12, v9  }
0xef: {  	p1 =	sne.s32 s16, $0xC00;
	v13 =	vnsel vm14, $0x0, v41;
	v17 =	vnsel vm4, $0x0, v58  }
.Ltmp1:
0xf0: {  	vm15 =	veq.s32 v57, s18;
	v10 =	vadd.f32 v13, v10;
	v9 =	vadd.f32 v17, v9;
	(pc) =	sbr.rel @p1 .LBB2_5-.Ltmp1, $4  }
0xf1: {  	v63 =	vnsel vm15, $0x0, v53;
	v14 =	vnsel vm3, $0x0, v60  }
0xf2: {  	s19 =	smov.u32 s24;
	vm3 =	veq.s32 v15, s18;
	v10 =	vadd.f32 v63, v10;
	v9 =	vadd.f32 v14, v9;
	s24 =	spop (v2sf)  }
0xf3: {  	v12 =	vnsel vm2, $0x0, v62;
	v11 =	vnsel vm3, $0x0, v11;
	p0 =	sgt.s32 s19, s24  }
0xf4: {  	s16 =	sadd.s32 $0x200, s16;
	s17 =	sadd.s32 $0x1, s17;
	v8 =	vadd.s32 v8, v34;
	v10 =	vadd.f32 v11, v10;
	v9 =	vadd.f32 v12, v9;
	s24 =	smov.u32 @p0 s19  }
0xf5: {  	v11 =	vld [tilespmem:$0x1CA80];
	_ =	sdelay $0x5  }
0xf6: {  	s9 =	sor.u32 $0x7, s9  }
0xf7: {  	s21 =	simm.s32 $0x0;
	v12 =	vmov s9  }
0xf8: {  	[tilespmem:v11+s21+$0x0] =	vst.idx.msk $0xffff, v12  }
0xf9: {  	v11 =	vld [tilespmem:$0x1CA90];
	_ =	sdelay $0x7  }
0xfa: {  	[tilespmem:v11+s21+$0x0] =	vst.idx.msk $0xffff, v12  }
0xfb: {  	v11 =	vld [tilespmem:$0x1CAA0]  }
0xfc: {  	v1 =	vld [tilespmem:$0x1FFD0];
	_ =	sdelay $0x6  }
0xfd: {  	[tilespmem:v11+s21+$0x0] =	vst.idx.msk $0xffff, v12  }
0xfe: {  	v11 =	vld.idx.msk [tilespmem:v1+s10+$0x0], $0xffff;
	_ =	sdelay $0x3  }
0xff: {  	s18 =	sshllo.u32 s23, $0x1;
	s16 =	rddreg [dreg:$0x2]  }
0x100: {  	s16 =	sor.u32 s16, s18  }
0x101: {  	s17 =	sshll.u32 s16, $0x7  }
0x102: {  	s17 =	sand.u32 $0x1FFFFF80, s17  }
0x103: {  	s17 =	sadd.s32 s4, s17;
	[tilespmem:v11+s21+$0x0] =	vst.idx.msk $0xffff, v12  }
0x104: {  	v6 =	vld [tilespmem:$0x1FFE0];
	[tilespmem:s10], [sflag:$0x3] =	stream.linear.gather [hbm4b:s17+s21], $0x400, $0x38  }
0x105: {  	v11 =	vld [tilespmem:$0x18A80]  }
0x106: {  	v12 =	vld [tilespmem:$0x18A90]  }
0x107: {  	v13 =	vld [tilespmem:$0x18AA0]  }
0x108: {  	v50 =	vld [tilespmem:$0x1CE80]  }
0x109: {  	v52 =	vld [tilespmem:$0x1CE90]  }
0x10a: {  	v28 =	vld [tilespmem:$0x18AC0]  }
0x10b: {  	v54 =	vld [tilespmem:$0x1CEA0]  }
0x10c: {  	v29 =	vld [tilespmem:$0x18AD0]  }
0x10d: {  	v60 =	vld [tilespmem:$0x1CEB0]  }
0x10e: {  	v58 =	vld [tilespmem:$0x1CEC0]  }
0x10f: {  	v30 =	vld [tilespmem:$0x18AF0]  }
0x110: {  	v14 =	vld [tilespmem:$0x1CED0]  }
0x111: {  	v31 =	vld [tilespmem:$0x18E80]  }
0x112: {  	v15 =	vld [tilespmem:$0x1CEE0]  }
0x113: {  	v19 =	vld [tilespmem:$0x1CEF0]  }
0x114: {  	v32 =	vld [tilespmem:$0x18EA0]  }
0x115: {  	v24 =	vld [tilespmem:$0x1D280]  }
0x116: {  	v33 =	vld [tilespmem:$0x18EB0]  }
0x117: {  	v25 =	vld [tilespmem:$0x1D290]  }
0x118: {  	v16 =	vld [tilespmem:$0x18EC0]  }
0x119: {  	v26 =	vld [tilespmem:$0x1D2A0]  }
0x11a: {  	v18 =	vld [tilespmem:$0x18ED0]  }
0x11b: {  	v27 =	vld [tilespmem:$0x1D2B0]  }
0x11c: {  	v20 =	vld [tilespmem:$0x18EE0]  }
0x11d: {  	v48 =	vld [tilespmem:$0x1D2C0]  }
0x11e: {  	v21 =	vld [tilespmem:$0x18EF0]  }
0x11f: {  	v45 =	vld [tilespmem:$0x1D2D0]  }
0x120: {  	v34 =	vld [tilespmem:$0x19280]  }
0x121: {  	v43 =	vld [tilespmem:$0x1D2E0]  }
0x122: {  	v35 =	vld [tilespmem:$0x19290]  }
0x123: {  	v42 =	vld [tilespmem:$0x1D2F0]  }
0x124: {  	v62 =	vld [tilespmem:$0x192A0]  }
0x125: {  	v40 =	vld [tilespmem:$0x1D680]  }
0x126: {  	v38 =	vld [tilespmem:$0x1D690]  }
0x127: {  	v1 =	vld [tilespmem:$0x1D6F0]  }
0x128: {  	v36 =	vld [tilespmem:$0x1D6A0]  }
0x129: {  	v22 =	vld [tilespmem:$0x19680]  }
0x12a: {  	v7 =	vld [tilespmem:$0x196D0]  }
0x12b: {  	v5 =	vld.idx.msk [tilespmem:v6+s28+$0x0], $0xffff  }
0x12c: {  	[tilespmem:$0x1FF10] =	vst v1;
	v1 =	vld [tilespmem:$0x1DA80]  }
0x12d: {  	v51 =	vld.idx.msk [tilespmem:v11+s21+$0x0], $0xffff  }
0x12e: {  	v11 =	vld [tilespmem:$0x18AB0]  }
0x12f: {  	v53 =	vld.idx.msk [tilespmem:v12+s21+$0x0], $0xffff  }
0x130: {  	v55 =	vld.idx.msk [tilespmem:v13+s21+$0x0], $0xffff  }
0x131: {  	v59 =	vld.idx.msk [tilespmem:v28+s21+$0x0], $0xffff  }
0x132: {  	v23 =	vld.idx.msk [tilespmem:v31+s21+$0x0], $0xffff  }
0x133: {  	v28 =	vld [tilespmem:$0x192B0]  }
0x134: {  	v39 =	vld.idx.msk [tilespmem:v62+s21+$0x0], $0xffff  }
0x135: {  	v62 =	vld [tilespmem:$0x192D0]  }
0x136: {  	v49 =	vld.idx.msk [tilespmem:v18+s21+$0x0], $0xffff  }
0x137: {  	v18 =	vld [tilespmem:$0x192E0]  }
0x138: {  	v46 =	vld.idx.msk [tilespmem:v20+s21+$0x0], $0xffff  }
0x139: {  	v20 =	vld [tilespmem:$0x192F0]  }
0x13a: {  	v13 =	vld.idx.msk [tilespmem:v33+s21+$0x0], $0xffff  }
0x13b: {  	[tilespmem:$0x1FF20] =	vst v1;
	v1 =	vld [tilespmem:$0x1DA90]  }
0x13c: {  	v37 =	vld.idx.msk [tilespmem:v28+s21+$0x0], $0xffff  }
0x13d: {  	v33 =	vld.idx.msk [tilespmem:v62+s21+$0x0], $0xffff  }
0x13e: {  	v62 =	vld [tilespmem:$0x19690]  }
0x13f: {  	v31 =	vld.idx.msk [tilespmem:v18+s21+$0x0], $0xffff  }
0x140: {  	v18 =	vld [tilespmem:$0x196A0]  }
0x141: {  	v28 =	vld.idx.msk [tilespmem:v20+s21+$0x0], $0xffff  }
0x142: {  	v20 =	vld.idx.msk [tilespmem:v22+s21+$0x0], $0xffff  }
0x143: {  	v22 =	vld [tilespmem:$0x1DAA0]  }
0x144: {  	v61 =	vld.idx.msk [tilespmem:v29+s21+$0x0], $0xffff  }
0x145: {  	v17 =	vld.idx.msk [tilespmem:v30+s21+$0x0], $0xffff  }
0x146: {  	[tilespmem:$0x1FF40] =	vst v1;
	v1 =	vld.idx.msk [tilespmem:v62+s21+$0x0], $0xffff  }
0x147: {  	v12 =	vld.idx.msk [tilespmem:v32+s21+$0x0], $0xffff  }
0x148: {  	[tilespmem:$0x1FF50] =	vst v22;
	v22 =	vld.idx.msk [tilespmem:v18+s21+$0x0], $0xffff  }
0x149: {  	v18 =	vld [tilespmem:$0x1DAB0]  }
0x14a: {  	v16 =	vld.idx.msk [tilespmem:v16+s21+$0x0], $0xffff  }
0x14b: {  	[tilespmem:$0x1FF30] =	vst v1;
	v1 =	vld [tilespmem:$0x196C0]  }
0x14c: {  	v47 =	vld.idx.msk [tilespmem:v21+s21+$0x0], $0xffff  }
0x14d: {  	v44 =	vld.idx.msk [tilespmem:v34+s21+$0x0], $0xffff  }
0x14e: {  	[tilespmem:$0x1FF70] =	vst v18;
	v18 =	vld [tilespmem:$0x1DAC0]  }
0x14f: {  	v57 =	vld.idx.msk [tilespmem:v11+s21+$0x0], $0xffff  }
0x150: {  	v11 =	vld [tilespmem:$0x18AE0]  }
0x151: {  	v62 =	vld [tilespmem:$0x196E0]  }
0x152: {  	v41 =	vld.idx.msk [tilespmem:v35+s21+$0x0], $0xffff  }
0x153: {  	[tilespmem:$0x1FF80] =	vst v18;
	v18 =	vld.idx.msk [tilespmem:v1+s21+$0x0], $0xffff  }
0x154: {  	v1 =	vld.idx.msk [tilespmem:v7+s21+$0x0], $0xffff  }
0x155: {  	v29 =	vld [tilespmem:$0x192C0]  }
0x156: {  	v34 =	vld [tilespmem:$0x1D6B0]  }
0x157: {  	v21 =	vld [tilespmem:$0x196B0]  }
0x158: {  	v63 =	vld.idx.msk [tilespmem:v11+s21+$0x0], $0xffff  }
0x159: {  	[tilespmem:$0x1FF90] =	vst v1;
	v1 =	vld.idx.msk [tilespmem:v62+s21+$0x0], $0xffff  }
0x15a: {  	v11 =	vld [tilespmem:$0x18E90]  }
0x15b: {  	v32 =	vld [tilespmem:$0x1D6C0]  }
0x15c: {  	v30 =	vld [tilespmem:$0x1D6D0]  }
0x15d: {  	vm2 =	veq.s32 v51, s9;
	v51 =	vld.idx.msk [tilespmem:v6+s11+$0x0], $0xffff  }
0x15e: {  	[tilespmem:$0x1FFB0] =	vst v1;
	v1 =	vld [tilespmem:$0x1DAD0]  }
0x15f: {  	v5 =	vnsel vm0, $0x186A1, v5;
	v35 =	vld.idx.msk [tilespmem:v29+s21+$0x0], $0xffff  }
0x160: {  	v29 =	vld [tilespmem:$0x1D6E0]  }
0x161: {  	s16 =	sshll.u32 s16, $0x9;
	v21 =	vld.idx.msk [tilespmem:v21+s21+$0x0], $0xffff  }
0x162: {  	s16 =	sand.u32 $0x1FFFFE00, s16;
	v11 =	vld.idx.msk [tilespmem:v11+s21+$0x0], $0xffff  }
0x163: {  	s16 =	sadd.s32 s6, s16;
	[tilespmem:$0x1FFA0] =	vst v1;
	v1 =	vld [tilespmem:$0x1DAE0]  }
0x164: {  	v62 =	vld.idx.msk [tilespmem:v5+s21+$0x0], $0xffff;
	[tilespmem:s11], [sflag:$0x4] =	stream.linear.gather [hbm4b:s16+s21], $0x1000, $0x38  }
0x165: {  	v5 =	vld [tilespmem:$0x19A80];
	_ =	sdelay $0x1  }
0x166: {  	v6 =	vld [tilespmem:$0x1FFF0];
	[tilespmem:$0x1FF60] =	vst v21  }
0x167: {  	v21 =	vld [tilespmem:$0x19AB0];
	[tilespmem:$0x1FFC0] =	vst v1;
	v1 =	vnsel vm2, $0x0, v50  }
0x168: {  	vm2 =	veq.s32 v53, s9;
	v1 =	vadd.f32 v1, v10;
	v10 =	vld [tilespmem:$0x19A90]  }
0x169: {  	v7 =	vnsel vm2, $0x0, v52;
	vm2 =	veq.s32 v55, s9;
	v52 =	vld [tilespmem:$0x19AE0]  }
0x16a: {  	v50 =	vnsel vm2, $0x0, v54;
	v54 =	vld [tilespmem:$0x19AF0]  }
0x16b: {  	vm2 =	veq.s32 v57, s9;
	v1 =	vadd.f32 v7, v1;
	v7 =	vld [tilespmem:$0x19AA0]  }
0x16c: {  	v57 =	vnsel vm2, $0x0, v60;
	vm2 =	veq.s32 v59, s9;
	v5 =	vld.idx.msk [tilespmem:v5+s21+$0x0], $0xffff  }
0x16d: {  	v60 =	vnsel vm2, $0x0, v58;
	vm2 =	veq.s32 v61, s9;
	v58 =	vld [tilespmem:$0x19EA0];
	v1 =	vadd.f32 v50, v1  }
0x16e: {  	v61 =	vld [tilespmem:$0x19EB0];
	v14 =	vnsel vm2, $0x0, v14;
	vm2 =	veq.s32 v63, s9  }
0x16f: {  	v50 =	vld.idx.msk [tilespmem:v21+s21+$0x0], $0xffff;
	v15 =	vnsel vm2, $0x0, v15;
	vm2 =	veq.s32 v17, s9;
	v1 =	vadd.f32 v57, v1  }
0x170: {  	v21 =	vnsel vm2, $0x0, v19;
	v19 =	vld [tilespmem:$0x19AD0]  }
0x171: {  	vm2 =	veq.s32 v23, s9;
	v57 =	vld [tilespmem:$0x19E90];
	v1 =	vadd.f32 v60, v1  }
0x172: {  	v53 =	vnsel vm2, $0x0, v24;
	vm2 =	veq.s32 v11, s9;
	v11 =	vld [tilespmem:$0x19E80]  }
0x173: {  	v1 =	vadd.f32 v14, v1;
	v14 =	vld [tilespmem:$0x19AC0]  }
0x174: {  	v10 =	vld.idx.msk [tilespmem:v10+s21+$0x0], $0xffff  }
0x175: {  	v60 =	vld.idx.msk [tilespmem:v6+s29+$0x0], $0xffff  }
0x176: {  	v55 =	vnsel vm2, $0x0, v25;
	vm2 =	veq.s32 v12, s9;
	v7 =	vld.idx.msk [tilespmem:v7+s21+$0x0], $0xffff  }
0x177: {  	v59 =	vnsel vm2, $0x0, v26;
	v26 =	vld.idx.msk [tilespmem:v61+s21+$0x0], $0xffff  }
0x178: {  	v1 =	vadd.f32 v15, v1;
	v15 =	vld.idx.msk [tilespmem:v52+s21+$0x0], $0xffff  }
0x179: {  	vm14 =	veq.s32 v5, s9;
	v5 =	vld.idx.msk [tilespmem:v19+s21+$0x0], $0xffff  }
0x17a: {  	vm15 =	veq.s32 v16, s9;
	vm2 =	veq.s32 v13, s9;
	v1 =	vadd.f32 v21, v1;
	v21 =	vld.idx.msk [tilespmem:v54+s21+$0x0], $0xffff  }
0x17b: {  	vm11 =	veq.s32 v50, s9;
	vm13 =	veq.s32 v10, s9;
	v10 =	vsel vm14, $0x1, v3;
	v14 =	vld.idx.msk [tilespmem:v14+s21+$0x0], $0xffff  }
0x17c: {  	v23 =	vnsel vm1, $0x186A1, v60;
	v25 =	vld.idx.msk [tilespmem:v57+s21+$0x0], $0xffff;
	vm12 =	veq.s32 v7, s9;
	v7 =	vsel vm13, $0x1, v3  }
0x17d: {  	v1 =	vadd.f32 v53, v1;
	v7 =	vadd.s32 v10, v7;
	v10 =	vsel vm12, $0x1, v3  }
0x17e: {  	v63 =	vnsel vm2, $0x0, v27;
	v11 =	vld.idx.msk [tilespmem:v11+s21+$0x0], $0xffff;
	vm3 =	veq.s32 v26, s9;
	v7 =	vadd.s32 v10, v7  }
0x17f: {  	v10 =	vsel vm11, $0x1, v3;
	vm8 =	veq.s32 v15, s9;
	v1 =	vadd.f32 v55, v1  }
0x180: {  	v7 =	vadd.s32 v10, v7;
	v10 =	vld.idx.msk [tilespmem:v58+s21+$0x0], $0xffff;
	vm9 =	veq.s32 v5, s9;
	vm10 =	veq.s32 v14, s9  }
0x181: {  	v27 =	vld.idx.msk [tilespmem:v23+s21+$0x0], $0xffff;
	vm7 =	veq.s32 v21, s9;
	vm5 =	veq.s32 v25, s9;
	v5 =	vsel vm10, $0x1, v3  }
0x182: {  	v1 =	vadd.f32 v59, v1;
	v5 =	vadd.s32 v5, v7;
	v7 =	vsel vm9, $0x1, v3  }
0x183: {  	vm6 =	veq.s32 v11, s9;
	v5 =	vadd.s32 v7, v5;
	v7 =	vsel vm8, $0x1, v3  }
0x184: {  	v1 =	vadd.f32 v63, v1;
	v5 =	vadd.s32 v7, v5;
	v7 =	vsel vm7, $0x1, v3  }
0x185: {  	vm4 =	veq.s32 v10, s9;
	v5 =	vadd.s32 v7, v5;
	v7 =	vsel vm6, $0x1, v3  }
0x186: {  	vm2 =	veq.s32 v27, s9;
	v5 =	vadd.s32 v7, v5;
	v7 =	vsel vm5, $0x1, v3  }
0x187: {  	v10 =	vnsel vm15, $0x0, v48;
	v5 =	vadd.s32 v7, v5;
	v7 =	vsel vm4, $0x1, v3  }
0x188: {  	vm15 =	veq.s32 v49, s9;
	v5 =	vadd.s32 v7, v5;
	v7 =	vsel vm3, $0x1, v3  }
0x189: {  	v1 =	vadd.f32 v10, v1;
	v5 =	vadd.s32 v7, v5;
	v7 =	vsel vm2, $0x1, v3  }
0x18a: {  	v5 =	vadd.s32 v7, v5;
	v7 =	vnsel vm15, $0x0, v45  }
0x18b: {  	vm15 =	veq.s32 v46, s9;
	v1 =	vadd.f32 v7, v1  }
0x18c: {  	v7 =	vnsel vm15, $0x0, v43  }
0x18d: {  	vm15 =	veq.s32 v47, s9;
	v1 =	vadd.f32 v7, v1  }
0x18e: {  	v10 =	vnsel vm15, $0x0, v42  }
0x18f: {  	(xrf0) =	vadd.scan.msk.s32 $0xffff, v5;
	vm15 =	veq.s32 v44, s9;
	v7 =	vld [tilespmem:$0x1A280];
	v1 =	vadd.f32 v10, v1  }
0x190: {  	v40 =	vnsel vm15, $0x0, v40  }
0x191: {  	v11 =	vld [tilespmem:$0x1A290];
	vm15 =	veq.s32 v41, s9;
	v1 =	vadd.f32 v40, v1  }
0x192: {  	v45 =	vnsel vm15, $0x0, v38  }
0x193: {  	v50 =	vld [tilespmem:$0x1A680];
	vm15 =	veq.s32 v39, s9;
	v1 =	vadd.f32 v45, v1  }
0x194: {  	v53 =	vld [tilespmem:$0x1A690];
	v48 =	vnsel vm15, $0x0, v36;
	v7 =	vnsel vm14, $0x0, v7  }
0x195: {  	v55 =	vld [tilespmem:$0x1A6B0];
	vm15 =	veq.s32 v37, s9;
	v43, _, _ =	vpop (xrf0);
	v7 =	vadd.f32 v7, v9;
	v1 =	vadd.f32 v48, v1  }
0x196: {  	v11 =	vnsel vm13, $0x0, v11;
	v10 =	vld [tilespmem:$0x1A2A0];
	v52 =	vnsel vm15, $0x0, v34;
	(v2sf) =	vpush v43, $0xF  }
0x197: {  	vm14 =	veq.s32 v35, s9;
	v7 =	vadd.f32 v11, v7;
	v11 =	vld.idx.msk [tilespmem:v6+s30+$0x0], $0xffff;
	v1 =	vadd.f32 v52, v1  }
0x198: {  	v54 =	vnsel vm14, $0x0, v32;
	v6 =	vld [tilespmem:$0x1FF10]  }
0x199: {  	v49 =	vld [tilespmem:$0x1A2F0];
	vm13 =	veq.s32 v33, s9;
	v1 =	vadd.f32 v54, v1  }
0x19a: {  	s25 =	sshll.u32 s23, $0x1;
	v57 =	vnsel vm13, $0x0, v30;
	v46 =	vld [tilespmem:$0x1A2D0]  }
0x19b: {  	s20 =	rddreg [dreg:$0xb];
	s19 =	smin.u32 s25, $0xD;
	v47 =	vld [tilespmem:$0x1A2E0];
	v10 =	vnsel vm12, $0x0, v10;
	vm12 =	veq.s32 v31, s9;
	v1 =	vadd.f32 v57, v1  }
0x19c: {  	s17 =	sadd.s32 s19, s20;
	v42 =	vld [tilespmem:$0x1A2B0];
	v7 =	vadd.f32 v10, v7;
	v10 =	vnsel vm12, $0x0, v29;
	vm12 =	veq.s32 v28, s9  }
0x19d: {  	s16 =	sshll.u32 s17, $0x9;
	v1 =	vadd.f32 v10, v1;
	v10 =	vnsel vm12, $0x0, v6;
	v6 =	vld [tilespmem:$0x1FF20]  }
0x19e: {  	s19 =	sadd.s32 s3, s16;
	v44 =	vld [tilespmem:$0x1A2C0]  }
0x19f: {  	v9 =	vld [tilespmem:$0x1A6A0];
	[tilespmem:s28], [sflag:$0x1] =	stream.linear.gather [hbm4b:s19+s21], $0x1000, $0x38  }
0x1a0: {  	s19 =	sshll.u32 s17, $0x8  }
0x1a1: {  	vm13 =	veq.s32 v20, s9;
	s20 =	sadd.s32 s5, s19  }
0x1a2: {  	[tilespmem:s29], [sflag:$0x1] =	stream.linear.gather [hbm4b:s20+s21], $0x800, $0x38;
	v1 =	vadd.f32 v10, v1;
	v10 =	vnsel vm13, $0x0, v6;
	v6 =	vld [tilespmem:$0x1FF30]  }
0x1a3: {  	s19 =	sadd.s32 s7, s19  }
0x1a4: {  	[tilespmem:s30], [sflag:$0x1] =	stream.linear.gather [hbm4b:s19+s21], $0x800, $0x38;
	[tilespmem:$0x1DD00] =	vst v63  }
0x1a5: {  	s20 =	spop (v2sf)  }
0x1a6: {  	_ =	swait.ge [sflag:s15], $0x1000  }
0x1a7: {  	vm14 =	veq.s32 v6, s9;
	v6 =	vld [tilespmem:$0x1FF40];
	_ =	sdelay $0x4  }
0x1a8: {  	v1 =	vadd.f32 v10, v1;
	v10 =	vnsel vm14, $0x0, v6;
	v6 =	vld [tilespmem:$0x1FF50];
	_ =	sdelay $0x1  }
0x1a9: {  	[sflag:s15] =	ssyncset.done $0x0  }
0x1aa: {  	[sflag:s15] =	ssyncadd.s32 $0xFFFFF000  }
0x1ab: {  	vm15 =	veq.s32 v22, s9;
	_ =	swait.ge [sflag:s15], $0x800  }
0x1ac: {  	v1 =	vadd.f32 v10, v1;
	v10 =	vnsel vm15, $0x0, v6;
	v6 =	vld [tilespmem:$0x1FF60];
	_ =	sdelay $0x4  }
0x1ad: {  	vm12 =	veq.s32 v6, s9;
	v6 =	vld [tilespmem:$0x1FF70];
	_ =	sdelay $0x1  }
0x1ae: {  	[sflag:s15] =	ssyncset.done $0x0  }
0x1af: {  	[sflag:s15] =	ssyncadd.s32 $0xFFFFF800  }
0x1b0: {  	_ =	swait.ge [sflag:s15], $0x800  }
0x1b1: {  	v1 =	vadd.f32 v10, v1;
	v10 =	vnsel vm12, $0x0, v6;
	v6 =	vld [tilespmem:$0x1FF80];
	_ =	sdelay $0x3  }
0x1b2: {  	vm13 =	veq.s32 v18, s9  }
0x1b3: {  	v1 =	vadd.f32 v10, v1;
	v10 =	vnsel vm13, $0x0, v6;
	v6 =	vld [tilespmem:$0x1FF90];
	_ =	sdelay $0x3  }
0x1b4: {  	v13 =	vnsel vm11, $0x0, v42  }
0x1b5: {  	v7 =	vadd.f32 v13, v7;
	vm14 =	veq.s32 v6, s9;
	v6 =	vld [tilespmem:$0x1FFA0]  }
0x1b6: {  	v12 =	vnsel vm10, $0x0, v44  }
0x1b7: {  	v7 =	vadd.f32 v12, v7;
	[sflag:s15] =	ssyncset.done $0x0  }
0x1b8: {  	v58 =	vnsel vm9, $0x0, v46;
	[sflag:s15] =	ssyncadd.s32 $0xFFFFF800  }
0x1b9: {  	v7 =	vadd.f32 v58, v7;
	_ =	swait.ge [sflag:s13], $0x400  }
0x1ba: {  	v59 =	vnsel vm8, $0x0, v47;
	v1 =	vadd.f32 v10, v1;
	v10 =	vnsel vm14, $0x0, v6;
	v6 =	vld [tilespmem:$0x1FFB0]  }
0x1bb: {  	v7 =	vadd.f32 v59, v7  }
0x1bc: {  	v60 =	vnsel vm7, $0x0, v49  }
0x1bd: {  	v7 =	vadd.f32 v60, v7  }
0x1be: {  	v61 =	vnsel vm6, $0x0, v50  }
0x1bf: {  	v7 =	vadd.f32 v61, v7;
	vm15 =	veq.s32 v6, s9;
	v6 =	vld [tilespmem:$0x1FFC0]  }
0x1c0: {  	v63 =	vnsel vm5, $0x0, v53  }
0x1c1: {  	v7 =	vadd.f32 v63, v7  }
0x1c2: {  	v9 =	vnsel vm4, $0x0, v9  }
0x1c3: {  	v7 =	vadd.f32 v9, v7;
	[sflag:s13] =	ssyncset.done $0x0;
	v1 =	vadd.f32 v10, v1  }
0x1c4: {  	[sflag:s13] =	ssyncadd.s32 $0xFFFFFC00;
	v10 =	vnsel vm3, $0x0, v55;
	v9 =	vnsel vm15, $0x0, v6  }
0x1c5: {  	p0 =	sgt.s32 s24, s20;
	vm3 =	veq.s32 v62, s9;
	v7 =	vadd.f32 v10, v7;
	_ =	swait.ge [sflag:s14], $0x1000;
	v1 =	vadd.f32 v9, v1  }
0x1c6: {  	s20 =	smov.u32 @p0 s24;
	s24 =	sshll.u32 s18, $0x3;
	v10 =	vnsel vm2, $0x0, v11;
	[sflag:s14] =	ssyncset.done $0x0;
	v9 =	vnsel vm3, $0x0, v51  }
0x1c7: {  	v8 =	vadd.s32 v8, v5;
	s18 =	simm.s32 $0x0;
	s9 =	sadd.s32 s8, s24;
	[sflag:s14] =	ssyncadd.s32 $0xFFFFF000;
	v11 =	vadd.f32 v9, v1;
	v9 =	vadd.f32 v10, v7  }
.LBB2_7:
0x1c8: {  	s19 =	sshra.s32 s21, $0x2  }
0x1c9: {  	v1 =	vld [tilespmem:s19+$0x1C700];
	_ =	sdelay $0x5  }
0x1ca: {  	s24 =	sadd.s32 s18, s26  }
0x1cb: {  	v5 =	vmov s24  }
0x1cc: {  	[tilespmem:v1+s1+$0x0] =	vst.idx.msk $0xffff, v5  }
0x1cd: {  	v1 =	vld [tilespmem:s19+$0x1C710];
	_ =	sdelay $0x7  }
0x1ce: {  	[tilespmem:v1+s1+$0x0] =	vst.idx.msk $0xffff, v5  }
0x1cf: {  	v1 =	vmov s18;
	v7 =	vld [tilespmem:s19+$0x1C720]  }
0x1d0: {  	v1 =	vshll.u32 v1, $0x7  }
0x1d1: {  	v10 =	vbroadcast v1, $0x0;
	_ =	sdelay $0x1  }
0x1d2: {  	v1 =	vor.u32 v56, v10;
	_ =	sdelay $0x3  }
0x1d3: {  	[tilespmem:v7+s1+$0x0] =	vst.idx.msk $0xffff, v5  }
0x1d4: {  	v1 =	vld.idx.msk [tilespmem:v1+s10+$0x0], $0xffff;
	_ =	sdelay $0x7  }
0x1d5: {  	[tilespmem:v1+s1+$0x0] =	vst.idx.msk $0xffff, v5  }
0x1d6: {  	v1 =	vld [tilespmem:s19+$0x1A700]  }
0x1d7: {  	v5 =	vld [tilespmem:s19+$0x1A710]  }
0x1d8: {  	v7 =	vld [tilespmem:s19+$0x1A720]  }
0x1d9: {  	v12 =	vld [tilespmem:s19+$0x1CB00]  }
0x1da: {  	v13 =	vld [tilespmem:s19+$0x1A730]  }
0x1db: {  	v14 =	vld [tilespmem:s19+$0x1CB10]  }
0x1dc: {  	v15 =	vld [tilespmem:s19+$0x1A740]  }
0x1dd: {  	v16 =	vld [tilespmem:s19+$0x1CB20]  }
0x1de: {  	v17 =	vld [tilespmem:s19+$0x1A750]  }
0x1df: {  	v19 =	vld [tilespmem:s19+$0x1CB30]  }
0x1e0: {  	v18 =	vld [tilespmem:s19+$0x1A760]  }
0x1e1: {  	v20 =	vld [tilespmem:s19+$0x1CB40]  }
0x1e2: {  	v21 =	vld [tilespmem:s19+$0x1A770]  }
0x1e3: {  	v23 =	vld [tilespmem:s19+$0x1CB50]  }
0x1e4: {  	v22 =	vld [tilespmem:s19+$0x1AB00]  }
0x1e5: {  	v27 =	vld [tilespmem:s19+$0x1CB60]  }
0x1e6: {  	v51 =	vld [tilespmem:s19+$0x1AB10]  }
0x1e7: {  	v29 =	vld [tilespmem:s19+$0x1CB70]  }
0x1e8: {  	v52 =	vld [tilespmem:s19+$0x1AB20]  }
0x1e9: {  	v31 =	vld [tilespmem:s19+$0x1CF00]  }
0x1ea: {  	v53 =	vld [tilespmem:s19+$0x1AB30]  }
0x1eb: {  	v33 =	vld [tilespmem:s19+$0x1CF10]  }
0x1ec: {  	v54 =	vld [tilespmem:s19+$0x1AB40]  }
0x1ed: {  	v35 =	vld [tilespmem:s19+$0x1CF20]  }
0x1ee: {  	v55 =	vld [tilespmem:s19+$0x1AB50]  }
0x1ef: {  	v37 =	vld [tilespmem:s19+$0x1CF30]  }
0x1f0: {  	v57 =	vld [tilespmem:s19+$0x1AB60]  }
0x1f1: {  	v39 =	vld [tilespmem:s19+$0x1CF40]  }
0x1f2: {  	v58 =	vld [tilespmem:s19+$0x1AB70]  }
0x1f3: {  	v41 =	vld [tilespmem:s19+$0x1CF50]  }
0x1f4: {  	v59 =	vld [tilespmem:s19+$0x1AF00]  }
0x1f5: {  	v43 =	vld [tilespmem:s19+$0x1CF60]  }
0x1f6: {  	v60 =	vld [tilespmem:s19+$0x1AF10]  }
0x1f7: {  	v45 =	vld [tilespmem:s19+$0x1CF70]  }
0x1f8: {  	v61 =	vld [tilespmem:s19+$0x1AF20]  }
0x1f9: {  	v47 =	vld [tilespmem:s19+$0x1D300]  }
0x1fa: {  	v62 =	vld [tilespmem:s19+$0x1AF30]  }
0x1fb: {  	v49 =	vld [tilespmem:s19+$0x1D310]  }
0x1fc: {  	v63 =	vld [tilespmem:s19+$0x1AF40]  }
0x1fd: {  	v26 =	vld [tilespmem:s19+$0x1D330]  }
0x1fe: {  	v24 =	vld [tilespmem:s19+$0x1D340]  }
0x1ff: {  	v1 =	vld.idx.msk [tilespmem:v1+s1+$0x0], $0xffff  }
0x200: {  	v5 =	vld.idx.msk [tilespmem:v5+s1+$0x0], $0xffff  }
0x201: {  	v7 =	vld.idx.msk [tilespmem:v7+s1+$0x0], $0xffff  }
0x202: {  	v13 =	vld.idx.msk [tilespmem:v13+s1+$0x0], $0xffff  }
0x203: {  	v15 =	vld.idx.msk [tilespmem:v15+s1+$0x0], $0xffff  }
0x204: {  	v17 =	vld.idx.msk [tilespmem:v17+s1+$0x0], $0xffff  }
0x205: {  	v28 =	vld.idx.msk [tilespmem:v18+s1+$0x0], $0xffff  }
0x206: {  	v30 =	vld.idx.msk [tilespmem:v21+s1+$0x0], $0xffff  }
0x207: {  	v32 =	vld.idx.msk [tilespmem:v22+s1+$0x0], $0xffff  }
0x208: {  	v34 =	vld.idx.msk [tilespmem:v51+s1+$0x0], $0xffff  }
0x209: {  	v36 =	vld.idx.msk [tilespmem:v52+s1+$0x0], $0xffff  }
0x20a: {  	v38 =	vld.idx.msk [tilespmem:v53+s1+$0x0], $0xffff  }
0x20b: {  	v40 =	vld.idx.msk [tilespmem:v54+s1+$0x0], $0xffff  }
0x20c: {  	v42 =	vld.idx.msk [tilespmem:v55+s1+$0x0], $0xffff  }
0x20d: {  	v44 =	vld.idx.msk [tilespmem:v57+s1+$0x0], $0xffff  }
0x20e: {  	v46 =	vld.idx.msk [tilespmem:v58+s1+$0x0], $0xffff  }
0x20f: {  	v48 =	vld.idx.msk [tilespmem:v59+s1+$0x0], $0xffff  }
0x210: {  	v50 =	vld.idx.msk [tilespmem:v60+s1+$0x0], $0xffff  }
0x211: {  	v51 =	vld [tilespmem:s19+$0x1D320]  }
0x212: {  	v52 =	vld.idx.msk [tilespmem:v61+s1+$0x0], $0xffff  }
0x213: {  	v53 =	vld [tilespmem:s19+$0x1AF50]  }
0x214: {  	v54 =	vld.idx.msk [tilespmem:v62+s1+$0x0], $0xffff  }
0x215: {  	v25 =	vld.idx.msk [tilespmem:v63+s1+$0x0], $0xffff  }
0x216: {  	v18 =	vld [tilespmem:s19+$0x1D350]  }
0x217: {  	v59 =	vld [tilespmem:s19+$0x1B310]  }
0x218: {  	v62 =	vld [tilespmem:s19+$0x1B710]  }
0x219: {  	vm2 =	veq.s32 v1, s24;
	v1 =	vld [tilespmem:s19+$0x1AF60]  }
0x21a: {  	v63 =	vld [tilespmem:s19+$0x1B720];
	v12 =	vnsel vm2, $0x0, v12  }
0x21b: {  	vm2 =	veq.s32 v5, s24;
	v5 =	vld [tilespmem:s19+$0x1AF70];
	v11 =	vadd.f32 v12, v11  }
0x21c: {  	v57 =	vnsel vm2, $0x0, v14;
	vm2 =	veq.s32 v7, s24;
	v7 =	vld [tilespmem:s19+$0x1B300]  }
0x21d: {  	v14 =	vld [tilespmem:s19+$0x1D370];
	v11 =	vadd.f32 v57, v11  }
0x21e: {  	v12 =	vld [tilespmem:s19+$0x1D700];
	v58 =	vnsel vm2, $0x0, v16  }
0x21f: {  	v22 =	vld.idx.msk [tilespmem:v53+s1+$0x0], $0xffff;
	vm2 =	veq.s32 v13, s24;
	v11 =	vadd.f32 v58, v11  }
0x220: {  	v13 =	vld.idx.msk [tilespmem:v59+s1+$0x0], $0xffff;
	v60 =	vnsel vm2, $0x0, v19  }
0x221: {  	vm2 =	veq.s32 v15, s24;
	v11 =	vadd.f32 v60, v11;
	v21 =	vld.idx.msk [tilespmem:v1+s1+$0x0], $0xffff  }
0x222: {  	v1 =	vnsel vm2, $0x0, v20;
	v60 =	vld [tilespmem:s19+$0x1B760]  }
0x223: {  	vm2 =	veq.s32 v17, s24;
	v19 =	vld.idx.msk [tilespmem:v5+s1+$0x0], $0xffff;
	v1 =	vadd.f32 v1, v11  }
0x224: {  	v5 =	vnsel vm2, $0x0, v23;
	v15 =	vld.idx.msk [tilespmem:v7+s1+$0x0], $0xffff  }
0x225: {  	vm2 =	veq.s32 v28, s24;
	v7 =	vld [tilespmem:s19+$0x1B320];
	v1 =	vadd.f32 v5, v1  }
0x226: {  	v53 =	vld.idx.msk [tilespmem:v62+s1+$0x0], $0xffff;
	v5 =	vnsel vm2, $0x0, v27;
	vm2 =	veq.s32 v30, s24  }
0x227: {  	v62 =	vld [tilespmem:s19+$0x1B770];
	v1 =	vadd.f32 v5, v1;
	v5 =	vnsel vm2, $0x0, v29;
	vm2 =	veq.s32 v32, s24  }
0x228: {  	v61 =	vnsel vm2, $0x0, v31;
	vm2 =	veq.s32 v34, s24;
	v34 =	vld [tilespmem:s19+$0x1B740]  }
0x229: {  	v1 =	vadd.f32 v5, v1;
	v5 =	vld [tilespmem:s19+$0x1B700]  }
0x22a: {  	v32 =	vnsel vm2, $0x0, v33;
	v33 =	vld [tilespmem:s19+$0x1B730]  }
0x22b: {  	v20 =	vor.u32 v4, v10;
	vm2 =	veq.s32 v36, s24;
	v36 =	vld [tilespmem:s19+$0x1B750]  }
0x22c: {  	v29 =	vld.idx.msk [tilespmem:v60+s1+$0x0], $0xffff;
	v35 =	vnsel vm2, $0x0, v35;
	vm2 =	veq.s32 v38, s24  }
0x22d: {  	v1 =	vadd.f32 v61, v1;
	v38 =	vnsel vm2, $0x0, v37;
	v23 =	vld.idx.msk [tilespmem:v7+s1+$0x0], $0xffff;
	vm2 =	veq.s32 v40, s24  }
0x22e: {  	v40 =	vld [tilespmem:s19+$0x1BB10];
	v7 =	vnsel vm2, $0x0, v39;
	vm2 =	veq.s32 v42, s24  }
0x22f: {  	v1 =	vadd.f32 v32, v1;
	v55 =	vnsel vm2, $0x0, v41;
	vm2 =	veq.s32 v44, s24;
	v41 =	vld [tilespmem:s19+$0x1BB20]  }
0x230: {  	v59 =	vnsel vm2, $0x0, v43;
	vm2 =	veq.s32 v46, s24;
	v43 =	vld.idx.msk [tilespmem:v20+s0+$0x0], $0xffff  }
0x231: {  	v1 =	vadd.f32 v35, v1;
	v61 =	vnsel vm2, $0x0, v45;
	vm2 =	veq.s32 v48, s24;
	v48 =	vld.idx.msk [tilespmem:v62+s1+$0x0], $0xffff  }
0x232: {  	v58 =	vld.idx.msk [tilespmem:v34+s1+$0x0], $0xffff  }
0x233: {  	v1 =	vadd.f32 v38, v1;
	v5 =	vld.idx.msk [tilespmem:v5+s1+$0x0], $0xffff  }
0x234: {  	v57 =	vld.idx.msk [tilespmem:v33+s1+$0x0], $0xffff  }
0x235: {  	v1 =	vadd.f32 v7, v1;
	v7 =	vld.idx.msk [tilespmem:v63+s1+$0x0], $0xffff  }
0x236: {  	v63 =	vld [tilespmem:s19+$0x1BB00]  }
0x237: {  	vm13 =	veq.s32 v53, s24;
	v39 =	vnsel vm2, $0x0, v47;
	vm2 =	veq.s32 v50, s24;
	v30 =	vld.idx.msk [tilespmem:v36+s1+$0x0], $0xffff  }
0x238: {  	v16 =	vld [tilespmem:s19+$0x1D360];
	vm6 =	veq.s32 v29, s24;
	v42 =	vnsel vm2, $0x0, v49;
	vm2 =	veq.s32 v52, s24  }
0x239: {  	v50 =	vnsel vm1, $0x186A1, v43;
	vm8 =	veq.s32 v48, s24;
	vm14 =	veq.s32 v5, s24;
	v5 =	vld [tilespmem:s19+$0x1BB30]  }
0x23a: {  	v17 =	vld [tilespmem:s19+$0x1D720];
	v1 =	vadd.f32 v55, v1;
	vm9 =	veq.s32 v58, s24;
	v55 =	vnsel vm2, $0x0, v51  }
0x23b: {  	v53 =	vld [tilespmem:s19+$0x1B340];
	v58 =	vsel vm6, $0x1, v3;
	vm2 =	veq.s32 v54, s24;
	v28 =	vsel vm8, $0x1, v3  }
0x23c: {  	v35 =	vld.idx.msk [tilespmem:v40+s1+$0x0], $0xffff;
	vm11 =	veq.s32 v57, s24;
	v49 =	vsel vm9, $0x1, v3;
	vm10 =	veq.s32 v30, s24  }
0x23d: {  	v11 =	vld [tilespmem:s19+$0x1D710];
	v44 =	vsel vm14, $0x1, v3;
	vm12 =	veq.s32 v7, s24;
	v7 =	vsel vm13, $0x1, v3  }
0x23e: {  	v26 =	vnsel vm2, $0x0, v26;
	v7 =	vadd.s32 v44, v7;
	v46 =	vsel vm12, $0x1, v3;
	v32 =	vld.idx.msk [tilespmem:v63+s1+$0x0], $0xffff  }
0x23f: {  	v1 =	vadd.f32 v59, v1;
	v47 =	vsel vm11, $0x1, v3;
	v59 =	vld.idx.msk [tilespmem:v41+s1+$0x0], $0xffff;
	v7 =	vadd.s32 v46, v7  }
0x240: {  	vm2 =	veq.s32 v25, s24;
	v57 =	vsel vm10, $0x1, v3;
	v60 =	vld.idx.msk [tilespmem:v50+s1+$0x0], $0xffff;
	v7 =	vadd.s32 v47, v7  }
0x241: {  	vm7 =	veq.s32 v35, s24;
	v1 =	vadd.f32 v61, v1;
	v7 =	vadd.s32 v49, v7;
	v5 =	vld.idx.msk [tilespmem:v5+s1+$0x0], $0xffff  }
0x242: {  	v45 =	vld [tilespmem:s19+$0x1B330];
	v24 =	vnsel vm2, $0x0, v24;
	v33 =	vsel vm7, $0x1, v3;
	v7 =	vadd.s32 v57, v7  }
0x243: {  	v62 =	vld [tilespmem:s19+$0x1BF00];
	v1 =	vadd.f32 v39, v1;
	v7 =	vadd.s32 v58, v7;
	vm5 =	veq.s32 v32, s24  }
0x244: {  	v34 =	vld [tilespmem:s19+$0x1BF10];
	vm4 =	veq.s32 v59, s24;
	v7 =	vadd.s32 v28, v7;
	v61 =	vsel vm5, $0x1, v3  }
0x245: {  	v36 =	vld [tilespmem:s19+$0x1BF20];
	v1 =	vadd.f32 v42, v1;
	vm2 =	veq.s32 v60, s24;
	v7 =	vadd.s32 v61, v7  }
0x246: {  	v38 =	vld.idx.msk [tilespmem:v53+s1+$0x0], $0xffff;
	v7 =	vadd.s32 v33, v7;
	vm3 =	veq.s32 v5, s24;
	v5 =	vsel vm4, $0x1, v3  }
0x247: {  	v48 =	vld [tilespmem:s19+$0x1BF60];
	v1 =	vadd.f32 v55, v1;
	v5 =	vadd.s32 v5, v7;
	v35 =	vsel vm3, $0x1, v3  }
0x248: {  	v51 =	vld [tilespmem:s19+$0x1BF70];
	v37 =	vsel vm2, $0x1, v3;
	v5 =	vadd.s32 v35, v5  }
0x249: {  	v54 =	vld [tilespmem:s19+$0x1C300];
	v25 =	vnsel vm14, $0x0, v62;
	v1 =	vadd.f32 v26, v1;
	v5 =	vadd.s32 v37, v5  }
0x24a: {  	v10 =	vor.u32 v2, v10;
	v9 =	vadd.f32 v25, v9;
	v39 =	vld [tilespmem:s19+$0x1BF30];
	(xrf0) =	vadd.scan.msk.s32 $0xffff, v5  }
0x24b: {  	v40 =	vnsel vm13, $0x0, v34;
	vm14 =	veq.s32 v22, s24;
	v41 =	vld [tilespmem:s19+$0x1B350];
	v1 =	vadd.f32 v24, v1  }
0x24c: {  	v18 =	vnsel vm14, $0x0, v18;
	v9 =	vadd.f32 v40, v9;
	v42 =	vld [tilespmem:s19+$0x1BF40]  }
0x24d: {  	vm13 =	veq.s32 v21, s24;
	v43 =	vnsel vm12, $0x0, v36;
	v63 =	vld.idx.msk [tilespmem:v45+s1+$0x0], $0xffff;
	v1 =	vadd.f32 v18, v1  }
0x24e: {  	v16 =	vnsel vm13, $0x0, v16;
	v45 =	vld [tilespmem:s19+$0x1BF50];
	v9 =	vadd.f32 v43, v9  }
0x24f: {  	v62 =	vld [tilespmem:s19+$0x1C330];
	vm12 =	veq.s32 v19, s24;
	v46 =	vnsel vm11, $0x0, v39;
	v1 =	vadd.f32 v16, v1  }
0x250: {  	vm14 =	veq.s32 v15, s24;
	v50 =	vld.idx.msk [tilespmem:v10+s31+$0x0], $0xffff;
	v14 =	vnsel vm12, $0x0, v14;
	v9 =	vadd.f32 v46, v9;
	v49, _, _ =	vpop (xrf0)  }
0x251: {  	v47 =	vld [tilespmem:s19+$0x1B360];
	v18 =	vnsel vm9, $0x0, v42;
	v1 =	vadd.f32 v14, v1;
	(v2sf) =	vpush v49, $0xF  }
0x252: {  	v10 =	vld.idx.msk [tilespmem:v10+s11+$0x0], $0xffff;
	v12 =	vnsel vm14, $0x0, v12;
	v9 =	vadd.f32 v18, v9  }
0x253: {  	vm15 =	veq.s32 v13, s24;
	v44 =	vld [tilespmem:s19+$0x1D750];
	v52 =	vnsel vm10, $0x0, v45;
	v1 =	vadd.f32 v12, v1  }
0x254: {  	v11 =	vnsel vm15, $0x0, v11;
	v26 =	vld [tilespmem:s19+$0x1D730];
	v9 =	vadd.f32 v52, v9  }
0x255: {  	v7 =	vld [tilespmem:s19+$0x1D740];
	v1 =	vadd.f32 v11, v1;
	v11 =	vnsel vm6, $0x0, v48  }
0x256: {  	v15 =	vnsel vm0, $0x186A1, v50;
	vm11 =	veq.s32 v23, s24;
	v9 =	vadd.f32 v11, v9;
	v11 =	vld [tilespmem:s19+$0x1C310]  }
0x257: {  	v58 =	vnsel vm8, $0x0, v51;
	v53 =	vld.idx.msk [tilespmem:v41+s1+$0x0], $0xffff;
	v57 =	vnsel vm11, $0x0, v17  }
0x258: {  	v60 =	vld [tilespmem:s19+$0x1C320];
	vm12 =	veq.s32 v63, s24;
	v1 =	vadd.f32 v57, v1;
	v9 =	vadd.f32 v58, v9  }
0x259: {  	v59 =	vld.idx.msk [tilespmem:v47+s1+$0x0], $0xffff;
	v61 =	vnsel vm12, $0x0, v26;
	v12 =	vnsel vm5, $0x0, v54  }
0x25a: {  	vm13 =	veq.s32 v38, s24;
	v55 =	vld [tilespmem:s19+$0x1D760];
	v1 =	vadd.f32 v61, v1;
	v9 =	vadd.f32 v12, v9  }
0x25b: {  	v15 =	vld.idx.msk [tilespmem:v15+s1+$0x0], $0xffff;
	v7 =	vnsel vm13, $0x0, v7;
	v11 =	vnsel vm7, $0x0, v11  }
0x25c: {  	vm14 =	veq.s32 v53, s24;
	v1 =	vadd.f32 v7, v1;
	v7 =	vadd.f32 v11, v9;
	v9 =	vld.idx.msk [tilespmem:v20+s2+$0x0], $0xffff  }
0x25d: {  	p1 =	sne.s32 s21, $0xC00;
	v63 =	vnsel vm4, $0x0, v60;
	v11 =	vnsel vm14, $0x0, v44  }
.Ltmp2:
0x25e: {  	vm15 =	veq.s32 v59, s24;
	v1 =	vadd.f32 v11, v1;
	v7 =	vadd.f32 v63, v7;
	(pc) =	sbr.rel @p1 .LBB2_7-.Ltmp2, $4  }
0x25f: {  	v12 =	vnsel vm3, $0x0, v62;
	v11 =	vnsel vm15, $0x0, v55  }
0x260: {  	s19 =	smov.u32 s20;
	vm3 =	veq.s32 v15, s24;
	v1 =	vadd.f32 v11, v1;
	v7 =	vadd.f32 v12, v7;
	s20 =	spop (v2sf)  }
0x261: {  	v10 =	vnsel vm3, $0x0, v10;
	v9 =	vnsel vm2, $0x0, v9;
	p0 =	sgt.s32 s19, s20  }
0x262: {  	s21 =	sadd.s32 $0x200, s21;
	s18 =	sadd.s32 $0x1, s18;
	v8 =	vadd.s32 v8, v5;
	v11 =	vadd.f32 v10, v1;
	v9 =	vadd.f32 v9, v7;
	s20 =	smov.u32 @p0 s19  }
0x263: {  	v1 =	vld [tilespmem:$0x1CA80];
	_ =	sdelay $0x5  }
0x264: {  	s9 =	sor.u32 $0x7, s9  }
0x265: {  	v5 =	vmov s9  }
0x266: {  	[tilespmem:v1+s1+$0x0] =	vst.idx.msk $0xffff, v5  }
0x267: {  	v1 =	vld [tilespmem:$0x1CA90];
	_ =	sdelay $0x7  }
0x268: {  	[tilespmem:v1+s1+$0x0] =	vst.idx.msk $0xffff, v5  }
0x269: {  	v1 =	vld [tilespmem:$0x1CAA0];
	_ =	sdelay $0x7  }
0x26a: {  	[tilespmem:v1+s1+$0x0] =	vst.idx.msk $0xffff, v5;
	v1 =	vld [tilespmem:$0x1FFD0];
	_ =	sdelay $0x7  }
0x26b: {  	v1 =	vld.idx.msk [tilespmem:v1+s10+$0x0], $0xffff;
	_ =	sdelay $0x6  }
0x26c: {  	s17 =	sshll.u32 s17, $0x7  }
0x26d: {  	s17 =	sadd.s32 s4, s17;
	[tilespmem:v1+s1+$0x0] =	vst.idx.msk $0xffff, v5  }
0x26e: {  	[tilespmem:s10], [sflag:$0x3] =	stream.linear.gather [hbm4b:s17+s1], $0x400, $0x38;
	[tilespmem:$0x1DD00] =	vst v63  }
0x26f: {  	v1 =	vld [tilespmem:$0x1AA80]  }
0x270: {  	v5 =	vld [tilespmem:$0x1AA90]  }
0x271: {  	v7 =	vld [tilespmem:$0x1AAA0]  }
0x272: {  	v10 =	vld [tilespmem:$0x1CE80]  }
0x273: {  	v12 =	vld [tilespmem:$0x1AAB0]  }
0x274: {  	v14 =	vld [tilespmem:$0x1CE90]  }
0x275: {  	v13 =	vld [tilespmem:$0x1AAC0]  }
0x276: {  	v15 =	vld [tilespmem:$0x1CEA0]  }
0x277: {  	v16 =	vld [tilespmem:$0x1AAD0]  }
0x278: {  	v19 =	vld [tilespmem:$0x1CEB0]  }
0x279: {  	v17 =	vld [tilespmem:$0x1AAE0]  }
0x27a: {  	v36 =	vld [tilespmem:$0x1CEC0]  }
0x27b: {  	v58 =	vld [tilespmem:$0x1AAF0]  }
0x27c: {  	v38 =	vld [tilespmem:$0x1CED0]  }
0x27d: {  	v18 =	vld [tilespmem:$0x1AE80]  }
0x27e: {  	v39 =	vld [tilespmem:$0x1CEE0]  }
0x27f: {  	v59 =	vld [tilespmem:$0x1AE90]  }
0x280: {  	v41 =	vld [tilespmem:$0x1CEF0]  }
0x281: {  	v60 =	vld [tilespmem:$0x1AEA0]  }
0x282: {  	v43 =	vld [tilespmem:$0x1D280]  }
0x283: {  	v61 =	vld [tilespmem:$0x1AEB0]  }
0x284: {  	v45 =	vld [tilespmem:$0x1D290]  }
0x285: {  	v62 =	vld [tilespmem:$0x1AEC0]  }
0x286: {  	v47 =	vld [tilespmem:$0x1D2A0]  }
0x287: {  	v63 =	vld [tilespmem:$0x1AED0]  }
0x288: {  	v49 =	vld [tilespmem:$0x1D2B0]  }
0x289: {  	v21 =	vld [tilespmem:$0x1AEE0]  }
0x28a: {  	v51 =	vld [tilespmem:$0x1D2C0]  }
0x28b: {  	v22 =	vld [tilespmem:$0x1AEF0]  }
0x28c: {  	v53 =	vld [tilespmem:$0x1D2D0]  }
0x28d: {  	v23 =	vld [tilespmem:$0x1B280]  }
0x28e: {  	v55 =	vld [tilespmem:$0x1D2E0]  }
0x28f: {  	v24 =	vld [tilespmem:$0x1B290]  }
0x290: {  	v57 =	vld [tilespmem:$0x1D2F0]  }
0x291: {  	v25 =	vld [tilespmem:$0x1B2A0]  }
0x292: {  	v26 =	vld [tilespmem:$0x1B2B0]  }
0x293: {  	v27 =	vld [tilespmem:$0x1B2C0]  }
0x294: {  	v20 =	vld [tilespmem:$0x1B2D0]  }
0x295: {  	v33 =	vld [tilespmem:$0x1D6B0]  }
0x296: {  	v30 =	vld [tilespmem:$0x1D6C0]  }
0x297: {  	v29 =	vld [tilespmem:$0x1D6D0]  }
0x298: {  	v1 =	vld.idx.msk [tilespmem:v1+s1+$0x0], $0xffff  }
0x299: {  	v5 =	vld.idx.msk [tilespmem:v5+s1+$0x0], $0xffff  }
0x29a: {  	v7 =	vld.idx.msk [tilespmem:v7+s1+$0x0], $0xffff  }
0x29b: {  	v12 =	vld.idx.msk [tilespmem:v12+s1+$0x0], $0xffff  }
0x29c: {  	v37 =	vld.idx.msk [tilespmem:v13+s1+$0x0], $0xffff  }
0x29d: {  	v16 =	vld.idx.msk [tilespmem:v16+s1+$0x0], $0xffff  }
0x29e: {  	v40 =	vld.idx.msk [tilespmem:v17+s1+$0x0], $0xffff  }
0x29f: {  	v42 =	vld.idx.msk [tilespmem:v58+s1+$0x0], $0xffff  }
0x2a0: {  	v44 =	vld.idx.msk [tilespmem:v18+s1+$0x0], $0xffff  }
0x2a1: {  	v46 =	vld.idx.msk [tilespmem:v59+s1+$0x0], $0xffff  }
0x2a2: {  	v48 =	vld.idx.msk [tilespmem:v60+s1+$0x0], $0xffff  }
0x2a3: {  	v50 =	vld.idx.msk [tilespmem:v61+s1+$0x0], $0xffff  }
0x2a4: {  	v52 =	vld.idx.msk [tilespmem:v62+s1+$0x0], $0xffff  }
0x2a5: {  	v54 =	vld.idx.msk [tilespmem:v63+s1+$0x0], $0xffff  }
0x2a6: {  	v6 =	vld.idx.msk [tilespmem:v21+s1+$0x0], $0xffff  }
0x2a7: {  	v58 =	vld.idx.msk [tilespmem:v22+s1+$0x0], $0xffff  }
0x2a8: {  	v59 =	vld [tilespmem:$0x1D680]  }
0x2a9: {  	v22 =	vld.idx.msk [tilespmem:v23+s1+$0x0], $0xffff  }
0x2aa: {  	v61 =	vld [tilespmem:$0x1D690]  }
0x2ab: {  	v62 =	vld.idx.msk [tilespmem:v24+s1+$0x0], $0xffff  }
0x2ac: {  	v63 =	vld [tilespmem:$0x1D6A0]  }
0x2ad: {  	v18 =	vld [tilespmem:$0x1B2F0]  }
0x2ae: {  	v17 =	vld.idx.msk [tilespmem:v25+s1+$0x0], $0xffff  }
0x2af: {  	v60 =	vld [tilespmem:$0x1B680]  }
0x2b0: {  	v35 =	vld.idx.msk [tilespmem:v26+s1+$0x0], $0xffff  }
0x2b1: {  	v13 =	vld [tilespmem:$0x1B2E0]  }
0x2b2: {  	v34 =	vld.idx.msk [tilespmem:v27+s1+$0x0], $0xffff  }
0x2b3: {  	v32 =	vld.idx.msk [tilespmem:v20+s1+$0x0], $0xffff  }
0x2b4: {  	v27 =	vld [tilespmem:$0x1D6E0]  }
0x2b5: {  	v28 =	vld.idx.msk [tilespmem:v18+s1+$0x0], $0xffff  }
0x2b6: {  	v18 =	vld [tilespmem:$0x1B6A0]  }
0x2b7: {  	v26 =	vld.idx.msk [tilespmem:v60+s1+$0x0], $0xffff  }
0x2b8: {  	v60 =	vld [tilespmem:$0x1DA90]  }
0x2b9: {  	v21 =	vld [tilespmem:$0x1B690]  }
0x2ba: {  	v25 =	vld [tilespmem:$0x1D6F0]  }
0x2bb: {  	v20 =	vld [tilespmem:$0x1B6B0]  }
0x2bc: {  	v24 =	vld [tilespmem:$0x1DAA0];
	vm2 =	veq.s32 v1, s9  }
0x2bd: {  	v10 =	vnsel vm2, $0x0, v10;
	[tilespmem:$0x1FEE0] =	vst v60;
	v60 =	vld [tilespmem:$0x1FFE0]  }
0x2be: {  	vm2 =	veq.s32 v5, s9;
	v10 =	vadd.f32 v10, v11;
	v11 =	vld [tilespmem:$0x1B6E0]  }
0x2bf: {  	v5 =	vnsel vm2, $0x0, v14;
	v14 =	vld [tilespmem:$0x1DAC0]  }
0x2c0: {  	v1 =	vld.idx.msk [tilespmem:v18+s1+$0x0], $0xffff  }
0x2c1: {  	v31 =	vld.idx.msk [tilespmem:v13+s1+$0x0], $0xffff  }
0x2c2: {  	v13 =	vld [tilespmem:$0x1DA80]  }
0x2c3: {  	v23 =	vld.idx.msk [tilespmem:v21+s1+$0x0], $0xffff  }
0x2c4: {  	vm2 =	veq.s32 v7, s9;
	v21 =	vld [tilespmem:$0x1B6C0];
	v10 =	vadd.f32 v5, v10  }
0x2c5: {  	v7 =	vnsel vm2, $0x0, v15;
	[tilespmem:$0x1FEF0] =	vst v1;
	v1 =	vld.idx.msk [tilespmem:v60+s31+$0x0], $0xffff  }
0x2c6: {  	vm2 =	veq.s32 v12, s9;
	v7 =	vadd.f32 v7, v10;
	v18 =	vld [tilespmem:$0x1B6D0]  }
0x2c7: {  	[tilespmem:$0x1FF00] =	vst v24;
	v24 =	vld.idx.msk [tilespmem:v20+s1+$0x0], $0xffff;
	v10 =	vnsel vm2, $0x0, v19  }
0x2c8: {  	v12 =	vld [tilespmem:$0x1DAD0];
	vm2 =	veq.s32 v37, s9;
	v7 =	vadd.f32 v10, v7  }
0x2c9: {  	v5 =	vld [tilespmem:$0x1DAB0];
	v10 =	vnsel vm2, $0x0, v36  }
0x2ca: {  	v10 =	vadd.f32 v10, v7;
	v7 =	vld [tilespmem:$0x1DAE0];
	v1 =	vnsel vm0, $0x186A1, v1  }
0x2cb: {  	vm2 =	veq.s32 v16, s9;
	v16 =	vld.idx.msk [tilespmem:v11+s1+$0x0], $0xffff  }
0x2cc: {  	v38 =	vnsel vm2, $0x0, v38;
	v20 =	vld.idx.msk [tilespmem:v21+s1+$0x0], $0xffff  }
0x2cd: {  	v11 =	vadd.f32 v38, v10;
	v10 =	vld.idx.msk [tilespmem:v60+s11+$0x0], $0xffff  }
0x2ce: {  	s16 =	sadd.s32 s6, s16;
	v19 =	vld.idx.msk [tilespmem:v18+s1+$0x0], $0xffff  }
0x2cf: {  	vm2 =	veq.s32 v40, s9;
	v15 =	vld.idx.msk [tilespmem:v1+s1+$0x0], $0xffff;
	[tilespmem:s11], [sflag:$0x4] =	stream.linear.gather [hbm4b:s16+s1], $0x1000, $0x38  }
0x2d0: {  	v40 =	vnsel vm2, $0x0, v39;
	vm2 =	veq.s32 v42, s9;
	v60 =	vld [tilespmem:$0x1BA80]  }
0x2d1: {  	v1 =	vadd.f32 v40, v11;
	v11 =	vnsel vm2, $0x0, v41;
	v41 =	vld [tilespmem:$0x1BAA0]  }
0x2d2: {  	vm2 =	veq.s32 v44, s9;
	v42 =	vld [tilespmem:$0x1BAB0]  }
0x2d3: {  	v40 =	vnsel vm2, $0x0, v43;
	vm2 =	veq.s32 v46, s9;
	v38 =	vld [tilespmem:$0x1BAC0]  }
0x2d4: {  	v1 =	vadd.f32 v11, v1;
	v11 =	vld [tilespmem:$0x1BA90];
	v43 =	vnsel vm2, $0x0, v45;
	vm2 =	veq.s32 v48, s9  }
0x2d5: {  	v48 =	vld [tilespmem:$0x1BAD0];
	v44 =	vnsel vm2, $0x0, v47;
	vm2 =	veq.s32 v50, s9  }
0x2d6: {  	v50 =	vld [tilespmem:$0x1BAE0];
	v45 =	vnsel vm2, $0x0, v49;
	vm2 =	veq.s32 v52, s9  }
0x2d7: {  	v46 =	vnsel vm2, $0x0, v51;
	v51 =	vld [tilespmem:$0x1BAF0]  }
0x2d8: {  	vm2 =	veq.s32 v54, s9;
	v54 =	vld [tilespmem:$0x1BE90]  }
0x2d9: {  	v1 =	vadd.f32 v40, v1;
	v47 =	vnsel vm2, $0x0, v53;
	vm2 =	veq.s32 v6, s9;
	v53 =	vld [tilespmem:$0x1BE80]  }
0x2da: {  	v6 =	vld [tilespmem:$0x1FFF0];
	v49 =	vnsel vm2, $0x0, v55;
	vm2 =	veq.s32 v58, s9  }
0x2db: {  	v1 =	vadd.f32 v43, v1;
	v52 =	vnsel vm2, $0x0, v57;
	v57 =	vld [tilespmem:$0x1BEA0]  }
0x2dc: {  	v18 =	vld.idx.msk [tilespmem:v60+s1+$0x0], $0xffff  }
0x2dd: {  	v1 =	vadd.f32 v44, v1;
	v36 =	vld.idx.msk [tilespmem:v41+s1+$0x0], $0xffff  }
0x2de: {  	vm2 =	veq.s32 v22, s9;
	v21 =	vld.idx.msk [tilespmem:v42+s1+$0x0], $0xffff  }
0x2df: {  	v55 =	vnsel vm2, $0x0, v59;
	vm2 =	veq.s32 v62, s9;
	v1 =	vadd.f32 v45, v1;
	v11 =	vld.idx.msk [tilespmem:v11+s1+$0x0], $0xffff  }
0x2e0: {  	v59 =	vnsel vm2, $0x0, v61;
	v61 =	vld.idx.msk [tilespmem:v38+s1+$0x0], $0xffff  }
0x2e1: {  	v60 =	vld [tilespmem:$0x1BEB0];
	v1 =	vadd.f32 v46, v1  }
0x2e2: {  	vm2 =	veq.s32 v17, s9;
	v58 =	vld.idx.msk [tilespmem:v6+s0+$0x0], $0xffff  }
0x2e3: {  	v37 =	vld.idx.msk [tilespmem:v48+s1+$0x0], $0xffff;
	v62 =	vnsel vm2, $0x0, v63;
	v1 =	vadd.f32 v47, v1  }
0x2e4: {  	v63 =	vld.idx.msk [tilespmem:v50+s1+$0x0], $0xffff;
	vm14 =	veq.s32 v18, s9;
	vm12 =	veq.s32 v36, s9;
	vm11 =	veq.s32 v21, s9  }
0x2e5: {  	vm13 =	veq.s32 v11, s9;
	v11 =	vsel vm14, $0x1, v3;
	vm10 =	veq.s32 v61, s9  }
0x2e6: {  	v47 =	vld.idx.msk [tilespmem:v51+s1+$0x0], $0xffff;
	v51 =	vsel vm11, $0x1, v3;
	v1 =	vadd.f32 v49, v1;
	v45 =	vsel vm13, $0x1, v3  }
0x2e7: {  	v49 =	vsel vm12, $0x1, v3;
	v11 =	vadd.s32 v11, v45;
	v48 =	vnsel vm1, $0x186A1, v58  }
0x2e8: {  	v50 =	vld.idx.msk [tilespmem:v53+s1+$0x0], $0xffff;
	vm9 =	veq.s32 v37, s9;
	v1 =	vadd.f32 v52, v1;
	v11 =	vadd.s32 v49, v11  }
0x2e9: {  	v53 =	vsel vm10, $0x1, v3;
	vm8 =	veq.s32 v63, s9;
	v52 =	vld.idx.msk [tilespmem:v54+s1+$0x0], $0xffff;
	v11 =	vadd.s32 v51, v11  }
0x2ea: {  	v54 =	vld.idx.msk [tilespmem:v57+s1+$0x0], $0xffff;
	v1 =	vadd.f32 v55, v1;
	v11 =	vadd.s32 v53, v11;
	v55 =	vsel vm9, $0x1, v3  }
0x2eb: {  	v57 =	vld.idx.msk [tilespmem:v60+s1+$0x0], $0xffff;
	vm7 =	veq.s32 v47, s9;
	v58 =	vsel vm8, $0x1, v3;
	v11 =	vadd.s32 v55, v11  }
0x2ec: {  	v60 =	vsel vm7, $0x1, v3;
	v1 =	vadd.f32 v59, v1;
	v11 =	vadd.s32 v58, v11;
	v59 =	vld.idx.msk [tilespmem:v48+s1+$0x0], $0xffff  }
0x2ed: {  	vm6 =	veq.s32 v50, s9;
	v11 =	vadd.s32 v60, v11  }
0x2ee: {  	v61 =	vld [tilespmem:$0x1C280];
	vm5 =	veq.s32 v52, s9;
	v1 =	vadd.f32 v62, v1;
	v62 =	vsel vm6, $0x1, v3  }
0x2ef: {  	vm4 =	veq.s32 v54, s9;
	v63 =	vsel vm5, $0x1, v3;
	v11 =	vadd.s32 v62, v11  }
0x2f0: {  	v36 =	vld [tilespmem:$0x1C290];
	vm3 =	veq.s32 v57, s9;
	v37 =	vsel vm4, $0x1, v3;
	v11 =	vadd.s32 v63, v11  }
0x2f1: {  	v39 =	vsel vm3, $0x1, v3;
	v11 =	vadd.s32 v37, v11;
	vm2 =	veq.s32 v59, s9  }
0x2f2: {  	vm15 =	veq.s32 v35, s9;
	v40 =	vld [tilespmem:$0x1C2A0];
	v11 =	vadd.s32 v39, v11;
	v41 =	vsel vm2, $0x1, v3  }
0x2f3: {  	v33 =	vnsel vm15, $0x0, v33;
	v17 =	vnsel vm14, $0x0, v61;
	v11 =	vadd.s32 v41, v11  }
0x2f4: {  	v42 =	vld [tilespmem:$0x1C2B0];
	vm14 =	veq.s32 v34, s9;
	v9 =	vadd.f32 v17, v9;
	v1 =	vadd.f32 v33, v1;
	(xrf0) =	vadd.scan.msk.s32 $0xffff, v11  }
0x2f5: {  	v21 =	vnsel vm13, $0x0, v36;
	v43 =	vnsel vm14, $0x0, v30  }
0x2f6: {  	v44 =	vld [tilespmem:$0x1C2C0];
	vm13 =	veq.s32 v32, s9;
	v9 =	vadd.f32 v21, v9;
	v1 =	vadd.f32 v43, v1  }
0x2f7: {  	v46 =	vnsel vm12, $0x0, v40;
	v47 =	vld [tilespmem:$0x1C2D0];
	v45 =	vnsel vm13, $0x0, v29  }
0x2f8: {  	vm12 =	veq.s32 v31, s9;
	v50 =	vld [tilespmem:$0x1C2F0];
	v9 =	vadd.f32 v46, v9;
	v1 =	vadd.f32 v45, v1  }
0x2f9: {  	v27 =	vnsel vm12, $0x0, v27;
	v53 =	vld [tilespmem:$0x1FEE0];
	v17 =	vnsel vm11, $0x0, v42  }
0x2fa: {  	vm12 =	veq.s32 v28, s9;
	v48 =	vld [tilespmem:$0x1C2E0];
	v9 =	vadd.f32 v17, v9;
	v1 =	vadd.f32 v27, v1;
	v49, _, _ =	vpop (xrf0)  }
0x2fb: {  	v18 =	vnsel vm10, $0x0, v44;
	v25 =	vnsel vm12, $0x0, v25;
	v55 =	vld [tilespmem:$0x1FEF0];
	(v2sf) =	vpush v49, $0xF  }
0x2fc: {  	vm13 =	veq.s32 v26, s9;
	v58 =	vld [tilespmem:$0x1FF00];
	v9 =	vadd.f32 v18, v9;
	v1 =	vadd.f32 v25, v1  }
0x2fd: {  	v51 =	vnsel vm13, $0x0, v13;
	v21 =	vnsel vm9, $0x0, v47  }
0x2fe: {  	vm14 =	veq.s32 v23, s9;
	v52 =	vld [tilespmem:$0x1C680];
	v9 =	vadd.f32 v21, v9;
	v1 =	vadd.f32 v51, v1  }
0x2ff: {  	v54 =	vnsel vm14, $0x0, v53;
	v17 =	vnsel vm8, $0x0, v48  }
0x300: {  	v57 =	vld [tilespmem:$0x1C690];
	vm15 =	veq.s32 v55, s9;
	v9 =	vadd.f32 v17, v9;
	v1 =	vadd.f32 v54, v1  }
0x301: {  	s21 =	smin.u32 s25, $0xC;
	s24 =	rddreg [dreg:$0xc];
	v18 =	vnsel vm7, $0x0, v50;
	v17 =	vnsel vm15, $0x0, v58  }
0x302: {  	s16 =	sadd.s32 s21, s24;
	vm12 =	veq.s32 v24, s9;
	v59 =	vld [tilespmem:$0x1C6A0];
	v9 =	vadd.f32 v18, v9;
	v1 =	vadd.f32 v17, v1  }
0x303: {  	s17 =	sshll.u32 s16, $0x9;
	v5 =	vnsel vm12, $0x0, v5;
	v61 =	vnsel vm6, $0x0, v52  }
0x304: {  	s23 =	sadd.s32 $0x1, s23;
	s16 =	sshll.u32 s16, $0x8;
	s17 =	sadd.s32 s3, s17;
	vm13 =	veq.s32 v20, s9;
	v60 =	vld [tilespmem:$0x1C6B0];
	v1 =	vadd.f32 v5, v1;
	v5 =	vadd.f32 v61, v9  }
0x305: {  	v62 =	vld.idx.msk [tilespmem:v6+s2+$0x0], $0xffff;
	v13 =	vnsel vm5, $0x0, v57;
	[tilespmem:s31], [sflag:$0x2] =	stream.linear.gather [hbm4b:s17+s1], $0x1000, $0x38;
	v9 =	vnsel vm13, $0x0, v14  }
0x306: {  	p1 =	sne.s32 s23, $0x8;
	s25 =	sadd.s32 s5, s16;
	vm14 =	veq.s32 v19, s9;
	v1 =	vadd.f32 v9, v1;
	v5 =	vadd.f32 v13, v5  }
0x307: {  	[tilespmem:s0], [sflag:$0x2] =	stream.linear.gather [hbm4b:s25+s1], $0x800, $0x38;
	v63 =	vnsel vm4, $0x0, v59;
	v9 =	vnsel vm14, $0x0, v12;
	[tilespmem:$0x1DD00] =	vst v63  }
.Ltmp3:
0x308: {  	s16 =	sadd.s32 s7, s16;
	vm15 =	veq.s32 v16, s9;
	v1 =	vadd.f32 v9, v1;
	v5 =	vadd.f32 v63, v5;
	(pc) =	sbr.rel @p1 .LBB2_4-.Ltmp3, $4  }
0x309: {  	[tilespmem:s2], [sflag:$0x2] =	stream.linear.gather [hbm4b:s16+s1], $0x800, $0x38;
	v7 =	vnsel vm15, $0x0, v7;
	v9 =	vnsel vm3, $0x0, v60;
	[tilespmem:$0x1DD00] =	vst v63  }
0x30a: {  	vm3 =	veq.s32 v15, s9;
	v1 =	vadd.f32 v7, v1;
	v5 =	vadd.f32 v9, v5;
	s24 =	spop (v2sf)  }
0x30b: {  	v7 =	vnsel vm3, $0x0, v10;
	v9 =	vnsel vm2, $0x0, v62;
	p0 =	sgt.s32 s20, s24  }
0x30c: {  	s22 =	sadd.s32 $0x10, s22;
	s26 =	sadd.s32 $0x10, s26;
	v8 =	vadd.s32 v8, v11;
	v10 =	vadd.f32 v7, v1;
	v9 =	vadd.f32 v9, v5;
	s24 =	smov.u32 @p0 s20  }
0x30d: {  	_ =	swait.ge [sflag:s12], $0x1000  }
0x30e: {  	[sflag:s12] =	ssyncset.done $0x0  }
0x30f: {  	[sflag:s12] =	ssyncadd.s32 $0xFFFFF000  }
0x310: {  	_ =	swait.ge [sflag:s12], $0x800  }
0x311: {  	[sflag:s12] =	ssyncset.done $0x0  }
0x312: {  	[sflag:s12] =	ssyncadd.s32 $0xFFFFF800  }
0x313: {  	_ =	swait.ge [sflag:s12], $0x800  }
0x314: {  	[sflag:s12] =	ssyncset.done $0x0  }
0x315: {  	[sflag:s12] =	ssyncadd.s32 $0xFFFFF800  }
0x316: {  	_ =	swait.ge [sflag:s15], $0x1000  }
0x317: {  	[sflag:s15] =	ssyncset.done $0x0  }
0x318: {  	[sflag:s15] =	ssyncadd.s32 $0xFFFFF000  }
0x319: {  	_ =	swait.ge [sflag:s15], $0x800  }
0x31a: {  	[sflag:s15] =	ssyncset.done $0x0  }
0x31b: {  	[sflag:s15] =	ssyncadd.s32 $0xFFFFF800  }
0x31c: {  	_ =	swait.ge [sflag:s15], $0x800  }
0x31d: {  	[sflag:s15] =	ssyncset.done $0x0  }
0x31e: {  	[sflag:s15] =	ssyncadd.s32 $0xFFFFF800  }
0x31f: {  	_ =	swait.ge [sflag:s13], $0x400  }
0x320: {  	[sflag:s13] =	ssyncset.done $0x0  }
0x321: {  	[sflag:s13] =	ssyncadd.s32 $0xFFFFFC00  }
0x322: {  	_ =	swait.ge [sflag:s14], $0x1000  }
0x323: {  	v1 =	vmov s24;
	[sflag:s14] =	ssyncset.done $0x0  }
0x324: {  	v1 =	vcvt.s32.f32 v1;
	[sflag:s14] =	ssyncadd.s32 $0xFFFFF000  }
0x325: {  	v5 =	vcvt.s32.f32 v8;
	[tilespmem:$0x1DB00] =	vst v10  }
0x326: {  	v1 =	vbroadcast v1, $0x0;
	[tilespmem:$0x1DB80] =	vst v9  }
0x327: {  	[tilespmem:$0x1DC00] =	vst v5  }
0x328: {  	s16 =	simm.s32 $0x1DB00;
	s19 =	simm.s32 $0x5;
	s9 =	rddreg [dreg:$0xd];
	[tilespmem:$0x1DC80] =	vst v1  }
0x329: {  	[hbm4b:s9+s1] =	stream.linear.scatter [tilespmem:s16], [sflag:$0x5], $0x10, $0x38;
	[tilespmem:$0x1DD00] =	vst v63  }
0x32a: {  	_ =	swait.ge [sflag:s19], $0x10  }
0x32b: {  	[sflag:s19] =	ssyncset.done $0x0  }
0x32c: {  	s17 =	simm.s32 $0x1DB80;
	s20 =	rddreg [dreg:$0xe];
	[sflag:s19] =	ssyncadd.s32 $0xFFFFFFF0  }
0x32d: {  	[hbm4b:s20+s1] =	stream.linear.scatter [tilespmem:s17], [sflag:$0x5], $0x10, $0x38;
	[tilespmem:$0x1DD00] =	vst v63  }
0x32e: {  	_ =	swait.ge [sflag:s19], $0x10  }
0x32f: {  	[sflag:s19] =	ssyncset.done $0x0  }
0x330: {  	s22 =	simm.s32 $0x1DC00;
	s21 =	rddreg [dreg:$0x10];
	[sflag:s19] =	ssyncadd.s32 $0xFFFFFFF0  }
0x331: {  	[hbm4b:s21+s1] =	stream.linear.scatter [tilespmem:s22], [sflag:$0x5], $0x10, $0x38;
	[tilespmem:$0x1DD00] =	vst v63  }
0x332: {  	_ =	swait.ge [sflag:s19], $0x10  }
0x333: {  	[sflag:s19] =	ssyncset.done $0x0  }
0x334: {  	s24 =	simm.s32 $0x1DC80;
	s23 =	rddreg [dreg:$0x11];
	[sflag:s19] =	ssyncadd.s32 $0xFFFFFFF0  }
0x335: {  	[hbm4b:s23+s1] =	stream.linear.scatter [tilespmem:s24], [sflag:$0x5], $0x10, $0x38;
	[tilespmem:$0x1DD00] =	vst v63  }
0x336: {  	_ =	swait.ge [sflag:s19], $0x10  }
0x337: {  	s25 =	rddreg [dreg:$0x14]  }
0x338: {  	s26 =	rddreg [dreg:$0x12];
	s17 =	sadd.s32 $0x1, s25  }
0x339: {  	p0 =	sne.s32 s17, s26  }
.Ltmp4:
0x33a: {  	_ = 	snop;
	(pc) =	sbr.rel @p0 .LBB2_1-.Ltmp4, $3  }
0x33b: {  	_ =	sdelay $0x1  }
0x33c: {  	[sflag:s19] =	ssyncset.done $0x0  }
0x33d: {  	[sflag:s19] =	ssyncadd.s32 $0xFFFFFFF0  }
0x33e: {  	_ =	sfence.sel $0x180000  }
0x33f: {  	[bflag:$0x0] =	sbarrier.arrive $0xFFFF  }
0x340: {  	_ =	strace $0x90000047  }
0x341: {  	s0 =	stileid.u32;
	[bflag:$0x2] =	sbarrier.arrive $0xFFFF  }
0x342: {  	p0 =	sne.s32 s0, $0x0;
	s0 =	rddreg [dreg:$0x1]  }
0x343: {  	s0 =	sadd.s32 @!p0 $0x100000, s0  }
0x344: {  	[sflag:s0] =	ssyncadd.tile.s32 @!p0 $0x1;
	_ =	shalt  }
.Lfunc_end2:
_tile_overlayer_lowered:
.L_overlay_start_2:
0x345: {  	(tag) =	ssettag $0x2  }
0x346: {  	s0 =	rddreg [dreg:$0x0];
	s2 =	stileid.u32  }
0x347: {  	s1 =	rddreg [dreg:$0x1];
	p0 =	sne.s32 s2, $0x0  }
0x348: {  	s3 =	rddreg [dreg:$0x2];
	[bflag:$0x3] =	sbarrier.arrive $0xFFFF;
	s2 =	simm.s32 @!p0 $0x1C05  }
0x349: {  	[timem:s3], [sflag:s2] =	dma.local @!p0 [hbm:s0], s1  }
0x34a: {  	s0 =	simm.s32 @!p0 $0x5  }
0x34b: {  	_ =	swait.ge @!p0 [sflag:s0], s1  }
0x34c: {  	s1 =	ssub.s32 @!p0 $0x0, s1;
	[sflag:s0] =	ssyncset.done @!p0 $0x0  }
0x34d: {  	[sflag:s0] =	ssyncadd.s32 @!p0 s1  }
0x34e: {  	[bflag:$0x3] =	sbarrier.arrive $0xFFFF  }
0x34f: {  	_ =	shalt  }

</sc_bundles>
